<compile_context>
chip_gen: v7x
topology: tpu7x:2x2x1
jax: 0.10.2.dev20260603
libtpu: 0.0.44.dev20260713+nightly
codegen_flags: <defaults>
</compile_context>

<pallas_src>
import functools

import jax
import jax.numpy as jnp
from jax import lax
from jax.experimental import pallas as pl
from jax.experimental.pallas import tpu as pltpu
from jax.experimental.pallas import tpu_sc as plsc

N = 10000
E = 320000
D = 128
DE = 4
G = 64
GF = 32
C = 10
INV = 1.0 / (1.0 + 1e-06)

NC = 2
NS = 16
L = 16
NW = NC * NS
EW = E // NW

ACH = 2000
ANCH = EW // ACH

_mesh = plsc.VectorSubcoreMesh(core_axis_name="c", subcore_axis_name="s")
_sc_params = pltpu.CompilerParams(needs_layout_passes=False)


@functools.partial(
    pl.kernel,
    out_type=(
        jax.ShapeDtypeStruct((E,), jnp.int32),
        jax.ShapeDtypeStruct((NW * G * DE,), jnp.float32),
    ),
    mesh=_mesh,
    scratch_types=[
        pltpu.VMEM((ACH,), jnp.int32),
        pltpu.VMEM((ACH,), jnp.int32),
        pltpu.VMEM((ACH * DE,), jnp.float32),
        pltpu.VMEM((ACH,), jnp.int32),
        pltpu.VMEM((ACH,), jnp.int32),
        pltpu.VMEM((ACH * DE,), jnp.float32),
        pltpu.VMEM((L * G * DE,), jnp.float32),
        pltpu.VMEM((G * DE,), jnp.float32),
        pltpu.SemaphoreType.DMA,
        pltpu.SemaphoreType.DMA,
        pltpu.SemaphoreType.DMA,
        pltpu.SemaphoreType.DMA,
    ],
    compiler_params=_sc_params,
)
def _sc_min_kernel(src_hbm, attr_hbm, batch_hbm, eb_hbm, minp_hbm,
                   asrc0, aeb0, aattr0, asrc1, aeb1, aattr1,
                   tab_v, outb_v, lsem0, lsem1, gsem0, gsem1):
    wid = lax.axis_index("s") * NC + lax.axis_index("c")
    lane = lax.iota(jnp.int32, 16)
    big = jnp.full((16,), 3.0e38, jnp.float32)
    abufs = ((asrc0, aeb0, aattr0, lsem0, gsem0),
             (asrc1, aeb1, aattr1, lsem1, gsem1))

    def _init(j, _):
        tab_v[pl.ds(j * 16, 16)] = big
        return 0
    lax.fori_loop(0, L * G * DE // 16, _init, 0)

    def _sL(b, ci):
        sv, _, av, lsem, _ = abufs[b]
        e0 = wid * EW + ci * ACH
        pltpu.async_copy(src_hbm.at[pl.ds(e0, ACH)], sv, lsem)
        pltpu.async_copy(attr_hbm.at[pl.ds(e0 * DE, ACH * DE)], av, lsem)

    def _wL(b):
        sv, _, av, lsem, _ = abufs[b]
        pltpu.make_async_copy(src_hbm.at[pl.ds(0, ACH)], sv, lsem).wait()
        pltpu.make_async_copy(attr_hbm.at[pl.ds(0, ACH * DE)], av, lsem).wait()

    def _sG(b):
        sv, ev, _, _, gsem = abufs[b]
        pltpu.async_copy(batch_hbm.at[sv], ev, gsem)

    def _wG(b):
        sv, ev, _, _, gsem = abufs[b]
        pltpu.make_async_copy(batch_hbm.at[sv], ev, gsem).wait()

    def _acompute(b, ci):
        sv, ev, av, _, _ = abufs[b]
        e0 = wid * EW + ci * ACH

        def _grp(i, _):
            eb16 = ev[pl.ds(i * 16, 16)]
            tbase = lane * (G * DE) + eb16 * DE
            abase = lane * DE + i * (16 * DE)
            for k in range(DE):
                a = plsc.load_gather(av, [abase + k])
                t = tbase + k
                cur = plsc.load_gather(tab_v, [t])
                plsc.store_scatter(tab_v, [t], jnp.minimum(cur, a))
            return 0
        lax.fori_loop(0, ACH // 16, _grp, 0)
        pltpu.sync_copy(ev, eb_hbm.at[pl.ds(e0, ACH)])

    _sL(0, 0)
    _sL(1, 1)
    _wL(0)
    _sG(0)
    for ci in range(ANCH):
        b = ci % 2
        if ci + 1 < ANCH:
            _wL(1 - b)
            _sG(1 - b)
        _wG(b)
        _acompute(b, ci)
        if ci + 2 < ANCH:
            _sL(b, ci + 2)

    for j in range(G * DE // 16):
        acc = tab_v[pl.ds(j * 16, 16)]
        for l in range(1, L):
            acc = jnp.minimum(acc, tab_v[pl.ds(l * (G * DE) + j * 16, 16)])
        outb_v[pl.ds(j * 16, 16)] = acc
    pltpu.sync_copy(outb_v, minp_hbm.at[pl.ds(wid * G * DE, G * DE)])


NB = 1000
NBLK = N // NB


def _h_body(x_ref, w_ref, b_ref, o_ref):
    o_ref[...] = jnp.dot(x_ref[...], w_ref[...],
                         preferred_element_type=jnp.float32) + b_ref[...]


def _compute_h(x, W1, b1):
    return pl.pallas_call(
        _h_body,
        grid=(NBLK,),
        in_specs=[
            pl.BlockSpec((NB, D), lambda i: (i, 0)),
            pl.BlockSpec((D, D), lambda i: (0, 0)),
            pl.BlockSpec((1, D), lambda i: (0, 0)),
        ],
        out_specs=pl.BlockSpec((NB, D), lambda i: (i, 0)),
        out_shape=jax.ShapeDtypeStruct((N, D), jnp.float32),
    )(x, W1, b1.reshape(1, D))


EB = 8000
EBLK = E // EB


def _gate_body(attr_ref, eb_ref, minp_ref, we_ref, o_ref):
    eb = eb_ref[0, 0, :]
    gid = lax.broadcasted_iota(jnp.int32, (EB, G), 1)
    onehot = (gid == eb[:, None]).astype(jnp.float32)
    mv = jnp.min(minp_ref[...], axis=0)
    mv_e = jnp.dot(onehot, mv, preferred_element_type=jnp.float32)
    d = attr_ref[...] - mv_e
    ge = jnp.exp(-(d * d) * INV)
    gpre = jnp.dot(ge, we_ref[...], preferred_element_type=jnp.float32)
    o_ref[...] = 1.0 / (1.0 + jnp.exp(-gpre))


def _compute_gate(edge_attr, eb, minp, We):
    eb3 = eb.reshape(EBLK, 1, EB)
    minp3 = minp.reshape(NW, G, DE)
    return pl.pallas_call(
        _gate_body,
        grid=(EBLK,),
        in_specs=[
            pl.BlockSpec((EB, DE), lambda i: (i, 0)),
            pl.BlockSpec((1, 1, EB), lambda i: (i, 0, 0)),
            pl.BlockSpec((NW, G, DE), lambda i: (0, 0, 0)),
            pl.BlockSpec((DE, D), lambda i: (0, 0)),
        ],
        out_specs=pl.BlockSpec((EB, D), lambda i: (i, 0)),
        out_shape=jax.ShapeDtypeStruct((E, D), jnp.float32),
    )(edge_attr, eb3, minp3, We)


BCH = 80
RD = 2
BNCH = EW // BCH
NPS = 624
NTAIL = N - NPS * NS


@functools.partial(
    pl.kernel,
    out_type=jax.ShapeDtypeStruct((NC, N, D), jnp.float32),
    mesh=_mesh,
    scratch_types=(
        [pltpu.VMEM_SHARED((N, D), jnp.float32)]
        + [pltpu.VMEM((BCH,), jnp.int32) for _ in range(RD)]
        + [pltpu.VMEM((BCH,), jnp.int32) for _ in range(RD)]
        + [pltpu.VMEM((BCH, D), jnp.float32) for _ in range(RD)]
        + [pltpu.VMEM((BCH, D), jnp.float32) for _ in range(RD)]
        + [pltpu.SemaphoreType.DMA for _ in range(3 * RD)]
    ),
    compiler_params=_sc_params,
)
def _sc_agg_kernel(src_hbm, dst_hbm, h_hbm, gate_hbm, agg_hbm, aggS, *bb):
    c = lax.axis_index("c")
    s = lax.axis_index("s")
    wid = s * NC + c
    srcs, dsts, hrows, gates = (bb[0:RD], bb[RD:2 * RD],
                                bb[2 * RD:3 * RD], bb[3 * RD:4 * RD])
    asems = bb[4 * RD:4 * RD + RD]
    gsems = bb[5 * RD:5 * RD + RD]
    ssems = bb[6 * RD:6 * RD + RD]
    bufs = tuple((srcs[i], dsts[i], hrows[i], gates[i],
                  asems[i], gsems[i], ssems[i]) for i in range(RD))
    hrow0 = hrows[0]

    z16 = jnp.zeros((16,), jnp.float32)

    def _z(e, _):
        for k in range(D // 16):
            hrow0[e, pl.ds(k * 16, 16)] = z16
        return 0
    lax.fori_loop(0, BCH, _z, 0)
    for t in range(NPS // BCH):
        pltpu.sync_copy(hrow0, aggS.at[pl.ds(s * NPS + t * BCH, BCH)])
    rem = NPS - (NPS // BCH) * BCH
    pltpu.sync_copy(hrow0.at[pl.ds(0, rem)],
                    aggS.at[pl.ds(s * NPS + (NPS // BCH) * BCH, rem)])

    @pl.when(s == NS - 1)
    def _ztail():
        pltpu.sync_copy(hrow0.at[pl.ds(0, NTAIL)],
                        aggS.at[pl.ds(NS * NPS, NTAIL)])
    plsc.subcore_barrier()

    def _startA(b, ci):
        sv, dv, _, gv, asem, _, _ = bufs[b]
        e0 = wid * EW + ci * BCH
        pltpu.async_copy(src_hbm.at[pl.ds(e0, BCH)], sv, asem)
        pltpu.async_copy(dst_hbm.at[pl.ds(e0, BCH)], dv, asem)
        pltpu.async_copy(gate_hbm.at[pl.ds(e0, BCH)], gv, asem)

    def _waitA(b):
        sv, dv, _, gv, asem, _, _ = bufs[b]
        pltpu.make_async_copy(src_hbm.at[pl.ds(0, BCH)], sv, asem).wait()
        pltpu.make_async_copy(dst_hbm.at[pl.ds(0, BCH)], dv, asem).wait()
        pltpu.make_async_copy(gate_hbm.at[pl.ds(0, BCH)], gv, asem).wait()

    def _startG(b):
        sv, _, hv, _, _, gsem, _ = bufs[b]
        pltpu.async_copy(h_hbm.at[sv], hv, gsem)

    def _waitG(b):
        sv, _, hv, _, _, gsem, _ = bufs[b]
        pltpu.make_async_copy(h_hbm.at[sv], hv, gsem).wait()

    def _mulbody(b):
        _, _, hv, gv, _, _, _ = bufs[b]

        def _mul(e2, _):
            for u in range(2):
                for k in range(D // 16):
                    sl = pl.ds(k * 16, 16)
                    hv[e2 * 2 + u, sl] = hv[e2 * 2 + u, sl] * gv[e2 * 2 + u, sl]
            return 0
        lax.fori_loop(0, BCH // 2, _mul, 0)

    def _startS(b):
        _, dv, hv, _, _, _, ssem = bufs[b]
        pltpu.async_copy(hv, aggS.at[dv], ssem, add=True)

    def _waitS(b):
        _, dv, hv, _, _, _, ssem = bufs[b]
        pltpu.make_async_copy(hv, aggS.at[dv], ssem).wait()

    _startA(0, 0)
    _startA(1, 1)
    _waitA(0)
    _startG(0)

    def _pair(p, _):
        for b in range(2):
            ci = 2 * p + b

            @pl.when(ci + 1 < BNCH)
            def _nxt():
                _waitA(1 - b)

                @pl.when(ci >= 1)
                def _ws():
                    _waitS(1 - b)
                _startG(1 - b)
            _waitG(b)
            _mulbody(b)
            _startS(b)

            @pl.when(ci + 2 < BNCH)
            def _pref():
                _startA(b, ci + 2)
        return 0
    lax.fori_loop(0, BNCH // 2, _pair, 0)

    _waitG(0)
    _mulbody(0)
    _startS(0)
    _waitS(1)
    _waitS(0)

    plsc.subcore_barrier()
    pltpu.sync_copy(aggS.at[pl.ds(s * NPS, NPS)],
                    agg_hbm.at[c, pl.ds(s * NPS, NPS)])

    @pl.when(s == NS - 1)
    def _wtail():
        pltpu.sync_copy(aggS.at[pl.ds(NS * NPS, NTAIL)],
                        agg_hbm.at[c, pl.ds(NS * NPS, NTAIL)])


def _tail_body(agg0_ref, agg1_ref, h_ref, batch_ref, gf_ref, wc_ref, bc_ref,
               o_ref, pooled_ref):
    i = pl.program_id(0)

    @pl.when(i == 0)
    def _init():
        pooled_ref[...] = jnp.zeros_like(pooled_ref)

    ge = jax.nn.relu(agg0_ref[0] + agg1_ref[0] + h_ref[...])
    b = batch_ref[0, 0, :]
    seg = lax.broadcasted_iota(jnp.int32, (G, NB), 0)
    onehot = (seg == b[None, :]).astype(jnp.float32)
    pooled_ref[...] += jnp.dot(onehot, ge, preferred_element_type=jnp.float32)

    @pl.when(i == NBLK - 1)
    def _final():
        gf_wc = jnp.dot(gf_ref[...], wc_ref[D:, :],
                        preferred_element_type=jnp.float32)
        o_ref[...] = (jnp.dot(pooled_ref[...], wc_ref[:D, :],
                              preferred_element_type=jnp.float32)
                      + gf_wc + bc_ref[...])


def _tail(agg2, h, batch, global_features, Wc, bc):
    batch3 = batch.reshape(NBLK, 1, NB)
    return pl.pallas_call(
        _tail_body,
        grid=(NBLK,),
        in_specs=[
            pl.BlockSpec((1, NB, D), lambda i: (0, i, 0)),
            pl.BlockSpec((1, NB, D), lambda i: (1, i, 0)),
            pl.BlockSpec((NB, D), lambda i: (i, 0)),
            pl.BlockSpec((1, 1, NB), lambda i: (i, 0, 0)),
            pl.BlockSpec((1, GF), lambda i: (0, 0)),
            pl.BlockSpec((D + GF, C), lambda i: (0, 0)),
            pl.BlockSpec((1, C), lambda i: (0, 0)),
        ],
        out_specs=pl.BlockSpec((G, C), lambda i: (0, 0)),
        out_shape=jax.ShapeDtypeStruct((G, C), jnp.float32),
        scratch_shapes=[pltpu.VMEM((G, D), jnp.float32)],
    )(agg2, agg2, h, batch3, global_features, Wc, bc.reshape(1, C))


def kernel(x, edge_index, edge_attr, batch, global_features, W1, b1, We, Wc, bc):
    src = edge_index[0]
    dst = edge_index[1]
    attr_flat = edge_attr.reshape(E * DE)

    eb, minp = _sc_min_kernel(src, attr_flat, batch)

    h = _compute_h(x, W1, b1)
    gate = _compute_gate(edge_attr, eb, minp, We)

    agg2 = _sc_agg_kernel(src, dst, h, gate)

    return _tail(agg2, h, batch, global_features, Wc, bc)

# --- scband reference (transcript-rebuilt; emitter-appended) ---
"""Pipeline reference for scband-graph-explainer-wrapper-28097676050458 (READ-ONLY COPY).

The authoritative reference and input builder live on the scoring server;
editing this copy changes nothing except your own understanding.
"""

import jax, jax.numpy as jnp
import numpy as np

N = 10000
E = 320000
D = 128
DE = 4
G = 64
GF = 32
C = 10
SIGMA = 1.0


def setup_inputs(seed: int = 0) -> dict:
    key = jax.random.key(seed)
    ks = jax.random.split(key, 10)
    x = jax.random.normal(ks[0], (N, D), dtype=jnp.float32)
    edge_index = jax.random.randint(ks[1], (2, E), 0, N)
    edge_attr = jax.random.normal(ks[2], (E, DE), dtype=jnp.float32)
    batch = jnp.sort(jax.random.randint(ks[3], (N,), 0, G))
    global_features = jax.random.normal(ks[4], (1, GF), dtype=jnp.float32)
    # materialized frozen submodule params: jepa_model (gated GCN layer) + linear classifier
    W1 = jax.random.normal(ks[5], (D, D), dtype=jnp.float32) * 0.05
    b1 = jnp.zeros((D,), dtype=jnp.float32)
    We = jax.random.normal(ks[6], (DE, D), dtype=jnp.float32) * 0.05
    Wc = jax.random.normal(ks[7], (D + GF, C), dtype=jnp.float32) * 0.05
    bc = jnp.zeros((C,), dtype=jnp.float32)
    return {"x": x, "edge_index": edge_index, "edge_attr": edge_attr, "batch": batch,
            "global_features": global_features, "W1": W1, "b1": b1, "We": We, "Wc": Wc, "bc": bc}


def reference(x, edge_index, edge_attr, batch, global_features, W1, b1, We, Wc, bc):
    src = edge_index[0]
    dst = edge_index[1]
    # edge_attr preprocessing: per-graph min subtraction + gaussian kernel
    edge_batch = batch[src]
    min_vals = jax.ops.segment_min(edge_attr, edge_batch, num_segments=G)
    edge_attr_processed = edge_attr - min_vals[edge_batch]
    edge_attr_exp = jnp.exp(-edge_attr_processed ** 2 / (SIGMA ** 2 + 1e-06))
    # graph_jepa: gated message passing layer
    h = x @ W1 + b1
    gate = jax.nn.sigmoid(edge_attr_exp @ We)
    msg = h[src] * gate
    agg = jax.ops.segment_sum(msg, dst, num_segments=N)
    graph_emb = jax.nn.relu(agg + h)
    # global_add_pool over graphs in batch
    graph_emb_pooled = jax.ops.segment_sum(graph_emb, batch, num_segments=G)
    # expand global features and classify
    global_feats = jnp.broadcast_to(global_features, (G, GF))
    combined = jnp.concatenate([graph_emb_pooled, global_feats], axis=-1)
    return combined @ Wc + bc

if __name__ == "__main__":
    import jax
    _d = setup_inputs()
    print(jax.jit(kernel)(*tuple(_d.values())))

</pallas_src>

<mosaic_0001>
#map = affine_map<(d0, d1) -> (0)>
#map1 = affine_map<(d0, d1) -> (0, 0)>
#map2 = affine_map<(d0, d1) -> (0, 0, 0)>
module attributes {stable_mosaic.version = 14 : i64} {
  func.func @_sc_agg_kernel(%arg0: i32, %arg1: i32, %arg2: memref<320000xi32, #tpu.memory_space<hbm>>, %arg3: memref<320000xi32, #tpu.memory_space<hbm>>, %arg4: memref<10000x128xf32, #tpu.memory_space<hbm>>, %arg5: memref<320000x128xf32, #tpu.memory_space<hbm>>, %arg6: memref<2x10000x128xf32, #tpu.memory_space<hbm>>, %arg7: memref<10000x128xf32, #tpu.memory_space<vmem_shared>>, %arg8: memref<80xi32, #tpu.memory_space<vmem>>, %arg9: memref<80xi32, #tpu.memory_space<vmem>>, %arg10: memref<80xi32, #tpu.memory_space<vmem>>, %arg11: memref<80xi32, #tpu.memory_space<vmem>>, %arg12: memref<80x128xf32, #tpu.memory_space<vmem>>, %arg13: memref<80x128xf32, #tpu.memory_space<vmem>>, %arg14: memref<80x128xf32, #tpu.memory_space<vmem>>, %arg15: memref<80x128xf32, #tpu.memory_space<vmem>>, %arg16: memref<!tpu.dma_semaphore, #tpu.memory_space<semaphore_mem>>, %arg17: memref<!tpu.dma_semaphore, #tpu.memory_space<semaphore_mem>>, %arg18: memref<!tpu.dma_semaphore, #tpu.memory_space<semaphore_mem>>, %arg19: memref<!tpu.dma_semaphore, #tpu.memory_space<semaphore_mem>>, %arg20: memref<!tpu.dma_semaphore, #tpu.memory_space<semaphore_mem>>, %arg21: memref<!tpu.dma_semaphore, #tpu.memory_space<semaphore_mem>>) attributes {dimension_semantics = [#tpu.dimension_semantics<core_parallel>, #tpu.dimension_semantics<subcore_parallel>], iteration_bounds = array<i64: 2, 16>, scalar_prefetch = 0 : i64, scratch_operands = 15 : i64, tpu.core_type = #tpu.core_type<sc_vector_subcore>, window_params = [{transform_indices = #map}, {transform_indices = #map}, {transform_indices = #map1}, {transform_indices = #map1}, {transform_indices = #map2}]} {
    %mul3A = arith.constant 2 : i32
    %mul3A_0 = arith.muli %arg1, %mul3A : i32
    %add3A = arith.addi %mul3A_0, %arg0 : i32
    %broadcast_in_dim3A = arith.constant 0.000000e+00 : f32
    %broadcast_in_dim3A_1 = vector.broadcast %broadcast_in_dim3A : f32 to vector<16xf32>
    %scan3A = arith.constant 0 : i32
    %scan3A_2 = arith.constant 0 : i32
    %scan3A_3 = arith.constant 80 : i32
    %scan3A_4 = arith.addi %scan3A_2, %scan3A_3 : i32
    %scan3A_5 = arith.constant 1 : i32
    %scan3A_6 = scf.for %scan3A_117 = %scan3A_2 to %scan3A_4 step %scan3A_5 iter_args(%scan3A_118 = %scan3A) -> (i32)  : i32 {
      %swap3A = arith.index_cast %scan3A_117 : i32 to index
      %swap3A_119 = arith.constant 0 : index
      %swap3A_120 = tpu.vector_load %arg12[%swap3A, %swap3A_119] {strides = array<i32>} : memref<80x128xf32, #tpu.memory_space<vmem>>, vector<16xf32>,
      tpu.vector_store %arg12[%swap3A, %swap3A_119], %broadcast_in_dim3A_1 {strides = array<i32>} : memref<80x128xf32, #tpu.memory_space<vmem>>, vector<16xf32>,
      %swap3A_121 = arith.index_cast %scan3A_117 : i32 to index
      %swap3A_122 = arith.constant 16 : index
      %swap3A_123 = tpu.vector_load %arg12[%swap3A_121, %swap3A_122] {strides = array<i32>} : memref<80x128xf32, #tpu.memory_space<vmem>>, vector<16xf32>,
      tpu.vector_store %arg12[%swap3A_121, %swap3A_122], %broadcast_in_dim3A_1 {strides = array<i32>} : memref<80x128xf32, #tpu.memory_space<vmem>>, vector<16xf32>,
      %swap3A_124 = arith.index_cast %scan3A_117 : i32 to index
      %swap3A_125 = arith.constant 32 : index
      %swap3A_126 = tpu.vector_load %arg12[%swap3A_124, %swap3A_125] {strides = array<i32>} : memref<80x128xf32, #tpu.memory_space<vmem>>, vector<16xf32>,
      tpu.vector_store %arg12[%swap3A_124, %swap3A_125], %broadcast_in_dim3A_1 {strides = array<i32>} : memref<80x128xf32, #tpu.memory_space<vmem>>, vector<16xf32>,
      %swap3A_127 = arith.index_cast %scan3A_117 : i32 to index
      %swap3A_128 = arith.constant 48 : index
      %swap3A_129 = tpu.vector_load %arg12[%swap3A_127, %swap3A_128] {strides = array<i32>} : memref<80x128xf32, #tpu.memory_space<vmem>>, vector<16xf32>,
      tpu.vector_store %arg12[%swap3A_127, %swap3A_128], %broadcast_in_dim3A_1 {strides = array<i32>} : memref<80x128xf32, #tpu.memory_space<vmem>>, vector<16xf32>,
      %swap3A_130 = arith.index_cast %scan3A_117 : i32 to index
      %swap3A_131 = arith.constant 64 : index
      %swap3A_132 = tpu.vector_load %arg12[%swap3A_130, %swap3A_131] {strides = array<i32>} : memref<80x128xf32, #tpu.memory_space<vmem>>, vector<16xf32>,
      tpu.vector_store %arg12[%swap3A_130, %swap3A_131], %broadcast_in_dim3A_1 {strides = array<i32>} : memref<80x128xf32, #tpu.memory_space<vmem>>, vector<16xf32>,
      %swap3A_133 = arith.index_cast %scan3A_117 : i32 to index
      %swap3A_134 = arith.constant 80 : index
      %swap3A_135 = tpu.vector_load %arg12[%swap3A_133, %swap3A_134] {strides = array<i32>} : memref<80x128xf32, #tpu.memory_space<vmem>>, vector<16xf32>,
      tpu.vector_store %arg12[%swap3A_133, %swap3A_134], %broadcast_in_dim3A_1 {strides = array<i32>} : memref<80x128xf32, #tpu.memory_space<vmem>>, vector<16xf32>,
      %swap3A_136 = arith.index_cast %scan3A_117 : i32 to index
      %swap3A_137 = arith.constant 96 : index
      %swap3A_138 = tpu.vector_load %arg12[%swap3A_136, %swap3A_137] {strides = array<i32>} : memref<80x128xf32, #tpu.memory_space<vmem>>, vector<16xf32>,
      tpu.vector_store %arg12[%swap3A_136, %swap3A_137], %broadcast_in_dim3A_1 {strides = array<i32>} : memref<80x128xf32, #tpu.memory_space<vmem>>, vector<16xf32>,
      %swap3A_139 = arith.index_cast %scan3A_117 : i32 to index
      %swap3A_140 = arith.constant 112 : index
      %swap3A_141 = tpu.vector_load %arg12[%swap3A_139, %swap3A_140] {strides = array<i32>} : memref<80x128xf32, #tpu.memory_space<vmem>>, vector<16xf32>,
      tpu.vector_store %arg12[%swap3A_139, %swap3A_140], %broadcast_in_dim3A_1 {strides = array<i32>} : memref<80x128xf32, #tpu.memory_space<vmem>>, vector<16xf32>,
      %scan3A_142 = arith.constant 0 : i32
      scf.yield %scan3A_142 : i32
    }
    %scan3A_7 = arith.constant 80 : i32
    %mul3A_8 = arith.constant 624 : i32
    %mul3A_9 = arith.muli %arg1, %mul3A_8 : i32
    %add3A_10 = arith.constant 0 : i32
    %add3A_11 = arith.addi %mul3A_9, %add3A_10 : i32
    "tpu.region"() ({
      %run_scoped3A = tpu.sem_alloc : memref<!tpu.dma_semaphore, #tpu.memory_space<semaphore_mem>>
      %dma_start3A_117 = arith.constant 0 : i32
      %dma_start3A_118 = tpu.memref_slice %arg7[%add3A_11, %dma_start3A_117] : memref<10000x128xf32, #tpu.memory_space<vmem_shared>> -> memref<80x128xf32, #tpu.memory_space<vmem_shared>>
      %dma_start3A_119 = arith.constant 0 : i32
      %dma_start3A_120 = tpu.memref_slice %arg7[%add3A_11, %dma_start3A_119] : memref<10000x128xf32, #tpu.memory_space<vmem_shared>> -> memref<80x128xf32, #tpu.memory_space<vmem_shared>>
      tpu.enqueue_dma source(%arg12 : memref<80x128xf32, #tpu.memory_space<vmem>>) target(%dma_start3A_120 : memref<80x128xf32, #tpu.memory_space<vmem_shared>>) target_semaphore(%run_scoped3A : memref<!tpu.dma_semaphore, #tpu.memory_space<semaphore_mem>>)
      %dma_wait3A_121 = arith.constant 0 : i32
      %dma_wait3A_122 = tpu.memref_slice %arg7[%add3A_11, %dma_wait3A_121] : memref<10000x128xf32, #tpu.memory_space<vmem_shared>> -> memref<80x128xf32, #tpu.memory_space<vmem_shared>>
      %dma_wait3A_123 = arith.constant 0 : i32
      %dma_wait3A_124 = tpu.memref_slice %arg7[%add3A_11, %dma_wait3A_123] : memref<10000x128xf32, #tpu.memory_space<vmem_shared>> -> memref<80x128xf32, #tpu.memory_space<vmem_shared>>
      tpu.wait_dma2 semaphore(%run_scoped3A : memref<!tpu.dma_semaphore, #tpu.memory_space<semaphore_mem>>) src(%arg12 : memref<80x128xf32, #tpu.memory_space<vmem>>) dst(%dma_wait3A_124 : memref<80x128xf32, #tpu.memory_space<vmem_shared>>)
      tpu.yield
    }) : () -> ()
    %mul3A_12 = arith.constant 624 : i32
    %mul3A_13 = arith.muli %arg1, %mul3A_12 : i32
    %add3A_14 = arith.constant 80 : i32
    %add3A_15 = arith.addi %mul3A_13, %add3A_14 : i32
    "tpu.region"() ({
      %run_scoped3A = tpu.sem_alloc : memref<!tpu.dma_semaphore, #tpu.memory_space<semaphore_mem>>
      %dma_start3A_117 = arith.constant 0 : i32
      %dma_start3A_118 = tpu.memref_slice %arg7[%add3A_15, %dma_start3A_117] : memref<10000x128xf32, #tpu.memory_space<vmem_shared>> -> memref<80x128xf32, #tpu.memory_space<vmem_shared>>
      %dma_start3A_119 = arith.constant 0 : i32
      %dma_start3A_120 = tpu.memref_slice %arg7[%add3A_15, %dma_start3A_119] : memref<10000x128xf32, #tpu.memory_space<vmem_shared>> -> memref<80x128xf32, #tpu.memory_space<vmem_shared>>
      tpu.enqueue_dma source(%arg12 : memref<80x128xf32, #tpu.memory_space<vmem>>) target(%dma_start3A_120 : memref<80x128xf32, #tpu.memory_space<vmem_shared>>) target_semaphore(%run_scoped3A : memref<!tpu.dma_semaphore, #tpu.memory_space<semaphore_mem>>)
      %dma_wait3A_121 = arith.constant 0 : i32
      %dma_wait3A_122 = tpu.memref_slice %arg7[%add3A_15, %dma_wait3A_121] : memref<10000x128xf32, #tpu.memory_space<vmem_shared>> -> memref<80x128xf32, #tpu.memory_space<vmem_shared>>
      %dma_wait3A_123 = arith.constant 0 : i32
      %dma_wait3A_124 = tpu.memref_slice %arg7[%add3A_15, %dma_wait3A_123] : memref<10000x128xf32, #tpu.memory_space<vmem_shared>> -> memref<80x128xf32, #tpu.memory_space<vmem_shared>>
      tpu.wait_dma2 semaphore(%run_scoped3A : memref<!tpu.dma_semaphore, #tpu.memory_space<semaphore_mem>>) src(%arg12 : memref<80x128xf32, #tpu.memory_space<vmem>>) dst(%dma_wait3A_124 : memref<80x128xf32, #tpu.memory_space<vmem_shared>>)
      tpu.yield
    }) : () -> ()
    %mul3A_16 = arith.constant 624 : i32
    %mul3A_17 = arith.muli %arg1, %mul3A_16 : i32
    %add3A_18 = arith.constant 160 : i32
    %add3A_19 = arith.addi %mul3A_17, %add3A_18 : i32
    "tpu.region"() ({
      %run_scoped3A = tpu.sem_alloc : memref<!tpu.dma_semaphore, #tpu.memory_space<semaphore_mem>>
      %dma_start3A_117 = arith.constant 0 : i32
      %dma_start3A_118 = tpu.memref_slice %arg7[%add3A_19, %dma_start3A_117] : memref<10000x128xf32, #tpu.memory_space<vmem_shared>> -> memref<80x128xf32, #tpu.memory_space<vmem_shared>>
      %dma_start3A_119 = arith.constant 0 : i32
      %dma_start3A_120 = tpu.memref_slice %arg7[%add3A_19, %dma_start3A_119] : memref<10000x128xf32, #tpu.memory_space<vmem_shared>> -> memref<80x128xf32, #tpu.memory_space<vmem_shared>>
      tpu.enqueue_dma source(%arg12 : memref<80x128xf32, #tpu.memory_space<vmem>>) target(%dma_start3A_120 : memref<80x128xf32, #tpu.memory_space<vmem_shared>>) target_semaphore(%run_scoped3A : memref<!tpu.dma_semaphore, #tpu.memory_space<semaphore_mem>>)
      %dma_wait3A_121 = arith.constant 0 : i32
      %dma_wait3A_122 = tpu.memref_slice %arg7[%add3A_19, %dma_wait3A_121] : memref<10000x128xf32, #tpu.memory_space<vmem_shared>> -> memref<80x128xf32, #tpu.memory_space<vmem_shared>>
      %dma_wait3A_123 = arith.constant 0 : i32
      %dma_wait3A_124 = tpu.memref_slice %arg7[%add3A_19, %dma_wait3A_123] : memref<10000x128xf32, #tpu.memory_space<vmem_shared>> -> memref<80x128xf32, #tpu.memory_space<vmem_shared>>
      tpu.wait_dma2 semaphore(%run_scoped3A : memref<!tpu.dma_semaphore, #tpu.memory_space<semaphore_mem>>) src(%arg12 : memref<80x128xf32, #tpu.memory_space<vmem>>) dst(%dma_wait3A_124 : memref<80x128xf32, #tpu.memory_space<vmem_shared>>)
      tpu.yield
    }) : () -> ()
    %mul3A_20 = arith.constant 624 : i32
    %mul3A_21 = arith.muli %arg1, %mul3A_20 : i32
    %add3A_22 = arith.constant 240 : i32
    %add3A_23 = arith.addi %mul3A_21, %add3A_22 : i32
    "tpu.region"() ({
      %run_scoped3A = tpu.sem_alloc : memref<!tpu.dma_semaphore, #tpu.memory_space<semaphore_mem>>
      %dma_start3A_117 = arith.constant 0 : i32
      %dma_start3A_118 = tpu.memref_slice %arg7[%add3A_23, %dma_start3A_117] : memref<10000x128xf32, #tpu.memory_space<vmem_shared>> -> memref<80x128xf32, #tpu.memory_space<vmem_shared>>
      %dma_start3A_119 = arith.constant 0 : i32
      %dma_start3A_120 = tpu.memref_slice %arg7[%add3A_23, %dma_start3A_119] : memref<10000x128xf32, #tpu.memory_space<vmem_shared>> -> memref<80x128xf32, #tpu.memory_space<vmem_shared>>
      tpu.enqueue_dma source(%arg12 : memref<80x128xf32, #tpu.memory_space<vmem>>) target(%dma_start3A_120 : memref<80x128xf32, #tpu.memory_space<vmem_shared>>) target_semaphore(%run_scoped3A : memref<!tpu.dma_semaphore, #tpu.memory_space<semaphore_mem>>)
      %dma_wait3A_121 = arith.constant 0 : i32
      %dma_wait3A_122 = tpu.memref_slice %arg7[%add3A_23, %dma_wait3A_121] : memref<10000x128xf32, #tpu.memory_space<vmem_shared>> -> memref<80x128xf32, #tpu.memory_space<vmem_shared>>
      %dma_wait3A_123 = arith.constant 0 : i32
      %dma_wait3A_124 = tpu.memref_slice %arg7[%add3A_23, %dma_wait3A_123] : memref<10000x128xf32, #tpu.memory_space<vmem_shared>> -> memref<80x128xf32, #tpu.memory_space<vmem_shared>>
      tpu.wait_dma2 semaphore(%run_scoped3A : memref<!tpu.dma_semaphore, #tpu.memory_space<semaphore_mem>>) src(%arg12 : memref<80x128xf32, #tpu.memory_space<vmem>>) dst(%dma_wait3A_124 : memref<80x128xf32, #tpu.memory_space<vmem_shared>>)
      tpu.yield
    }) : () -> ()
    %mul3A_24 = arith.constant 624 : i32
    %mul3A_25 = arith.muli %arg1, %mul3A_24 : i32
    %add3A_26 = arith.constant 320 : i32
    %add3A_27 = arith.addi %mul3A_25, %add3A_26 : i32
    "tpu.region"() ({
      %run_scoped3A = tpu.sem_alloc : memref<!tpu.dma_semaphore, #tpu.memory_space<semaphore_mem>>
      %dma_start3A_117 = arith.constant 0 : i32
      %dma_start3A_118 = tpu.memref_slice %arg7[%add3A_27, %dma_start3A_117] : memref<10000x128xf32, #tpu.memory_space<vmem_shared>> -> memref<80x128xf32, #tpu.memory_space<vmem_shared>>
      %dma_start3A_119 = arith.constant 0 : i32
      %dma_start3A_120 = tpu.memref_slice %arg7[%add3A_27, %dma_start3A_119] : memref<10000x128xf32, #tpu.memory_space<vmem_shared>> -> memref<80x128xf32, #tpu.memory_space<vmem_shared>>
      tpu.enqueue_dma source(%arg12 : memref<80x128xf32, #tpu.memory_space<vmem>>) target(%dma_start3A_120 : memref<80x128xf32, #tpu.memory_space<vmem_shared>>) target_semaphore(%run_scoped3A : memref<!tpu.dma_semaphore, #tpu.memory_space<semaphore_mem>>)
      %dma_wait3A_121 = arith.constant 0 : i32
      %dma_wait3A_122 = tpu.memref_slice %arg7[%add3A_27, %dma_wait3A_121] : memref<10000x128xf32, #tpu.memory_space<vmem_shared>> -> memref<80x128xf32, #tpu.memory_space<vmem_shared>>
      %dma_wait3A_123 = arith.constant 0 : i32
      %dma_wait3A_124 = tpu.memref_slice %arg7[%add3A_27, %dma_wait3A_123] : memref<10000x128xf32, #tpu.memory_space<vmem_shared>> -> memref<80x128xf32, #tpu.memory_space<vmem_shared>>
      tpu.wait_dma2 semaphore(%run_scoped3A : memref<!tpu.dma_semaphore, #tpu.memory_space<semaphore_mem>>) src(%arg12 : memref<80x128xf32, #tpu.memory_space<vmem>>) dst(%dma_wait3A_124 : memref<80x128xf32, #tpu.memory_space<vmem_shared>>)
      tpu.yield
    }) : () -> ()
    %mul3A_28 = arith.constant 624 : i32
    %mul3A_29 = arith.muli %arg1, %mul3A_28 : i32
    %add3A_30 = arith.constant 400 : i32
    %add3A_31 = arith.addi %mul3A_29, %add3A_30 : i32
    "tpu.region"() ({
      %run_scoped3A = tpu.sem_alloc : memref<!tpu.dma_semaphore, #tpu.memory_space<semaphore_mem>>
      %dma_start3A_117 = arith.constant 0 : i32
      %dma_start3A_118 = tpu.memref_slice %arg7[%add3A_31, %dma_start3A_117] : memref<10000x128xf32, #tpu.memory_space<vmem_shared>> -> memref<80x128xf32, #tpu.memory_space<vmem_shared>>
      %dma_start3A_119 = arith.constant 0 : i32
      %dma_start3A_120 = tpu.memref_slice %arg7[%add3A_31, %dma_start3A_119] : memref<10000x128xf32, #tpu.memory_space<vmem_shared>> -> memref<80x128xf32, #tpu.memory_space<vmem_shared>>
      tpu.enqueue_dma source(%arg12 : memref<80x128xf32, #tpu.memory_space<vmem>>) target(%dma_start3A_120 : memref<80x128xf32, #tpu.memory_space<vmem_shared>>) target_semaphore(%run_scoped3A : memref<!tpu.dma_semaphore, #tpu.memory_space<semaphore_mem>>)
      %dma_wait3A_121 = arith.constant 0 : i32
      %dma_wait3A_122 = tpu.memref_slice %arg7[%add3A_31, %dma_wait3A_121] : memref<10000x128xf32, #tpu.memory_space<vmem_shared>> -> memref<80x128xf32, #tpu.memory_space<vmem_shared>>
      %dma_wait3A_123 = arith.constant 0 : i32
      %dma_wait3A_124 = tpu.memref_slice %arg7[%add3A_31, %dma_wait3A_123] : memref<10000x128xf32, #tpu.memory_space<vmem_shared>> -> memref<80x128xf32, #tpu.memory_space<vmem_shared>>
      tpu.wait_dma2 semaphore(%run_scoped3A : memref<!tpu.dma_semaphore, #tpu.memory_space<semaphore_mem>>) src(%arg12 : memref<80x128xf32, #tpu.memory_space<vmem>>) dst(%dma_wait3A_124 : memref<80x128xf32, #tpu.memory_space<vmem_shared>>)
      tpu.yield
    }) : () -> ()
    %mul3A_32 = arith.constant 624 : i32
    %mul3A_33 = arith.muli %arg1, %mul3A_32 : i32
    %add3A_34 = arith.constant 480 : i32
    %add3A_35 = arith.addi %mul3A_33, %add3A_34 : i32
    "tpu.region"() ({
      %run_scoped3A = tpu.sem_alloc : memref<!tpu.dma_semaphore, #tpu.memory_space<semaphore_mem>>
      %dma_start3A_117 = arith.constant 0 : i32
      %dma_start3A_118 = tpu.memref_slice %arg7[%add3A_35, %dma_start3A_117] : memref<10000x128xf32, #tpu.memory_space<vmem_shared>> -> memref<80x128xf32, #tpu.memory_space<vmem_shared>>
      %dma_start3A_119 = arith.constant 0 : i32
      %dma_start3A_120 = tpu.memref_slice %arg7[%add3A_35, %dma_start3A_119] : memref<10000x128xf32, #tpu.memory_space<vmem_shared>> -> memref<80x128xf32, #tpu.memory_space<vmem_shared>>
      tpu.enqueue_dma source(%arg12 : memref<80x128xf32, #tpu.memory_space<vmem>>) target(%dma_start3A_120 : memref<80x128xf32, #tpu.memory_space<vmem_shared>>) target_semaphore(%run_scoped3A : memref<!tpu.dma_semaphore, #tpu.memory_space<semaphore_mem>>)
      %dma_wait3A_121 = arith.constant 0 : i32
      %dma_wait3A_122 = tpu.memref_slice %arg7[%add3A_35, %dma_wait3A_121] : memref<10000x128xf32, #tpu.memory_space<vmem_shared>> -> memref<80x128xf32, #tpu.memory_space<vmem_shared>>
      %dma_wait3A_123 = arith.constant 0 : i32
      %dma_wait3A_124 = tpu.memref_slice %arg7[%add3A_35, %dma_wait3A_123] : memref<10000x128xf32, #tpu.memory_space<vmem_shared>> -> memref<80x128xf32, #tpu.memory_space<vmem_shared>>
      tpu.wait_dma2 semaphore(%run_scoped3A : memref<!tpu.dma_semaphore, #tpu.memory_space<semaphore_mem>>) src(%arg12 : memref<80x128xf32, #tpu.memory_space<vmem>>) dst(%dma_wait3A_124 : memref<80x128xf32, #tpu.memory_space<vmem_shared>>)
      tpu.yield
    }) : () -> ()
    %mul3A_36 = arith.constant 624 : i32
    %mul3A_37 = arith.muli %arg1, %mul3A_36 : i32
    %add3A_38 = arith.constant 560 : i32
    %add3A_39 = arith.addi %mul3A_37, %add3A_38 : i32
    "tpu.region"() ({
      %run_scoped3A = tpu.sem_alloc : memref<!tpu.dma_semaphore, #tpu.memory_space<semaphore_mem>>
      %dma_start3A_117 = arith.constant 0 : i32
      %dma_start3A_118 = arith.constant 0 : i32
      %dma_start3A_119 = tpu.memref_slice %arg12[%dma_start3A_117, %dma_start3A_118] : memref<80x128xf32, #tpu.memory_space<vmem>> -> memref<64x128xf32, #tpu.memory_space<vmem>>
      %dma_start3A_120 = arith.constant 0 : i32
      %dma_start3A_121 = tpu.memref_slice %arg7[%add3A_39, %dma_start3A_120] : memref<10000x128xf32, #tpu.memory_space<vmem_shared>> -> memref<64x128xf32, #tpu.memory_space<vmem_shared>>
      %dma_start3A_122 = arith.constant 0 : i32
      %dma_start3A_123 = tpu.memref_slice %arg7[%add3A_39, %dma_start3A_122] : memref<10000x128xf32, #tpu.memory_space<vmem_shared>> -> memref<64x128xf32, #tpu.memory_space<vmem_shared>>
      %dma_start3A_124 = arith.constant 0 : i32
      %dma_start3A_125 = arith.constant 0 : i32
      %dma_start3A_126 = tpu.memref_slice %arg12[%dma_start3A_124, %dma_start3A_125] : memref<80x128xf32, #tpu.memory_space<vmem>> -> memref<64x128xf32, #tpu.memory_space<vmem>>
      tpu.enqueue_dma source(%dma_start3A_126 : memref<64x128xf32, #tpu.memory_space<vmem>>) target(%dma_start3A_123 : memref<64x128xf32, #tpu.memory_space<vmem_shared>>) target_semaphore(%run_scoped3A : memref<!tpu.dma_semaphore, #tpu.memory_space<semaphore_mem>>)
      %dma_wait3A_127 = arith.constant 0 : i32
      %dma_wait3A_128 = arith.constant 0 : i32
      %dma_wait3A_129 = tpu.memref_slice %arg12[%dma_wait3A_127, %dma_wait3A_128] : memref<80x128xf32, #tpu.memory_space<vmem>> -> memref<64x128xf32, #tpu.memory_space<vmem>>
      %dma_wait3A_130 = arith.constant 0 : i32
      %dma_wait3A_131 = tpu.memref_slice %arg7[%add3A_39, %dma_wait3A_130] : memref<10000x128xf32, #tpu.memory_space<vmem_shared>> -> memref<64x128xf32, #tpu.memory_space<vmem_shared>>
      %dma_wait3A_132 = arith.constant 0 : i32
      %dma_wait3A_133 = tpu.memref_slice %arg7[%add3A_39, %dma_wait3A_132] : memref<10000x128xf32, #tpu.memory_space<vmem_shared>> -> memref<64x128xf32, #tpu.memory_space<vmem_shared>>
      %dma_wait3A_134 = arith.constant 0 : i32
      %dma_wait3A_135 = arith.constant 0 : i32
      %dma_wait3A_136 = tpu.memref_slice %arg12[%dma_wait3A_134, %dma_wait3A_135] : memref<80x128xf32, #tpu.memory_space<vmem>> -> memref<64x128xf32, #tpu.memory_space<vmem>>
      tpu.wait_dma2 semaphore(%run_scoped3A : memref<!tpu.dma_semaphore, #tpu.memory_space<semaphore_mem>>) src(%dma_wait3A_136 : memref<64x128xf32, #tpu.memory_space<vmem>>) dst(%dma_wait3A_133 : memref<64x128xf32, #tpu.memory_space<vmem_shared>>)
      tpu.yield
    }) : () -> ()
    %eq3A = arith.constant 15 : i32
    %eq3A_40 = arith.cmpi eq, %arg1, %eq3A : i32
    %convert_element_type3A = arith.extui %eq3A_40 : i1 to i32
    %cond3A = arith.constant 0 : i32
    %cond3A_41 = arith.cmpi ne, %convert_element_type3A, %cond3A : i32
    scf.if %cond3A_41 {
      "tpu.region"() ({
        %run_scoped3A = tpu.sem_alloc : memref<!tpu.dma_semaphore, #tpu.memory_space<semaphore_mem>>
        %dma_start3A_117 = arith.constant 0 : i32
        %dma_start3A_118 = arith.constant 0 : i32
        %dma_start3A_119 = tpu.memref_slice %arg12[%dma_start3A_117, %dma_start3A_118] : memref<80x128xf32, #tpu.memory_space<vmem>> -> memref<16x128xf32, #tpu.memory_space<vmem>>
        %dma_start3A_120 = arith.constant 9984 : i32
        %dma_start3A_121 = arith.constant 0 : i32
        %dma_start3A_122 = tpu.memref_slice %arg7[%dma_start3A_120, %dma_start3A_121] : memref<10000x128xf32, #tpu.memory_space<vmem_shared>> -> memref<16x128xf32, #tpu.memory_space<vmem_shared>>
        %dma_start3A_123 = arith.constant 9984 : i32
        %dma_start3A_124 = arith.constant 0 : i32
        %dma_start3A_125 = tpu.memref_slice %arg7[%dma_start3A_123, %dma_start3A_124] : memref<10000x128xf32, #tpu.memory_space<vmem_shared>> -> memref<16x128xf32, #tpu.memory_space<vmem_shared>>
        %dma_start3A_126 = arith.constant 0 : i32
        %dma_start3A_127 = arith.constant 0 : i32
        %dma_start3A_128 = tpu.memref_slice %arg12[%dma_start3A_126, %dma_start3A_127] : memref<80x128xf32, #tpu.memory_space<vmem>> -> memref<16x128xf32, #tpu.memory_space<vmem>>
        tpu.enqueue_dma source(%dma_start3A_128 : memref<16x128xf32, #tpu.memory_space<vmem>>) target(%dma_start3A_125 : memref<16x128xf32, #tpu.memory_space<vmem_shared>>) target_semaphore(%run_scoped3A : memref<!tpu.dma_semaphore, #tpu.memory_space<semaphore_mem>>)
        %dma_wait3A_129 = arith.constant 0 : i32
        %dma_wait3A_130 = arith.constant 0 : i32
        %dma_wait3A_131 = tpu.memref_slice %arg12[%dma_wait3A_129, %dma_wait3A_130] : memref<80x128xf32, #tpu.memory_space<vmem>> -> memref<16x128xf32, #tpu.memory_space<vmem>>
        %dma_wait3A_132 = arith.constant 9984 : i32
        %dma_wait3A_133 = arith.constant 0 : i32
        %dma_wait3A_134 = tpu.memref_slice %arg7[%dma_wait3A_132, %dma_wait3A_133] : memref<10000x128xf32, #tpu.memory_space<vmem_shared>> -> memref<16x128xf32, #tpu.memory_space<vmem_shared>>
        %dma_wait3A_135 = arith.constant 9984 : i32
        %dma_wait3A_136 = arith.constant 0 : i32
        %dma_wait3A_137 = tpu.memref_slice %arg7[%dma_wait3A_135, %dma_wait3A_136] : memref<10000x128xf32, #tpu.memory_space<vmem_shared>> -> memref<16x128xf32, #tpu.memory_space<vmem_shared>>
        %dma_wait3A_138 = arith.constant 0 : i32
        %dma_wait3A_139 = arith.constant 0 : i32
        %dma_wait3A_140 = tpu.memref_slice %arg12[%dma_wait3A_138, %dma_wait3A_139] : memref<80x128xf32, #tpu.memory_space<vmem>> -> memref<16x128xf32, #tpu.memory_space<vmem>>
        tpu.wait_dma2 semaphore(%run_scoped3A : memref<!tpu.dma_semaphore, #tpu.memory_space<semaphore_mem>>) src(%dma_wait3A_140 : memref<16x128xf32, #tpu.memory_space<vmem>>) dst(%dma_wait3A_137 : memref<16x128xf32, #tpu.memory_space<vmem_shared>>)
        tpu.yield
      }) : () -> ()
    } else {
    }
    %barrier3A = arith.constant 0 : index
    tpu.barrier barrier_id(%barrier3A)
    %mul3A_42 = arith.constant 10000 : i32
    %mul3A_43 = arith.muli %add3A, %mul3A_42 : i32
    %add3A_44 = arith.constant 0 : i32
    %add3A_45 = arith.addi %mul3A_43, %add3A_44 : i32
    %dma_start3A = tpu.memref_slice %arg2[%add3A_45] : memref<320000xi32, #tpu.memory_space<hbm>> -> memref<80xi32, #tpu.memory_space<hbm>>
    %dma_start3A_46 = tpu.memref_slice %arg2[%add3A_45] : memref<320000xi32, #tpu.memory_space<hbm>> -> memref<80xi32, #tpu.memory_space<hbm>>
    tpu.enqueue_dma source(%dma_start3A_46 : memref<80xi32, #tpu.memory_space<hbm>>) target(%arg8 : memref<80xi32, #tpu.memory_space<vmem>>) target_semaphore(%arg16 : memref<!tpu.dma_semaphore, #tpu.memory_space<semaphore_mem>>)
    %dma_start3A_47 = tpu.memref_slice %arg3[%add3A_45] : memref<320000xi32, #tpu.memory_space<hbm>> -> memref<80xi32, #tpu.memory_space<hbm>>
    %dma_start3A_48 = tpu.memref_slice %arg3[%add3A_45] : memref<320000xi32, #tpu.memory_space<hbm>> -> memref<80xi32, #tpu.memory_space<hbm>>
    tpu.enqueue_dma source(%dma_start3A_48 : memref<80xi32, #tpu.memory_space<hbm>>) target(%arg10 : memref<80xi32, #tpu.memory_space<vmem>>) target_semaphore(%arg16 : memref<!tpu.dma_semaphore, #tpu.memory_space<semaphore_mem>>)
    %dma_start3A_49 = arith.constant 0 : i32
    %dma_start3A_50 = tpu.memref_slice %arg5[%add3A_45, %dma_start3A_49] : memref<320000x128xf32, #tpu.memory_space<hbm>> -> memref<80x128xf32, #tpu.memory_space<hbm>>
    %dma_start3A_51 = arith.constant 0 : i32
    %dma_start3A_52 = tpu.memref_slice %arg5[%add3A_45, %dma_start3A_51] : memref<320000x128xf32, #tpu.memory_space<hbm>> -> memref<80x128xf32, #tpu.memory_space<hbm>>
    tpu.enqueue_dma source(%dma_start3A_52 : memref<80x128xf32, #tpu.memory_space<hbm>>) target(%arg14 : memref<80x128xf32, #tpu.memory_space<vmem>>) target_semaphore(%arg16 : memref<!tpu.dma_semaphore, #tpu.memory_space<semaphore_mem>>)
    %mul3A_53 = arith.constant 10000 : i32
    %mul3A_54 = arith.muli %add3A, %mul3A_53 : i32
    %add3A_55 = arith.constant 80 : i32
    %add3A_56 = arith.addi %mul3A_54, %add3A_55 : i32
    %dma_start3A_57 = tpu.memref_slice %arg2[%add3A_56] : memref<320000xi32, #tpu.memory_space<hbm>> -> memref<80xi32, #tpu.memory_space<hbm>>
    %dma_start3A_58 = tpu.memref_slice %arg2[%add3A_56] : memref<320000xi32, #tpu.memory_space<hbm>> -> memref<80xi32, #tpu.memory_space<hbm>>
    tpu.enqueue_dma source(%dma_start3A_58 : memref<80xi32, #tpu.memory_space<hbm>>) target(%arg9 : memref<80xi32, #tpu.memory_space<vmem>>) target_semaphore(%arg17 : memref<!tpu.dma_semaphore, #tpu.memory_space<semaphore_mem>>)
    %dma_start3A_59 = tpu.memref_slice %arg3[%add3A_56] : memref<320000xi32, #tpu.memory_space<hbm>> -> memref<80xi32, #tpu.memory_space<hbm>>
    %dma_start3A_60 = tpu.memref_slice %arg3[%add3A_56] : memref<320000xi32, #tpu.memory_space<hbm>> -> memref<80xi32, #tpu.memory_space<hbm>>
    tpu.enqueue_dma source(%dma_start3A_60 : memref<80xi32, #tpu.memory_space<hbm>>) target(%arg11 : memref<80xi32, #tpu.memory_space<vmem>>) target_semaphore(%arg17 : memref<!tpu.dma_semaphore, #tpu.memory_space<semaphore_mem>>)
    %dma_start3A_61 = arith.constant 0 : i32
    %dma_start3A_62 = tpu.memref_slice %arg5[%add3A_56, %dma_start3A_61] : memref<320000x128xf32, #tpu.memory_space<hbm>> -> memref<80x128xf32, #tpu.memory_space<hbm>>
    %dma_start3A_63 = arith.constant 0 : i32
    %dma_start3A_64 = tpu.memref_slice %arg5[%add3A_56, %dma_start3A_63] : memref<320000x128xf32, #tpu.memory_space<hbm>> -> memref<80x128xf32, #tpu.memory_space<hbm>>
    tpu.enqueue_dma source(%dma_start3A_64 : memref<80x128xf32, #tpu.memory_space<hbm>>) target(%arg15 : memref<80x128xf32, #tpu.memory_space<vmem>>) target_semaphore(%arg17 : memref<!tpu.dma_semaphore, #tpu.memory_space<semaphore_mem>>)
    %dma_wait3A = arith.constant 0 : i32
    %dma_wait3A_65 = tpu.memref_slice %arg2[%dma_wait3A] : memref<320000xi32, #tpu.memory_space<hbm>> -> memref<80xi32, #tpu.memory_space<hbm>>
    %dma_wait3A_66 = arith.constant 0 : i32
    %dma_wait3A_67 = tpu.memref_slice %arg2[%dma_wait3A_66] : memref<320000xi32, #tpu.memory_space<hbm>> -> memref<80xi32, #tpu.memory_space<hbm>>
    tpu.wait_dma2 semaphore(%arg16 : memref<!tpu.dma_semaphore, #tpu.memory_space<semaphore_mem>>) src(%dma_wait3A_67 : memref<80xi32, #tpu.memory_space<hbm>>) dst(%arg8 : memref<80xi32, #tpu.memory_space<vmem>>)
    %dma_wait3A_68 = arith.constant 0 : i32
    %dma_wait3A_69 = tpu.memref_slice %arg3[%dma_wait3A_68] : memref<320000xi32, #tpu.memory_space<hbm>> -> memref<80xi32, #tpu.memory_space<hbm>>
    %dma_wait3A_70 = arith.constant 0 : i32
    %dma_wait3A_71 = tpu.memref_slice %arg3[%dma_wait3A_70] : memref<320000xi32, #tpu.memory_space<hbm>> -> memref<80xi32, #tpu.memory_space<hbm>>
    tpu.wait_dma2 semaphore(%arg16 : memref<!tpu.dma_semaphore, #tpu.memory_space<semaphore_mem>>) src(%dma_wait3A_71 : memref<80xi32, #tpu.memory_space<hbm>>) dst(%arg10 : memref<80xi32, #tpu.memory_space<vmem>>)
    %dma_wait3A_72 = arith.constant 0 : i32
    %dma_wait3A_73 = arith.constant 0 : i32
    %dma_wait3A_74 = tpu.memref_slice %arg5[%dma_wait3A_72, %dma_wait3A_73] : memref<320000x128xf32, #tpu.memory_space<hbm>> -> memref<80x128xf32, #tpu.memory_space<hbm>>
    %dma_wait3A_75 = arith.constant 0 : i32
    %dma_wait3A_76 = arith.constant 0 : i32
    %dma_wait3A_77 = tpu.memref_slice %arg5[%dma_wait3A_75, %dma_wait3A_76] : memref<320000x128xf32, #tpu.memory_space<hbm>> -> memref<80x128xf32, #tpu.memory_space<hbm>>
    tpu.wait_dma2 semaphore(%arg16 : memref<!tpu.dma_semaphore, #tpu.memory_space<semaphore_mem>>) src(%dma_wait3A_77 : memref<80x128xf32, #tpu.memory_space<hbm>>) dst(%arg14 : memref<80x128xf32, #tpu.memory_space<vmem>>)
    %dma_start3A_78 = arith.constant 0 : i32
    %dma_start3A_79 = arith.constant 0 : i32
    %dma_start3A_80 = tpu.memref_slice %arg4[%dma_start3A_78, %dma_start3A_79] : memref<10000x128xf32, #tpu.memory_space<hbm>> -> memref<10000x128xf32, #tpu.memory_space<hbm>>
    tpu.enqueue_indirect_dma source(%dma_start3A_80 : memref<10000x128xf32, #tpu.memory_space<hbm>>) target(%arg12 : memref<80x128xf32, #tpu.memory_space<vmem>>) offsets(%arg8 : memref<80xi32, #tpu.memory_space<vmem>>) semaphore(%arg18 : memref<!tpu.dma_semaphore, #tpu.memory_space<semaphore_mem>>)
    %scan3A_81 = arith.constant 0 : i32
    %scan3A_82 = arith.constant 0 : i32
    %scan3A_83 = arith.constant 62 : i32
    %scan3A_84 = arith.addi %scan3A_82, %scan3A_83 : i32
    %scan3A_85 = arith.constant 1 : i32
    %scan3A_86 = scf.for %scan3A_117 = %scan3A_82 to %scan3A_84 step %scan3A_85 iter_args(%scan3A_118 = %scan3A_81) -> (i32)  : i32 {
      %mul3A_119 = arith.constant 2 : i32
      %mul3A_120 = arith.muli %mul3A_119, %scan3A_117 : i32
      %add3A_121 = arith.constant 0 : i32
      %add3A_122 = arith.addi %mul3A_120, %add3A_121 : i32
      %add3A_123 = arith.constant 1 : i32
      %add3A_124 = arith.addi %add3A_122, %add3A_123 : i32
      %lt3A = arith.constant 125 : i32
      %lt3A_125 = arith.cmpi slt, %add3A_124, %lt3A : i32
      %convert_element_type3A_126 = arith.extui %lt3A_125 : i1 to i32
      %cond3A_127 = arith.constant 0 : i32
      %cond3A_128 = arith.cmpi ne, %convert_element_type3A_126, %cond3A_127 : i32
      scf.if %cond3A_128 {
        %dma_wait3A_181 = arith.constant 0 : i32
        %dma_wait3A_182 = tpu.memref_slice %arg2[%dma_wait3A_181] : memref<320000xi32, #tpu.memory_space<hbm>> -> memref<80xi32, #tpu.memory_space<hbm>>
        %dma_wait3A_183 = arith.constant 0 : i32
        %dma_wait3A_184 = tpu.memref_slice %arg2[%dma_wait3A_183] : memref<320000xi32, #tpu.memory_space<hbm>> -> memref<80xi32, #tpu.memory_space<hbm>>
        tpu.wait_dma2 semaphore(%arg17 : memref<!tpu.dma_semaphore, #tpu.memory_space<semaphore_mem>>) src(%dma_wait3A_184 : memref<80xi32, #tpu.memory_space<hbm>>) dst(%arg9 : memref<80xi32, #tpu.memory_space<vmem>>)
        %dma_wait3A_185 = arith.constant 0 : i32
        %dma_wait3A_186 = tpu.memref_slice %arg3[%dma_wait3A_185] : memref<320000xi32, #tpu.memory_space<hbm>> -> memref<80xi32, #tpu.memory_space<hbm>>
        %dma_wait3A_187 = arith.constant 0 : i32
        %dma_wait3A_188 = tpu.memref_slice %arg3[%dma_wait3A_187] : memref<320000xi32, #tpu.memory_space<hbm>> -> memref<80xi32, #tpu.memory_space<hbm>>
        tpu.wait_dma2 semaphore(%arg17 : memref<!tpu.dma_semaphore, #tpu.memory_space<semaphore_mem>>) src(%dma_wait3A_188 : memref<80xi32, #tpu.memory_space<hbm>>) dst(%arg11 : memref<80xi32, #tpu.memory_space<vmem>>)
        %dma_wait3A_189 = arith.constant 0 : i32
        %dma_wait3A_190 = arith.constant 0 : i32
        %dma_wait3A_191 = tpu.memref_slice %arg5[%dma_wait3A_189, %dma_wait3A_190] : memref<320000x128xf32, #tpu.memory_space<hbm>> -> memref<80x128xf32, #tpu.memory_space<hbm>>
        %dma_wait3A_192 = arith.constant 0 : i32
        %dma_wait3A_193 = arith.constant 0 : i32
        %dma_wait3A_194 = tpu.memref_slice %arg5[%dma_wait3A_192, %dma_wait3A_193] : memref<320000x128xf32, #tpu.memory_space<hbm>> -> memref<80x128xf32, #tpu.memory_space<hbm>>
        tpu.wait_dma2 semaphore(%arg17 : memref<!tpu.dma_semaphore, #tpu.memory_space<semaphore_mem>>) src(%dma_wait3A_194 : memref<80x128xf32, #tpu.memory_space<hbm>>) dst(%arg15 : memref<80x128xf32, #tpu.memory_space<vmem>>)
        %ge3A = arith.constant 1 : i32
        %ge3A_195 = arith.cmpi sge, %add3A_122, %ge3A : i32
        %convert_element_type3A_196 = arith.extui %ge3A_195 : i1 to i32
        %cond3A_197 = arith.constant 0 : i32
        %cond3A_198 = arith.cmpi ne, %convert_element_type3A_196, %cond3A_197 : i32
        scf.if %cond3A_198 {
          %dma_wait3A_202 = arith.constant 0 : i32
          %dma_wait3A_203 = arith.constant 0 : i32
          %dma_wait3A_204 = tpu.memref_slice %arg7[%dma_wait3A_202, %dma_wait3A_203] : memref<10000x128xf32, #tpu.memory_space<vmem_shared>> -> memref<10000x128xf32, #tpu.memory_space<vmem_shared>>
          tpu.wait_indirect_dma semaphore(%arg21 : memref<!tpu.dma_semaphore, #tpu.memory_space<semaphore_mem>>) src(%arg13 : memref<80x128xf32, #tpu.memory_space<vmem>>) dst(%dma_wait3A_204 : memref<10000x128xf32, #tpu.memory_space<vmem_shared>>)
        } else {
        }
        %dma_start3A_199 = arith.constant 0 : i32
        %dma_start3A_200 = arith.constant 0 : i32
        %dma_start3A_201 = tpu.memref_slice %arg4[%dma_start3A_199, %dma_start3A_200] : memref<10000x128xf32, #tpu.memory_space<hbm>> -> memref<10000x128xf32, #tpu.memory_space<hbm>>
        tpu.enqueue_indirect_dma source(%dma_start3A_201 : memref<10000x128xf32, #tpu.memory_space<hbm>>) target(%arg13 : memref<80x128xf32, #tpu.memory_space<vmem>>) offsets(%arg9 : memref<80xi32, #tpu.memory_space<vmem>>) semaphore(%arg19 : memref<!tpu.dma_semaphore, #tpu.memory_space<semaphore_mem>>)
      } else {
      }
      %dma_wait3A_129 = arith.constant 0 : i32
      %dma_wait3A_130 = arith.constant 0 : i32
      %dma_wait3A_131 = tpu.memref_slice %arg4[%dma_wait3A_129, %dma_wait3A_130] : memref<10000x128xf32, #tpu.memory_space<hbm>> -> memref<10000x128xf32, #tpu.memory_space<hbm>>
      tpu.wait_indirect_dma semaphore(%arg18 : memref<!tpu.dma_semaphore, #tpu.memory_space<semaphore_mem>>) src(%dma_wait3A_131 : memref<10000x128xf32, #tpu.memory_space<hbm>>) dst(%arg12 : memref<80x128xf32, #tpu.memory_space<vmem>>)
      %scan3A_132 = arith.constant 0 : i32
      %scan3A_133 = arith.constant 0 : i32
      %scan3A_134 = arith.constant 40 : i32
      %scan3A_135 = arith.addi %scan3A_133, %scan3A_134 : i32
      %scan3A_136 = arith.constant 1 : i32
      %scan3A_137 = scf.for %scan3A_181 = %scan3A_133 to %scan3A_135 step %scan3A_136 iter_args(%scan3A_182 = %scan3A_132) -> (i32)  : i32 {
        %mul3A_183 = arith.constant 2 : i32
        %mul3A_184 = arith.muli %scan3A_181, %mul3A_183 : i32
        %add3A_185 = arith.constant 0 : i32
        %add3A_186 = arith.addi %mul3A_184, %add3A_185 : i32
        %get3A = arith.index_cast %add3A_186 : i32 to index
        %get3A_187 = arith.constant 0 : index
        %get3A_188 = tpu.vector_load %arg12[%get3A, %get3A_187] {strides = array<i32>} : memref<80x128xf32, #tpu.memory_space<vmem>>, vector<16xf32>,
        %mul3A_189 = arith.constant 2 : i32
        %mul3A_190 = arith.muli %scan3A_181, %mul3A_189 : i32
        %add3A_191 = arith.constant 0 : i32
        %add3A_192 = arith.addi %mul3A_190, %add3A_191 : i32
        %get3A_193 = arith.index_cast %add3A_192 : i32 to index
        %get3A_194 = arith.constant 0 : index
        %get3A_195 = tpu.vector_load %arg14[%get3A_193, %get3A_194] {strides = array<i32>} : memref<80x128xf32, #tpu.memory_space<vmem>>, vector<16xf32>,
        %mul3A_196 = arith.mulf %get3A_188, %get3A_195 : vector<16xf32>
        %mul3A_197 = arith.constant 2 : i32
        %mul3A_198 = arith.muli %scan3A_181, %mul3A_197 : i32
        %add3A_199 = arith.constant 0 : i32
        %add3A_200 = arith.addi %mul3A_198, %add3A_199 : i32
        %swap3A = arith.index_cast %add3A_200 : i32 to index
        %swap3A_201 = arith.constant 0 : index
        %swap3A_202 = tpu.vector_load %arg12[%swap3A, %swap3A_201] {strides = array<i32>} : memref<80x128xf32, #tpu.memory_space<vmem>>, vector<16xf32>,
        tpu.vector_store %arg12[%swap3A, %swap3A_201], %mul3A_196 {strides = array<i32>} : memref<80x128xf32, #tpu.memory_space<vmem>>, vector<16xf32>,
        %mul3A_203 = arith.constant 2 : i32
        %mul3A_204 = arith.muli %scan3A_181, %mul3A_203 : i32
        %add3A_205 = arith.constant 0 : i32
        %add3A_206 = arith.addi %mul3A_204, %add3A_205 : i32
        %get3A_207 = arith.index_cast %add3A_206 : i32 to index
        %get3A_208 = arith.constant 16 : index
        %get3A_209 = tpu.vector_load %arg12[%get3A_207, %get3A_208] {strides = array<i32>} : memref<80x128xf32, #tpu.memory_space<vmem>>, vector<16xf32>,
        %mul3A_210 = arith.constant 2 : i32
        %mul3A_211 = arith.muli %scan3A_181, %mul3A_210 : i32
        %add3A_212 = arith.constant 0 : i32
        %add3A_213 = arith.addi %mul3A_211, %add3A_212 : i32
        %get3A_214 = arith.index_cast %add3A_213 : i32 to index
        %get3A_215 = arith.constant 16 : index
        %get3A_216 = tpu.vector_load %arg14[%get3A_214, %get3A_215] {strides = array<i32>} : memref<80x128xf32, #tpu.memory_space<vmem>>, vector<16xf32>,
        %mul3A_217 = arith.mulf %get3A_209, %get3A_216 : vector<16xf32>
        %mul3A_218 = arith.constant 2 : i32
        %mul3A_219 = arith.muli %scan3A_181, %mul3A_218 : i32
        %add3A_220 = arith.constant 0 : i32
        %add3A_221 = arith.addi %mul3A_219, %add3A_220 : i32
        %swap3A_222 = arith.index_cast %add3A_221 : i32 to index
        %swap3A_223 = arith.constant 16 : index
        %swap3A_224 = tpu.vector_load %arg12[%swap3A_222, %swap3A_223] {strides = array<i32>} : memref<80x128xf32, #tpu.memory_space<vmem>>, vector<16xf32>,
        tpu.vector_store %arg12[%swap3A_222, %swap3A_223], %mul3A_217 {strides = array<i32>} : memref<80x128xf32, #tpu.memory_space<vmem>>, vector<16xf32>,
        %mul3A_225 = arith.constant 2 : i32
        %mul3A_226 = arith.muli %scan3A_181, %mul3A_225 : i32
        %add3A_227 = arith.constant 0 : i32
        %add3A_228 = arith.addi %mul3A_226, %add3A_227 : i32
        %get3A_229 = arith.index_cast %add3A_228 : i32 to index
        %get3A_230 = arith.constant 32 : index
        %get3A_231 = tpu.vector_load %arg12[%get3A_229, %get3A_230] {strides = array<i32>} : memref<80x128xf32, #tpu.memory_space<vmem>>, vector<16xf32>,
        %mul3A_232 = arith.constant 2 : i32
        %mul3A_233 = arith.muli %scan3A_181, %mul3A_232 : i32
        %add3A_234 = arith.constant 0 : i32
        %add3A_235 = arith.addi %mul3A_233, %add3A_234 : i32
        %get3A_236 = arith.index_cast %add3A_235 : i32 to index
        %get3A_237 = arith.constant 32 : index
        %get3A_238 = tpu.vector_load %arg14[%get3A_236, %get3A_237] {strides = array<i32>} : memref<80x128xf32, #tpu.memory_space<vmem>>, vector<16xf32>,
        %mul3A_239 = arith.mulf %get3A_231, %get3A_238 : vector<16xf32>
        %mul3A_240 = arith.constant 2 : i32
        %mul3A_241 = arith.muli %scan3A_181, %mul3A_240 : i32
        %add3A_242 = arith.constant 0 : i32
        %add3A_243 = arith.addi %mul3A_241, %add3A_242 : i32
        %swap3A_244 = arith.index_cast %add3A_243 : i32 to index
        %swap3A_245 = arith.constant 32 : index
        %swap3A_246 = tpu.vector_load %arg12[%swap3A_244, %swap3A_245] {strides = array<i32>} : memref<80x128xf32, #tpu.memory_space<vmem>>, vector<16xf32>,
        tpu.vector_store %arg12[%swap3A_244, %swap3A_245], %mul3A_239 {strides = array<i32>} : memref<80x128xf32, #tpu.memory_space<vmem>>, vector<16xf32>,
        %mul3A_247 = arith.constant 2 : i32
        %mul3A_248 = arith.muli %scan3A_181, %mul3A_247 : i32
        %add3A_249 = arith.constant 0 : i32
        %add3A_250 = arith.addi %mul3A_248, %add3A_249 : i32
        %get3A_251 = arith.index_cast %add3A_250 : i32 to index
        %get3A_252 = arith.constant 48 : index
        %get3A_253 = tpu.vector_load %arg12[%get3A_251, %get3A_252] {strides = array<i32>} : memref<80x128xf32, #tpu.memory_space<vmem>>, vector<16xf32>,
        %mul3A_254 = arith.constant 2 : i32
        %mul3A_255 = arith.muli %scan3A_181, %mul3A_254 : i32
        %add3A_256 = arith.constant 0 : i32
        %add3A_257 = arith.addi %mul3A_255, %add3A_256 : i32
        %get3A_258 = arith.index_cast %add3A_257 : i32 to index
        %get3A_259 = arith.constant 48 : index
        %get3A_260 = tpu.vector_load %arg14[%get3A_258, %get3A_259] {strides = array<i32>} : memref<80x128xf32, #tpu.memory_space<vmem>>, vector<16xf32>,
        %mul3A_261 = arith.mulf %get3A_253, %get3A_260 : vector<16xf32>
        %mul3A_262 = arith.constant 2 : i32
        %mul3A_263 = arith.muli %scan3A_181, %mul3A_262 : i32
        %add3A_264 = arith.constant 0 : i32
        %add3A_265 = arith.addi %mul3A_263, %add3A_264 : i32
        %swap3A_266 = arith.index_cast %add3A_265 : i32 to index
        %swap3A_267 = arith.constant 48 : index
        %swap3A_268 = tpu.vector_load %arg12[%swap3A_266, %swap3A_267] {strides = array<i32>} : memref<80x128xf32, #tpu.memory_space<vmem>>, vector<16xf32>,
        tpu.vector_store %arg12[%swap3A_266, %swap3A_267], %mul3A_261 {strides = array<i32>} : memref<80x128xf32, #tpu.memory_space<vmem>>, vector<16xf32>,
        %mul3A_269 = arith.constant 2 : i32
        %mul3A_270 = arith.muli %scan3A_181, %mul3A_269 : i32
        %add3A_271 = arith.constant 0 : i32
        %add3A_272 = arith.addi %mul3A_270, %add3A_271 : i32
        %get3A_273 = arith.index_cast %add3A_272 : i32 to index
        %get3A_274 = arith.constant 64 : index
        %get3A_275 = tpu.vector_load %arg12[%get3A_273, %get3A_274] {strides = array<i32>} : memref<80x128xf32, #tpu.memory_space<vmem>>, vector<16xf32>,
        %mul3A_276 = arith.constant 2 : i32
        %mul3A_277 = arith.muli %scan3A_181, %mul3A_276 : i32
        %add3A_278 = arith.constant 0 : i32
        %add3A_279 = arith.addi %mul3A_277, %add3A_278 : i32
        %get3A_280 = arith.index_cast %add3A_279 : i32 to index
        %get3A_281 = arith.constant 64 : index
        %get3A_282 = tpu.vector_load %arg14[%get3A_280, %get3A_281] {strides = array<i32>} : memref<80x128xf32, #tpu.memory_space<vmem>>, vector<16xf32>,
        %mul3A_283 = arith.mulf %get3A_275, %get3A_282 : vector<16xf32>
        %mul3A_284 = arith.constant 2 : i32
        %mul3A_285 = arith.muli %scan3A_181, %mul3A_284 : i32
        %add3A_286 = arith.constant 0 : i32
        %add3A_287 = arith.addi %mul3A_285, %add3A_286 : i32
        %swap3A_288 = arith.index_cast %add3A_287 : i32 to index
        %swap3A_289 = arith.constant 64 : index
        %swap3A_290 = tpu.vector_load %arg12[%swap3A_288, %swap3A_289] {strides = array<i32>} : memref<80x128xf32, #tpu.memory_space<vmem>>, vector<16xf32>,
        tpu.vector_store %arg12[%swap3A_288, %swap3A_289], %mul3A_283 {strides = array<i32>} : memref<80x128xf32, #tpu.memory_space<vmem>>, vector<16xf32>,
        %mul3A_291 = arith.constant 2 : i32
        %mul3A_292 = arith.muli %scan3A_181, %mul3A_291 : i32
        %add3A_293 = arith.constant 0 : i32
        %add3A_294 = arith.addi %mul3A_292, %add3A_293 : i32
        %get3A_295 = arith.index_cast %add3A_294 : i32 to index
        %get3A_296 = arith.constant 80 : index
        %get3A_297 = tpu.vector_load %arg12[%get3A_295, %get3A_296] {strides = array<i32>} : memref<80x128xf32, #tpu.memory_space<vmem>>, vector<16xf32>,
        %mul3A_298 = arith.constant 2 : i32
        %mul3A_299 = arith.muli %scan3A_181, %mul3A_298 : i32
        %add3A_300 = arith.constant 0 : i32
        %add3A_301 = arith.addi %mul3A_299, %add3A_300 : i32
        %get3A_302 = arith.index_cast %add3A_301 : i32 to index
        %get3A_303 = arith.constant 80 : index
        %get3A_304 = tpu.vector_load %arg14[%get3A_302, %get3A_303] {strides = array<i32>} : memref<80x128xf32, #tpu.memory_space<vmem>>, vector<16xf32>,
        %mul3A_305 = arith.mulf %get3A_297, %get3A_304 : vector<16xf32>
        %mul3A_306 = arith.constant 2 : i32
        %mul3A_307 = arith.muli %scan3A_181, %mul3A_306 : i32
        %add3A_308 = arith.constant 0 : i32
        %add3A_309 = arith.addi %mul3A_307, %add3A_308 : i32
        %swap3A_310 = arith.index_cast %add3A_309 : i32 to index
        %swap3A_311 = arith.constant 80 : index
        %swap3A_312 = tpu.vector_load %arg12[%swap3A_310, %swap3A_311] {strides = array<i32>} : memref<80x128xf32, #tpu.memory_space<vmem>>, vector<16xf32>,
        tpu.vector_store %arg12[%swap3A_310, %swap3A_311], %mul3A_305 {strides = array<i32>} : memref<80x128xf32, #tpu.memory_space<vmem>>, vector<16xf32>,
        %mul3A_313 = arith.constant 2 : i32
        %mul3A_314 = arith.muli %scan3A_181, %mul3A_313 : i32
        %add3A_315 = arith.constant 0 : i32
        %add3A_316 = arith.addi %mul3A_314, %add3A_315 : i32
        %get3A_317 = arith.index_cast %add3A_316 : i32 to index
        %get3A_318 = arith.constant 96 : index
        %get3A_319 = tpu.vector_load %arg12[%get3A_317, %get3A_318] {strides = array<i32>} : memref<80x128xf32, #tpu.memory_space<vmem>>, vector<16xf32>,
        %mul3A_320 = arith.constant 2 : i32
        %mul3A_321 = arith.muli %scan3A_181, %mul3A_320 : i32
        %add3A_322 = arith.constant 0 : i32
        %add3A_323 = arith.addi %mul3A_321, %add3A_322 : i32
        %get3A_324 = arith.index_cast %add3A_323 : i32 to index
        %get3A_325 = arith.constant 96 : index
        %get3A_326 = tpu.vector_load %arg14[%get3A_324, %get3A_325] {strides = array<i32>} : memref<80x128xf32, #tpu.memory_space<vmem>>, vector<16xf32>,
        %mul3A_327 = arith.mulf %get3A_319, %get3A_326 : vector<16xf32>
        %mul3A_328 = arith.constant 2 : i32
        %mul3A_329 = arith.muli %scan3A_181, %mul3A_328 : i32
        %add3A_330 = arith.constant 0 : i32
        %add3A_331 = arith.addi %mul3A_329, %add3A_330 : i32
        %swap3A_332 = arith.index_cast %add3A_331 : i32 to index
        %swap3A_333 = arith.constant 96 : index
        %swap3A_334 = tpu.vector_load %arg12[%swap3A_332, %swap3A_333] {strides = array<i32>} : memref<80x128xf32, #tpu.memory_space<vmem>>, vector<16xf32>,
        tpu.vector_store %arg12[%swap3A_332, %swap3A_333], %mul3A_327 {strides = array<i32>} : memref<80x128xf32, #tpu.memory_space<vmem>>, vector<16xf32>,
        %mul3A_335 = arith.constant 2 : i32
        %mul3A_336 = arith.muli %scan3A_181, %mul3A_335 : i32
        %add3A_337 = arith.constant 0 : i32
        %add3A_338 = arith.addi %mul3A_336, %add3A_337 : i32
        %get3A_339 = arith.index_cast %add3A_338 : i32 to index
        %get3A_340 = arith.constant 112 : index
        %get3A_341 = tpu.vector_load %arg12[%get3A_339, %get3A_340] {strides = array<i32>} : memref<80x128xf32, #tpu.memory_space<vmem>>, vector<16xf32>,
        %mul3A_342 = arith.constant 2 : i32
        %mul3A_343 = arith.muli %scan3A_181, %mul3A_342 : i32
        %add3A_344 = arith.constant 0 : i32
        %add3A_345 = arith.addi %mul3A_343, %add3A_344 : i32
        %get3A_346 = arith.index_cast %add3A_345 : i32 to index
        %get3A_347 = arith.constant 112 : index
        %get3A_348 = tpu.vector_load %arg14[%get3A_346, %get3A_347] {strides = array<i32>} : memref<80x128xf32, #tpu.memory_space<vmem>>, vector<16xf32>,
        %mul3A_349 = arith.mulf %get3A_341, %get3A_348 : vector<16xf32>
        %mul3A_350 = arith.constant 2 : i32
        %mul3A_351 = arith.muli %scan3A_181, %mul3A_350 : i32
        %add3A_352 = arith.constant 0 : i32
        %add3A_353 = arith.addi %mul3A_351, %add3A_352 : i32
        %swap3A_354 = arith.index_cast %add3A_353 : i32 to index
        %swap3A_355 = arith.constant 112 : index
        %swap3A_356 = tpu.vector_load %arg12[%swap3A_354, %swap3A_355] {strides = array<i32>} : memref<80x128xf32, #tpu.memory_space<vmem>>, vector<16xf32>,
        tpu.vector_store %arg12[%swap3A_354, %swap3A_355], %mul3A_349 {strides = array<i32>} : memref<80x128xf32, #tpu.memory_space<vmem>>, vector<16xf32>,
        %mul3A_357 = arith.constant 2 : i32
        %mul3A_358 = arith.muli %scan3A_181, %mul3A_357 : i32
        %add3A_359 = arith.constant 1 : i32
        %add3A_360 = arith.addi %mul3A_358, %add3A_359 : i32
        %get3A_361 = arith.index_cast %add3A_360 : i32 to index
        %get3A_362 = arith.constant 0 : index
        %get3A_363 = tpu.vector_load %arg12[%get3A_361, %get3A_362] {strides = array<i32>} : memref<80x128xf32, #tpu.memory_space<vmem>>, vector<16xf32>,
        %mul3A_364 = arith.constant 2 : i32
        %mul3A_365 = arith.muli %scan3A_181, %mul3A_364 : i32
        %add3A_366 = arith.constant 1 : i32
        %add3A_367 = arith.addi %mul3A_365, %add3A_366 : i32
        %get3A_368 = arith.index_cast %add3A_367 : i32 to index
        %get3A_369 = arith.constant 0 : index
        %get3A_370 = tpu.vector_load %arg14[%get3A_368, %get3A_369] {strides = array<i32>} : memref<80x128xf32, #tpu.memory_space<vmem>>, vector<16xf32>,
        %mul3A_371 = arith.mulf %get3A_363, %get3A_370 : vector<16xf32>
        %mul3A_372 = arith.constant 2 : i32
        %mul3A_373 = arith.muli %scan3A_181, %mul3A_372 : i32
        %add3A_374 = arith.constant 1 : i32
        %add3A_375 = arith.addi %mul3A_373, %add3A_374 : i32
        %swap3A_376 = arith.index_cast %add3A_375 : i32 to index
        %swap3A_377 = arith.constant 0 : index
        %swap3A_378 = tpu.vector_load %arg12[%swap3A_376, %swap3A_377] {strides = array<i32>} : memref<80x128xf32, #tpu.memory_space<vmem>>, vector<16xf32>,
        tpu.vector_store %arg12[%swap3A_376, %swap3A_377], %mul3A_371 {strides = array<i32>} : memref<80x128xf32, #tpu.memory_space<vmem>>, vector<16xf32>,
        %mul3A_379 = arith.constant 2 : i32
        %mul3A_380 = arith.muli %scan3A_181, %mul3A_379 : i32
        %add3A_381 = arith.constant 1 : i32
        %add3A_382 = arith.addi %mul3A_380, %add3A_381 : i32
        %get3A_383 = arith.index_cast %add3A_382 : i32 to index
        %get3A_384 = arith.constant 16 : index
        %get3A_385 = tpu.vector_load %arg12[%get3A_383, %get3A_384] {strides = array<i32>} : memref<80x128xf32, #tpu.memory_space<vmem>>, vector<16xf32>,
        %mul3A_386 = arith.constant 2 : i32
        %mul3A_387 = arith.muli %scan3A_181, %mul3A_386 : i32
        %add3A_388 = arith.constant 1 : i32
        %add3A_389 = arith.addi %mul3A_387, %add3A_388 : i32
        %get3A_390 = arith.index_cast %add3A_389 : i32 to index
        %get3A_391 = arith.constant 16 : index
        %get3A_392 = tpu.vector_load %arg14[%get3A_390, %get3A_391] {strides = array<i32>} : memref<80x128xf32, #tpu.memory_space<vmem>>, vector<16xf32>,
        %mul3A_393 = arith.mulf %get3A_385, %get3A_392 : vector<16xf32>
        %mul3A_394 = arith.constant 2 : i32
        %mul3A_395 = arith.muli %scan3A_181, %mul3A_394 : i32
        %add3A_396 = arith.constant 1 : i32
        %add3A_397 = arith.addi %mul3A_395, %add3A_396 : i32
        %swap3A_398 = arith.index_cast %add3A_397 : i32 to index
        %swap3A_399 = arith.constant 16 : index
        %swap3A_400 = tpu.vector_load %arg12[%swap3A_398, %swap3A_399] {strides = array<i32>} : memref<80x128xf32, #tpu.memory_space<vmem>>, vector<16xf32>,
        tpu.vector_store %arg12[%swap3A_398, %swap3A_399], %mul3A_393 {strides = array<i32>} : memref<80x128xf32, #tpu.memory_space<vmem>>, vector<16xf32>,
        %mul3A_401 = arith.constant 2 : i32
        %mul3A_402 = arith.muli %scan3A_181, %mul3A_401 : i32
        %add3A_403 = arith.constant 1 : i32
        %add3A_404 = arith.addi %mul3A_402, %add3A_403 : i32
        %get3A_405 = arith.index_cast %add3A_404 : i32 to index
        %get3A_406 = arith.constant 32 : index
        %get3A_407 = tpu.vector_load %arg12[%get3A_405, %get3A_406] {strides = array<i32>} : memref<80x128xf32, #tpu.memory_space<vmem>>, vector<16xf32>,
        %mul3A_408 = arith.constant 2 : i32
        %mul3A_409 = arith.muli %scan3A_181, %mul3A_408 : i32
        %add3A_410 = arith.constant 1 : i32
        %add3A_411 = arith.addi %mul3A_409, %add3A_410 : i32
        %get3A_412 = arith.index_cast %add3A_411 : i32 to index
        %get3A_413 = arith.constant 32 : index
        %get3A_414 = tpu.vector_load %arg14[%get3A_412, %get3A_413] {strides = array<i32>} : memref<80x128xf32, #tpu.memory_space<vmem>>, vector<16xf32>,
        %mul3A_415 = arith.mulf %get3A_407, %get3A_414 : vector<16xf32>
        %mul3A_416 = arith.constant 2 : i32
        %mul3A_417 = arith.muli %scan3A_181, %mul3A_416 : i32
        %add3A_418 = arith.constant 1 : i32
        %add3A_419 = arith.addi %mul3A_417, %add3A_418 : i32
        %swap3A_420 = arith.index_cast %add3A_419 : i32 to index
        %swap3A_421 = arith.constant 32 : index
        %swap3A_422 = tpu.vector_load %arg12[%swap3A_420, %swap3A_421] {strides = array<i32>} : memref<80x128xf32, #tpu.memory_space<vmem>>, vector<16xf32>,
        tpu.vector_store %arg12[%swap3A_420, %swap3A_421], %mul3A_415 {strides = array<i32>} : memref<80x128xf32, #tpu.memory_space<vmem>>, vector<16xf32>,
        %mul3A_423 = arith.constant 2 : i32
        %mul3A_424 = arith.muli %scan3A_181, %mul3A_423 : i32
        %add3A_425 = arith.constant 1 : i32
        %add3A_426 = arith.addi %mul3A_424, %add3A_425 : i32
        %get3A_427 = arith.index_cast %add3A_426 : i32 to index
        %get3A_428 = arith.constant 48 : index
        %get3A_429 = tpu.vector_load %arg12[%get3A_427, %get3A_428] {strides = array<i32>} : memref<80x128xf32, #tpu.memory_space<vmem>>, vector<16xf32>,
        %mul3A_430 = arith.constant 2 : i32
        %mul3A_431 = arith.muli %scan3A_181, %mul3A_430 : i32
        %add3A_432 = arith.constant 1 : i32
        %add3A_433 = arith.addi %mul3A_431, %add3A_432 : i32
        %get3A_434 = arith.index_cast %add3A_433 : i32 to index
        %get3A_435 = arith.constant 48 : index
        %get3A_436 = tpu.vector_load %arg14[%get3A_434, %get3A_435] {strides = array<i32>} : memref<80x128xf32, #tpu.memory_space<vmem>>, vector<16xf32>,
        %mul3A_437 = arith.mulf %get3A_429, %get3A_436 : vector<16xf32>
        %mul3A_438 = arith.constant 2 : i32
        %mul3A_439 = arith.muli %scan3A_181, %mul3A_438 : i32
        %add3A_440 = arith.constant 1 : i32
        %add3A_441 = arith.addi %mul3A_439, %add3A_440 : i32
        %swap3A_442 = arith.index_cast %add3A_441 : i32 to index
        %swap3A_443 = arith.constant 48 : index
        %swap3A_444 = tpu.vector_load %arg12[%swap3A_442, %swap3A_443] {strides = array<i32>} : memref<80x128xf32, #tpu.memory_space<vmem>>, vector<16xf32>,
        tpu.vector_store %arg12[%swap3A_442, %swap3A_443], %mul3A_437 {strides = array<i32>} : memref<80x128xf32, #tpu.memory_space<vmem>>, vector<16xf32>,
        %mul3A_445 = arith.constant 2 : i32
        %mul3A_446 = arith.muli %scan3A_181, %mul3A_445 : i32
        %add3A_447 = arith.constant 1 : i32
        %add3A_448 = arith.addi %mul3A_446, %add3A_447 : i32
        %get3A_449 = arith.index_cast %add3A_448 : i32 to index
        %get3A_450 = arith.constant 64 : index
        %get3A_451 = tpu.vector_load %arg12[%get3A_449, %get3A_450] {strides = array<i32>} : memref<80x128xf32, #tpu.memory_space<vmem>>, vector<16xf32>,
        %mul3A_452 = arith.constant 2 : i32
        %mul3A_453 = arith.muli %scan3A_181, %mul3A_452 : i32
        %add3A_454 = arith.constant 1 : i32
        %add3A_455 = arith.addi %mul3A_453, %add3A_454 : i32
        %get3A_456 = arith.index_cast %add3A_455 : i32 to index
        %get3A_457 = arith.constant 64 : index
        %get3A_458 = tpu.vector_load %arg14[%get3A_456, %get3A_457] {strides = array<i32>} : memref<80x128xf32, #tpu.memory_space<vmem>>, vector<16xf32>,
        %mul3A_459 = arith.mulf %get3A_451, %get3A_458 : vector<16xf32>
        %mul3A_460 = arith.constant 2 : i32
        %mul3A_461 = arith.muli %scan3A_181, %mul3A_460 : i32
        %add3A_462 = arith.constant 1 : i32
        %add3A_463 = arith.addi %mul3A_461, %add3A_462 : i32
        %swap3A_464 = arith.index_cast %add3A_463 : i32 to index
        %swap3A_465 = arith.constant 64 : index
        %swap3A_466 = tpu.vector_load %arg12[%swap3A_464, %swap3A_465] {strides = array<i32>} : memref<80x128xf32, #tpu.memory_space<vmem>>, vector<16xf32>,
        tpu.vector_store %arg12[%swap3A_464, %swap3A_465], %mul3A_459 {strides = array<i32>} : memref<80x128xf32, #tpu.memory_space<vmem>>, vector<16xf32>,
        %mul3A_467 = arith.constant 2 : i32
        %mul3A_468 = arith.muli %scan3A_181, %mul3A_467 : i32
        %add3A_469 = arith.constant 1 : i32
        %add3A_470 = arith.addi %mul3A_468, %add3A_469 : i32
        %get3A_471 = arith.index_cast %add3A_470 : i32 to index
        %get3A_472 = arith.constant 80 : index
        %get3A_473 = tpu.vector_load %arg12[%get3A_471, %get3A_472] {strides = array<i32>} : memref<80x128xf32, #tpu.memory_space<vmem>>, vector<16xf32>,
        %mul3A_474 = arith.constant 2 : i32
        %mul3A_475 = arith.muli %scan3A_181, %mul3A_474 : i32
        %add3A_476 = arith.constant 1 : i32
        %add3A_477 = arith.addi %mul3A_475, %add3A_476 : i32
        %get3A_478 = arith.index_cast %add3A_477 : i32 to index
        %get3A_479 = arith.constant 80 : index
        %get3A_480 = tpu.vector_load %arg14[%get3A_478, %get3A_479] {strides = array<i32>} : memref<80x128xf32, #tpu.memory_space<vmem>>, vector<16xf32>,
        %mul3A_481 = arith.mulf %get3A_473, %get3A_480 : vector<16xf32>
        %mul3A_482 = arith.constant 2 : i32
        %mul3A_483 = arith.muli %scan3A_181, %mul3A_482 : i32
        %add3A_484 = arith.constant 1 : i32
        %add3A_485 = arith.addi %mul3A_483, %add3A_484 : i32
        %swap3A_486 = arith.index_cast %add3A_485 : i32 to index
        %swap3A_487 = arith.constant 80 : index
        %swap3A_488 = tpu.vector_load %arg12[%swap3A_486, %swap3A_487] {strides = array<i32>} : memref<80x128xf32, #tpu.memory_space<vmem>>, vector<16xf32>,
        tpu.vector_store %arg12[%swap3A_486, %swap3A_487], %mul3A_481 {strides = array<i32>} : memref<80x128xf32, #tpu.memory_space<vmem>>, vector<16xf32>,
        %mul3A_489 = arith.constant 2 : i32
        %mul3A_490 = arith.muli %scan3A_181, %mul3A_489 : i32
        %add3A_491 = arith.constant 1 : i32
        %add3A_492 = arith.addi %mul3A_490, %add3A_491 : i32
        %get3A_493 = arith.index_cast %add3A_492 : i32 to index
        %get3A_494 = arith.constant 96 : index
        %get3A_495 = tpu.vector_load %arg12[%get3A_493, %get3A_494] {strides = array<i32>} : memref<80x128xf32, #tpu.memory_space<vmem>>, vector<16xf32>,
        %mul3A_496 = arith.constant 2 : i32
        %mul3A_497 = arith.muli %scan3A_181, %mul3A_496 : i32
        %add3A_498 = arith.constant 1 : i32
        %add3A_499 = arith.addi %mul3A_497, %add3A_498 : i32
        %get3A_500 = arith.index_cast %add3A_499 : i32 to index
        %get3A_501 = arith.constant 96 : index
        %get3A_502 = tpu.vector_load %arg14[%get3A_500, %get3A_501] {strides = array<i32>} : memref<80x128xf32, #tpu.memory_space<vmem>>, vector<16xf32>,
        %mul3A_503 = arith.mulf %get3A_495, %get3A_502 : vector<16xf32>
        %mul3A_504 = arith.constant 2 : i32
        %mul3A_505 = arith.muli %scan3A_181, %mul3A_504 : i32
        %add3A_506 = arith.constant 1 : i32
        %add3A_507 = arith.addi %mul3A_505, %add3A_506 : i32
        %swap3A_508 = arith.index_cast %add3A_507 : i32 to index
        %swap3A_509 = arith.constant 96 : index
        %swap3A_510 = tpu.vector_load %arg12[%swap3A_508, %swap3A_509] {strides = array<i32>} : memref<80x128xf32, #tpu.memory_space<vmem>>, vector<16xf32>,
        tpu.vector_store %arg12[%swap3A_508, %swap3A_509], %mul3A_503 {strides = array<i32>} : memref<80x128xf32, #tpu.memory_space<vmem>>, vector<16xf32>,
        %mul3A_511 = arith.constant 2 : i32
        %mul3A_512 = arith.muli %scan3A_181, %mul3A_511 : i32
        %add3A_513 = arith.constant 1 : i32
        %add3A_514 = arith.addi %mul3A_512, %add3A_513 : i32
        %get3A_515 = arith.index_cast %add3A_514 : i32 to index
        %get3A_516 = arith.constant 112 : index
        %get3A_517 = tpu.vector_load %arg12[%get3A_515, %get3A_516] {strides = array<i32>} : memref<80x128xf32, #tpu.memory_space<vmem>>, vector<16xf32>,
        %mul3A_518 = arith.constant 2 : i32
        %mul3A_519 = arith.muli %scan3A_181, %mul3A_518 : i32
        %add3A_520 = arith.constant 1 : i32
        %add3A_521 = arith.addi %mul3A_519, %add3A_520 : i32
        %get3A_522 = arith.index_cast %add3A_521 : i32 to index
        %get3A_523 = arith.constant 112 : index
        %get3A_524 = tpu.vector_load %arg14[%get3A_522, %get3A_523] {strides = array<i32>} : memref<80x128xf32, #tpu.memory_space<vmem>>, vector<16xf32>,
        %mul3A_525 = arith.mulf %get3A_517, %get3A_524 : vector<16xf32>
        %mul3A_526 = arith.constant 2 : i32
        %mul3A_527 = arith.muli %scan3A_181, %mul3A_526 : i32
        %add3A_528 = arith.constant 1 : i32
        %add3A_529 = arith.addi %mul3A_527, %add3A_528 : i32
        %swap3A_530 = arith.index_cast %add3A_529 : i32 to index
        %swap3A_531 = arith.constant 112 : index
        %swap3A_532 = tpu.vector_load %arg12[%swap3A_530, %swap3A_531] {strides = array<i32>} : memref<80x128xf32, #tpu.memory_space<vmem>>, vector<16xf32>,
        tpu.vector_store %arg12[%swap3A_530, %swap3A_531], %mul3A_525 {strides = array<i32>} : memref<80x128xf32, #tpu.memory_space<vmem>>, vector<16xf32>,
        %scan3A_533 = arith.constant 0 : i32
        scf.yield %scan3A_533 : i32
      }
      %scan3A_138 = arith.constant 40 : i32
      %dma_start3A_139 = arith.constant 0 : i32
      %dma_start3A_140 = arith.constant 0 : i32
      %dma_start3A_141 = tpu.memref_slice %arg7[%dma_start3A_139, %dma_start3A_140] : memref<10000x128xf32, #tpu.memory_space<vmem_shared>> -> memref<10000x128xf32, #tpu.memory_space<vmem_shared>>
      tpu.enqueue_indirect_dma source(%arg12 : memref<80x128xf32, #tpu.memory_space<vmem>>) target(%dma_start3A_141 : memref<10000x128xf32, #tpu.memory_space<vmem_shared>>) offsets(%arg10 : memref<80xi32, #tpu.memory_space<vmem>>) semaphore(%arg20 : memref<!tpu.dma_semaphore, #tpu.memory_space<semaphore_mem>>) {add = true}
      %add3A_142 = arith.constant 2 : i32
      %add3A_143 = arith.addi %add3A_122, %add3A_142 : i32
      %lt3A_144 = arith.constant 125 : i32
      %lt3A_145 = arith.cmpi slt, %add3A_143, %lt3A_144 : i32
      %convert_element_type3A_146 = arith.extui %lt3A_145 : i1 to i32
      %cond3A_147 = arith.constant 0 : i32
      %cond3A_148 = arith.cmpi ne, %convert_element_type3A_146, %cond3A_147 : i32
      scf.if %cond3A_148 {
        %add3A_181 = arith.constant 2 : i32
        %add3A_182 = arith.addi %add3A_122, %add3A_181 : i32
        %mul3A_183 = arith.constant 10000 : i32
        %mul3A_184 = arith.muli %add3A, %mul3A_183 : i32
        %mul3A_185 = arith.constant 80 : i32
        %mul3A_186 = arith.muli %add3A_182, %mul3A_185 : i32
        %add3A_187 = arith.addi %mul3A_184, %mul3A_186 : i32
        %dma_start3A_188 = tpu.memref_slice %arg2[%add3A_187] : memref<320000xi32, #tpu.memory_space<hbm>> -> memref<80xi32, #tpu.memory_space<hbm>>
        %dma_start3A_189 = tpu.memref_slice %arg2[%add3A_187] : memref<320000xi32, #tpu.memory_space<hbm>> -> memref<80xi32, #tpu.memory_space<hbm>>
        tpu.enqueue_dma source(%dma_start3A_189 : memref<80xi32, #tpu.memory_space<hbm>>) target(%arg8 : memref<80xi32, #tpu.memory_space<vmem>>) target_semaphore(%arg16 : memref<!tpu.dma_semaphore, #tpu.memory_space<semaphore_mem>>)
        %dma_start3A_190 = tpu.memref_slice %arg3[%add3A_187] : memref<320000xi32, #tpu.memory_space<hbm>> -> memref<80xi32, #tpu.memory_space<hbm>>
        %dma_start3A_191 = tpu.memref_slice %arg3[%add3A_187] : memref<320000xi32, #tpu.memory_space<hbm>> -> memref<80xi32, #tpu.memory_space<hbm>>
        tpu.enqueue_dma source(%dma_start3A_191 : memref<80xi32, #tpu.memory_space<hbm>>) target(%arg10 : memref<80xi32, #tpu.memory_space<vmem>>) target_semaphore(%arg16 : memref<!tpu.dma_semaphore, #tpu.memory_space<semaphore_mem>>)
        %dma_start3A_192 = arith.constant 0 : i32
        %dma_start3A_193 = tpu.memref_slice %arg5[%add3A_187, %dma_start3A_192] : memref<320000x128xf32, #tpu.memory_space<hbm>> -> memref<80x128xf32, #tpu.memory_space<hbm>>
        %dma_start3A_194 = arith.constant 0 : i32
        %dma_start3A_195 = tpu.memref_slice %arg5[%add3A_187, %dma_start3A_194] : memref<320000x128xf32, #tpu.memory_space<hbm>> -> memref<80x128xf32, #tpu.memory_space<hbm>>
        tpu.enqueue_dma source(%dma_start3A_195 : memref<80x128xf32, #tpu.memory_space<hbm>>) target(%arg14 : memref<80x128xf32, #tpu.memory_space<vmem>>) target_semaphore(%arg16 : memref<!tpu.dma_semaphore, #tpu.memory_space<semaphore_mem>>)
      } else {
      }
      %mul3A_149 = arith.constant 2 : i32
      %mul3A_150 = arith.muli %mul3A_149, %scan3A_117 : i32
      %add3A_151 = arith.constant 1 : i32
      %add3A_152 = arith.addi %mul3A_150, %add3A_151 : i32
      %add3A_153 = arith.constant 1 : i32
      %add3A_154 = arith.addi %add3A_152, %add3A_153 : i32
      %lt3A_155 = arith.constant 125 : i32
      %lt3A_156 = arith.cmpi slt, %add3A_154, %lt3A_155 : i32
      %convert_element_type3A_157 = arith.extui %lt3A_156 : i1 to i32
      %cond3A_158 = arith.constant 0 : i32
      %cond3A_159 = arith.cmpi ne, %convert_element_type3A_157, %cond3A_158 : i32
      scf.if %cond3A_159 {
        %dma_wait3A_181 = arith.constant 0 : i32
        %dma_wait3A_182 = tpu.memref_slice %arg2[%dma_wait3A_181] : memref<320000xi32, #tpu.memory_space<hbm>> -> memref<80xi32, #tpu.memory_space<hbm>>
        %dma_wait3A_183 = arith.constant 0 : i32
        %dma_wait3A_184 = tpu.memref_slice %arg2[%dma_wait3A_183] : memref<320000xi32, #tpu.memory_space<hbm>> -> memref<80xi32, #tpu.memory_space<hbm>>
        tpu.wait_dma2 semaphore(%arg16 : memref<!tpu.dma_semaphore, #tpu.memory_space<semaphore_mem>>) src(%dma_wait3A_184 : memref<80xi32, #tpu.memory_space<hbm>>) dst(%arg8 : memref<80xi32, #tpu.memory_space<vmem>>)
        %dma_wait3A_185 = arith.constant 0 : i32
        %dma_wait3A_186 = tpu.memref_slice %arg3[%dma_wait3A_185] : memref<320000xi32, #tpu.memory_space<hbm>> -> memref<80xi32, #tpu.memory_space<hbm>>
        %dma_wait3A_187 = arith.constant 0 : i32
        %dma_wait3A_188 = tpu.memref_slice %arg3[%dma_wait3A_187] : memref<320000xi32, #tpu.memory_space<hbm>> -> memref<80xi32, #tpu.memory_space<hbm>>
        tpu.wait_dma2 semaphore(%arg16 : memref<!tpu.dma_semaphore, #tpu.memory_space<semaphore_mem>>) src(%dma_wait3A_188 : memref<80xi32, #tpu.memory_space<hbm>>) dst(%arg10 : memref<80xi32, #tpu.memory_space<vmem>>)
        %dma_wait3A_189 = arith.constant 0 : i32
        %dma_wait3A_190 = arith.constant 0 : i32
        %dma_wait3A_191 = tpu.memref_slice %arg5[%dma_wait3A_189, %dma_wait3A_190] : memref<320000x128xf32, #tpu.memory_space<hbm>> -> memref<80x128xf32, #tpu.memory_space<hbm>>
        %dma_wait3A_192 = arith.constant 0 : i32
        %dma_wait3A_193 = arith.constant 0 : i32
        %dma_wait3A_194 = tpu.memref_slice %arg5[%dma_wait3A_192, %dma_wait3A_193] : memref<320000x128xf32, #tpu.memory_space<hbm>> -> memref<80x128xf32, #tpu.memory_space<hbm>>
        tpu.wait_dma2 semaphore(%arg16 : memref<!tpu.dma_semaphore, #tpu.memory_space<semaphore_mem>>) src(%dma_wait3A_194 : memref<80x128xf32, #tpu.memory_space<hbm>>) dst(%arg14 : memref<80x128xf32, #tpu.memory_space<vmem>>)
        %ge3A = arith.constant 1 : i32
        %ge3A_195 = arith.cmpi sge, %add3A_152, %ge3A : i32
        %convert_element_type3A_196 = arith.extui %ge3A_195 : i1 to i32
        %cond3A_197 = arith.constant 0 : i32
        %cond3A_198 = arith.cmpi ne, %convert_element_type3A_196, %cond3A_197 : i32
        scf.if %cond3A_198 {
          %dma_wait3A_202 = arith.constant 0 : i32
          %dma_wait3A_203 = arith.constant 0 : i32
          %dma_wait3A_204 = tpu.memref_slice %arg7[%dma_wait3A_202, %dma_wait3A_203] : memref<10000x128xf32, #tpu.memory_space<vmem_shared>> -> memref<10000x128xf32, #tpu.memory_space<vmem_shared>>
          tpu.wait_indirect_dma semaphore(%arg20 : memref<!tpu.dma_semaphore, #tpu.memory_space<semaphore_mem>>) src(%arg12 : memref<80x128xf32, #tpu.memory_space<vmem>>) dst(%dma_wait3A_204 : memref<10000x128xf32, #tpu.memory_space<vmem_shared>>)
        } else {
        }
        %dma_start3A_199 = arith.constant 0 : i32
        %dma_start3A_200 = arith.constant 0 : i32
        %dma_start3A_201 = tpu.memref_slice %arg4[%dma_start3A_199, %dma_start3A_200] : memref<10000x128xf32, #tpu.memory_space<hbm>> -> memref<10000x128xf32, #tpu.memory_space<hbm>>
        tpu.enqueue_indirect_dma source(%dma_start3A_201 : memref<10000x128xf32, #tpu.memory_space<hbm>>) target(%arg12 : memref<80x128xf32, #tpu.memory_space<vmem>>) offsets(%arg8 : memref<80xi32, #tpu.memory_space<vmem>>) semaphore(%arg18 : memref<!tpu.dma_semaphore, #tpu.memory_space<semaphore_mem>>)
      } else {
      }
      %dma_wait3A_160 = arith.constant 0 : i32
      %dma_wait3A_161 = arith.constant 0 : i32
      %dma_wait3A_162 = tpu.memref_slice %arg4[%dma_wait3A_160, %dma_wait3A_161] : memref<10000x128xf32, #tpu.memory_space<hbm>> -> memref<10000x128xf32, #tpu.memory_space<hbm>>
      tpu.wait_indirect_dma semaphore(%arg19 : memref<!tpu.dma_semaphore, #tpu.memory_space<semaphore_mem>>) src(%dma_wait3A_162 : memref<10000x128xf32, #tpu.memory_space<hbm>>) dst(%arg13 : memref<80x128xf32, #tpu.memory_space<vmem>>)
      %scan3A_163 = arith.constant 0 : i32
      %scan3A_164 = arith.constant 0 : i32
      %scan3A_165 = arith.constant 40 : i32
      %scan3A_166 = arith.addi %scan3A_164, %scan3A_165 : i32
      %scan3A_167 = arith.constant 1 : i32
      %scan3A_168 = scf.for %scan3A_181 = %scan3A_164 to %scan3A_166 step %scan3A_167 iter_args(%scan3A_182 = %scan3A_163) -> (i32)  : i32 {
        %mul3A_183 = arith.constant 2 : i32
        %mul3A_184 = arith.muli %scan3A_181, %mul3A_183 : i32
        %add3A_185 = arith.constant 0 : i32
        %add3A_186 = arith.addi %mul3A_184, %add3A_185 : i32
        %get3A = arith.index_cast %add3A_186 : i32 to index
        %get3A_187 = arith.constant 0 : index
        %get3A_188 = tpu.vector_load %arg13[%get3A, %get3A_187] {strides = array<i32>} : memref<80x128xf32, #tpu.memory_space<vmem>>, vector<16xf32>,
        %mul3A_189 = arith.constant 2 : i32
        %mul3A_190 = arith.muli %scan3A_181, %mul3A_189 : i32
        %add3A_191 = arith.constant 0 : i32
        %add3A_192 = arith.addi %mul3A_190, %add3A_191 : i32
        %get3A_193 = arith.index_cast %add3A_192 : i32 to index
        %get3A_194 = arith.constant 0 : index
        %get3A_195 = tpu.vector_load %arg15[%get3A_193, %get3A_194] {strides = array<i32>} : memref<80x128xf32, #tpu.memory_space<vmem>>, vector<16xf32>,
        %mul3A_196 = arith.mulf %get3A_188, %get3A_195 : vector<16xf32>
        %mul3A_197 = arith.constant 2 : i32
        %mul3A_198 = arith.muli %scan3A_181, %mul3A_197 : i32
        %add3A_199 = arith.constant 0 : i32
        %add3A_200 = arith.addi %mul3A_198, %add3A_199 : i32
        %swap3A = arith.index_cast %add3A_200 : i32 to index
        %swap3A_201 = arith.constant 0 : index
        %swap3A_202 = tpu.vector_load %arg13[%swap3A, %swap3A_201] {strides = array<i32>} : memref<80x128xf32, #tpu.memory_space<vmem>>, vector<16xf32>,
        tpu.vector_store %arg13[%swap3A, %swap3A_201], %mul3A_196 {strides = array<i32>} : memref<80x128xf32, #tpu.memory_space<vmem>>, vector<16xf32>,
        %mul3A_203 = arith.constant 2 : i32
        %mul3A_204 = arith.muli %scan3A_181, %mul3A_203 : i32
        %add3A_205 = arith.constant 0 : i32
        %add3A_206 = arith.addi %mul3A_204, %add3A_205 : i32
        %get3A_207 = arith.index_cast %add3A_206 : i32 to index
        %get3A_208 = arith.constant 16 : index
        %get3A_209 = tpu.vector_load %arg13[%get3A_207, %get3A_208] {strides = array<i32>} : memref<80x128xf32, #tpu.memory_space<vmem>>, vector<16xf32>,
        %mul3A_210 = arith.constant 2 : i32
        %mul3A_211 = arith.muli %scan3A_181, %mul3A_210 : i32
        %add3A_212 = arith.constant 0 : i32
        %add3A_213 = arith.addi %mul3A_211, %add3A_212 : i32
        %get3A_214 = arith.index_cast %add3A_213 : i32 to index
        %get3A_215 = arith.constant 16 : index
        %get3A_216 = tpu.vector_load %arg15[%get3A_214, %get3A_215] {strides = array<i32>} : memref<80x128xf32, #tpu.memory_space<vmem>>, vector<16xf32>,
        %mul3A_217 = arith.mulf %get3A_209, %get3A_216 : vector<16xf32>
        %mul3A_218 = arith.constant 2 : i32
        %mul3A_219 = arith.muli %scan3A_181, %mul3A_218 : i32
        %add3A_220 = arith.constant 0 : i32
        %add3A_221 = arith.addi %mul3A_219, %add3A_220 : i32
        %swap3A_222 = arith.index_cast %add3A_221 : i32 to index
        %swap3A_223 = arith.constant 16 : index
        %swap3A_224 = tpu.vector_load %arg13[%swap3A_222, %swap3A_223] {strides = array<i32>} : memref<80x128xf32, #tpu.memory_space<vmem>>, vector<16xf32>,
        tpu.vector_store %arg13[%swap3A_222, %swap3A_223], %mul3A_217 {strides = array<i32>} : memref<80x128xf32, #tpu.memory_space<vmem>>, vector<16xf32>,
        %mul3A_225 = arith.constant 2 : i32
        %mul3A_226 = arith.muli %scan3A_181, %mul3A_225 : i32
        %add3A_227 = arith.constant 0 : i32
        %add3A_228 = arith.addi %mul3A_226, %add3A_227 : i32
        %get3A_229 = arith.index_cast %add3A_228 : i32 to index
        %get3A_230 = arith.constant 32 : index
        %get3A_231 = tpu.vector_load %arg13[%get3A_229, %get3A_230] {strides = array<i32>} : memref<80x128xf32, #tpu.memory_space<vmem>>, vector<16xf32>,
        %mul3A_232 = arith.constant 2 : i32
        %mul3A_233 = arith.muli %scan3A_181, %mul3A_232 : i32
        %add3A_234 = arith.constant 0 : i32
        %add3A_235 = arith.addi %mul3A_233, %add3A_234 : i32
        %get3A_236 = arith.index_cast %add3A_235 : i32 to index
        %get3A_237 = arith.constant 32 : index
        %get3A_238 = tpu.vector_load %arg15[%get3A_236, %get3A_237] {strides = array<i32>} : memref<80x128xf32, #tpu.memory_space<vmem>>, vector<16xf32>,
        %mul3A_239 = arith.mulf %get3A_231, %get3A_238 : vector<16xf32>
        %mul3A_240 = arith.constant 2 : i32
        %mul3A_241 = arith.muli %scan3A_181, %mul3A_240 : i32
        %add3A_242 = arith.constant 0 : i32
        %add3A_243 = arith.addi %mul3A_241, %add3A_242 : i32
        %swap3A_244 = arith.index_cast %add3A_243 : i32 to index
        %swap3A_245 = arith.constant 32 : index
        %swap3A_246 = tpu.vector_load %arg13[%swap3A_244, %swap3A_245] {strides = array<i32>} : memref<80x128xf32, #tpu.memory_space<vmem>>, vector<16xf32>,
        tpu.vector_store %arg13[%swap3A_244, %swap3A_245], %mul3A_239 {strides = array<i32>} : memref<80x128xf32, #tpu.memory_space<vmem>>, vector<16xf32>,
        %mul3A_247 = arith.constant 2 : i32
        %mul3A_248 = arith.muli %scan3A_181, %mul3A_247 : i32
        %add3A_249 = arith.constant 0 : i32
        %add3A_250 = arith.addi %mul3A_248, %add3A_249 : i32
        %get3A_251 = arith.index_cast %add3A_250 : i32 to index
        %get3A_252 = arith.constant 48 : index
        %get3A_253 = tpu.vector_load %arg13[%get3A_251, %get3A_252] {strides = array<i32>} : memref<80x128xf32, #tpu.memory_space<vmem>>, vector<16xf32>,
        %mul3A_254 = arith.constant 2 : i32
        %mul3A_255 = arith.muli %scan3A_181, %mul3A_254 : i32
        %add3A_256 = arith.constant 0 : i32
        %add3A_257 = arith.addi %mul3A_255, %add3A_256 : i32
        %get3A_258 = arith.index_cast %add3A_257 : i32 to index
        %get3A_259 = arith.constant 48 : index
        %get3A_260 = tpu.vector_load %arg15[%get3A_258, %get3A_259] {strides = array<i32>} : memref<80x128xf32, #tpu.memory_space<vmem>>, vector<16xf32>,
        %mul3A_261 = arith.mulf %get3A_253, %get3A_260 : vector<16xf32>
        %mul3A_262 = arith.constant 2 : i32
        %mul3A_263 = arith.muli %scan3A_181, %mul3A_262 : i32
        %add3A_264 = arith.constant 0 : i32
        %add3A_265 = arith.addi %mul3A_263, %add3A_264 : i32
        %swap3A_266 = arith.index_cast %add3A_265 : i32 to index
        %swap3A_267 = arith.constant 48 : index
        %swap3A_268 = tpu.vector_load %arg13[%swap3A_266, %swap3A_267] {strides = array<i32>} : memref<80x128xf32, #tpu.memory_space<vmem>>, vector<16xf32>,
        tpu.vector_store %arg13[%swap3A_266, %swap3A_267], %mul3A_261 {strides = array<i32>} : memref<80x128xf32, #tpu.memory_space<vmem>>, vector<16xf32>,
        %mul3A_269 = arith.constant 2 : i32
        %mul3A_270 = arith.muli %scan3A_181, %mul3A_269 : i32
        %add3A_271 = arith.constant 0 : i32
        %add3A_272 = arith.addi %mul3A_270, %add3A_271 : i32
        %get3A_273 = arith.index_cast %add3A_272 : i32 to index
        %get3A_274 = arith.constant 64 : index
        %get3A_275 = tpu.vector_load %arg13[%get3A_273, %get3A_274] {strides = array<i32>} : memref<80x128xf32, #tpu.memory_space<vmem>>, vector<16xf32>,
        %mul3A_276 = arith.constant 2 : i32
        %mul3A_277 = arith.muli %scan3A_181, %mul3A_276 : i32
        %add3A_278 = arith.constant 0 : i32
        %add3A_279 = arith.addi %mul3A_277, %add3A_278 : i32
        %get3A_280 = arith.index_cast %add3A_279 : i32 to index
        %get3A_281 = arith.constant 64 : index
        %get3A_282 = tpu.vector_load %arg15[%get3A_280, %get3A_281] {strides = array<i32>} : memref<80x128xf32, #tpu.memory_space<vmem>>, vector<16xf32>,
        %mul3A_283 = arith.mulf %get3A_275, %get3A_282 : vector<16xf32>
        %mul3A_284 = arith.constant 2 : i32
        %mul3A_285 = arith.muli %scan3A_181, %mul3A_284 : i32
        %add3A_286 = arith.constant 0 : i32
        %add3A_287 = arith.addi %mul3A_285, %add3A_286 : i32
        %swap3A_288 = arith.index_cast %add3A_287 : i32 to index
        %swap3A_289 = arith.constant 64 : index
        %swap3A_290 = tpu.vector_load %arg13[%swap3A_288, %swap3A_289] {strides = array<i32>} : memref<80x128xf32, #tpu.memory_space<vmem>>, vector<16xf32>,
        tpu.vector_store %arg13[%swap3A_288, %swap3A_289], %mul3A_283 {strides = array<i32>} : memref<80x128xf32, #tpu.memory_space<vmem>>, vector<16xf32>,
        %mul3A_291 = arith.constant 2 : i32
        %mul3A_292 = arith.muli %scan3A_181, %mul3A_291 : i32
        %add3A_293 = arith.constant 0 : i32
        %add3A_294 = arith.addi %mul3A_292, %add3A_293 : i32
        %get3A_295 = arith.index_cast %add3A_294 : i32 to index
        %get3A_296 = arith.constant 80 : index
        %get3A_297 = tpu.vector_load %arg13[%get3A_295, %get3A_296] {strides = array<i32>} : memref<80x128xf32, #tpu.memory_space<vmem>>, vector<16xf32>,
        %mul3A_298 = arith.constant 2 : i32
        %mul3A_299 = arith.muli %scan3A_181, %mul3A_298 : i32
        %add3A_300 = arith.constant 0 : i32
        %add3A_301 = arith.addi %mul3A_299, %add3A_300 : i32
        %get3A_302 = arith.index_cast %add3A_301 : i32 to index
        %get3A_303 = arith.constant 80 : index
        %get3A_304 = tpu.vector_load %arg15[%get3A_302, %get3A_303] {strides = array<i32>} : memref<80x128xf32, #tpu.memory_space<vmem>>, vector<16xf32>,
        %mul3A_305 = arith.mulf %get3A_297, %get3A_304 : vector<16xf32>
        %mul3A_306 = arith.constant 2 : i32
        %mul3A_307 = arith.muli %scan3A_181, %mul3A_306 : i32
        %add3A_308 = arith.constant 0 : i32
        %add3A_309 = arith.addi %mul3A_307, %add3A_308 : i32
        %swap3A_310 = arith.index_cast %add3A_309 : i32 to index
        %swap3A_311 = arith.constant 80 : index
        %swap3A_312 = tpu.vector_load %arg13[%swap3A_310, %swap3A_311] {strides = array<i32>} : memref<80x128xf32, #tpu.memory_space<vmem>>, vector<16xf32>,
        tpu.vector_store %arg13[%swap3A_310, %swap3A_311], %mul3A_305 {strides = array<i32>} : memref<80x128xf32, #tpu.memory_space<vmem>>, vector<16xf32>,
        %mul3A_313 = arith.constant 2 : i32
        %mul3A_314 = arith.muli %scan3A_181, %mul3A_313 : i32
        %add3A_315 = arith.constant 0 : i32
        %add3A_316 = arith.addi %mul3A_314, %add3A_315 : i32
        %get3A_317 = arith.index_cast %add3A_316 : i32 to index
        %get3A_318 = arith.constant 96 : index
        %get3A_319 = tpu.vector_load %arg13[%get3A_317, %get3A_318] {strides = array<i32>} : memref<80x128xf32, #tpu.memory_space<vmem>>, vector<16xf32>,
        %mul3A_320 = arith.constant 2 : i32
        %mul3A_321 = arith.muli %scan3A_181, %mul3A_320 : i32
        %add3A_322 = arith.constant 0 : i32
        %add3A_323 = arith.addi %mul3A_321, %add3A_322 : i32
        %get3A_324 = arith.index_cast %add3A_323 : i32 to index
        %get3A_325 = arith.constant 96 : index
        %get3A_326 = tpu.vector_load %arg15[%get3A_324, %get3A_325] {strides = array<i32>} : memref<80x128xf32, #tpu.memory_space<vmem>>, vector<16xf32>,
        %mul3A_327 = arith.mulf %get3A_319, %get3A_326 : vector<16xf32>
        %mul3A_328 = arith.constant 2 : i32
        %mul3A_329 = arith.muli %scan3A_181, %mul3A_328 : i32
        %add3A_330 = arith.constant 0 : i32
        %add3A_331 = arith.addi %mul3A_329, %add3A_330 : i32
        %swap3A_332 = arith.index_cast %add3A_331 : i32 to index
        %swap3A_333 = arith.constant 96 : index
        %swap3A_334 = tpu.vector_load %arg13[%swap3A_332, %swap3A_333] {strides = array<i32>} : memref<80x128xf32, #tpu.memory_space<vmem>>, vector<16xf32>,
        tpu.vector_store %arg13[%swap3A_332, %swap3A_333], %mul3A_327 {strides = array<i32>} : memref<80x128xf32, #tpu.memory_space<vmem>>, vector<16xf32>,
        %mul3A_335 = arith.constant 2 : i32
        %mul3A_336 = arith.muli %scan3A_181, %mul3A_335 : i32
        %add3A_337 = arith.constant 0 : i32
        %add3A_338 = arith.addi %mul3A_336, %add3A_337 : i32
        %get3A_339 = arith.index_cast %add3A_338 : i32 to index
        %get3A_340 = arith.constant 112 : index
        %get3A_341 = tpu.vector_load %arg13[%get3A_339, %get3A_340] {strides = array<i32>} : memref<80x128xf32, #tpu.memory_space<vmem>>, vector<16xf32>,
        %mul3A_342 = arith.constant 2 : i32
        %mul3A_343 = arith.muli %scan3A_181, %mul3A_342 : i32
        %add3A_344 = arith.constant 0 : i32
        %add3A_345 = arith.addi %mul3A_343, %add3A_344 : i32
        %get3A_346 = arith.index_cast %add3A_345 : i32 to index
        %get3A_347 = arith.constant 112 : index
        %get3A_348 = tpu.vector_load %arg15[%get3A_346, %get3A_347] {strides = array<i32>} : memref<80x128xf32, #tpu.memory_space<vmem>>, vector<16xf32>,
        %mul3A_349 = arith.mulf %get3A_341, %get3A_348 : vector<16xf32>
        %mul3A_350 = arith.constant 2 : i32
        %mul3A_351 = arith.muli %scan3A_181, %mul3A_350 : i32
        %add3A_352 = arith.constant 0 : i32
        %add3A_353 = arith.addi %mul3A_351, %add3A_352 : i32
        %swap3A_354 = arith.index_cast %add3A_353 : i32 to index
        %swap3A_355 = arith.constant 112 : index
        %swap3A_356 = tpu.vector_load %arg13[%swap3A_354, %swap3A_355] {strides = array<i32>} : memref<80x128xf32, #tpu.memory_space<vmem>>, vector<16xf32>,
        tpu.vector_store %arg13[%swap3A_354, %swap3A_355], %mul3A_349 {strides = array<i32>} : memref<80x128xf32, #tpu.memory_space<vmem>>, vector<16xf32>,
        %mul3A_357 = arith.constant 2 : i32
        %mul3A_358 = arith.muli %scan3A_181, %mul3A_357 : i32
        %add3A_359 = arith.constant 1 : i32
        %add3A_360 = arith.addi %mul3A_358, %add3A_359 : i32
        %get3A_361 = arith.index_cast %add3A_360 : i32 to index
        %get3A_362 = arith.constant 0 : index
        %get3A_363 = tpu.vector_load %arg13[%get3A_361, %get3A_362] {strides = array<i32>} : memref<80x128xf32, #tpu.memory_space<vmem>>, vector<16xf32>,
        %mul3A_364 = arith.constant 2 : i32
        %mul3A_365 = arith.muli %scan3A_181, %mul3A_364 : i32
        %add3A_366 = arith.constant 1 : i32
        %add3A_367 = arith.addi %mul3A_365, %add3A_366 : i32
        %get3A_368 = arith.index_cast %add3A_367 : i32 to index
        %get3A_369 = arith.constant 0 : index
        %get3A_370 = tpu.vector_load %arg15[%get3A_368, %get3A_369] {strides = array<i32>} : memref<80x128xf32, #tpu.memory_space<vmem>>, vector<16xf32>,
        %mul3A_371 = arith.mulf %get3A_363, %get3A_370 : vector<16xf32>
        %mul3A_372 = arith.constant 2 : i32
        %mul3A_373 = arith.muli %scan3A_181, %mul3A_372 : i32
        %add3A_374 = arith.constant 1 : i32
        %add3A_375 = arith.addi %mul3A_373, %add3A_374 : i32
        %swap3A_376 = arith.index_cast %add3A_375 : i32 to index
        %swap3A_377 = arith.constant 0 : index
        %swap3A_378 = tpu.vector_load %arg13[%swap3A_376, %swap3A_377] {strides = array<i32>} : memref<80x128xf32, #tpu.memory_space<vmem>>, vector<16xf32>,
        tpu.vector_store %arg13[%swap3A_376, %swap3A_377], %mul3A_371 {strides = array<i32>} : memref<80x128xf32, #tpu.memory_space<vmem>>, vector<16xf32>,
        %mul3A_379 = arith.constant 2 : i32
        %mul3A_380 = arith.muli %scan3A_181, %mul3A_379 : i32
        %add3A_381 = arith.constant 1 : i32
        %add3A_382 = arith.addi %mul3A_380, %add3A_381 : i32
        %get3A_383 = arith.index_cast %add3A_382 : i32 to index
        %get3A_384 = arith.constant 16 : index
        %get3A_385 = tpu.vector_load %arg13[%get3A_383, %get3A_384] {strides = array<i32>} : memref<80x128xf32, #tpu.memory_space<vmem>>, vector<16xf32>,
        %mul3A_386 = arith.constant 2 : i32
        %mul3A_387 = arith.muli %scan3A_181, %mul3A_386 : i32
        %add3A_388 = arith.constant 1 : i32
        %add3A_389 = arith.addi %mul3A_387, %add3A_388 : i32
        %get3A_390 = arith.index_cast %add3A_389 : i32 to index
        %get3A_391 = arith.constant 16 : index
        %get3A_392 = tpu.vector_load %arg15[%get3A_390, %get3A_391] {strides = array<i32>} : memref<80x128xf32, #tpu.memory_space<vmem>>, vector<16xf32>,
        %mul3A_393 = arith.mulf %get3A_385, %get3A_392 : vector<16xf32>
        %mul3A_394 = arith.constant 2 : i32
        %mul3A_395 = arith.muli %scan3A_181, %mul3A_394 : i32
        %add3A_396 = arith.constant 1 : i32
        %add3A_397 = arith.addi %mul3A_395, %add3A_396 : i32
        %swap3A_398 = arith.index_cast %add3A_397 : i32 to index
        %swap3A_399 = arith.constant 16 : index
        %swap3A_400 = tpu.vector_load %arg13[%swap3A_398, %swap3A_399] {strides = array<i32>} : memref<80x128xf32, #tpu.memory_space<vmem>>, vector<16xf32>,
        tpu.vector_store %arg13[%swap3A_398, %swap3A_399], %mul3A_393 {strides = array<i32>} : memref<80x128xf32, #tpu.memory_space<vmem>>, vector<16xf32>,
        %mul3A_401 = arith.constant 2 : i32
        %mul3A_402 = arith.muli %scan3A_181, %mul3A_401 : i32
        %add3A_403 = arith.constant 1 : i32
        %add3A_404 = arith.addi %mul3A_402, %add3A_403 : i32
        %get3A_405 = arith.index_cast %add3A_404 : i32 to index
        %get3A_406 = arith.constant 32 : index
        %get3A_407 = tpu.vector_load %arg13[%get3A_405, %get3A_406] {strides = array<i32>} : memref<80x128xf32, #tpu.memory_space<vmem>>, vector<16xf32>,
        %mul3A_408 = arith.constant 2 : i32
        %mul3A_409 = arith.muli %scan3A_181, %mul3A_408 : i32
        %add3A_410 = arith.constant 1 : i32
        %add3A_411 = arith.addi %mul3A_409, %add3A_410 : i32
        %get3A_412 = arith.index_cast %add3A_411 : i32 to index
        %get3A_413 = arith.constant 32 : index
        %get3A_414 = tpu.vector_load %arg15[%get3A_412, %get3A_413] {strides = array<i32>} : memref<80x128xf32, #tpu.memory_space<vmem>>, vector<16xf32>,
        %mul3A_415 = arith.mulf %get3A_407, %get3A_414 : vector<16xf32>
        %mul3A_416 = arith.constant 2 : i32
        %mul3A_417 = arith.muli %scan3A_181, %mul3A_416 : i32
        %add3A_418 = arith.constant 1 : i32
        %add3A_419 = arith.addi %mul3A_417, %add3A_418 : i32
        %swap3A_420 = arith.index_cast %add3A_419 : i32 to index
        %swap3A_421 = arith.constant 32 : index
        %swap3A_422 = tpu.vector_load %arg13[%swap3A_420, %swap3A_421] {strides = array<i32>} : memref<80x128xf32, #tpu.memory_space<vmem>>, vector<16xf32>,
        tpu.vector_store %arg13[%swap3A_420, %swap3A_421], %mul3A_415 {strides = array<i32>} : memref<80x128xf32, #tpu.memory_space<vmem>>, vector<16xf32>,
        %mul3A_423 = arith.constant 2 : i32
        %mul3A_424 = arith.muli %scan3A_181, %mul3A_423 : i32
        %add3A_425 = arith.constant 1 : i32
        %add3A_426 = arith.addi %mul3A_424, %add3A_425 : i32
        %get3A_427 = arith.index_cast %add3A_426 : i32 to index
        %get3A_428 = arith.constant 48 : index
        %get3A_429 = tpu.vector_load %arg13[%get3A_427, %get3A_428] {strides = array<i32>} : memref<80x128xf32, #tpu.memory_space<vmem>>, vector<16xf32>,
        %mul3A_430 = arith.constant 2 : i32
        %mul3A_431 = arith.muli %scan3A_181, %mul3A_430 : i32
        %add3A_432 = arith.constant 1 : i32
        %add3A_433 = arith.addi %mul3A_431, %add3A_432 : i32
        %get3A_434 = arith.index_cast %add3A_433 : i32 to index
        %get3A_435 = arith.constant 48 : index
        %get3A_436 = tpu.vector_load %arg15[%get3A_434, %get3A_435] {strides = array<i32>} : memref<80x128xf32, #tpu.memory_space<vmem>>, vector<16xf32>,
        %mul3A_437 = arith.mulf %get3A_429, %get3A_436 : vector<16xf32>
        %mul3A_438 = arith.constant 2 : i32
        %mul3A_439 = arith.muli %scan3A_181, %mul3A_438 : i32
        %add3A_440 = arith.constant 1 : i32
        %add3A_441 = arith.addi %mul3A_439, %add3A_440 : i32
        %swap3A_442 = arith.index_cast %add3A_441 : i32 to index
        %swap3A_443 = arith.constant 48 : index
        %swap3A_444 = tpu.vector_load %arg13[%swap3A_442, %swap3A_443] {strides = array<i32>} : memref<80x128xf32, #tpu.memory_space<vmem>>, vector<16xf32>,
        tpu.vector_store %arg13[%swap3A_442, %swap3A_443], %mul3A_437 {strides = array<i32>} : memref<80x128xf32, #tpu.memory_space<vmem>>, vector<16xf32>,
        %mul3A_445 = arith.constant 2 : i32
        %mul3A_446 = arith.muli %scan3A_181, %mul3A_445 : i32
        %add3A_447 = arith.constant 1 : i32
        %add3A_448 = arith.addi %mul3A_446, %add3A_447 : i32
        %get3A_449 = arith.index_cast %add3A_448 : i32 to index
        %get3A_450 = arith.constant 64 : index
        %get3A_451 = tpu.vector_load %arg13[%get3A_449, %get3A_450] {strides = array<i32>} : memref<80x128xf32, #tpu.memory_space<vmem>>, vector<16xf32>,
        %mul3A_452 = arith.constant 2 : i32
        %mul3A_453 = arith.muli %scan3A_181, %mul3A_452 : i32
        %add3A_454 = arith.constant 1 : i32
        %add3A_455 = arith.addi %mul3A_453, %add3A_454 : i32
        %get3A_456 = arith.index_cast %add3A_455 : i32 to index
        %get3A_457 = arith.constant 64 : index
        %get3A_458 = tpu.vector_load %arg15[%get3A_456, %get3A_457] {strides = array<i32>} : memref<80x128xf32, #tpu.memory_space<vmem>>, vector<16xf32>,
        %mul3A_459 = arith.mulf %get3A_451, %get3A_458 : vector<16xf32>
        %mul3A_460 = arith.constant 2 : i32
        %mul3A_461 = arith.muli %scan3A_181, %mul3A_460 : i32
        %add3A_462 = arith.constant 1 : i32
        %add3A_463 = arith.addi %mul3A_461, %add3A_462 : i32
        %swap3A_464 = arith.index_cast %add3A_463 : i32 to index
        %swap3A_465 = arith.constant 64 : index
        %swap3A_466 = tpu.vector_load %arg13[%swap3A_464, %swap3A_465] {strides = array<i32>} : memref<80x128xf32, #tpu.memory_space<vmem>>, vector<16xf32>,
        tpu.vector_store %arg13[%swap3A_464, %swap3A_465], %mul3A_459 {strides = array<i32>} : memref<80x128xf32, #tpu.memory_space<vmem>>, vector<16xf32>,
        %mul3A_467 = arith.constant 2 : i32
        %mul3A_468 = arith.muli %scan3A_181, %mul3A_467 : i32
        %add3A_469 = arith.constant 1 : i32
        %add3A_470 = arith.addi %mul3A_468, %add3A_469 : i32
        %get3A_471 = arith.index_cast %add3A_470 : i32 to index
        %get3A_472 = arith.constant 80 : index
        %get3A_473 = tpu.vector_load %arg13[%get3A_471, %get3A_472] {strides = array<i32>} : memref<80x128xf32, #tpu.memory_space<vmem>>, vector<16xf32>,
        %mul3A_474 = arith.constant 2 : i32
        %mul3A_475 = arith.muli %scan3A_181, %mul3A_474 : i32
        %add3A_476 = arith.constant 1 : i32
        %add3A_477 = arith.addi %mul3A_475, %add3A_476 : i32
        %get3A_478 = arith.index_cast %add3A_477 : i32 to index
        %get3A_479 = arith.constant 80 : index
        %get3A_480 = tpu.vector_load %arg15[%get3A_478, %get3A_479] {strides = array<i32>} : memref<80x128xf32, #tpu.memory_space<vmem>>, vector<16xf32>,
        %mul3A_481 = arith.mulf %get3A_473, %get3A_480 : vector<16xf32>
        %mul3A_482 = arith.constant 2 : i32
        %mul3A_483 = arith.muli %scan3A_181, %mul3A_482 : i32
        %add3A_484 = arith.constant 1 : i32
        %add3A_485 = arith.addi %mul3A_483, %add3A_484 : i32
        %swap3A_486 = arith.index_cast %add3A_485 : i32 to index
        %swap3A_487 = arith.constant 80 : index
        %swap3A_488 = tpu.vector_load %arg13[%swap3A_486, %swap3A_487] {strides = array<i32>} : memref<80x128xf32, #tpu.memory_space<vmem>>, vector<16xf32>,
        tpu.vector_store %arg13[%swap3A_486, %swap3A_487], %mul3A_481 {strides = array<i32>} : memref<80x128xf32, #tpu.memory_space<vmem>>, vector<16xf32>,
        %mul3A_489 = arith.constant 2 : i32
        %mul3A_490 = arith.muli %scan3A_181, %mul3A_489 : i32
        %add3A_491 = arith.constant 1 : i32
        %add3A_492 = arith.addi %mul3A_490, %add3A_491 : i32
        %get3A_493 = arith.index_cast %add3A_492 : i32 to index
        %get3A_494 = arith.constant 96 : index
        %get3A_495 = tpu.vector_load %arg13[%get3A_493, %get3A_494] {strides = array<i32>} : memref<80x128xf32, #tpu.memory_space<vmem>>, vector<16xf32>,
        %mul3A_496 = arith.constant 2 : i32
        %mul3A_497 = arith.muli %scan3A_181, %mul3A_496 : i32
        %add3A_498 = arith.constant 1 : i32
        %add3A_499 = arith.addi %mul3A_497, %add3A_498 : i32
        %get3A_500 = arith.index_cast %add3A_499 : i32 to index
        %get3A_501 = arith.constant 96 : index
        %get3A_502 = tpu.vector_load %arg15[%get3A_500, %get3A_501] {strides = array<i32>} : memref<80x128xf32, #tpu.memory_space<vmem>>, vector<16xf32>,
        %mul3A_503 = arith.mulf %get3A_495, %get3A_502 : vector<16xf32>
        %mul3A_504 = arith.constant 2 : i32
        %mul3A_505 = arith.muli %scan3A_181, %mul3A_504 : i32
        %add3A_506 = arith.constant 1 : i32
        %add3A_507 = arith.addi %mul3A_505, %add3A_506 : i32
        %swap3A_508 = arith.index_cast %add3A_507 : i32 to index
        %swap3A_509 = arith.constant 96 : index
        %swap3A_510 = tpu.vector_load %arg13[%swap3A_508, %swap3A_509] {strides = array<i32>} : memref<80x128xf32, #tpu.memory_space<vmem>>, vector<16xf32>,
        tpu.vector_store %arg13[%swap3A_508, %swap3A_509], %mul3A_503 {strides = array<i32>} : memref<80x128xf32, #tpu.memory_space<vmem>>, vector<16xf32>,
        %mul3A_511 = arith.constant 2 : i32
        %mul3A_512 = arith.muli %scan3A_181, %mul3A_511 : i32
        %add3A_513 = arith.constant 1 : i32
        %add3A_514 = arith.addi %mul3A_512, %add3A_513 : i32
        %get3A_515 = arith.index_cast %add3A_514 : i32 to index
        %get3A_516 = arith.constant 112 : index
        %get3A_517 = tpu.vector_load %arg13[%get3A_515, %get3A_516] {strides = array<i32>} : memref<80x128xf32, #tpu.memory_space<vmem>>, vector<16xf32>,
        %mul3A_518 = arith.constant 2 : i32
        %mul3A_519 = arith.muli %scan3A_181, %mul3A_518 : i32
        %add3A_520 = arith.constant 1 : i32
        %add3A_521 = arith.addi %mul3A_519, %add3A_520 : i32
        %get3A_522 = arith.index_cast %add3A_521 : i32 to index
        %get3A_523 = arith.constant 112 : index
        %get3A_524 = tpu.vector_load %arg15[%get3A_522, %get3A_523] {strides = array<i32>} : memref<80x128xf32, #tpu.memory_space<vmem>>, vector<16xf32>,
        %mul3A_525 = arith.mulf %get3A_517, %get3A_524 : vector<16xf32>
        %mul3A_526 = arith.constant 2 : i32
        %mul3A_527 = arith.muli %scan3A_181, %mul3A_526 : i32
        %add3A_528 = arith.constant 1 : i32
        %add3A_529 = arith.addi %mul3A_527, %add3A_528 : i32
        %swap3A_530 = arith.index_cast %add3A_529 : i32 to index
        %swap3A_531 = arith.constant 112 : index
        %swap3A_532 = tpu.vector_load %arg13[%swap3A_530, %swap3A_531] {strides = array<i32>} : memref<80x128xf32, #tpu.memory_space<vmem>>, vector<16xf32>,
        tpu.vector_store %arg13[%swap3A_530, %swap3A_531], %mul3A_525 {strides = array<i32>} : memref<80x128xf32, #tpu.memory_space<vmem>>, vector<16xf32>,
        %scan3A_533 = arith.constant 0 : i32
        scf.yield %scan3A_533 : i32
      }
      %scan3A_169 = arith.constant 40 : i32
      %dma_start3A_170 = arith.constant 0 : i32
      %dma_start3A_171 = arith.constant 0 : i32
      %dma_start3A_172 = tpu.memref_slice %arg7[%dma_start3A_170, %dma_start3A_171] : memref<10000x128xf32, #tpu.memory_space<vmem_shared>> -> memref<10000x128xf32, #tpu.memory_space<vmem_shared>>
      tpu.enqueue_indirect_dma source(%arg13 : memref<80x128xf32, #tpu.memory_space<vmem>>) target(%dma_start3A_172 : memref<10000x128xf32, #tpu.memory_space<vmem_shared>>) offsets(%arg11 : memref<80xi32, #tpu.memory_space<vmem>>) semaphore(%arg21 : memref<!tpu.dma_semaphore, #tpu.memory_space<semaphore_mem>>) {add = true}
      %add3A_173 = arith.constant 2 : i32
      %add3A_174 = arith.addi %add3A_152, %add3A_173 : i32
      %lt3A_175 = arith.constant 125 : i32
      %lt3A_176 = arith.cmpi slt, %add3A_174, %lt3A_175 : i32
      %convert_element_type3A_177 = arith.extui %lt3A_176 : i1 to i32
      %cond3A_178 = arith.constant 0 : i32
      %cond3A_179 = arith.cmpi ne, %convert_element_type3A_177, %cond3A_178 : i32
      scf.if %cond3A_179 {
        %add3A_181 = arith.constant 2 : i32
        %add3A_182 = arith.addi %add3A_152, %add3A_181 : i32
        %mul3A_183 = arith.constant 10000 : i32
        %mul3A_184 = arith.muli %add3A, %mul3A_183 : i32
        %mul3A_185 = arith.constant 80 : i32
        %mul3A_186 = arith.muli %add3A_182, %mul3A_185 : i32
        %add3A_187 = arith.addi %mul3A_184, %mul3A_186 : i32
        %dma_start3A_188 = tpu.memref_slice %arg2[%add3A_187] : memref<320000xi32, #tpu.memory_space<hbm>> -> memref<80xi32, #tpu.memory_space<hbm>>
        %dma_start3A_189 = tpu.memref_slice %arg2[%add3A_187] : memref<320000xi32, #tpu.memory_space<hbm>> -> memref<80xi32, #tpu.memory_space<hbm>>
        tpu.enqueue_dma source(%dma_start3A_189 : memref<80xi32, #tpu.memory_space<hbm>>) target(%arg9 : memref<80xi32, #tpu.memory_space<vmem>>) target_semaphore(%arg17 : memref<!tpu.dma_semaphore, #tpu.memory_space<semaphore_mem>>)
        %dma_start3A_190 = tpu.memref_slice %arg3[%add3A_187] : memref<320000xi32, #tpu.memory_space<hbm>> -> memref<80xi32, #tpu.memory_space<hbm>>
        %dma_start3A_191 = tpu.memref_slice %arg3[%add3A_187] : memref<320000xi32, #tpu.memory_space<hbm>> -> memref<80xi32, #tpu.memory_space<hbm>>
        tpu.enqueue_dma source(%dma_start3A_191 : memref<80xi32, #tpu.memory_space<hbm>>) target(%arg11 : memref<80xi32, #tpu.memory_space<vmem>>) target_semaphore(%arg17 : memref<!tpu.dma_semaphore, #tpu.memory_space<semaphore_mem>>)
        %dma_start3A_192 = arith.constant 0 : i32
        %dma_start3A_193 = tpu.memref_slice %arg5[%add3A_187, %dma_start3A_192] : memref<320000x128xf32, #tpu.memory_space<hbm>> -> memref<80x128xf32, #tpu.memory_space<hbm>>
        %dma_start3A_194 = arith.constant 0 : i32
        %dma_start3A_195 = tpu.memref_slice %arg5[%add3A_187, %dma_start3A_194] : memref<320000x128xf32, #tpu.memory_space<hbm>> -> memref<80x128xf32, #tpu.memory_space<hbm>>
        tpu.enqueue_dma source(%dma_start3A_195 : memref<80x128xf32, #tpu.memory_space<hbm>>) target(%arg15 : memref<80x128xf32, #tpu.memory_space<vmem>>) target_semaphore(%arg17 : memref<!tpu.dma_semaphore, #tpu.memory_space<semaphore_mem>>)
      } else {
      }
      %scan3A_180 = arith.constant 0 : i32
      scf.yield %scan3A_180 : i32
    }
    %scan3A_87 = arith.constant 62 : i32
    %dma_wait3A_88 = arith.constant 0 : i32
    %dma_wait3A_89 = arith.constant 0 : i32
    %dma_wait3A_90 = tpu.memref_slice %arg4[%dma_wait3A_88, %dma_wait3A_89] : memref<10000x128xf32, #tpu.memory_space<hbm>> -> memref<10000x128xf32, #tpu.memory_space<hbm>>
    tpu.wait_indirect_dma semaphore(%arg18 : memref<!tpu.dma_semaphore, #tpu.memory_space<semaphore_mem>>) src(%dma_wait3A_90 : memref<10000x128xf32, #tpu.memory_space<hbm>>) dst(%arg12 : memref<80x128xf32, #tpu.memory_space<vmem>>)
    %scan3A_91 = arith.constant 0 : i32
    %scan3A_92 = arith.constant 0 : i32
    %scan3A_93 = arith.constant 40 : i32
    %scan3A_94 = arith.addi %scan3A_92, %scan3A_93 : i32
    %scan3A_95 = arith.constant 1 : i32
    %scan3A_96 = scf.for %scan3A_117 = %scan3A_92 to %scan3A_94 step %scan3A_95 iter_args(%scan3A_118 = %scan3A_91) -> (i32)  : i32 {
      %mul3A_119 = arith.constant 2 : i32
      %mul3A_120 = arith.muli %scan3A_117, %mul3A_119 : i32
      %add3A_121 = arith.constant 0 : i32
      %add3A_122 = arith.addi %mul3A_120, %add3A_121 : i32
      %get3A = arith.index_cast %add3A_122 : i32 to index
      %get3A_123 = arith.constant 0 : index
      %get3A_124 = tpu.vector_load %arg12[%get3A, %get3A_123] {strides = array<i32>} : memref<80x128xf32, #tpu.memory_space<vmem>>, vector<16xf32>,
      %mul3A_125 = arith.constant 2 : i32
      %mul3A_126 = arith.muli %scan3A_117, %mul3A_125 : i32
      %add3A_127 = arith.constant 0 : i32
      %add3A_128 = arith.addi %mul3A_126, %add3A_127 : i32
      %get3A_129 = arith.index_cast %add3A_128 : i32 to index
      %get3A_130 = arith.constant 0 : index
      %get3A_131 = tpu.vector_load %arg14[%get3A_129, %get3A_130] {strides = array<i32>} : memref<80x128xf32, #tpu.memory_space<vmem>>, vector<16xf32>,
      %mul3A_132 = arith.mulf %get3A_124, %get3A_131 : vector<16xf32>
      %mul3A_133 = arith.constant 2 : i32
      %mul3A_134 = arith.muli %scan3A_117, %mul3A_133 : i32
      %add3A_135 = arith.constant 0 : i32
      %add3A_136 = arith.addi %mul3A_134, %add3A_135 : i32
      %swap3A = arith.index_cast %add3A_136 : i32 to index
      %swap3A_137 = arith.constant 0 : index
      %swap3A_138 = tpu.vector_load %arg12[%swap3A, %swap3A_137] {strides = array<i32>} : memref<80x128xf32, #tpu.memory_space<vmem>>, vector<16xf32>,
      tpu.vector_store %arg12[%swap3A, %swap3A_137], %mul3A_132 {strides = array<i32>} : memref<80x128xf32, #tpu.memory_space<vmem>>, vector<16xf32>,
      %mul3A_139 = arith.constant 2 : i32
      %mul3A_140 = arith.muli %scan3A_117, %mul3A_139 : i32
      %add3A_141 = arith.constant 0 : i32
      %add3A_142 = arith.addi %mul3A_140, %add3A_141 : i32
      %get3A_143 = arith.index_cast %add3A_142 : i32 to index
      %get3A_144 = arith.constant 16 : index
      %get3A_145 = tpu.vector_load %arg12[%get3A_143, %get3A_144] {strides = array<i32>} : memref<80x128xf32, #tpu.memory_space<vmem>>, vector<16xf32>,
      %mul3A_146 = arith.constant 2 : i32
      %mul3A_147 = arith.muli %scan3A_117, %mul3A_146 : i32
      %add3A_148 = arith.constant 0 : i32
      %add3A_149 = arith.addi %mul3A_147, %add3A_148 : i32
      %get3A_150 = arith.index_cast %add3A_149 : i32 to index
      %get3A_151 = arith.constant 16 : index
      %get3A_152 = tpu.vector_load %arg14[%get3A_150, %get3A_151] {strides = array<i32>} : memref<80x128xf32, #tpu.memory_space<vmem>>, vector<16xf32>,
      %mul3A_153 = arith.mulf %get3A_145, %get3A_152 : vector<16xf32>
      %mul3A_154 = arith.constant 2 : i32
      %mul3A_155 = arith.muli %scan3A_117, %mul3A_154 : i32
      %add3A_156 = arith.constant 0 : i32
      %add3A_157 = arith.addi %mul3A_155, %add3A_156 : i32
      %swap3A_158 = arith.index_cast %add3A_157 : i32 to index
      %swap3A_159 = arith.constant 16 : index
      %swap3A_160 = tpu.vector_load %arg12[%swap3A_158, %swap3A_159] {strides = array<i32>} : memref<80x128xf32, #tpu.memory_space<vmem>>, vector<16xf32>,
      tpu.vector_store %arg12[%swap3A_158, %swap3A_159], %mul3A_153 {strides = array<i32>} : memref<80x128xf32, #tpu.memory_space<vmem>>, vector<16xf32>,
      %mul3A_161 = arith.constant 2 : i32
      %mul3A_162 = arith.muli %scan3A_117, %mul3A_161 : i32
      %add3A_163 = arith.constant 0 : i32
      %add3A_164 = arith.addi %mul3A_162, %add3A_163 : i32
      %get3A_165 = arith.index_cast %add3A_164 : i32 to index
      %get3A_166 = arith.constant 32 : index
      %get3A_167 = tpu.vector_load %arg12[%get3A_165, %get3A_166] {strides = array<i32>} : memref<80x128xf32, #tpu.memory_space<vmem>>, vector<16xf32>,
      %mul3A_168 = arith.constant 2 : i32
      %mul3A_169 = arith.muli %scan3A_117, %mul3A_168 : i32
      %add3A_170 = arith.constant 0 : i32
      %add3A_171 = arith.addi %mul3A_169, %add3A_170 : i32
      %get3A_172 = arith.index_cast %add3A_171 : i32 to index
      %get3A_173 = arith.constant 32 : index
      %get3A_174 = tpu.vector_load %arg14[%get3A_172, %get3A_173] {strides = array<i32>} : memref<80x128xf32, #tpu.memory_space<vmem>>, vector<16xf32>,
      %mul3A_175 = arith.mulf %get3A_167, %get3A_174 : vector<16xf32>
      %mul3A_176 = arith.constant 2 : i32
      %mul3A_177 = arith.muli %scan3A_117, %mul3A_176 : i32
      %add3A_178 = arith.constant 0 : i32
      %add3A_179 = arith.addi %mul3A_177, %add3A_178 : i32
      %swap3A_180 = arith.index_cast %add3A_179 : i32 to index
      %swap3A_181 = arith.constant 32 : index
      %swap3A_182 = tpu.vector_load %arg12[%swap3A_180, %swap3A_181] {strides = array<i32>} : memref<80x128xf32, #tpu.memory_space<vmem>>, vector<16xf32>,
      tpu.vector_store %arg12[%swap3A_180, %swap3A_181], %mul3A_175 {strides = array<i32>} : memref<80x128xf32, #tpu.memory_space<vmem>>, vector<16xf32>,
      %mul3A_183 = arith.constant 2 : i32
      %mul3A_184 = arith.muli %scan3A_117, %mul3A_183 : i32
      %add3A_185 = arith.constant 0 : i32
      %add3A_186 = arith.addi %mul3A_184, %add3A_185 : i32
      %get3A_187 = arith.index_cast %add3A_186 : i32 to index
      %get3A_188 = arith.constant 48 : index
      %get3A_189 = tpu.vector_load %arg12[%get3A_187, %get3A_188] {strides = array<i32>} : memref<80x128xf32, #tpu.memory_space<vmem>>, vector<16xf32>,
      %mul3A_190 = arith.constant 2 : i32
      %mul3A_191 = arith.muli %scan3A_117, %mul3A_190 : i32
      %add3A_192 = arith.constant 0 : i32
      %add3A_193 = arith.addi %mul3A_191, %add3A_192 : i32
      %get3A_194 = arith.index_cast %add3A_193 : i32 to index
      %get3A_195 = arith.constant 48 : index
      %get3A_196 = tpu.vector_load %arg14[%get3A_194, %get3A_195] {strides = array<i32>} : memref<80x128xf32, #tpu.memory_space<vmem>>, vector<16xf32>,
      %mul3A_197 = arith.mulf %get3A_189, %get3A_196 : vector<16xf32>
      %mul3A_198 = arith.constant 2 : i32
      %mul3A_199 = arith.muli %scan3A_117, %mul3A_198 : i32
      %add3A_200 = arith.constant 0 : i32
      %add3A_201 = arith.addi %mul3A_199, %add3A_200 : i32
      %swap3A_202 = arith.index_cast %add3A_201 : i32 to index
      %swap3A_203 = arith.constant 48 : index
      %swap3A_204 = tpu.vector_load %arg12[%swap3A_202, %swap3A_203] {strides = array<i32>} : memref<80x128xf32, #tpu.memory_space<vmem>>, vector<16xf32>,
      tpu.vector_store %arg12[%swap3A_202, %swap3A_203], %mul3A_197 {strides = array<i32>} : memref<80x128xf32, #tpu.memory_space<vmem>>, vector<16xf32>,
      %mul3A_205 = arith.constant 2 : i32
      %mul3A_206 = arith.muli %scan3A_117, %mul3A_205 : i32
      %add3A_207 = arith.constant 0 : i32
      %add3A_208 = arith.addi %mul3A_206, %add3A_207 : i32
      %get3A_209 = arith.index_cast %add3A_208 : i32 to index
      %get3A_210 = arith.constant 64 : index
      %get3A_211 = tpu.vector_load %arg12[%get3A_209, %get3A_210] {strides = array<i32>} : memref<80x128xf32, #tpu.memory_space<vmem>>, vector<16xf32>,
      %mul3A_212 = arith.constant 2 : i32
      %mul3A_213 = arith.muli %scan3A_117, %mul3A_212 : i32
      %add3A_214 = arith.constant 0 : i32
      %add3A_215 = arith.addi %mul3A_213, %add3A_214 : i32
      %get3A_216 = arith.index_cast %add3A_215 : i32 to index
      %get3A_217 = arith.constant 64 : index
      %get3A_218 = tpu.vector_load %arg14[%get3A_216, %get3A_217] {strides = array<i32>} : memref<80x128xf32, #tpu.memory_space<vmem>>, vector<16xf32>,
      %mul3A_219 = arith.mulf %get3A_211, %get3A_218 : vector<16xf32>
      %mul3A_220 = arith.constant 2 : i32
      %mul3A_221 = arith.muli %scan3A_117, %mul3A_220 : i32
      %add3A_222 = arith.constant 0 : i32
      %add3A_223 = arith.addi %mul3A_221, %add3A_222 : i32
      %swap3A_224 = arith.index_cast %add3A_223 : i32 to index
      %swap3A_225 = arith.constant 64 : index
      %swap3A_226 = tpu.vector_load %arg12[%swap3A_224, %swap3A_225] {strides = array<i32>} : memref<80x128xf32, #tpu.memory_space<vmem>>, vector<16xf32>,
      tpu.vector_store %arg12[%swap3A_224, %swap3A_225], %mul3A_219 {strides = array<i32>} : memref<80x128xf32, #tpu.memory_space<vmem>>, vector<16xf32>,
      %mul3A_227 = arith.constant 2 : i32
      %mul3A_228 = arith.muli %scan3A_117, %mul3A_227 : i32
      %add3A_229 = arith.constant 0 : i32
      %add3A_230 = arith.addi %mul3A_228, %add3A_229 : i32
      %get3A_231 = arith.index_cast %add3A_230 : i32 to index
      %get3A_232 = arith.constant 80 : index
      %get3A_233 = tpu.vector_load %arg12[%get3A_231, %get3A_232] {strides = array<i32>} : memref<80x128xf32, #tpu.memory_space<vmem>>, vector<16xf32>,
      %mul3A_234 = arith.constant 2 : i32
      %mul3A_235 = arith.muli %scan3A_117, %mul3A_234 : i32
      %add3A_236 = arith.constant 0 : i32
      %add3A_237 = arith.addi %mul3A_235, %add3A_236 : i32
      %get3A_238 = arith.index_cast %add3A_237 : i32 to index
      %get3A_239 = arith.constant 80 : index
      %get3A_240 = tpu.vector_load %arg14[%get3A_238, %get3A_239] {strides = array<i32>} : memref<80x128xf32, #tpu.memory_space<vmem>>, vector<16xf32>,
      %mul3A_241 = arith.mulf %get3A_233, %get3A_240 : vector<16xf32>
      %mul3A_242 = arith.constant 2 : i32
      %mul3A_243 = arith.muli %scan3A_117, %mul3A_242 : i32
      %add3A_244 = arith.constant 0 : i32
      %add3A_245 = arith.addi %mul3A_243, %add3A_244 : i32
      %swap3A_246 = arith.index_cast %add3A_245 : i32 to index
      %swap3A_247 = arith.constant 80 : index
      %swap3A_248 = tpu.vector_load %arg12[%swap3A_246, %swap3A_247] {strides = array<i32>} : memref<80x128xf32, #tpu.memory_space<vmem>>, vector<16xf32>,
      tpu.vector_store %arg12[%swap3A_246, %swap3A_247], %mul3A_241 {strides = array<i32>} : memref<80x128xf32, #tpu.memory_space<vmem>>, vector<16xf32>,
      %mul3A_249 = arith.constant 2 : i32
      %mul3A_250 = arith.muli %scan3A_117, %mul3A_249 : i32
      %add3A_251 = arith.constant 0 : i32
      %add3A_252 = arith.addi %mul3A_250, %add3A_251 : i32
      %get3A_253 = arith.index_cast %add3A_252 : i32 to index
      %get3A_254 = arith.constant 96 : index
      %get3A_255 = tpu.vector_load %arg12[%get3A_253, %get3A_254] {strides = array<i32>} : memref<80x128xf32, #tpu.memory_space<vmem>>, vector<16xf32>,
      %mul3A_256 = arith.constant 2 : i32
      %mul3A_257 = arith.muli %scan3A_117, %mul3A_256 : i32
      %add3A_258 = arith.constant 0 : i32
      %add3A_259 = arith.addi %mul3A_257, %add3A_258 : i32
      %get3A_260 = arith.index_cast %add3A_259 : i32 to index
      %get3A_261 = arith.constant 96 : index
      %get3A_262 = tpu.vector_load %arg14[%get3A_260, %get3A_261] {strides = array<i32>} : memref<80x128xf32, #tpu.memory_space<vmem>>, vector<16xf32>,
      %mul3A_263 = arith.mulf %get3A_255, %get3A_262 : vector<16xf32>
      %mul3A_264 = arith.constant 2 : i32
      %mul3A_265 = arith.muli %scan3A_117, %mul3A_264 : i32
      %add3A_266 = arith.constant 0 : i32
      %add3A_267 = arith.addi %mul3A_265, %add3A_266 : i32
      %swap3A_268 = arith.index_cast %add3A_267 : i32 to index
      %swap3A_269 = arith.constant 96 : index
      %swap3A_270 = tpu.vector_load %arg12[%swap3A_268, %swap3A_269] {strides = array<i32>} : memref<80x128xf32, #tpu.memory_space<vmem>>, vector<16xf32>,
      tpu.vector_store %arg12[%swap3A_268, %swap3A_269], %mul3A_263 {strides = array<i32>} : memref<80x128xf32, #tpu.memory_space<vmem>>, vector<16xf32>,
      %mul3A_271 = arith.constant 2 : i32
      %mul3A_272 = arith.muli %scan3A_117, %mul3A_271 : i32
      %add3A_273 = arith.constant 0 : i32
      %add3A_274 = arith.addi %mul3A_272, %add3A_273 : i32
      %get3A_275 = arith.index_cast %add3A_274 : i32 to index
      %get3A_276 = arith.constant 112 : index
      %get3A_277 = tpu.vector_load %arg12[%get3A_275, %get3A_276] {strides = array<i32>} : memref<80x128xf32, #tpu.memory_space<vmem>>, vector<16xf32>,
      %mul3A_278 = arith.constant 2 : i32
      %mul3A_279 = arith.muli %scan3A_117, %mul3A_278 : i32
      %add3A_280 = arith.constant 0 : i32
      %add3A_281 = arith.addi %mul3A_279, %add3A_280 : i32
      %get3A_282 = arith.index_cast %add3A_281 : i32 to index
      %get3A_283 = arith.constant 112 : index
      %get3A_284 = tpu.vector_load %arg14[%get3A_282, %get3A_283] {strides = array<i32>} : memref<80x128xf32, #tpu.memory_space<vmem>>, vector<16xf32>,
      %mul3A_285 = arith.mulf %get3A_277, %get3A_284 : vector<16xf32>
      %mul3A_286 = arith.constant 2 : i32
      %mul3A_287 = arith.muli %scan3A_117, %mul3A_286 : i32
      %add3A_288 = arith.constant 0 : i32
      %add3A_289 = arith.addi %mul3A_287, %add3A_288 : i32
      %swap3A_290 = arith.index_cast %add3A_289 : i32 to index
      %swap3A_291 = arith.constant 112 : index
      %swap3A_292 = tpu.vector_load %arg12[%swap3A_290, %swap3A_291] {strides = array<i32>} : memref<80x128xf32, #tpu.memory_space<vmem>>, vector<16xf32>,
      tpu.vector_store %arg12[%swap3A_290, %swap3A_291], %mul3A_285 {strides = array<i32>} : memref<80x128xf32, #tpu.memory_space<vmem>>, vector<16xf32>,
      %mul3A_293 = arith.constant 2 : i32
      %mul3A_294 = arith.muli %scan3A_117, %mul3A_293 : i32
      %add3A_295 = arith.constant 1 : i32
      %add3A_296 = arith.addi %mul3A_294, %add3A_295 : i32
      %get3A_297 = arith.index_cast %add3A_296 : i32 to index
      %get3A_298 = arith.constant 0 : index
      %get3A_299 = tpu.vector_load %arg12[%get3A_297, %get3A_298] {strides = array<i32>} : memref<80x128xf32, #tpu.memory_space<vmem>>, vector<16xf32>,
      %mul3A_300 = arith.constant 2 : i32
      %mul3A_301 = arith.muli %scan3A_117, %mul3A_300 : i32
      %add3A_302 = arith.constant 1 : i32
      %add3A_303 = arith.addi %mul3A_301, %add3A_302 : i32
      %get3A_304 = arith.index_cast %add3A_303 : i32 to index
      %get3A_305 = arith.constant 0 : index
      %get3A_306 = tpu.vector_load %arg14[%get3A_304, %get3A_305] {strides = array<i32>} : memref<80x128xf32, #tpu.memory_space<vmem>>, vector<16xf32>,
      %mul3A_307 = arith.mulf %get3A_299, %get3A_306 : vector<16xf32>
      %mul3A_308 = arith.constant 2 : i32
      %mul3A_309 = arith.muli %scan3A_117, %mul3A_308 : i32
      %add3A_310 = arith.constant 1 : i32
      %add3A_311 = arith.addi %mul3A_309, %add3A_310 : i32
      %swap3A_312 = arith.index_cast %add3A_311 : i32 to index
      %swap3A_313 = arith.constant 0 : index
      %swap3A_314 = tpu.vector_load %arg12[%swap3A_312, %swap3A_313] {strides = array<i32>} : memref<80x128xf32, #tpu.memory_space<vmem>>, vector<16xf32>,
      tpu.vector_store %arg12[%swap3A_312, %swap3A_313], %mul3A_307 {strides = array<i32>} : memref<80x128xf32, #tpu.memory_space<vmem>>, vector<16xf32>,
      %mul3A_315 = arith.constant 2 : i32
      %mul3A_316 = arith.muli %scan3A_117, %mul3A_315 : i32
      %add3A_317 = arith.constant 1 : i32
      %add3A_318 = arith.addi %mul3A_316, %add3A_317 : i32
      %get3A_319 = arith.index_cast %add3A_318 : i32 to index
      %get3A_320 = arith.constant 16 : index
      %get3A_321 = tpu.vector_load %arg12[%get3A_319, %get3A_320] {strides = array<i32>} : memref<80x128xf32, #tpu.memory_space<vmem>>, vector<16xf32>,
      %mul3A_322 = arith.constant 2 : i32
      %mul3A_323 = arith.muli %scan3A_117, %mul3A_322 : i32
      %add3A_324 = arith.constant 1 : i32
      %add3A_325 = arith.addi %mul3A_323, %add3A_324 : i32
      %get3A_326 = arith.index_cast %add3A_325 : i32 to index
      %get3A_327 = arith.constant 16 : index
      %get3A_328 = tpu.vector_load %arg14[%get3A_326, %get3A_327] {strides = array<i32>} : memref<80x128xf32, #tpu.memory_space<vmem>>, vector<16xf32>,
      %mul3A_329 = arith.mulf %get3A_321, %get3A_328 : vector<16xf32>
      %mul3A_330 = arith.constant 2 : i32
      %mul3A_331 = arith.muli %scan3A_117, %mul3A_330 : i32
      %add3A_332 = arith.constant 1 : i32
      %add3A_333 = arith.addi %mul3A_331, %add3A_332 : i32
      %swap3A_334 = arith.index_cast %add3A_333 : i32 to index
      %swap3A_335 = arith.constant 16 : index
      %swap3A_336 = tpu.vector_load %arg12[%swap3A_334, %swap3A_335] {strides = array<i32>} : memref<80x128xf32, #tpu.memory_space<vmem>>, vector<16xf32>,
      tpu.vector_store %arg12[%swap3A_334, %swap3A_335], %mul3A_329 {strides = array<i32>} : memref<80x128xf32, #tpu.memory_space<vmem>>, vector<16xf32>,
      %mul3A_337 = arith.constant 2 : i32
      %mul3A_338 = arith.muli %scan3A_117, %mul3A_337 : i32
      %add3A_339 = arith.constant 1 : i32
      %add3A_340 = arith.addi %mul3A_338, %add3A_339 : i32
      %get3A_341 = arith.index_cast %add3A_340 : i32 to index
      %get3A_342 = arith.constant 32 : index
      %get3A_343 = tpu.vector_load %arg12[%get3A_341, %get3A_342] {strides = array<i32>} : memref<80x128xf32, #tpu.memory_space<vmem>>, vector<16xf32>,
      %mul3A_344 = arith.constant 2 : i32
      %mul3A_345 = arith.muli %scan3A_117, %mul3A_344 : i32
      %add3A_346 = arith.constant 1 : i32
      %add3A_347 = arith.addi %mul3A_345, %add3A_346 : i32
      %get3A_348 = arith.index_cast %add3A_347 : i32 to index
      %get3A_349 = arith.constant 32 : index
      %get3A_350 = tpu.vector_load %arg14[%get3A_348, %get3A_349] {strides = array<i32>} : memref<80x128xf32, #tpu.memory_space<vmem>>, vector<16xf32>,
      %mul3A_351 = arith.mulf %get3A_343, %get3A_350 : vector<16xf32>
      %mul3A_352 = arith.constant 2 : i32
      %mul3A_353 = arith.muli %scan3A_117, %mul3A_352 : i32
      %add3A_354 = arith.constant 1 : i32
      %add3A_355 = arith.addi %mul3A_353, %add3A_354 : i32
      %swap3A_356 = arith.index_cast %add3A_355 : i32 to index
      %swap3A_357 = arith.constant 32 : index
      %swap3A_358 = tpu.vector_load %arg12[%swap3A_356, %swap3A_357] {strides = array<i32>} : memref<80x128xf32, #tpu.memory_space<vmem>>, vector<16xf32>,
      tpu.vector_store %arg12[%swap3A_356, %swap3A_357], %mul3A_351 {strides = array<i32>} : memref<80x128xf32, #tpu.memory_space<vmem>>, vector<16xf32>,
      %mul3A_359 = arith.constant 2 : i32
      %mul3A_360 = arith.muli %scan3A_117, %mul3A_359 : i32
      %add3A_361 = arith.constant 1 : i32
      %add3A_362 = arith.addi %mul3A_360, %add3A_361 : i32
      %get3A_363 = arith.index_cast %add3A_362 : i32 to index
      %get3A_364 = arith.constant 48 : index
      %get3A_365 = tpu.vector_load %arg12[%get3A_363, %get3A_364] {strides = array<i32>} : memref<80x128xf32, #tpu.memory_space<vmem>>, vector<16xf32>,
      %mul3A_366 = arith.constant 2 : i32
      %mul3A_367 = arith.muli %scan3A_117, %mul3A_366 : i32
      %add3A_368 = arith.constant 1 : i32
      %add3A_369 = arith.addi %mul3A_367, %add3A_368 : i32
      %get3A_370 = arith.index_cast %add3A_369 : i32 to index
      %get3A_371 = arith.constant 48 : index
      %get3A_372 = tpu.vector_load %arg14[%get3A_370, %get3A_371] {strides = array<i32>} : memref<80x128xf32, #tpu.memory_space<vmem>>, vector<16xf32>,
      %mul3A_373 = arith.mulf %get3A_365, %get3A_372 : vector<16xf32>
      %mul3A_374 = arith.constant 2 : i32
      %mul3A_375 = arith.muli %scan3A_117, %mul3A_374 : i32
      %add3A_376 = arith.constant 1 : i32
      %add3A_377 = arith.addi %mul3A_375, %add3A_376 : i32
      %swap3A_378 = arith.index_cast %add3A_377 : i32 to index
      %swap3A_379 = arith.constant 48 : index
      %swap3A_380 = tpu.vector_load %arg12[%swap3A_378, %swap3A_379] {strides = array<i32>} : memref<80x128xf32, #tpu.memory_space<vmem>>, vector<16xf32>,
      tpu.vector_store %arg12[%swap3A_378, %swap3A_379], %mul3A_373 {strides = array<i32>} : memref<80x128xf32, #tpu.memory_space<vmem>>, vector<16xf32>,
      %mul3A_381 = arith.constant 2 : i32
      %mul3A_382 = arith.muli %scan3A_117, %mul3A_381 : i32
      %add3A_383 = arith.constant 1 : i32
      %add3A_384 = arith.addi %mul3A_382, %add3A_383 : i32
      %get3A_385 = arith.index_cast %add3A_384 : i32 to index
      %get3A_386 = arith.constant 64 : index
      %get3A_387 = tpu.vector_load %arg12[%get3A_385, %get3A_386] {strides = array<i32>} : memref<80x128xf32, #tpu.memory_space<vmem>>, vector<16xf32>,
      %mul3A_388 = arith.constant 2 : i32
      %mul3A_389 = arith.muli %scan3A_117, %mul3A_388 : i32
      %add3A_390 = arith.constant 1 : i32
      %add3A_391 = arith.addi %mul3A_389, %add3A_390 : i32
      %get3A_392 = arith.index_cast %add3A_391 : i32 to index
      %get3A_393 = arith.constant 64 : index
      %get3A_394 = tpu.vector_load %arg14[%get3A_392, %get3A_393] {strides = array<i32>} : memref<80x128xf32, #tpu.memory_space<vmem>>, vector<16xf32>,
      %mul3A_395 = arith.mulf %get3A_387, %get3A_394 : vector<16xf32>
      %mul3A_396 = arith.constant 2 : i32
      %mul3A_397 = arith.muli %scan3A_117, %mul3A_396 : i32
      %add3A_398 = arith.constant 1 : i32
      %add3A_399 = arith.addi %mul3A_397, %add3A_398 : i32
      %swap3A_400 = arith.index_cast %add3A_399 : i32 to index
      %swap3A_401 = arith.constant 64 : index
      %swap3A_402 = tpu.vector_load %arg12[%swap3A_400, %swap3A_401] {strides = array<i32>} : memref<80x128xf32, #tpu.memory_space<vmem>>, vector<16xf32>,
      tpu.vector_store %arg12[%swap3A_400, %swap3A_401], %mul3A_395 {strides = array<i32>} : memref<80x128xf32, #tpu.memory_space<vmem>>, vector<16xf32>,
      %mul3A_403 = arith.constant 2 : i32
      %mul3A_404 = arith.muli %scan3A_117, %mul3A_403 : i32
      %add3A_405 = arith.constant 1 : i32
      %add3A_406 = arith.addi %mul3A_404, %add3A_405 : i32
      %get3A_407 = arith.index_cast %add3A_406 : i32 to index
      %get3A_408 = arith.constant 80 : index
      %get3A_409 = tpu.vector_load %arg12[%get3A_407, %get3A_408] {strides = array<i32>} : memref<80x128xf32, #tpu.memory_space<vmem>>, vector<16xf32>,
      %mul3A_410 = arith.constant 2 : i32
      %mul3A_411 = arith.muli %scan3A_117, %mul3A_410 : i32
      %add3A_412 = arith.constant 1 : i32
      %add3A_413 = arith.addi %mul3A_411, %add3A_412 : i32
      %get3A_414 = arith.index_cast %add3A_413 : i32 to index
      %get3A_415 = arith.constant 80 : index
      %get3A_416 = tpu.vector_load %arg14[%get3A_414, %get3A_415] {strides = array<i32>} : memref<80x128xf32, #tpu.memory_space<vmem>>, vector<16xf32>,
      %mul3A_417 = arith.mulf %get3A_409, %get3A_416 : vector<16xf32>
      %mul3A_418 = arith.constant 2 : i32
      %mul3A_419 = arith.muli %scan3A_117, %mul3A_418 : i32
      %add3A_420 = arith.constant 1 : i32
      %add3A_421 = arith.addi %mul3A_419, %add3A_420 : i32
      %swap3A_422 = arith.index_cast %add3A_421 : i32 to index
      %swap3A_423 = arith.constant 80 : index
      %swap3A_424 = tpu.vector_load %arg12[%swap3A_422, %swap3A_423] {strides = array<i32>} : memref<80x128xf32, #tpu.memory_space<vmem>>, vector<16xf32>,
      tpu.vector_store %arg12[%swap3A_422, %swap3A_423], %mul3A_417 {strides = array<i32>} : memref<80x128xf32, #tpu.memory_space<vmem>>, vector<16xf32>,
      %mul3A_425 = arith.constant 2 : i32
      %mul3A_426 = arith.muli %scan3A_117, %mul3A_425 : i32
      %add3A_427 = arith.constant 1 : i32
      %add3A_428 = arith.addi %mul3A_426, %add3A_427 : i32
      %get3A_429 = arith.index_cast %add3A_428 : i32 to index
      %get3A_430 = arith.constant 96 : index
      %get3A_431 = tpu.vector_load %arg12[%get3A_429, %get3A_430] {strides = array<i32>} : memref<80x128xf32, #tpu.memory_space<vmem>>, vector<16xf32>,
      %mul3A_432 = arith.constant 2 : i32
      %mul3A_433 = arith.muli %scan3A_117, %mul3A_432 : i32
      %add3A_434 = arith.constant 1 : i32
      %add3A_435 = arith.addi %mul3A_433, %add3A_434 : i32
      %get3A_436 = arith.index_cast %add3A_435 : i32 to index
      %get3A_437 = arith.constant 96 : index
      %get3A_438 = tpu.vector_load %arg14[%get3A_436, %get3A_437] {strides = array<i32>} : memref<80x128xf32, #tpu.memory_space<vmem>>, vector<16xf32>,
      %mul3A_439 = arith.mulf %get3A_431, %get3A_438 : vector<16xf32>
      %mul3A_440 = arith.constant 2 : i32
      %mul3A_441 = arith.muli %scan3A_117, %mul3A_440 : i32
      %add3A_442 = arith.constant 1 : i32
      %add3A_443 = arith.addi %mul3A_441, %add3A_442 : i32
      %swap3A_444 = arith.index_cast %add3A_443 : i32 to index
      %swap3A_445 = arith.constant 96 : index
      %swap3A_446 = tpu.vector_load %arg12[%swap3A_444, %swap3A_445] {strides = array<i32>} : memref<80x128xf32, #tpu.memory_space<vmem>>, vector<16xf32>,
      tpu.vector_store %arg12[%swap3A_444, %swap3A_445], %mul3A_439 {strides = array<i32>} : memref<80x128xf32, #tpu.memory_space<vmem>>, vector<16xf32>,
      %mul3A_447 = arith.constant 2 : i32
      %mul3A_448 = arith.muli %scan3A_117, %mul3A_447 : i32
      %add3A_449 = arith.constant 1 : i32
      %add3A_450 = arith.addi %mul3A_448, %add3A_449 : i32
      %get3A_451 = arith.index_cast %add3A_450 : i32 to index
      %get3A_452 = arith.constant 112 : index
      %get3A_453 = tpu.vector_load %arg12[%get3A_451, %get3A_452] {strides = array<i32>} : memref<80x128xf32, #tpu.memory_space<vmem>>, vector<16xf32>,
      %mul3A_454 = arith.constant 2 : i32
      %mul3A_455 = arith.muli %scan3A_117, %mul3A_454 : i32
      %add3A_456 = arith.constant 1 : i32
      %add3A_457 = arith.addi %mul3A_455, %add3A_456 : i32
      %get3A_458 = arith.index_cast %add3A_457 : i32 to index
      %get3A_459 = arith.constant 112 : index
      %get3A_460 = tpu.vector_load %arg14[%get3A_458, %get3A_459] {strides = array<i32>} : memref<80x128xf32, #tpu.memory_space<vmem>>, vector<16xf32>,
      %mul3A_461 = arith.mulf %get3A_453, %get3A_460 : vector<16xf32>
      %mul3A_462 = arith.constant 2 : i32
      %mul3A_463 = arith.muli %scan3A_117, %mul3A_462 : i32
      %add3A_464 = arith.constant 1 : i32
      %add3A_465 = arith.addi %mul3A_463, %add3A_464 : i32
      %swap3A_466 = arith.index_cast %add3A_465 : i32 to index
      %swap3A_467 = arith.constant 112 : index
      %swap3A_468 = tpu.vector_load %arg12[%swap3A_466, %swap3A_467] {strides = array<i32>} : memref<80x128xf32, #tpu.memory_space<vmem>>, vector<16xf32>,
      tpu.vector_store %arg12[%swap3A_466, %swap3A_467], %mul3A_461 {strides = array<i32>} : memref<80x128xf32, #tpu.memory_space<vmem>>, vector<16xf32>,
      %scan3A_469 = arith.constant 0 : i32
      scf.yield %scan3A_469 : i32
    }
    %scan3A_97 = arith.constant 40 : i32
    %dma_start3A_98 = arith.constant 0 : i32
    %dma_start3A_99 = arith.constant 0 : i32
    %dma_start3A_100 = tpu.memref_slice %arg7[%dma_start3A_98, %dma_start3A_99] : memref<10000x128xf32, #tpu.memory_space<vmem_shared>> -> memref<10000x128xf32, #tpu.memory_space<vmem_shared>>
    tpu.enqueue_indirect_dma source(%arg12 : memref<80x128xf32, #tpu.memory_space<vmem>>) target(%dma_start3A_100 : memref<10000x128xf32, #tpu.memory_space<vmem_shared>>) offsets(%arg10 : memref<80xi32, #tpu.memory_space<vmem>>) semaphore(%arg20 : memref<!tpu.dma_semaphore, #tpu.memory_space<semaphore_mem>>) {add = true}
    %dma_wait3A_101 = arith.constant 0 : i32
    %dma_wait3A_102 = arith.constant 0 : i32
    %dma_wait3A_103 = tpu.memref_slice %arg7[%dma_wait3A_101, %dma_wait3A_102] : memref<10000x128xf32, #tpu.memory_space<vmem_shared>> -> memref<10000x128xf32, #tpu.memory_space<vmem_shared>>
    tpu.wait_indirect_dma semaphore(%arg21 : memref<!tpu.dma_semaphore, #tpu.memory_space<semaphore_mem>>) src(%arg13 : memref<80x128xf32, #tpu.memory_space<vmem>>) dst(%dma_wait3A_103 : memref<10000x128xf32, #tpu.memory_space<vmem_shared>>)
    %dma_wait3A_104 = arith.constant 0 : i32
    %dma_wait3A_105 = arith.constant 0 : i32
    %dma_wait3A_106 = tpu.memref_slice %arg7[%dma_wait3A_104, %dma_wait3A_105] : memref<10000x128xf32, #tpu.memory_space<vmem_shared>> -> memref<10000x128xf32, #tpu.memory_space<vmem_shared>>
    tpu.wait_indirect_dma semaphore(%arg20 : memref<!tpu.dma_semaphore, #tpu.memory_space<semaphore_mem>>) src(%arg12 : memref<80x128xf32, #tpu.memory_space<vmem>>) dst(%dma_wait3A_106 : memref<10000x128xf32, #tpu.memory_space<vmem_shared>>)
    %barrier3A_107 = arith.constant 0 : index
    tpu.barrier barrier_id(%barrier3A_107)
    %mul3A_108 = arith.constant 624 : i32
    %mul3A_109 = arith.muli %arg1, %mul3A_108 : i32
    %mul3A_110 = arith.constant 624 : i32
    %mul3A_111 = arith.muli %arg1, %mul3A_110 : i32
    "tpu.region"() ({
      %run_scoped3A = tpu.sem_alloc : memref<!tpu.dma_semaphore, #tpu.memory_space<semaphore_mem>>
      %dma_start3A_117 = arith.constant 0 : i32
      %dma_start3A_118 = tpu.memref_slice %arg6[%arg0, %mul3A_111, %dma_start3A_117] : memref<2x10000x128xf32, #tpu.memory_space<hbm>> -> memref<1x624x128xf32, #tpu.memory_space<hbm>>
      %dma_start3A_119 = tpu.memref_squeeze %dma_start3A_118 : memref<1x624x128xf32, #tpu.memory_space<hbm>> -> memref<624x128xf32, #tpu.memory_space<hbm>>
      %dma_start3A_120 = arith.constant 0 : i32
      %dma_start3A_121 = tpu.memref_slice %arg7[%mul3A_109, %dma_start3A_120] : memref<10000x128xf32, #tpu.memory_space<vmem_shared>> -> memref<624x128xf32, #tpu.memory_space<vmem_shared>>
      tpu.enqueue_dma source(%dma_start3A_121 : memref<624x128xf32, #tpu.memory_space<vmem_shared>>) target(%dma_start3A_119 : memref<624x128xf32, #tpu.memory_space<hbm>>) target_semaphore(%run_scoped3A : memref<!tpu.dma_semaphore, #tpu.memory_space<semaphore_mem>>)
      %dma_wait3A_122 = arith.constant 0 : i32
      %dma_wait3A_123 = tpu.memref_slice %arg6[%arg0, %mul3A_111, %dma_wait3A_122] : memref<2x10000x128xf32, #tpu.memory_space<hbm>> -> memref<1x624x128xf32, #tpu.memory_space<hbm>>
      %dma_wait3A_124 = tpu.memref_squeeze %dma_wait3A_123 : memref<1x624x128xf32, #tpu.memory_space<hbm>> -> memref<624x128xf32, #tpu.memory_space<hbm>>
      %dma_wait3A_125 = arith.constant 0 : i32
      %dma_wait3A_126 = tpu.memref_slice %arg7[%mul3A_109, %dma_wait3A_125] : memref<10000x128xf32, #tpu.memory_space<vmem_shared>> -> memref<624x128xf32, #tpu.memory_space<vmem_shared>>
      tpu.wait_dma2 semaphore(%run_scoped3A : memref<!tpu.dma_semaphore, #tpu.memory_space<semaphore_mem>>) src(%dma_wait3A_126 : memref<624x128xf32, #tpu.memory_space<vmem_shared>>) dst(%dma_wait3A_124 : memref<624x128xf32, #tpu.memory_space<hbm>>)
      tpu.yield
    }) : () -> ()
    %eq3A_112 = arith.constant 15 : i32
    %eq3A_113 = arith.cmpi eq, %arg1, %eq3A_112 : i32
    %convert_element_type3A_114 = arith.extui %eq3A_113 : i1 to i32
    %cond3A_115 = arith.constant 0 : i32
    %cond3A_116 = arith.cmpi ne, %convert_element_type3A_114, %cond3A_115 : i32
    scf.if %cond3A_116 {
      "tpu.region"() ({
        %run_scoped3A = tpu.sem_alloc : memref<!tpu.dma_semaphore, #tpu.memory_space<semaphore_mem>>
        %dma_start3A_117 = arith.constant 9984 : i32
        %dma_start3A_118 = arith.constant 0 : i32
        %dma_start3A_119 = tpu.memref_slice %arg6[%arg0, %dma_start3A_117, %dma_start3A_118] : memref<2x10000x128xf32, #tpu.memory_space<hbm>> -> memref<1x16x128xf32, #tpu.memory_space<hbm>>
        %dma_start3A_120 = tpu.memref_squeeze %dma_start3A_119 : memref<1x16x128xf32, #tpu.memory_space<hbm>> -> memref<16x128xf32, #tpu.memory_space<hbm>>
        %dma_start3A_121 = arith.constant 9984 : i32
        %dma_start3A_122 = arith.constant 0 : i32
        %dma_start3A_123 = tpu.memref_slice %arg7[%dma_start3A_121, %dma_start3A_122] : memref<10000x128xf32, #tpu.memory_space<vmem_shared>> -> memref<16x128xf32, #tpu.memory_space<vmem_shared>>
        tpu.enqueue_dma source(%dma_start3A_123 : memref<16x128xf32, #tpu.memory_space<vmem_shared>>) target(%dma_start3A_120 : memref<16x128xf32, #tpu.memory_space<hbm>>) target_semaphore(%run_scoped3A : memref<!tpu.dma_semaphore, #tpu.memory_space<semaphore_mem>>)
        %dma_wait3A_124 = arith.constant 9984 : i32
        %dma_wait3A_125 = arith.constant 0 : i32
        %dma_wait3A_126 = tpu.memref_slice %arg6[%arg0, %dma_wait3A_124, %dma_wait3A_125] : memref<2x10000x128xf32, #tpu.memory_space<hbm>> -> memref<1x16x128xf32, #tpu.memory_space<hbm>>
        %dma_wait3A_127 = tpu.memref_squeeze %dma_wait3A_126 : memref<1x16x128xf32, #tpu.memory_space<hbm>> -> memref<16x128xf32, #tpu.memory_space<hbm>>
        %dma_wait3A_128 = arith.constant 9984 : i32
        %dma_wait3A_129 = arith.constant 0 : i32
        %dma_wait3A_130 = tpu.memref_slice %arg7[%dma_wait3A_128, %dma_wait3A_129] : memref<10000x128xf32, #tpu.memory_space<vmem_shared>> -> memref<16x128xf32, #tpu.memory_space<vmem_shared>>
        tpu.wait_dma2 semaphore(%run_scoped3A : memref<!tpu.dma_semaphore, #tpu.memory_space<semaphore_mem>>) src(%dma_wait3A_130 : memref<16x128xf32, #tpu.memory_space<vmem_shared>>) dst(%dma_wait3A_127 : memref<16x128xf32, #tpu.memory_space<hbm>>)
        tpu.yield
      }) : () -> ()
    } else {
    }
    return
  }
}

#map = affine_map<(d0, d1) -> (0)>
module attributes {stable_mosaic.version = 14 : i64} {
  func.func @_sc_min_kernel(%arg0: i32, %arg1: i32, %arg2: memref<320000xi32, #tpu.memory_space<hbm>>, %arg3: memref<1280000xf32, #tpu.memory_space<hbm>>, %arg4: memref<10000xi32, #tpu.memory_space<hbm>>, %arg5: memref<320000xi32, #tpu.memory_space<hbm>>, %arg6: memref<8192xf32, #tpu.memory_space<hbm>>, %arg7: memref<2000xi32, #tpu.memory_space<vmem>>, %arg8: memref<2000xi32, #tpu.memory_space<vmem>>, %arg9: memref<8000xf32, #tpu.memory_space<vmem>>, %arg10: memref<2000xi32, #tpu.memory_space<vmem>>, %arg11: memref<2000xi32, #tpu.memory_space<vmem>>, %arg12: memref<8000xf32, #tpu.memory_space<vmem>>, %arg13: memref<4096xf32, #tpu.memory_space<vmem>>, %arg14: memref<256xf32, #tpu.memory_space<vmem>>, %arg15: memref<!tpu.dma_semaphore, #tpu.memory_space<semaphore_mem>>, %arg16: memref<!tpu.dma_semaphore, #tpu.memory_space<semaphore_mem>>, %arg17: memref<!tpu.dma_semaphore, #tpu.memory_space<semaphore_mem>>, %arg18: memref<!tpu.dma_semaphore, #tpu.memory_space<semaphore_mem>>) attributes {dimension_semantics = [#tpu.dimension_semantics<core_parallel>, #tpu.dimension_semantics<subcore_parallel>], iteration_bounds = array<i64: 2, 16>, scalar_prefetch = 0 : i64, scratch_operands = 12 : i64, tpu.core_type = #tpu.core_type<sc_vector_subcore>, window_params = [{transform_indices = #map}, {transform_indices = #map}, {transform_indices = #map}, {transform_indices = #map}, {transform_indices = #map}]} {
    %mul3A = arith.constant 2 : i32
    %mul3A_0 = arith.muli %arg1, %mul3A : i32
    %add3A = arith.addi %mul3A_0, %arg0 : i32
    %iota3A = tpu.iota {dimensions = array<i32: 0>} : vector<16xi32>
    %broadcast_in_dim3A = arith.constant 3.000000e+38 : f32
    %broadcast_in_dim3A_1 = vector.broadcast %broadcast_in_dim3A : f32 to vector<16xf32>
    %scan3A = arith.constant 0 : i32
    %scan3A_2 = arith.constant 0 : i32
    %scan3A_3 = arith.constant 256 : i32
    %scan3A_4 = arith.addi %scan3A_2, %scan3A_3 : i32
    %scan3A_5 = arith.constant 1 : i32
    %scan3A_6 = scf.for %scan3A_956 = %scan3A_2 to %scan3A_4 step %scan3A_5 iter_args(%scan3A_957 = %scan3A) -> (i32)  : i32 {
      %mul3A_958 = arith.constant 16 : i32
      %mul3A_959 = arith.muli %scan3A_956, %mul3A_958 : i32
      %swap3A_960 = arith.index_cast %mul3A_959 : i32 to index
      %swap3A_961 = tpu.vector_load %arg13[%swap3A_960] {strides = array<i32>} : memref<4096xf32, #tpu.memory_space<vmem>>, vector<16xf32>,
      tpu.vector_store %arg13[%swap3A_960], %broadcast_in_dim3A_1 {strides = array<i32>} : memref<4096xf32, #tpu.memory_space<vmem>>, vector<16xf32>,
      %scan3A_962 = arith.constant 0 : i32
      scf.yield %scan3A_962 : i32
    }
    %scan3A_7 = arith.constant 256 : i32
    %mul3A_8 = arith.constant 10000 : i32
    %mul3A_9 = arith.muli %add3A, %mul3A_8 : i32
    %add3A_10 = arith.constant 0 : i32
    %add3A_11 = arith.addi %mul3A_9, %add3A_10 : i32
    %dma_start3A = tpu.memref_slice %arg2[%add3A_11] : memref<320000xi32, #tpu.memory_space<hbm>> -> memref<2000xi32, #tpu.memory_space<hbm>>
    %dma_start3A_12 = tpu.memref_slice %arg2[%add3A_11] : memref<320000xi32, #tpu.memory_space<hbm>> -> memref<2000xi32, #tpu.memory_space<hbm>>
    tpu.enqueue_dma source(%dma_start3A_12 : memref<2000xi32, #tpu.memory_space<hbm>>) target(%arg7 : memref<2000xi32, #tpu.memory_space<vmem>>) target_semaphore(%arg15 : memref<!tpu.dma_semaphore, #tpu.memory_space<semaphore_mem>>)
    %mul3A_13 = arith.constant 4 : i32
    %mul3A_14 = arith.muli %add3A_11, %mul3A_13 : i32
    %dma_start3A_15 = tpu.memref_slice %arg3[%mul3A_14] : memref<1280000xf32, #tpu.memory_space<hbm>> -> memref<8000xf32, #tpu.memory_space<hbm>>
    %dma_start3A_16 = tpu.memref_slice %arg3[%mul3A_14] : memref<1280000xf32, #tpu.memory_space<hbm>> -> memref<8000xf32, #tpu.memory_space<hbm>>
    tpu.enqueue_dma source(%dma_start3A_16 : memref<8000xf32, #tpu.memory_space<hbm>>) target(%arg9 : memref<8000xf32, #tpu.memory_space<vmem>>) target_semaphore(%arg15 : memref<!tpu.dma_semaphore, #tpu.memory_space<semaphore_mem>>)
    %mul3A_17 = arith.constant 10000 : i32
    %mul3A_18 = arith.muli %add3A, %mul3A_17 : i32
    %add3A_19 = arith.constant 2000 : i32
    %add3A_20 = arith.addi %mul3A_18, %add3A_19 : i32
    %dma_start3A_21 = tpu.memref_slice %arg2[%add3A_20] : memref<320000xi32, #tpu.memory_space<hbm>> -> memref<2000xi32, #tpu.memory_space<hbm>>
    %dma_start3A_22 = tpu.memref_slice %arg2[%add3A_20] : memref<320000xi32, #tpu.memory_space<hbm>> -> memref<2000xi32, #tpu.memory_space<hbm>>
    tpu.enqueue_dma source(%dma_start3A_22 : memref<2000xi32, #tpu.memory_space<hbm>>) target(%arg10 : memref<2000xi32, #tpu.memory_space<vmem>>) target_semaphore(%arg16 : memref<!tpu.dma_semaphore, #tpu.memory_space<semaphore_mem>>)
    %mul3A_23 = arith.constant 4 : i32
    %mul3A_24 = arith.muli %add3A_20, %mul3A_23 : i32
    %dma_start3A_25 = tpu.memref_slice %arg3[%mul3A_24] : memref<1280000xf32, #tpu.memory_space<hbm>> -> memref<8000xf32, #tpu.memory_space<hbm>>
    %dma_start3A_26 = tpu.memref_slice %arg3[%mul3A_24] : memref<1280000xf32, #tpu.memory_space<hbm>> -> memref<8000xf32, #tpu.memory_space<hbm>>
    tpu.enqueue_dma source(%dma_start3A_26 : memref<8000xf32, #tpu.memory_space<hbm>>) target(%arg12 : memref<8000xf32, #tpu.memory_space<vmem>>) target_semaphore(%arg16 : memref<!tpu.dma_semaphore, #tpu.memory_space<semaphore_mem>>)
    %dma_wait3A = arith.constant 0 : i32
    %dma_wait3A_27 = tpu.memref_slice %arg2[%dma_wait3A] : memref<320000xi32, #tpu.memory_space<hbm>> -> memref<2000xi32, #tpu.memory_space<hbm>>
    %dma_wait3A_28 = arith.constant 0 : i32
    %dma_wait3A_29 = tpu.memref_slice %arg2[%dma_wait3A_28] : memref<320000xi32, #tpu.memory_space<hbm>> -> memref<2000xi32, #tpu.memory_space<hbm>>
    tpu.wait_dma2 semaphore(%arg15 : memref<!tpu.dma_semaphore, #tpu.memory_space<semaphore_mem>>) src(%dma_wait3A_29 : memref<2000xi32, #tpu.memory_space<hbm>>) dst(%arg7 : memref<2000xi32, #tpu.memory_space<vmem>>)
    %dma_wait3A_30 = arith.constant 0 : i32
    %dma_wait3A_31 = tpu.memref_slice %arg3[%dma_wait3A_30] : memref<1280000xf32, #tpu.memory_space<hbm>> -> memref<8000xf32, #tpu.memory_space<hbm>>
    %dma_wait3A_32 = arith.constant 0 : i32
    %dma_wait3A_33 = tpu.memref_slice %arg3[%dma_wait3A_32] : memref<1280000xf32, #tpu.memory_space<hbm>> -> memref<8000xf32, #tpu.memory_space<hbm>>
    tpu.wait_dma2 semaphore(%arg15 : memref<!tpu.dma_semaphore, #tpu.memory_space<semaphore_mem>>) src(%dma_wait3A_33 : memref<8000xf32, #tpu.memory_space<hbm>>) dst(%arg9 : memref<8000xf32, #tpu.memory_space<vmem>>)
    %dma_start3A_34 = arith.constant 0 : i32
    %dma_start3A_35 = tpu.memref_slice %arg4[%dma_start3A_34] : memref<10000xi32, #tpu.memory_space<hbm>> -> memref<10000xi32, #tpu.memory_space<hbm>>
    tpu.enqueue_indirect_dma source(%dma_start3A_35 : memref<10000xi32, #tpu.memory_space<hbm>>) target(%arg8 : memref<2000xi32, #tpu.memory_space<vmem>>) offsets(%arg7 : memref<2000xi32, #tpu.memory_space<vmem>>) semaphore(%arg17 : memref<!tpu.dma_semaphore, #tpu.memory_space<semaphore_mem>>)
    %dma_wait3A_36 = arith.constant 0 : i32
    %dma_wait3A_37 = tpu.memref_slice %arg2[%dma_wait3A_36] : memref<320000xi32, #tpu.memory_space<hbm>> -> memref<2000xi32, #tpu.memory_space<hbm>>
    %dma_wait3A_38 = arith.constant 0 : i32
    %dma_wait3A_39 = tpu.memref_slice %arg2[%dma_wait3A_38] : memref<320000xi32, #tpu.memory_space<hbm>> -> memref<2000xi32, #tpu.memory_space<hbm>>
    tpu.wait_dma2 semaphore(%arg16 : memref<!tpu.dma_semaphore, #tpu.memory_space<semaphore_mem>>) src(%dma_wait3A_39 : memref<2000xi32, #tpu.memory_space<hbm>>) dst(%arg10 : memref<2000xi32, #tpu.memory_space<vmem>>)
    %dma_wait3A_40 = arith.constant 0 : i32
    %dma_wait3A_41 = tpu.memref_slice %arg3[%dma_wait3A_40] : memref<1280000xf32, #tpu.memory_space<hbm>> -> memref<8000xf32, #tpu.memory_space<hbm>>
    %dma_wait3A_42 = arith.constant 0 : i32
    %dma_wait3A_43 = tpu.memref_slice %arg3[%dma_wait3A_42] : memref<1280000xf32, #tpu.memory_space<hbm>> -> memref<8000xf32, #tpu.memory_space<hbm>>
    tpu.wait_dma2 semaphore(%arg16 : memref<!tpu.dma_semaphore, #tpu.memory_space<semaphore_mem>>) src(%dma_wait3A_43 : memref<8000xf32, #tpu.memory_space<hbm>>) dst(%arg12 : memref<8000xf32, #tpu.memory_space<vmem>>)
    %dma_start3A_44 = arith.constant 0 : i32
    %dma_start3A_45 = tpu.memref_slice %arg4[%dma_start3A_44] : memref<10000xi32, #tpu.memory_space<hbm>> -> memref<10000xi32, #tpu.memory_space<hbm>>
    tpu.enqueue_indirect_dma source(%dma_start3A_45 : memref<10000xi32, #tpu.memory_space<hbm>>) target(%arg11 : memref<2000xi32, #tpu.memory_space<vmem>>) offsets(%arg10 : memref<2000xi32, #tpu.memory_space<vmem>>) semaphore(%arg18 : memref<!tpu.dma_semaphore, #tpu.memory_space<semaphore_mem>>)
    %dma_wait3A_46 = arith.constant 0 : i32
    %dma_wait3A_47 = tpu.memref_slice %arg4[%dma_wait3A_46] : memref<10000xi32, #tpu.memory_space<hbm>> -> memref<10000xi32, #tpu.memory_space<hbm>>
    tpu.wait_indirect_dma semaphore(%arg17 : memref<!tpu.dma_semaphore, #tpu.memory_space<semaphore_mem>>) src(%dma_wait3A_47 : memref<10000xi32, #tpu.memory_space<hbm>>) dst(%arg8 : memref<2000xi32, #tpu.memory_space<vmem>>)
    %mul3A_48 = arith.constant 10000 : i32
    %mul3A_49 = arith.muli %add3A, %mul3A_48 : i32
    %add3A_50 = arith.constant 0 : i32
    %add3A_51 = arith.addi %mul3A_49, %add3A_50 : i32
    %scan3A_52 = arith.constant 0 : i32
    %scan3A_53 = arith.constant 0 : i32
    %scan3A_54 = arith.constant 125 : i32
    %scan3A_55 = arith.addi %scan3A_53, %scan3A_54 : i32
    %scan3A_56 = arith.constant 1 : i32
    %scan3A_57 = scf.for %scan3A_956 = %scan3A_53 to %scan3A_55 step %scan3A_56 iter_args(%scan3A_957 = %scan3A_52) -> (i32)  : i32 {
      %mul3A_958 = arith.constant 16 : i32
      %mul3A_959 = arith.muli %scan3A_956, %mul3A_958 : i32
      %get3A_960 = arith.index_cast %mul3A_959 : i32 to index
      %get3A_961 = tpu.vector_load %arg8[%get3A_960] {strides = array<i32>} : memref<2000xi32, #tpu.memory_space<vmem>>, vector<16xi32>,
      %mul3A_962 = arith.constant 256 : i32
      %mul3A_963 = vector.broadcast %mul3A_962 : i32 to vector<16xi32>
      %mul3A_964 = arith.muli %iota3A, %mul3A_963 : vector<16xi32>
      %mul3A_965 = arith.constant 4 : i32
      %mul3A_966 = vector.broadcast %mul3A_965 : i32 to vector<16xi32>
      %mul3A_967 = arith.muli %get3A_961, %mul3A_966 : vector<16xi32>
      %add3A_968 = arith.addi %mul3A_964, %mul3A_967 : vector<16xi32>
      %mul3A_969 = arith.constant 4 : i32
      %mul3A_970 = vector.broadcast %mul3A_969 : i32 to vector<16xi32>
      %mul3A_971 = arith.muli %iota3A, %mul3A_970 : vector<16xi32>
      %mul3A_972 = arith.constant 64 : i32
      %mul3A_973 = arith.muli %scan3A_956, %mul3A_972 : i32
      %add3A_974 = vector.broadcast %mul3A_973 : i32 to vector<16xi32>
      %add3A_975 = arith.addi %mul3A_971, %add3A_974 : vector<16xi32>
      %add3A_976 = arith.constant 0 : i32
      %add3A_977 = vector.broadcast %add3A_976 : i32 to vector<16xi32>
      %add3A_978 = arith.addi %add3A_975, %add3A_977 : vector<16xi32>
      %gather3A = tpu.vector_load_idx %arg9[%add3A_978] : memref<8000xf32, #tpu.memory_space<vmem>>[vector<16xi32>], vector<16xf32>,
      %add3A_979 = arith.constant 0 : i32
      %add3A_980 = vector.broadcast %add3A_979 : i32 to vector<16xi32>
      %add3A_981 = arith.addi %add3A_968, %add3A_980 : vector<16xi32>
      %gather3A_982 = tpu.vector_load_idx %arg13[%add3A_981] : memref<4096xf32, #tpu.memory_space<vmem>>[vector<16xi32>], vector<16xf32>,
      %min3A_983 = arith.minimumf %gather3A_982, %gather3A : vector<16xf32>
      tpu.vector_store_idx %arg13[%add3A_981], %min3A_983 : memref<4096xf32, #tpu.memory_space<vmem>>[vector<16xi32>], vector<16xf32>,
      %add3A_984 = arith.constant 1 : i32
      %add3A_985 = vector.broadcast %add3A_984 : i32 to vector<16xi32>
      %add3A_986 = arith.addi %add3A_975, %add3A_985 : vector<16xi32>
      %gather3A_987 = tpu.vector_load_idx %arg9[%add3A_986] : memref<8000xf32, #tpu.memory_space<vmem>>[vector<16xi32>], vector<16xf32>,
      %add3A_988 = arith.constant 1 : i32
      %add3A_989 = vector.broadcast %add3A_988 : i32 to vector<16xi32>
      %add3A_990 = arith.addi %add3A_968, %add3A_989 : vector<16xi32>
      %gather3A_991 = tpu.vector_load_idx %arg13[%add3A_990] : memref<4096xf32, #tpu.memory_space<vmem>>[vector<16xi32>], vector<16xf32>,
      %min3A_992 = arith.minimumf %gather3A_991, %gather3A_987 : vector<16xf32>
      tpu.vector_store_idx %arg13[%add3A_990], %min3A_992 : memref<4096xf32, #tpu.memory_space<vmem>>[vector<16xi32>], vector<16xf32>,
      %add3A_993 = arith.constant 2 : i32
      %add3A_994 = vector.broadcast %add3A_993 : i32 to vector<16xi32>
      %add3A_995 = arith.addi %add3A_975, %add3A_994 : vector<16xi32>
      %gather3A_996 = tpu.vector_load_idx %arg9[%add3A_995] : memref<8000xf32, #tpu.memory_space<vmem>>[vector<16xi32>], vector<16xf32>,
      %add3A_997 = arith.constant 2 : i32
      %add3A_998 = vector.broadcast %add3A_997 : i32 to vector<16xi32>
      %add3A_999 = arith.addi %add3A_968, %add3A_998 : vector<16xi32>
      %gather3A_1000 = tpu.vector_load_idx %arg13[%add3A_999] : memref<4096xf32, #tpu.memory_space<vmem>>[vector<16xi32>], vector<16xf32>,
      %min3A_1001 = arith.minimumf %gather3A_1000, %gather3A_996 : vector<16xf32>
      tpu.vector_store_idx %arg13[%add3A_999], %min3A_1001 : memref<4096xf32, #tpu.memory_space<vmem>>[vector<16xi32>], vector<16xf32>,
      %add3A_1002 = arith.constant 3 : i32
      %add3A_1003 = vector.broadcast %add3A_1002 : i32 to vector<16xi32>
      %add3A_1004 = arith.addi %add3A_975, %add3A_1003 : vector<16xi32>
      %gather3A_1005 = tpu.vector_load_idx %arg9[%add3A_1004] : memref<8000xf32, #tpu.memory_space<vmem>>[vector<16xi32>], vector<16xf32>,
      %add3A_1006 = arith.constant 3 : i32
      %add3A_1007 = vector.broadcast %add3A_1006 : i32 to vector<16xi32>
      %add3A_1008 = arith.addi %add3A_968, %add3A_1007 : vector<16xi32>
      %gather3A_1009 = tpu.vector_load_idx %arg13[%add3A_1008] : memref<4096xf32, #tpu.memory_space<vmem>>[vector<16xi32>], vector<16xf32>,
      %min3A_1010 = arith.minimumf %gather3A_1009, %gather3A_1005 : vector<16xf32>
      tpu.vector_store_idx %arg13[%add3A_1008], %min3A_1010 : memref<4096xf32, #tpu.memory_space<vmem>>[vector<16xi32>], vector<16xf32>,
      %scan3A_1011 = arith.constant 0 : i32
      scf.yield %scan3A_1011 : i32
    }
    %scan3A_58 = arith.constant 125 : i32
    "tpu.region"() ({
      %run_scoped3A = tpu.sem_alloc : memref<!tpu.dma_semaphore, #tpu.memory_space<semaphore_mem>>
      %dma_start3A_956 = tpu.memref_slice %arg5[%add3A_51] : memref<320000xi32, #tpu.memory_space<hbm>> -> memref<2000xi32, #tpu.memory_space<hbm>>
      %dma_start3A_957 = tpu.memref_slice %arg5[%add3A_51] : memref<320000xi32, #tpu.memory_space<hbm>> -> memref<2000xi32, #tpu.memory_space<hbm>>
      tpu.enqueue_dma source(%arg8 : memref<2000xi32, #tpu.memory_space<vmem>>) target(%dma_start3A_957 : memref<2000xi32, #tpu.memory_space<hbm>>) target_semaphore(%run_scoped3A : memref<!tpu.dma_semaphore, #tpu.memory_space<semaphore_mem>>)
      %dma_wait3A_958 = tpu.memref_slice %arg5[%add3A_51] : memref<320000xi32, #tpu.memory_space<hbm>> -> memref<2000xi32, #tpu.memory_space<hbm>>
      %dma_wait3A_959 = tpu.memref_slice %arg5[%add3A_51] : memref<320000xi32, #tpu.memory_space<hbm>> -> memref<2000xi32, #tpu.memory_space<hbm>>
      tpu.wait_dma2 semaphore(%run_scoped3A : memref<!tpu.dma_semaphore, #tpu.memory_space<semaphore_mem>>) src(%arg8 : memref<2000xi32, #tpu.memory_space<vmem>>) dst(%dma_wait3A_959 : memref<2000xi32, #tpu.memory_space<hbm>>)
      tpu.yield
    }) : () -> ()
    %mul3A_59 = arith.constant 10000 : i32
    %mul3A_60 = arith.muli %add3A, %mul3A_59 : i32
    %add3A_61 = arith.constant 4000 : i32
    %add3A_62 = arith.addi %mul3A_60, %add3A_61 : i32
    %dma_start3A_63 = tpu.memref_slice %arg2[%add3A_62] : memref<320000xi32, #tpu.memory_space<hbm>> -> memref<2000xi32, #tpu.memory_space<hbm>>
    %dma_start3A_64 = tpu.memref_slice %arg2[%add3A_62] : memref<320000xi32, #tpu.memory_space<hbm>> -> memref<2000xi32, #tpu.memory_space<hbm>>
    tpu.enqueue_dma source(%dma_start3A_64 : memref<2000xi32, #tpu.memory_space<hbm>>) target(%arg7 : memref<2000xi32, #tpu.memory_space<vmem>>) target_semaphore(%arg15 : memref<!tpu.dma_semaphore, #tpu.memory_space<semaphore_mem>>)
    %mul3A_65 = arith.constant 4 : i32
    %mul3A_66 = arith.muli %add3A_62, %mul3A_65 : i32
    %dma_start3A_67 = tpu.memref_slice %arg3[%mul3A_66] : memref<1280000xf32, #tpu.memory_space<hbm>> -> memref<8000xf32, #tpu.memory_space<hbm>>
    %dma_start3A_68 = tpu.memref_slice %arg3[%mul3A_66] : memref<1280000xf32, #tpu.memory_space<hbm>> -> memref<8000xf32, #tpu.memory_space<hbm>>
    tpu.enqueue_dma source(%dma_start3A_68 : memref<8000xf32, #tpu.memory_space<hbm>>) target(%arg9 : memref<8000xf32, #tpu.memory_space<vmem>>) target_semaphore(%arg15 : memref<!tpu.dma_semaphore, #tpu.memory_space<semaphore_mem>>)
    %dma_wait3A_69 = arith.constant 0 : i32
    %dma_wait3A_70 = tpu.memref_slice %arg2[%dma_wait3A_69] : memref<320000xi32, #tpu.memory_space<hbm>> -> memref<2000xi32, #tpu.memory_space<hbm>>
    %dma_wait3A_71 = arith.constant 0 : i32
    %dma_wait3A_72 = tpu.memref_slice %arg2[%dma_wait3A_71] : memref<320000xi32, #tpu.memory_space<hbm>> -> memref<2000xi32, #tpu.memory_space<hbm>>
    tpu.wait_dma2 semaphore(%arg15 : memref<!tpu.dma_semaphore, #tpu.memory_space<semaphore_mem>>) src(%dma_wait3A_72 : memref<2000xi32, #tpu.memory_space<hbm>>) dst(%arg7 : memref<2000xi32, #tpu.memory_space<vmem>>)
    %dma_wait3A_73 = arith.constant 0 : i32
    %dma_wait3A_74 = tpu.memref_slice %arg3[%dma_wait3A_73] : memref<1280000xf32, #tpu.memory_space<hbm>> -> memref<8000xf32, #tpu.memory_space<hbm>>
    %dma_wait3A_75 = arith.constant 0 : i32
    %dma_wait3A_76 = tpu.memref_slice %arg3[%dma_wait3A_75] : memref<1280000xf32, #tpu.memory_space<hbm>> -> memref<8000xf32, #tpu.memory_space<hbm>>
    tpu.wait_dma2 semaphore(%arg15 : memref<!tpu.dma_semaphore, #tpu.memory_space<semaphore_mem>>) src(%dma_wait3A_76 : memref<8000xf32, #tpu.memory_space<hbm>>) dst(%arg9 : memref<8000xf32, #tpu.memory_space<vmem>>)
    %dma_start3A_77 = arith.constant 0 : i32
    %dma_start3A_78 = tpu.memref_slice %arg4[%dma_start3A_77] : memref<10000xi32, #tpu.memory_space<hbm>> -> memref<10000xi32, #tpu.memory_space<hbm>>
    tpu.enqueue_indirect_dma source(%dma_start3A_78 : memref<10000xi32, #tpu.memory_space<hbm>>) target(%arg8 : memref<2000xi32, #tpu.memory_space<vmem>>) offsets(%arg7 : memref<2000xi32, #tpu.memory_space<vmem>>) semaphore(%arg17 : memref<!tpu.dma_semaphore, #tpu.memory_space<semaphore_mem>>)
    %dma_wait3A_79 = arith.constant 0 : i32
    %dma_wait3A_80 = tpu.memref_slice %arg4[%dma_wait3A_79] : memref<10000xi32, #tpu.memory_space<hbm>> -> memref<10000xi32, #tpu.memory_space<hbm>>
    tpu.wait_indirect_dma semaphore(%arg18 : memref<!tpu.dma_semaphore, #tpu.memory_space<semaphore_mem>>) src(%dma_wait3A_80 : memref<10000xi32, #tpu.memory_space<hbm>>) dst(%arg11 : memref<2000xi32, #tpu.memory_space<vmem>>)
    %mul3A_81 = arith.constant 10000 : i32
    %mul3A_82 = arith.muli %add3A, %mul3A_81 : i32
    %add3A_83 = arith.constant 2000 : i32
    %add3A_84 = arith.addi %mul3A_82, %add3A_83 : i32
    %scan3A_85 = arith.constant 0 : i32
    %scan3A_86 = arith.constant 0 : i32
    %scan3A_87 = arith.constant 125 : i32
    %scan3A_88 = arith.addi %scan3A_86, %scan3A_87 : i32
    %scan3A_89 = arith.constant 1 : i32
    %scan3A_90 = scf.for %scan3A_956 = %scan3A_86 to %scan3A_88 step %scan3A_89 iter_args(%scan3A_957 = %scan3A_85) -> (i32)  : i32 {
      %mul3A_958 = arith.constant 16 : i32
      %mul3A_959 = arith.muli %scan3A_956, %mul3A_958 : i32
      %get3A_960 = arith.index_cast %mul3A_959 : i32 to index
      %get3A_961 = tpu.vector_load %arg11[%get3A_960] {strides = array<i32>} : memref<2000xi32, #tpu.memory_space<vmem>>, vector<16xi32>,
      %mul3A_962 = arith.constant 256 : i32
      %mul3A_963 = vector.broadcast %mul3A_962 : i32 to vector<16xi32>
      %mul3A_964 = arith.muli %iota3A, %mul3A_963 : vector<16xi32>
      %mul3A_965 = arith.constant 4 : i32
      %mul3A_966 = vector.broadcast %mul3A_965 : i32 to vector<16xi32>
      %mul3A_967 = arith.muli %get3A_961, %mul3A_966 : vector<16xi32>
      %add3A_968 = arith.addi %mul3A_964, %mul3A_967 : vector<16xi32>
      %mul3A_969 = arith.constant 4 : i32
      %mul3A_970 = vector.broadcast %mul3A_969 : i32 to vector<16xi32>
      %mul3A_971 = arith.muli %iota3A, %mul3A_970 : vector<16xi32>
      %mul3A_972 = arith.constant 64 : i32
      %mul3A_973 = arith.muli %scan3A_956, %mul3A_972 : i32
      %add3A_974 = vector.broadcast %mul3A_973 : i32 to vector<16xi32>
      %add3A_975 = arith.addi %mul3A_971, %add3A_974 : vector<16xi32>
      %add3A_976 = arith.constant 0 : i32
      %add3A_977 = vector.broadcast %add3A_976 : i32 to vector<16xi32>
      %add3A_978 = arith.addi %add3A_975, %add3A_977 : vector<16xi32>
      %gather3A = tpu.vector_load_idx %arg12[%add3A_978] : memref<8000xf32, #tpu.memory_space<vmem>>[vector<16xi32>], vector<16xf32>,
      %add3A_979 = arith.constant 0 : i32
      %add3A_980 = vector.broadcast %add3A_979 : i32 to vector<16xi32>
      %add3A_981 = arith.addi %add3A_968, %add3A_980 : vector<16xi32>
      %gather3A_982 = tpu.vector_load_idx %arg13[%add3A_981] : memref<4096xf32, #tpu.memory_space<vmem>>[vector<16xi32>], vector<16xf32>,
      %min3A_983 = arith.minimumf %gather3A_982, %gather3A : vector<16xf32>
      tpu.vector_store_idx %arg13[%add3A_981], %min3A_983 : memref<4096xf32, #tpu.memory_space<vmem>>[vector<16xi32>], vector<16xf32>,
      %add3A_984 = arith.constant 1 : i32
      %add3A_985 = vector.broadcast %add3A_984 : i32 to vector<16xi32>
      %add3A_986 = arith.addi %add3A_975, %add3A_985 : vector<16xi32>
      %gather3A_987 = tpu.vector_load_idx %arg12[%add3A_986] : memref<8000xf32, #tpu.memory_space<vmem>>[vector<16xi32>], vector<16xf32>,
      %add3A_988 = arith.constant 1 : i32
      %add3A_989 = vector.broadcast %add3A_988 : i32 to vector<16xi32>
      %add3A_990 = arith.addi %add3A_968, %add3A_989 : vector<16xi32>
      %gather3A_991 = tpu.vector_load_idx %arg13[%add3A_990] : memref<4096xf32, #tpu.memory_space<vmem>>[vector<16xi32>], vector<16xf32>,
      %min3A_992 = arith.minimumf %gather3A_991, %gather3A_987 : vector<16xf32>
      tpu.vector_store_idx %arg13[%add3A_990], %min3A_992 : memref<4096xf32, #tpu.memory_space<vmem>>[vector<16xi32>], vector<16xf32>,
      %add3A_993 = arith.constant 2 : i32
      %add3A_994 = vector.broadcast %add3A_993 : i32 to vector<16xi32>
      %add3A_995 = arith.addi %add3A_975, %add3A_994 : vector<16xi32>
      %gather3A_996 = tpu.vector_load_idx %arg12[%add3A_995] : memref<8000xf32, #tpu.memory_space<vmem>>[vector<16xi32>], vector<16xf32>,
      %add3A_997 = arith.constant 2 : i32
      %add3A_998 = vector.broadcast %add3A_997 : i32 to vector<16xi32>
      %add3A_999 = arith.addi %add3A_968, %add3A_998 : vector<16xi32>
      %gather3A_1000 = tpu.vector_load_idx %arg13[%add3A_999] : memref<4096xf32, #tpu.memory_space<vmem>>[vector<16xi32>], vector<16xf32>,
      %min3A_1001 = arith.minimumf %gather3A_1000, %gather3A_996 : vector<16xf32>
      tpu.vector_store_idx %arg13[%add3A_999], %min3A_1001 : memref<4096xf32, #tpu.memory_space<vmem>>[vector<16xi32>], vector<16xf32>,
      %add3A_1002 = arith.constant 3 : i32
      %add3A_1003 = vector.broadcast %add3A_1002 : i32 to vector<16xi32>
      %add3A_1004 = arith.addi %add3A_975, %add3A_1003 : vector<16xi32>
      %gather3A_1005 = tpu.vector_load_idx %arg12[%add3A_1004] : memref<8000xf32, #tpu.memory_space<vmem>>[vector<16xi32>], vector<16xf32>,
      %add3A_1006 = arith.constant 3 : i32
      %add3A_1007 = vector.broadcast %add3A_1006 : i32 to vector<16xi32>
      %add3A_1008 = arith.addi %add3A_968, %add3A_1007 : vector<16xi32>
      %gather3A_1009 = tpu.vector_load_idx %arg13[%add3A_1008] : memref<4096xf32, #tpu.memory_space<vmem>>[vector<16xi32>], vector<16xf32>,
      %min3A_1010 = arith.minimumf %gather3A_1009, %gather3A_1005 : vector<16xf32>
      tpu.vector_store_idx %arg13[%add3A_1008], %min3A_1010 : memref<4096xf32, #tpu.memory_space<vmem>>[vector<16xi32>], vector<16xf32>,
      %scan3A_1011 = arith.constant 0 : i32
      scf.yield %scan3A_1011 : i32
    }
    %scan3A_91 = arith.constant 125 : i32
    "tpu.region"() ({
      %run_scoped3A = tpu.sem_alloc : memref<!tpu.dma_semaphore, #tpu.memory_space<semaphore_mem>>
      %dma_start3A_956 = tpu.memref_slice %arg5[%add3A_84] : memref<320000xi32, #tpu.memory_space<hbm>> -> memref<2000xi32, #tpu.memory_space<hbm>>
      %dma_start3A_957 = tpu.memref_slice %arg5[%add3A_84] : memref<320000xi32, #tpu.memory_space<hbm>> -> memref<2000xi32, #tpu.memory_space<hbm>>
      tpu.enqueue_dma source(%arg11 : memref<2000xi32, #tpu.memory_space<vmem>>) target(%dma_start3A_957 : memref<2000xi32, #tpu.memory_space<hbm>>) target_semaphore(%run_scoped3A : memref<!tpu.dma_semaphore, #tpu.memory_space<semaphore_mem>>)
      %dma_wait3A_958 = tpu.memref_slice %arg5[%add3A_84] : memref<320000xi32, #tpu.memory_space<hbm>> -> memref<2000xi32, #tpu.memory_space<hbm>>
      %dma_wait3A_959 = tpu.memref_slice %arg5[%add3A_84] : memref<320000xi32, #tpu.memory_space<hbm>> -> memref<2000xi32, #tpu.memory_space<hbm>>
      tpu.wait_dma2 semaphore(%run_scoped3A : memref<!tpu.dma_semaphore, #tpu.memory_space<semaphore_mem>>) src(%arg11 : memref<2000xi32, #tpu.memory_space<vmem>>) dst(%dma_wait3A_959 : memref<2000xi32, #tpu.memory_space<hbm>>)
      tpu.yield
    }) : () -> ()
    %mul3A_92 = arith.constant 10000 : i32
    %mul3A_93 = arith.muli %add3A, %mul3A_92 : i32
    %add3A_94 = arith.constant 6000 : i32
    %add3A_95 = arith.addi %mul3A_93, %add3A_94 : i32
    %dma_start3A_96 = tpu.memref_slice %arg2[%add3A_95] : memref<320000xi32, #tpu.memory_space<hbm>> -> memref<2000xi32, #tpu.memory_space<hbm>>
    %dma_start3A_97 = tpu.memref_slice %arg2[%add3A_95] : memref<320000xi32, #tpu.memory_space<hbm>> -> memref<2000xi32, #tpu.memory_space<hbm>>
    tpu.enqueue_dma source(%dma_start3A_97 : memref<2000xi32, #tpu.memory_space<hbm>>) target(%arg10 : memref<2000xi32, #tpu.memory_space<vmem>>) target_semaphore(%arg16 : memref<!tpu.dma_semaphore, #tpu.memory_space<semaphore_mem>>)
    %mul3A_98 = arith.constant 4 : i32
    %mul3A_99 = arith.muli %add3A_95, %mul3A_98 : i32
    %dma_start3A_100 = tpu.memref_slice %arg3[%mul3A_99] : memref<1280000xf32, #tpu.memory_space<hbm>> -> memref<8000xf32, #tpu.memory_space<hbm>>
    %dma_start3A_101 = tpu.memref_slice %arg3[%mul3A_99] : memref<1280000xf32, #tpu.memory_space<hbm>> -> memref<8000xf32, #tpu.memory_space<hbm>>
    tpu.enqueue_dma source(%dma_start3A_101 : memref<8000xf32, #tpu.memory_space<hbm>>) target(%arg12 : memref<8000xf32, #tpu.memory_space<vmem>>) target_semaphore(%arg16 : memref<!tpu.dma_semaphore, #tpu.memory_space<semaphore_mem>>)
    %dma_wait3A_102 = arith.constant 0 : i32
    %dma_wait3A_103 = tpu.memref_slice %arg2[%dma_wait3A_102] : memref<320000xi32, #tpu.memory_space<hbm>> -> memref<2000xi32, #tpu.memory_space<hbm>>
    %dma_wait3A_104 = arith.constant 0 : i32
    %dma_wait3A_105 = tpu.memref_slice %arg2[%dma_wait3A_104] : memref<320000xi32, #tpu.memory_space<hbm>> -> memref<2000xi32, #tpu.memory_space<hbm>>
    tpu.wait_dma2 semaphore(%arg16 : memref<!tpu.dma_semaphore, #tpu.memory_space<semaphore_mem>>) src(%dma_wait3A_105 : memref<2000xi32, #tpu.memory_space<hbm>>) dst(%arg10 : memref<2000xi32, #tpu.memory_space<vmem>>)
    %dma_wait3A_106 = arith.constant 0 : i32
    %dma_wait3A_107 = tpu.memref_slice %arg3[%dma_wait3A_106] : memref<1280000xf32, #tpu.memory_space<hbm>> -> memref<8000xf32, #tpu.memory_space<hbm>>
    %dma_wait3A_108 = arith.constant 0 : i32
    %dma_wait3A_109 = tpu.memref_slice %arg3[%dma_wait3A_108] : memref<1280000xf32, #tpu.memory_space<hbm>> -> memref<8000xf32, #tpu.memory_space<hbm>>
    tpu.wait_dma2 semaphore(%arg16 : memref<!tpu.dma_semaphore, #tpu.memory_space<semaphore_mem>>) src(%dma_wait3A_109 : memref<8000xf32, #tpu.memory_space<hbm>>) dst(%arg12 : memref<8000xf32, #tpu.memory_space<vmem>>)
    %dma_start3A_110 = arith.constant 0 : i32
    %dma_start3A_111 = tpu.memref_slice %arg4[%dma_start3A_110] : memref<10000xi32, #tpu.memory_space<hbm>> -> memref<10000xi32, #tpu.memory_space<hbm>>
    tpu.enqueue_indirect_dma source(%dma_start3A_111 : memref<10000xi32, #tpu.memory_space<hbm>>) target(%arg11 : memref<2000xi32, #tpu.memory_space<vmem>>) offsets(%arg10 : memref<2000xi32, #tpu.memory_space<vmem>>) semaphore(%arg18 : memref<!tpu.dma_semaphore, #tpu.memory_space<semaphore_mem>>)
    %dma_wait3A_112 = arith.constant 0 : i32
    %dma_wait3A_113 = tpu.memref_slice %arg4[%dma_wait3A_112] : memref<10000xi32, #tpu.memory_space<hbm>> -> memref<10000xi32, #tpu.memory_space<hbm>>
    tpu.wait_indirect_dma semaphore(%arg17 : memref<!tpu.dma_semaphore, #tpu.memory_space<semaphore_mem>>) src(%dma_wait3A_113 : memref<10000xi32, #tpu.memory_space<hbm>>) dst(%arg8 : memref<2000xi32, #tpu.memory_space<vmem>>)
    %mul3A_114 = arith.constant 10000 : i32
    %mul3A_115 = arith.muli %add3A, %mul3A_114 : i32
    %add3A_116 = arith.constant 4000 : i32
    %add3A_117 = arith.addi %mul3A_115, %add3A_116 : i32
    %scan3A_118 = arith.constant 0 : i32
    %scan3A_119 = arith.constant 0 : i32
    %scan3A_120 = arith.constant 125 : i32
    %scan3A_121 = arith.addi %scan3A_119, %scan3A_120 : i32
    %scan3A_122 = arith.constant 1 : i32
    %scan3A_123 = scf.for %scan3A_956 = %scan3A_119 to %scan3A_121 step %scan3A_122 iter_args(%scan3A_957 = %scan3A_118) -> (i32)  : i32 {
      %mul3A_958 = arith.constant 16 : i32
      %mul3A_959 = arith.muli %scan3A_956, %mul3A_958 : i32
      %get3A_960 = arith.index_cast %mul3A_959 : i32 to index
      %get3A_961 = tpu.vector_load %arg8[%get3A_960] {strides = array<i32>} : memref<2000xi32, #tpu.memory_space<vmem>>, vector<16xi32>,
      %mul3A_962 = arith.constant 256 : i32
      %mul3A_963 = vector.broadcast %mul3A_962 : i32 to vector<16xi32>
      %mul3A_964 = arith.muli %iota3A, %mul3A_963 : vector<16xi32>
      %mul3A_965 = arith.constant 4 : i32
      %mul3A_966 = vector.broadcast %mul3A_965 : i32 to vector<16xi32>
      %mul3A_967 = arith.muli %get3A_961, %mul3A_966 : vector<16xi32>
      %add3A_968 = arith.addi %mul3A_964, %mul3A_967 : vector<16xi32>
      %mul3A_969 = arith.constant 4 : i32
      %mul3A_970 = vector.broadcast %mul3A_969 : i32 to vector<16xi32>
      %mul3A_971 = arith.muli %iota3A, %mul3A_970 : vector<16xi32>
      %mul3A_972 = arith.constant 64 : i32
      %mul3A_973 = arith.muli %scan3A_956, %mul3A_972 : i32
      %add3A_974 = vector.broadcast %mul3A_973 : i32 to vector<16xi32>
      %add3A_975 = arith.addi %mul3A_971, %add3A_974 : vector<16xi32>
      %add3A_976 = arith.constant 0 : i32
      %add3A_977 = vector.broadcast %add3A_976 : i32 to vector<16xi32>
      %add3A_978 = arith.addi %add3A_975, %add3A_977 : vector<16xi32>
      %gather3A = tpu.vector_load_idx %arg9[%add3A_978] : memref<8000xf32, #tpu.memory_space<vmem>>[vector<16xi32>], vector<16xf32>,
      %add3A_979 = arith.constant 0 : i32
      %add3A_980 = vector.broadcast %add3A_979 : i32 to vector<16xi32>
      %add3A_981 = arith.addi %add3A_968, %add3A_980 : vector<16xi32>
      %gather3A_982 = tpu.vector_load_idx %arg13[%add3A_981] : memref<4096xf32, #tpu.memory_space<vmem>>[vector<16xi32>], vector<16xf32>,
      %min3A_983 = arith.minimumf %gather3A_982, %gather3A : vector<16xf32>
      tpu.vector_store_idx %arg13[%add3A_981], %min3A_983 : memref<4096xf32, #tpu.memory_space<vmem>>[vector<16xi32>], vector<16xf32>,
      %add3A_984 = arith.constant 1 : i32
      %add3A_985 = vector.broadcast %add3A_984 : i32 to vector<16xi32>
      %add3A_986 = arith.addi %add3A_975, %add3A_985 : vector<16xi32>
      %gather3A_987 = tpu.vector_load_idx %arg9[%add3A_986] : memref<8000xf32, #tpu.memory_space<vmem>>[vector<16xi32>], vector<16xf32>,
      %add3A_988 = arith.constant 1 : i32
      %add3A_989 = vector.broadcast %add3A_988 : i32 to vector<16xi32>
      %add3A_990 = arith.addi %add3A_968, %add3A_989 : vector<16xi32>
      %gather3A_991 = tpu.vector_load_idx %arg13[%add3A_990] : memref<4096xf32, #tpu.memory_space<vmem>>[vector<16xi32>], vector<16xf32>,
      %min3A_992 = arith.minimumf %gather3A_991, %gather3A_987 : vector<16xf32>
      tpu.vector_store_idx %arg13[%add3A_990], %min3A_992 : memref<4096xf32, #tpu.memory_space<vmem>>[vector<16xi32>], vector<16xf32>,
      %add3A_993 = arith.constant 2 : i32
      %add3A_994 = vector.broadcast %add3A_993 : i32 to vector<16xi32>
      %add3A_995 = arith.addi %add3A_975, %add3A_994 : vector<16xi32>
      %gather3A_996 = tpu.vector_load_idx %arg9[%add3A_995] : memref<8000xf32, #tpu.memory_space<vmem>>[vector<16xi32>], vector<16xf32>,
      %add3A_997 = arith.constant 2 : i32
      %add3A_998 = vector.broadcast %add3A_997 : i32 to vector<16xi32>
      %add3A_999 = arith.addi %add3A_968, %add3A_998 : vector<16xi32>
      %gather3A_1000 = tpu.vector_load_idx %arg13[%add3A_999] : memref<4096xf32, #tpu.memory_space<vmem>>[vector<16xi32>], vector<16xf32>,
      %min3A_1001 = arith.minimumf %gather3A_1000, %gather3A_996 : vector<16xf32>
      tpu.vector_store_idx %arg13[%add3A_999], %min3A_1001 : memref<4096xf32, #tpu.memory_space<vmem>>[vector<16xi32>], vector<16xf32>,
      %add3A_1002 = arith.constant 3 : i32
      %add3A_1003 = vector.broadcast %add3A_1002 : i32 to vector<16xi32>
      %add3A_1004 = arith.addi %add3A_975, %add3A_1003 : vector<16xi32>
      %gather3A_1005 = tpu.vector_load_idx %arg9[%add3A_1004] : memref<8000xf32, #tpu.memory_space<vmem>>[vector<16xi32>], vector<16xf32>,
      %add3A_1006 = arith.constant 3 : i32
      %add3A_1007 = vector.broadcast %add3A_1006 : i32 to vector<16xi32>
      %add3A_1008 = arith.addi %add3A_968, %add3A_1007 : vector<16xi32>
      %gather3A_1009 = tpu.vector_load_idx %arg13[%add3A_1008] : memref<4096xf32, #tpu.memory_space<vmem>>[vector<16xi32>], vector<16xf32>,
      %min3A_1010 = arith.minimumf %gather3A_1009, %gather3A_1005 : vector<16xf32>
      tpu.vector_store_idx %arg13[%add3A_1008], %min3A_1010 : memref<4096xf32, #tpu.memory_space<vmem>>[vector<16xi32>], vector<16xf32>,
      %scan3A_1011 = arith.constant 0 : i32
      scf.yield %scan3A_1011 : i32
    }
    %scan3A_124 = arith.constant 125 : i32
    "tpu.region"() ({
      %run_scoped3A = tpu.sem_alloc : memref<!tpu.dma_semaphore, #tpu.memory_space<semaphore_mem>>
      %dma_start3A_956 = tpu.memref_slice %arg5[%add3A_117] : memref<320000xi32, #tpu.memory_space<hbm>> -> memref<2000xi32, #tpu.memory_space<hbm>>
      %dma_start3A_957 = tpu.memref_slice %arg5[%add3A_117] : memref<320000xi32, #tpu.memory_space<hbm>> -> memref<2000xi32, #tpu.memory_space<hbm>>
      tpu.enqueue_dma source(%arg8 : memref<2000xi32, #tpu.memory_space<vmem>>) target(%dma_start3A_957 : memref<2000xi32, #tpu.memory_space<hbm>>) target_semaphore(%run_scoped3A : memref<!tpu.dma_semaphore, #tpu.memory_space<semaphore_mem>>)
      %dma_wait3A_958 = tpu.memref_slice %arg5[%add3A_117] : memref<320000xi32, #tpu.memory_space<hbm>> -> memref<2000xi32, #tpu.memory_space<hbm>>
      %dma_wait3A_959 = tpu.memref_slice %arg5[%add3A_117] : memref<320000xi32, #tpu.memory_space<hbm>> -> memref<2000xi32, #tpu.memory_space<hbm>>
      tpu.wait_dma2 semaphore(%run_scoped3A : memref<!tpu.dma_semaphore, #tpu.memory_space<semaphore_mem>>) src(%arg8 : memref<2000xi32, #tpu.memory_space<vmem>>) dst(%dma_wait3A_959 : memref<2000xi32, #tpu.memory_space<hbm>>)
      tpu.yield
    }) : () -> ()
    %mul3A_125 = arith.constant 10000 : i32
    %mul3A_126 = arith.muli %add3A, %mul3A_125 : i32
    %add3A_127 = arith.constant 8000 : i32
    %add3A_128 = arith.addi %mul3A_126, %add3A_127 : i32
    %dma_start3A_129 = tpu.memref_slice %arg2[%add3A_128] : memref<320000xi32, #tpu.memory_space<hbm>> -> memref<2000xi32, #tpu.memory_space<hbm>>
    %dma_start3A_130 = tpu.memref_slice %arg2[%add3A_128] : memref<320000xi32, #tpu.memory_space<hbm>> -> memref<2000xi32, #tpu.memory_space<hbm>>
    tpu.enqueue_dma source(%dma_start3A_130 : memref<2000xi32, #tpu.memory_space<hbm>>) target(%arg7 : memref<2000xi32, #tpu.memory_space<vmem>>) target_semaphore(%arg15 : memref<!tpu.dma_semaphore, #tpu.memory_space<semaphore_mem>>)
    %mul3A_131 = arith.constant 4 : i32
    %mul3A_132 = arith.muli %add3A_128, %mul3A_131 : i32
    %dma_start3A_133 = tpu.memref_slice %arg3[%mul3A_132] : memref<1280000xf32, #tpu.memory_space<hbm>> -> memref<8000xf32, #tpu.memory_space<hbm>>
    %dma_start3A_134 = tpu.memref_slice %arg3[%mul3A_132] : memref<1280000xf32, #tpu.memory_space<hbm>> -> memref<8000xf32, #tpu.memory_space<hbm>>
    tpu.enqueue_dma source(%dma_start3A_134 : memref<8000xf32, #tpu.memory_space<hbm>>) target(%arg9 : memref<8000xf32, #tpu.memory_space<vmem>>) target_semaphore(%arg15 : memref<!tpu.dma_semaphore, #tpu.memory_space<semaphore_mem>>)
    %dma_wait3A_135 = arith.constant 0 : i32
    %dma_wait3A_136 = tpu.memref_slice %arg2[%dma_wait3A_135] : memref<320000xi32, #tpu.memory_space<hbm>> -> memref<2000xi32, #tpu.memory_space<hbm>>
    %dma_wait3A_137 = arith.constant 0 : i32
    %dma_wait3A_138 = tpu.memref_slice %arg2[%dma_wait3A_137] : memref<320000xi32, #tpu.memory_space<hbm>> -> memref<2000xi32, #tpu.memory_space<hbm>>
    tpu.wait_dma2 semaphore(%arg15 : memref<!tpu.dma_semaphore, #tpu.memory_space<semaphore_mem>>) src(%dma_wait3A_138 : memref<2000xi32, #tpu.memory_space<hbm>>) dst(%arg7 : memref<2000xi32, #tpu.memory_space<vmem>>)
    %dma_wait3A_139 = arith.constant 0 : i32
    %dma_wait3A_140 = tpu.memref_slice %arg3[%dma_wait3A_139] : memref<1280000xf32, #tpu.memory_space<hbm>> -> memref<8000xf32, #tpu.memory_space<hbm>>
    %dma_wait3A_141 = arith.constant 0 : i32
    %dma_wait3A_142 = tpu.memref_slice %arg3[%dma_wait3A_141] : memref<1280000xf32, #tpu.memory_space<hbm>> -> memref<8000xf32, #tpu.memory_space<hbm>>
    tpu.wait_dma2 semaphore(%arg15 : memref<!tpu.dma_semaphore, #tpu.memory_space<semaphore_mem>>) src(%dma_wait3A_142 : memref<8000xf32, #tpu.memory_space<hbm>>) dst(%arg9 : memref<8000xf32, #tpu.memory_space<vmem>>)
    %dma_start3A_143 = arith.constant 0 : i32
    %dma_start3A_144 = tpu.memref_slice %arg4[%dma_start3A_143] : memref<10000xi32, #tpu.memory_space<hbm>> -> memref<10000xi32, #tpu.memory_space<hbm>>
    tpu.enqueue_indirect_dma source(%dma_start3A_144 : memref<10000xi32, #tpu.memory_space<hbm>>) target(%arg8 : memref<2000xi32, #tpu.memory_space<vmem>>) offsets(%arg7 : memref<2000xi32, #tpu.memory_space<vmem>>) semaphore(%arg17 : memref<!tpu.dma_semaphore, #tpu.memory_space<semaphore_mem>>)
    %dma_wait3A_145 = arith.constant 0 : i32
    %dma_wait3A_146 = tpu.memref_slice %arg4[%dma_wait3A_145] : memref<10000xi32, #tpu.memory_space<hbm>> -> memref<10000xi32, #tpu.memory_space<hbm>>
    tpu.wait_indirect_dma semaphore(%arg18 : memref<!tpu.dma_semaphore, #tpu.memory_space<semaphore_mem>>) src(%dma_wait3A_146 : memref<10000xi32, #tpu.memory_space<hbm>>) dst(%arg11 : memref<2000xi32, #tpu.memory_space<vmem>>)
    %mul3A_147 = arith.constant 10000 : i32
    %mul3A_148 = arith.muli %add3A, %mul3A_147 : i32
    %add3A_149 = arith.constant 6000 : i32
    %add3A_150 = arith.addi %mul3A_148, %add3A_149 : i32
    %scan3A_151 = arith.constant 0 : i32
    %scan3A_152 = arith.constant 0 : i32
    %scan3A_153 = arith.constant 125 : i32
    %scan3A_154 = arith.addi %scan3A_152, %scan3A_153 : i32
    %scan3A_155 = arith.constant 1 : i32
    %scan3A_156 = scf.for %scan3A_956 = %scan3A_152 to %scan3A_154 step %scan3A_155 iter_args(%scan3A_957 = %scan3A_151) -> (i32)  : i32 {
      %mul3A_958 = arith.constant 16 : i32
      %mul3A_959 = arith.muli %scan3A_956, %mul3A_958 : i32
      %get3A_960 = arith.index_cast %mul3A_959 : i32 to index
      %get3A_961 = tpu.vector_load %arg11[%get3A_960] {strides = array<i32>} : memref<2000xi32, #tpu.memory_space<vmem>>, vector<16xi32>,
      %mul3A_962 = arith.constant 256 : i32
      %mul3A_963 = vector.broadcast %mul3A_962 : i32 to vector<16xi32>
      %mul3A_964 = arith.muli %iota3A, %mul3A_963 : vector<16xi32>
      %mul3A_965 = arith.constant 4 : i32
      %mul3A_966 = vector.broadcast %mul3A_965 : i32 to vector<16xi32>
      %mul3A_967 = arith.muli %get3A_961, %mul3A_966 : vector<16xi32>
      %add3A_968 = arith.addi %mul3A_964, %mul3A_967 : vector<16xi32>
      %mul3A_969 = arith.constant 4 : i32
      %mul3A_970 = vector.broadcast %mul3A_969 : i32 to vector<16xi32>
      %mul3A_971 = arith.muli %iota3A, %mul3A_970 : vector<16xi32>
      %mul3A_972 = arith.constant 64 : i32
      %mul3A_973 = arith.muli %scan3A_956, %mul3A_972 : i32
      %add3A_974 = vector.broadcast %mul3A_973 : i32 to vector<16xi32>
      %add3A_975 = arith.addi %mul3A_971, %add3A_974 : vector<16xi32>
      %add3A_976 = arith.constant 0 : i32
      %add3A_977 = vector.broadcast %add3A_976 : i32 to vector<16xi32>
      %add3A_978 = arith.addi %add3A_975, %add3A_977 : vector<16xi32>
      %gather3A = tpu.vector_load_idx %arg12[%add3A_978] : memref<8000xf32, #tpu.memory_space<vmem>>[vector<16xi32>], vector<16xf32>,
      %add3A_979 = arith.constant 0 : i32
      %add3A_980 = vector.broadcast %add3A_979 : i32 to vector<16xi32>
      %add3A_981 = arith.addi %add3A_968, %add3A_980 : vector<16xi32>
      %gather3A_982 = tpu.vector_load_idx %arg13[%add3A_981] : memref<4096xf32, #tpu.memory_space<vmem>>[vector<16xi32>], vector<16xf32>,
      %min3A_983 = arith.minimumf %gather3A_982, %gather3A : vector<16xf32>
      tpu.vector_store_idx %arg13[%add3A_981], %min3A_983 : memref<4096xf32, #tpu.memory_space<vmem>>[vector<16xi32>], vector<16xf32>,
      %add3A_984 = arith.constant 1 : i32
      %add3A_985 = vector.broadcast %add3A_984 : i32 to vector<16xi32>
      %add3A_986 = arith.addi %add3A_975, %add3A_985 : vector<16xi32>
      %gather3A_987 = tpu.vector_load_idx %arg12[%add3A_986] : memref<8000xf32, #tpu.memory_space<vmem>>[vector<16xi32>], vector<16xf32>,
      %add3A_988 = arith.constant 1 : i32
      %add3A_989 = vector.broadcast %add3A_988 : i32 to vector<16xi32>
      %add3A_990 = arith.addi %add3A_968, %add3A_989 : vector<16xi32>
      %gather3A_991 = tpu.vector_load_idx %arg13[%add3A_990] : memref<4096xf32, #tpu.memory_space<vmem>>[vector<16xi32>], vector<16xf32>,
      %min3A_992 = arith.minimumf %gather3A_991, %gather3A_987 : vector<16xf32>
      tpu.vector_store_idx %arg13[%add3A_990], %min3A_992 : memref<4096xf32, #tpu.memory_space<vmem>>[vector<16xi32>], vector<16xf32>,
      %add3A_993 = arith.constant 2 : i32
      %add3A_994 = vector.broadcast %add3A_993 : i32 to vector<16xi32>
      %add3A_995 = arith.addi %add3A_975, %add3A_994 : vector<16xi32>
      %gather3A_996 = tpu.vector_load_idx %arg12[%add3A_995] : memref<8000xf32, #tpu.memory_space<vmem>>[vector<16xi32>], vector<16xf32>,
      %add3A_997 = arith.constant 2 : i32
      %add3A_998 = vector.broadcast %add3A_997 : i32 to vector<16xi32>
      %add3A_999 = arith.addi %add3A_968, %add3A_998 : vector<16xi32>
      %gather3A_1000 = tpu.vector_load_idx %arg13[%add3A_999] : memref<4096xf32, #tpu.memory_space<vmem>>[vector<16xi32>], vector<16xf32>,
      %min3A_1001 = arith.minimumf %gather3A_1000, %gather3A_996 : vector<16xf32>
      tpu.vector_store_idx %arg13[%add3A_999], %min3A_1001 : memref<4096xf32, #tpu.memory_space<vmem>>[vector<16xi32>], vector<16xf32>,
      %add3A_1002 = arith.constant 3 : i32
      %add3A_1003 = vector.broadcast %add3A_1002 : i32 to vector<16xi32>
      %add3A_1004 = arith.addi %add3A_975, %add3A_1003 : vector<16xi32>
      %gather3A_1005 = tpu.vector_load_idx %arg12[%add3A_1004] : memref<8000xf32, #tpu.memory_space<vmem>>[vector<16xi32>], vector<16xf32>,
      %add3A_1006 = arith.constant 3 : i32
      %add3A_1007 = vector.broadcast %add3A_1006 : i32 to vector<16xi32>
      %add3A_1008 = arith.addi %add3A_968, %add3A_1007 : vector<16xi32>
      %gather3A_1009 = tpu.vector_load_idx %arg13[%add3A_1008] : memref<4096xf32, #tpu.memory_space<vmem>>[vector<16xi32>], vector<16xf32>,
      %min3A_1010 = arith.minimumf %gather3A_1009, %gather3A_1005 : vector<16xf32>
      tpu.vector_store_idx %arg13[%add3A_1008], %min3A_1010 : memref<4096xf32, #tpu.memory_space<vmem>>[vector<16xi32>], vector<16xf32>,
      %scan3A_1011 = arith.constant 0 : i32
      scf.yield %scan3A_1011 : i32
    }
    %scan3A_157 = arith.constant 125 : i32
    "tpu.region"() ({
      %run_scoped3A = tpu.sem_alloc : memref<!tpu.dma_semaphore, #tpu.memory_space<semaphore_mem>>
      %dma_start3A_956 = tpu.memref_slice %arg5[%add3A_150] : memref<320000xi32, #tpu.memory_space<hbm>> -> memref<2000xi32, #tpu.memory_space<hbm>>
      %dma_start3A_957 = tpu.memref_slice %arg5[%add3A_150] : memref<320000xi32, #tpu.memory_space<hbm>> -> memref<2000xi32, #tpu.memory_space<hbm>>
      tpu.enqueue_dma source(%arg11 : memref<2000xi32, #tpu.memory_space<vmem>>) target(%dma_start3A_957 : memref<2000xi32, #tpu.memory_space<hbm>>) target_semaphore(%run_scoped3A : memref<!tpu.dma_semaphore, #tpu.memory_space<semaphore_mem>>)
      %dma_wait3A_958 = tpu.memref_slice %arg5[%add3A_150] : memref<320000xi32, #tpu.memory_space<hbm>> -> memref<2000xi32, #tpu.memory_space<hbm>>
      %dma_wait3A_959 = tpu.memref_slice %arg5[%add3A_150] : memref<320000xi32, #tpu.memory_space<hbm>> -> memref<2000xi32, #tpu.memory_space<hbm>>
      tpu.wait_dma2 semaphore(%run_scoped3A : memref<!tpu.dma_semaphore, #tpu.memory_space<semaphore_mem>>) src(%arg11 : memref<2000xi32, #tpu.memory_space<vmem>>) dst(%dma_wait3A_959 : memref<2000xi32, #tpu.memory_space<hbm>>)
      tpu.yield
    }) : () -> ()
    %dma_wait3A_158 = arith.constant 0 : i32
    %dma_wait3A_159 = tpu.memref_slice %arg4[%dma_wait3A_158] : memref<10000xi32, #tpu.memory_space<hbm>> -> memref<10000xi32, #tpu.memory_space<hbm>>
    tpu.wait_indirect_dma semaphore(%arg17 : memref<!tpu.dma_semaphore, #tpu.memory_space<semaphore_mem>>) src(%dma_wait3A_159 : memref<10000xi32, #tpu.memory_space<hbm>>) dst(%arg8 : memref<2000xi32, #tpu.memory_space<vmem>>)
    %mul3A_160 = arith.constant 10000 : i32
    %mul3A_161 = arith.muli %add3A, %mul3A_160 : i32
    %add3A_162 = arith.constant 8000 : i32
    %add3A_163 = arith.addi %mul3A_161, %add3A_162 : i32
    %scan3A_164 = arith.constant 0 : i32
    %scan3A_165 = arith.constant 0 : i32
    %scan3A_166 = arith.constant 125 : i32
    %scan3A_167 = arith.addi %scan3A_165, %scan3A_166 : i32
    %scan3A_168 = arith.constant 1 : i32
    %scan3A_169 = scf.for %scan3A_956 = %scan3A_165 to %scan3A_167 step %scan3A_168 iter_args(%scan3A_957 = %scan3A_164) -> (i32)  : i32 {
      %mul3A_958 = arith.constant 16 : i32
      %mul3A_959 = arith.muli %scan3A_956, %mul3A_958 : i32
      %get3A_960 = arith.index_cast %mul3A_959 : i32 to index
      %get3A_961 = tpu.vector_load %arg8[%get3A_960] {strides = array<i32>} : memref<2000xi32, #tpu.memory_space<vmem>>, vector<16xi32>,
      %mul3A_962 = arith.constant 256 : i32
      %mul3A_963 = vector.broadcast %mul3A_962 : i32 to vector<16xi32>
      %mul3A_964 = arith.muli %iota3A, %mul3A_963 : vector<16xi32>
      %mul3A_965 = arith.constant 4 : i32
      %mul3A_966 = vector.broadcast %mul3A_965 : i32 to vector<16xi32>
      %mul3A_967 = arith.muli %get3A_961, %mul3A_966 : vector<16xi32>
      %add3A_968 = arith.addi %mul3A_964, %mul3A_967 : vector<16xi32>
      %mul3A_969 = arith.constant 4 : i32
      %mul3A_970 = vector.broadcast %mul3A_969 : i32 to vector<16xi32>
      %mul3A_971 = arith.muli %iota3A, %mul3A_970 : vector<16xi32>
      %mul3A_972 = arith.constant 64 : i32
      %mul3A_973 = arith.muli %scan3A_956, %mul3A_972 : i32
      %add3A_974 = vector.broadcast %mul3A_973 : i32 to vector<16xi32>
      %add3A_975 = arith.addi %mul3A_971, %add3A_974 : vector<16xi32>
      %add3A_976 = arith.constant 0 : i32
      %add3A_977 = vector.broadcast %add3A_976 : i32 to vector<16xi32>
      %add3A_978 = arith.addi %add3A_975, %add3A_977 : vector<16xi32>
      %gather3A = tpu.vector_load_idx %arg9[%add3A_978] : memref<8000xf32, #tpu.memory_space<vmem>>[vector<16xi32>], vector<16xf32>,
      %add3A_979 = arith.constant 0 : i32
      %add3A_980 = vector.broadcast %add3A_979 : i32 to vector<16xi32>
      %add3A_981 = arith.addi %add3A_968, %add3A_980 : vector<16xi32>
      %gather3A_982 = tpu.vector_load_idx %arg13[%add3A_981] : memref<4096xf32, #tpu.memory_space<vmem>>[vector<16xi32>], vector<16xf32>,
      %min3A_983 = arith.minimumf %gather3A_982, %gather3A : vector<16xf32>
      tpu.vector_store_idx %arg13[%add3A_981], %min3A_983 : memref<4096xf32, #tpu.memory_space<vmem>>[vector<16xi32>], vector<16xf32>,
      %add3A_984 = arith.constant 1 : i32
      %add3A_985 = vector.broadcast %add3A_984 : i32 to vector<16xi32>
      %add3A_986 = arith.addi %add3A_975, %add3A_985 : vector<16xi32>
      %gather3A_987 = tpu.vector_load_idx %arg9[%add3A_986] : memref<8000xf32, #tpu.memory_space<vmem>>[vector<16xi32>], vector<16xf32>,
      %add3A_988 = arith.constant 1 : i32
      %add3A_989 = vector.broadcast %add3A_988 : i32 to vector<16xi32>
      %add3A_990 = arith.addi %add3A_968, %add3A_989 : vector<16xi32>
      %gather3A_991 = tpu.vector_load_idx %arg13[%add3A_990] : memref<4096xf32, #tpu.memory_space<vmem>>[vector<16xi32>], vector<16xf32>,
      %min3A_992 = arith.minimumf %gather3A_991, %gather3A_987 : vector<16xf32>
      tpu.vector_store_idx %arg13[%add3A_990], %min3A_992 : memref<4096xf32, #tpu.memory_space<vmem>>[vector<16xi32>], vector<16xf32>,
      %add3A_993 = arith.constant 2 : i32
      %add3A_994 = vector.broadcast %add3A_993 : i32 to vector<16xi32>
      %add3A_995 = arith.addi %add3A_975, %add3A_994 : vector<16xi32>
      %gather3A_996 = tpu.vector_load_idx %arg9[%add3A_995] : memref<8000xf32, #tpu.memory_space<vmem>>[vector<16xi32>], vector<16xf32>,
      %add3A_997 = arith.constant 2 : i32
      %add3A_998 = vector.broadcast %add3A_997 : i32 to vector<16xi32>
      %add3A_999 = arith.addi %add3A_968, %add3A_998 : vector<16xi32>
      %gather3A_1000 = tpu.vector_load_idx %arg13[%add3A_999] : memref<4096xf32, #tpu.memory_space<vmem>>[vector<16xi32>], vector<16xf32>,
      %min3A_1001 = arith.minimumf %gather3A_1000, %gather3A_996 : vector<16xf32>
      tpu.vector_store_idx %arg13[%add3A_999], %min3A_1001 : memref<4096xf32, #tpu.memory_space<vmem>>[vector<16xi32>], vector<16xf32>,
      %add3A_1002 = arith.constant 3 : i32
      %add3A_1003 = vector.broadcast %add3A_1002 : i32 to vector<16xi32>
      %add3A_1004 = arith.addi %add3A_975, %add3A_1003 : vector<16xi32>
      %gather3A_1005 = tpu.vector_load_idx %arg9[%add3A_1004] : memref<8000xf32, #tpu.memory_space<vmem>>[vector<16xi32>], vector<16xf32>,
      %add3A_1006 = arith.constant 3 : i32
      %add3A_1007 = vector.broadcast %add3A_1006 : i32 to vector<16xi32>
      %add3A_1008 = arith.addi %add3A_968, %add3A_1007 : vector<16xi32>
      %gather3A_1009 = tpu.vector_load_idx %arg13[%add3A_1008] : memref<4096xf32, #tpu.memory_space<vmem>>[vector<16xi32>], vector<16xf32>,
      %min3A_1010 = arith.minimumf %gather3A_1009, %gather3A_1005 : vector<16xf32>
      tpu.vector_store_idx %arg13[%add3A_1008], %min3A_1010 : memref<4096xf32, #tpu.memory_space<vmem>>[vector<16xi32>], vector<16xf32>,
      %scan3A_1011 = arith.constant 0 : i32
      scf.yield %scan3A_1011 : i32
    }
    %scan3A_170 = arith.constant 125 : i32
    "tpu.region"() ({
      %run_scoped3A = tpu.sem_alloc : memref<!tpu.dma_semaphore, #tpu.memory_space<semaphore_mem>>
      %dma_start3A_956 = tpu.memref_slice %arg5[%add3A_163] : memref<320000xi32, #tpu.memory_space<hbm>> -> memref<2000xi32, #tpu.memory_space<hbm>>
      %dma_start3A_957 = tpu.memref_slice %arg5[%add3A_163] : memref<320000xi32, #tpu.memory_space<hbm>> -> memref<2000xi32, #tpu.memory_space<hbm>>
      tpu.enqueue_dma source(%arg8 : memref<2000xi32, #tpu.memory_space<vmem>>) target(%dma_start3A_957 : memref<2000xi32, #tpu.memory_space<hbm>>) target_semaphore(%run_scoped3A : memref<!tpu.dma_semaphore, #tpu.memory_space<semaphore_mem>>)
      %dma_wait3A_958 = tpu.memref_slice %arg5[%add3A_163] : memref<320000xi32, #tpu.memory_space<hbm>> -> memref<2000xi32, #tpu.memory_space<hbm>>
      %dma_wait3A_959 = tpu.memref_slice %arg5[%add3A_163] : memref<320000xi32, #tpu.memory_space<hbm>> -> memref<2000xi32, #tpu.memory_space<hbm>>
      tpu.wait_dma2 semaphore(%run_scoped3A : memref<!tpu.dma_semaphore, #tpu.memory_space<semaphore_mem>>) src(%arg8 : memref<2000xi32, #tpu.memory_space<vmem>>) dst(%dma_wait3A_959 : memref<2000xi32, #tpu.memory_space<hbm>>)
      tpu.yield
    }) : () -> ()
    %get3A = arith.constant 0 : index
    %get3A_171 = tpu.vector_load %arg13[%get3A] {strides = array<i32>} : memref<4096xf32, #tpu.memory_space<vmem>>, vector<16xf32>,
    %get3A_172 = arith.constant 256 : index
    %get3A_173 = tpu.vector_load %arg13[%get3A_172] {strides = array<i32>} : memref<4096xf32, #tpu.memory_space<vmem>>, vector<16xf32>,
    %min3A = arith.minimumf %get3A_171, %get3A_173 : vector<16xf32>
    %get3A_174 = arith.constant 512 : index
    %get3A_175 = tpu.vector_load %arg13[%get3A_174] {strides = array<i32>} : memref<4096xf32, #tpu.memory_space<vmem>>, vector<16xf32>,
    %min3A_176 = arith.minimumf %min3A, %get3A_175 : vector<16xf32>
    %get3A_177 = arith.constant 768 : index
    %get3A_178 = tpu.vector_load %arg13[%get3A_177] {strides = array<i32>} : memref<4096xf32, #tpu.memory_space<vmem>>, vector<16xf32>,
    %min3A_179 = arith.minimumf %min3A_176, %get3A_178 : vector<16xf32>
    %get3A_180 = arith.constant 1024 : index
    %get3A_181 = tpu.vector_load %arg13[%get3A_180] {strides = array<i32>} : memref<4096xf32, #tpu.memory_space<vmem>>, vector<16xf32>,
    %min3A_182 = arith.minimumf %min3A_179, %get3A_181 : vector<16xf32>
    %get3A_183 = arith.constant 1280 : index
    %get3A_184 = tpu.vector_load %arg13[%get3A_183] {strides = array<i32>} : memref<4096xf32, #tpu.memory_space<vmem>>, vector<16xf32>,
    %min3A_185 = arith.minimumf %min3A_182, %get3A_184 : vector<16xf32>
    %get3A_186 = arith.constant 1536 : index
    %get3A_187 = tpu.vector_load %arg13[%get3A_186] {strides = array<i32>} : memref<4096xf32, #tpu.memory_space<vmem>>, vector<16xf32>,
    %min3A_188 = arith.minimumf %min3A_185, %get3A_187 : vector<16xf32>
    %get3A_189 = arith.constant 1792 : index
    %get3A_190 = tpu.vector_load %arg13[%get3A_189] {strides = array<i32>} : memref<4096xf32, #tpu.memory_space<vmem>>, vector<16xf32>,
    %min3A_191 = arith.minimumf %min3A_188, %get3A_190 : vector<16xf32>
    %get3A_192 = arith.constant 2048 : index
    %get3A_193 = tpu.vector_load %arg13[%get3A_192] {strides = array<i32>} : memref<4096xf32, #tpu.memory_space<vmem>>, vector<16xf32>,
    %min3A_194 = arith.minimumf %min3A_191, %get3A_193 : vector<16xf32>
    %get3A_195 = arith.constant 2304 : index
    %get3A_196 = tpu.vector_load %arg13[%get3A_195] {strides = array<i32>} : memref<4096xf32, #tpu.memory_space<vmem>>, vector<16xf32>,
    %min3A_197 = arith.minimumf %min3A_194, %get3A_196 : vector<16xf32>
    %get3A_198 = arith.constant 2560 : index
    %get3A_199 = tpu.vector_load %arg13[%get3A_198] {strides = array<i32>} : memref<4096xf32, #tpu.memory_space<vmem>>, vector<16xf32>,
    %min3A_200 = arith.minimumf %min3A_197, %get3A_199 : vector<16xf32>
    %get3A_201 = arith.constant 2816 : index
    %get3A_202 = tpu.vector_load %arg13[%get3A_201] {strides = array<i32>} : memref<4096xf32, #tpu.memory_space<vmem>>, vector<16xf32>,
    %min3A_203 = arith.minimumf %min3A_200, %get3A_202 : vector<16xf32>
    %get3A_204 = arith.constant 3072 : index
    %get3A_205 = tpu.vector_load %arg13[%get3A_204] {strides = array<i32>} : memref<4096xf32, #tpu.memory_space<vmem>>, vector<16xf32>,
    %min3A_206 = arith.minimumf %min3A_203, %get3A_205 : vector<16xf32>
    %get3A_207 = arith.constant 3328 : index
    %get3A_208 = tpu.vector_load %arg13[%get3A_207] {strides = array<i32>} : memref<4096xf32, #tpu.memory_space<vmem>>, vector<16xf32>,
    %min3A_209 = arith.minimumf %min3A_206, %get3A_208 : vector<16xf32>
    %get3A_210 = arith.constant 3584 : index
    %get3A_211 = tpu.vector_load %arg13[%get3A_210] {strides = array<i32>} : memref<4096xf32, #tpu.memory_space<vmem>>, vector<16xf32>,
    %min3A_212 = arith.minimumf %min3A_209, %get3A_211 : vector<16xf32>
    %get3A_213 = arith.constant 3840 : index
    %get3A_214 = tpu.vector_load %arg13[%get3A_213] {strides = array<i32>} : memref<4096xf32, #tpu.memory_space<vmem>>, vector<16xf32>,
    %min3A_215 = arith.minimumf %min3A_212, %get3A_214 : vector<16xf32>
    %swap3A = arith.constant 0 : index
    %swap3A_216 = tpu.vector_load %arg14[%swap3A] {strides = array<i32>} : memref<256xf32, #tpu.memory_space<vmem>>, vector<16xf32>,
    tpu.vector_store %arg14[%swap3A], %min3A_215 {strides = array<i32>} : memref<256xf32, #tpu.memory_space<vmem>>, vector<16xf32>,
    %get3A_217 = arith.constant 16 : index
    %get3A_218 = tpu.vector_load %arg13[%get3A_217] {strides = array<i32>} : memref<4096xf32, #tpu.memory_space<vmem>>, vector<16xf32>,
    %get3A_219 = arith.constant 272 : index
    %get3A_220 = tpu.vector_load %arg13[%get3A_219] {strides = array<i32>} : memref<4096xf32, #tpu.memory_space<vmem>>, vector<16xf32>,
    %min3A_221 = arith.minimumf %get3A_218, %get3A_220 : vector<16xf32>
    %get3A_222 = arith.constant 528 : index
    %get3A_223 = tpu.vector_load %arg13[%get3A_222] {strides = array<i32>} : memref<4096xf32, #tpu.memory_space<vmem>>, vector<16xf32>,
    %min3A_224 = arith.minimumf %min3A_221, %get3A_223 : vector<16xf32>
    %get3A_225 = arith.constant 784 : index
    %get3A_226 = tpu.vector_load %arg13[%get3A_225] {strides = array<i32>} : memref<4096xf32, #tpu.memory_space<vmem>>, vector<16xf32>,
    %min3A_227 = arith.minimumf %min3A_224, %get3A_226 : vector<16xf32>
    %get3A_228 = arith.constant 1040 : index
    %get3A_229 = tpu.vector_load %arg13[%get3A_228] {strides = array<i32>} : memref<4096xf32, #tpu.memory_space<vmem>>, vector<16xf32>,
    %min3A_230 = arith.minimumf %min3A_227, %get3A_229 : vector<16xf32>
    %get3A_231 = arith.constant 1296 : index
    %get3A_232 = tpu.vector_load %arg13[%get3A_231] {strides = array<i32>} : memref<4096xf32, #tpu.memory_space<vmem>>, vector<16xf32>,
    %min3A_233 = arith.minimumf %min3A_230, %get3A_232 : vector<16xf32>
    %get3A_234 = arith.constant 1552 : index
    %get3A_235 = tpu.vector_load %arg13[%get3A_234] {strides = array<i32>} : memref<4096xf32, #tpu.memory_space<vmem>>, vector<16xf32>,
    %min3A_236 = arith.minimumf %min3A_233, %get3A_235 : vector<16xf32>
    %get3A_237 = arith.constant 1808 : index
    %get3A_238 = tpu.vector_load %arg13[%get3A_237] {strides = array<i32>} : memref<4096xf32, #tpu.memory_space<vmem>>, vector<16xf32>,
    %min3A_239 = arith.minimumf %min3A_236, %get3A_238 : vector<16xf32>
    %get3A_240 = arith.constant 2064 : index
    %get3A_241 = tpu.vector_load %arg13[%get3A_240] {strides = array<i32>} : memref<4096xf32, #tpu.memory_space<vmem>>, vector<16xf32>,
    %min3A_242 = arith.minimumf %min3A_239, %get3A_241 : vector<16xf32>
    %get3A_243 = arith.constant 2320 : index
    %get3A_244 = tpu.vector_load %arg13[%get3A_243] {strides = array<i32>} : memref<4096xf32, #tpu.memory_space<vmem>>, vector<16xf32>,
    %min3A_245 = arith.minimumf %min3A_242, %get3A_244 : vector<16xf32>
    %get3A_246 = arith.constant 2576 : index
    %get3A_247 = tpu.vector_load %arg13[%get3A_246] {strides = array<i32>} : memref<4096xf32, #tpu.memory_space<vmem>>, vector<16xf32>,
    %min3A_248 = arith.minimumf %min3A_245, %get3A_247 : vector<16xf32>
    %get3A_249 = arith.constant 2832 : index
    %get3A_250 = tpu.vector_load %arg13[%get3A_249] {strides = array<i32>} : memref<4096xf32, #tpu.memory_space<vmem>>, vector<16xf32>,
    %min3A_251 = arith.minimumf %min3A_248, %get3A_250 : vector<16xf32>
    %get3A_252 = arith.constant 3088 : index
    %get3A_253 = tpu.vector_load %arg13[%get3A_252] {strides = array<i32>} : memref<4096xf32, #tpu.memory_space<vmem>>, vector<16xf32>,
    %min3A_254 = arith.minimumf %min3A_251, %get3A_253 : vector<16xf32>
    %get3A_255 = arith.constant 3344 : index
    %get3A_256 = tpu.vector_load %arg13[%get3A_255] {strides = array<i32>} : memref<4096xf32, #tpu.memory_space<vmem>>, vector<16xf32>,
    %min3A_257 = arith.minimumf %min3A_254, %get3A_256 : vector<16xf32>
    %get3A_258 = arith.constant 3600 : index
    %get3A_259 = tpu.vector_load %arg13[%get3A_258] {strides = array<i32>} : memref<4096xf32, #tpu.memory_space<vmem>>, vector<16xf32>,
    %min3A_260 = arith.minimumf %min3A_257, %get3A_259 : vector<16xf32>
    %get3A_261 = arith.constant 3856 : index
    %get3A_262 = tpu.vector_load %arg13[%get3A_261] {strides = array<i32>} : memref<4096xf32, #tpu.memory_space<vmem>>, vector<16xf32>,
    %min3A_263 = arith.minimumf %min3A_260, %get3A_262 : vector<16xf32>
    %swap3A_264 = arith.constant 16 : index
    %swap3A_265 = tpu.vector_load %arg14[%swap3A_264] {strides = array<i32>} : memref<256xf32, #tpu.memory_space<vmem>>, vector<16xf32>,
    tpu.vector_store %arg14[%swap3A_264], %min3A_263 {strides = array<i32>} : memref<256xf32, #tpu.memory_space<vmem>>, vector<16xf32>,
    %get3A_266 = arith.constant 32 : index
    %get3A_267 = tpu.vector_load %arg13[%get3A_266] {strides = array<i32>} : memref<4096xf32, #tpu.memory_space<vmem>>, vector<16xf32>,
    %get3A_268 = arith.constant 288 : index
    %get3A_269 = tpu.vector_load %arg13[%get3A_268] {strides = array<i32>} : memref<4096xf32, #tpu.memory_space<vmem>>, vector<16xf32>,
    %min3A_270 = arith.minimumf %get3A_267, %get3A_269 : vector<16xf32>
    %get3A_271 = arith.constant 544 : index
    %get3A_272 = tpu.vector_load %arg13[%get3A_271] {strides = array<i32>} : memref<4096xf32, #tpu.memory_space<vmem>>, vector<16xf32>,
    %min3A_273 = arith.minimumf %min3A_270, %get3A_272 : vector<16xf32>
    %get3A_274 = arith.constant 800 : index
    %get3A_275 = tpu.vector_load %arg13[%get3A_274] {strides = array<i32>} : memref<4096xf32, #tpu.memory_space<vmem>>, vector<16xf32>,
    %min3A_276 = arith.minimumf %min3A_273, %get3A_275 : vector<16xf32>
    %get3A_277 = arith.constant 1056 : index
    %get3A_278 = tpu.vector_load %arg13[%get3A_277] {strides = array<i32>} : memref<4096xf32, #tpu.memory_space<vmem>>, vector<16xf32>,
    %min3A_279 = arith.minimumf %min3A_276, %get3A_278 : vector<16xf32>
    %get3A_280 = arith.constant 1312 : index
    %get3A_281 = tpu.vector_load %arg13[%get3A_280] {strides = array<i32>} : memref<4096xf32, #tpu.memory_space<vmem>>, vector<16xf32>,
    %min3A_282 = arith.minimumf %min3A_279, %get3A_281 : vector<16xf32>
    %get3A_283 = arith.constant 1568 : index
    %get3A_284 = tpu.vector_load %arg13[%get3A_283] {strides = array<i32>} : memref<4096xf32, #tpu.memory_space<vmem>>, vector<16xf32>,
    %min3A_285 = arith.minimumf %min3A_282, %get3A_284 : vector<16xf32>
    %get3A_286 = arith.constant 1824 : index
    %get3A_287 = tpu.vector_load %arg13[%get3A_286] {strides = array<i32>} : memref<4096xf32, #tpu.memory_space<vmem>>, vector<16xf32>,
    %min3A_288 = arith.minimumf %min3A_285, %get3A_287 : vector<16xf32>
    %get3A_289 = arith.constant 2080 : index
    %get3A_290 = tpu.vector_load %arg13[%get3A_289] {strides = array<i32>} : memref<4096xf32, #tpu.memory_space<vmem>>, vector<16xf32>,
    %min3A_291 = arith.minimumf %min3A_288, %get3A_290 : vector<16xf32>
    %get3A_292 = arith.constant 2336 : index
    %get3A_293 = tpu.vector_load %arg13[%get3A_292] {strides = array<i32>} : memref<4096xf32, #tpu.memory_space<vmem>>, vector<16xf32>,
    %min3A_294 = arith.minimumf %min3A_291, %get3A_293 : vector<16xf32>
    %get3A_295 = arith.constant 2592 : index
    %get3A_296 = tpu.vector_load %arg13[%get3A_295] {strides = array<i32>} : memref<4096xf32, #tpu.memory_space<vmem>>, vector<16xf32>,
    %min3A_297 = arith.minimumf %min3A_294, %get3A_296 : vector<16xf32>
    %get3A_298 = arith.constant 2848 : index
    %get3A_299 = tpu.vector_load %arg13[%get3A_298] {strides = array<i32>} : memref<4096xf32, #tpu.memory_space<vmem>>, vector<16xf32>,
    %min3A_300 = arith.minimumf %min3A_297, %get3A_299 : vector<16xf32>
    %get3A_301 = arith.constant 3104 : index
    %get3A_302 = tpu.vector_load %arg13[%get3A_301] {strides = array<i32>} : memref<4096xf32, #tpu.memory_space<vmem>>, vector<16xf32>,
    %min3A_303 = arith.minimumf %min3A_300, %get3A_302 : vector<16xf32>
    %get3A_304 = arith.constant 3360 : index
    %get3A_305 = tpu.vector_load %arg13[%get3A_304] {strides = array<i32>} : memref<4096xf32, #tpu.memory_space<vmem>>, vector<16xf32>,
    %min3A_306 = arith.minimumf %min3A_303, %get3A_305 : vector<16xf32>
    %get3A_307 = arith.constant 3616 : index
    %get3A_308 = tpu.vector_load %arg13[%get3A_307] {strides = array<i32>} : memref<4096xf32, #tpu.memory_space<vmem>>, vector<16xf32>,
    %min3A_309 = arith.minimumf %min3A_306, %get3A_308 : vector<16xf32>
    %get3A_310 = arith.constant 3872 : index
    %get3A_311 = tpu.vector_load %arg13[%get3A_310] {strides = array<i32>} : memref<4096xf32, #tpu.memory_space<vmem>>, vector<16xf32>,
    %min3A_312 = arith.minimumf %min3A_309, %get3A_311 : vector<16xf32>
    %swap3A_313 = arith.constant 32 : index
    %swap3A_314 = tpu.vector_load %arg14[%swap3A_313] {strides = array<i32>} : memref<256xf32, #tpu.memory_space<vmem>>, vector<16xf32>,
    tpu.vector_store %arg14[%swap3A_313], %min3A_312 {strides = array<i32>} : memref<256xf32, #tpu.memory_space<vmem>>, vector<16xf32>,
    %get3A_315 = arith.constant 48 : index
    %get3A_316 = tpu.vector_load %arg13[%get3A_315] {strides = array<i32>} : memref<4096xf32, #tpu.memory_space<vmem>>, vector<16xf32>,
    %get3A_317 = arith.constant 304 : index
    %get3A_318 = tpu.vector_load %arg13[%get3A_317] {strides = array<i32>} : memref<4096xf32, #tpu.memory_space<vmem>>, vector<16xf32>,
    %min3A_319 = arith.minimumf %get3A_316, %get3A_318 : vector<16xf32>
    %get3A_320 = arith.constant 560 : index
    %get3A_321 = tpu.vector_load %arg13[%get3A_320] {strides = array<i32>} : memref<4096xf32, #tpu.memory_space<vmem>>, vector<16xf32>,
    %min3A_322 = arith.minimumf %min3A_319, %get3A_321 : vector<16xf32>
    %get3A_323 = arith.constant 816 : index
    %get3A_324 = tpu.vector_load %arg13[%get3A_323] {strides = array<i32>} : memref<4096xf32, #tpu.memory_space<vmem>>, vector<16xf32>,
    %min3A_325 = arith.minimumf %min3A_322, %get3A_324 : vector<16xf32>
    %get3A_326 = arith.constant 1072 : index
    %get3A_327 = tpu.vector_load %arg13[%get3A_326] {strides = array<i32>} : memref<4096xf32, #tpu.memory_space<vmem>>, vector<16xf32>,
    %min3A_328 = arith.minimumf %min3A_325, %get3A_327 : vector<16xf32>
    %get3A_329 = arith.constant 1328 : index
    %get3A_330 = tpu.vector_load %arg13[%get3A_329] {strides = array<i32>} : memref<4096xf32, #tpu.memory_space<vmem>>, vector<16xf32>,
    %min3A_331 = arith.minimumf %min3A_328, %get3A_330 : vector<16xf32>
    %get3A_332 = arith.constant 1584 : index
    %get3A_333 = tpu.vector_load %arg13[%get3A_332] {strides = array<i32>} : memref<4096xf32, #tpu.memory_space<vmem>>, vector<16xf32>,
    %min3A_334 = arith.minimumf %min3A_331, %get3A_333 : vector<16xf32>
    %get3A_335 = arith.constant 1840 : index
    %get3A_336 = tpu.vector_load %arg13[%get3A_335] {strides = array<i32>} : memref<4096xf32, #tpu.memory_space<vmem>>, vector<16xf32>,
    %min3A_337 = arith.minimumf %min3A_334, %get3A_336 : vector<16xf32>
    %get3A_338 = arith.constant 2096 : index
    %get3A_339 = tpu.vector_load %arg13[%get3A_338] {strides = array<i32>} : memref<4096xf32, #tpu.memory_space<vmem>>, vector<16xf32>,
    %min3A_340 = arith.minimumf %min3A_337, %get3A_339 : vector<16xf32>
    %get3A_341 = arith.constant 2352 : index
    %get3A_342 = tpu.vector_load %arg13[%get3A_341] {strides = array<i32>} : memref<4096xf32, #tpu.memory_space<vmem>>, vector<16xf32>,
    %min3A_343 = arith.minimumf %min3A_340, %get3A_342 : vector<16xf32>
    %get3A_344 = arith.constant 2608 : index
    %get3A_345 = tpu.vector_load %arg13[%get3A_344] {strides = array<i32>} : memref<4096xf32, #tpu.memory_space<vmem>>, vector<16xf32>,
    %min3A_346 = arith.minimumf %min3A_343, %get3A_345 : vector<16xf32>
    %get3A_347 = arith.constant 2864 : index
    %get3A_348 = tpu.vector_load %arg13[%get3A_347] {strides = array<i32>} : memref<4096xf32, #tpu.memory_space<vmem>>, vector<16xf32>,
    %min3A_349 = arith.minimumf %min3A_346, %get3A_348 : vector<16xf32>
    %get3A_350 = arith.constant 3120 : index
    %get3A_351 = tpu.vector_load %arg13[%get3A_350] {strides = array<i32>} : memref<4096xf32, #tpu.memory_space<vmem>>, vector<16xf32>,
    %min3A_352 = arith.minimumf %min3A_349, %get3A_351 : vector<16xf32>
    %get3A_353 = arith.constant 3376 : index
    %get3A_354 = tpu.vector_load %arg13[%get3A_353] {strides = array<i32>} : memref<4096xf32, #tpu.memory_space<vmem>>, vector<16xf32>,
    %min3A_355 = arith.minimumf %min3A_352, %get3A_354 : vector<16xf32>
    %get3A_356 = arith.constant 3632 : index
    %get3A_357 = tpu.vector_load %arg13[%get3A_356] {strides = array<i32>} : memref<4096xf32, #tpu.memory_space<vmem>>, vector<16xf32>,
    %min3A_358 = arith.minimumf %min3A_355, %get3A_357 : vector<16xf32>
    %get3A_359 = arith.constant 3888 : index
    %get3A_360 = tpu.vector_load %arg13[%get3A_359] {strides = array<i32>} : memref<4096xf32, #tpu.memory_space<vmem>>, vector<16xf32>,
    %min3A_361 = arith.minimumf %min3A_358, %get3A_360 : vector<16xf32>
    %swap3A_362 = arith.constant 48 : index
    %swap3A_363 = tpu.vector_load %arg14[%swap3A_362] {strides = array<i32>} : memref<256xf32, #tpu.memory_space<vmem>>, vector<16xf32>,
    tpu.vector_store %arg14[%swap3A_362], %min3A_361 {strides = array<i32>} : memref<256xf32, #tpu.memory_space<vmem>>, vector<16xf32>,
    %get3A_364 = arith.constant 64 : index
    %get3A_365 = tpu.vector_load %arg13[%get3A_364] {strides = array<i32>} : memref<4096xf32, #tpu.memory_space<vmem>>, vector<16xf32>,
    %get3A_366 = arith.constant 320 : index
    %get3A_367 = tpu.vector_load %arg13[%get3A_366] {strides = array<i32>} : memref<4096xf32, #tpu.memory_space<vmem>>, vector<16xf32>,
    %min3A_368 = arith.minimumf %get3A_365, %get3A_367 : vector<16xf32>
    %get3A_369 = arith.constant 576 : index
    %get3A_370 = tpu.vector_load %arg13[%get3A_369] {strides = array<i32>} : memref<4096xf32, #tpu.memory_space<vmem>>, vector<16xf32>,
    %min3A_371 = arith.minimumf %min3A_368, %get3A_370 : vector<16xf32>
    %get3A_372 = arith.constant 832 : index
    %get3A_373 = tpu.vector_load %arg13[%get3A_372] {strides = array<i32>} : memref<4096xf32, #tpu.memory_space<vmem>>, vector<16xf32>,
    %min3A_374 = arith.minimumf %min3A_371, %get3A_373 : vector<16xf32>
    %get3A_375 = arith.constant 1088 : index
    %get3A_376 = tpu.vector_load %arg13[%get3A_375] {strides = array<i32>} : memref<4096xf32, #tpu.memory_space<vmem>>, vector<16xf32>,
    %min3A_377 = arith.minimumf %min3A_374, %get3A_376 : vector<16xf32>
    %get3A_378 = arith.constant 1344 : index
    %get3A_379 = tpu.vector_load %arg13[%get3A_378] {strides = array<i32>} : memref<4096xf32, #tpu.memory_space<vmem>>, vector<16xf32>,
    %min3A_380 = arith.minimumf %min3A_377, %get3A_379 : vector<16xf32>
    %get3A_381 = arith.constant 1600 : index
    %get3A_382 = tpu.vector_load %arg13[%get3A_381] {strides = array<i32>} : memref<4096xf32, #tpu.memory_space<vmem>>, vector<16xf32>,
    %min3A_383 = arith.minimumf %min3A_380, %get3A_382 : vector<16xf32>
    %get3A_384 = arith.constant 1856 : index
    %get3A_385 = tpu.vector_load %arg13[%get3A_384] {strides = array<i32>} : memref<4096xf32, #tpu.memory_space<vmem>>, vector<16xf32>,
    %min3A_386 = arith.minimumf %min3A_383, %get3A_385 : vector<16xf32>
    %get3A_387 = arith.constant 2112 : index
    %get3A_388 = tpu.vector_load %arg13[%get3A_387] {strides = array<i32>} : memref<4096xf32, #tpu.memory_space<vmem>>, vector<16xf32>,
    %min3A_389 = arith.minimumf %min3A_386, %get3A_388 : vector<16xf32>
    %get3A_390 = arith.constant 2368 : index
    %get3A_391 = tpu.vector_load %arg13[%get3A_390] {strides = array<i32>} : memref<4096xf32, #tpu.memory_space<vmem>>, vector<16xf32>,
    %min3A_392 = arith.minimumf %min3A_389, %get3A_391 : vector<16xf32>
    %get3A_393 = arith.constant 2624 : index
    %get3A_394 = tpu.vector_load %arg13[%get3A_393] {strides = array<i32>} : memref<4096xf32, #tpu.memory_space<vmem>>, vector<16xf32>,
    %min3A_395 = arith.minimumf %min3A_392, %get3A_394 : vector<16xf32>
    %get3A_396 = arith.constant 2880 : index
    %get3A_397 = tpu.vector_load %arg13[%get3A_396] {strides = array<i32>} : memref<4096xf32, #tpu.memory_space<vmem>>, vector<16xf32>,
    %min3A_398 = arith.minimumf %min3A_395, %get3A_397 : vector<16xf32>
    %get3A_399 = arith.constant 3136 : index
    %get3A_400 = tpu.vector_load %arg13[%get3A_399] {strides = array<i32>} : memref<4096xf32, #tpu.memory_space<vmem>>, vector<16xf32>,
    %min3A_401 = arith.minimumf %min3A_398, %get3A_400 : vector<16xf32>
    %get3A_402 = arith.constant 3392 : index
    %get3A_403 = tpu.vector_load %arg13[%get3A_402] {strides = array<i32>} : memref<4096xf32, #tpu.memory_space<vmem>>, vector<16xf32>,
    %min3A_404 = arith.minimumf %min3A_401, %get3A_403 : vector<16xf32>
    %get3A_405 = arith.constant 3648 : index
    %get3A_406 = tpu.vector_load %arg13[%get3A_405] {strides = array<i32>} : memref<4096xf32, #tpu.memory_space<vmem>>, vector<16xf32>,
    %min3A_407 = arith.minimumf %min3A_404, %get3A_406 : vector<16xf32>
    %get3A_408 = arith.constant 3904 : index
    %get3A_409 = tpu.vector_load %arg13[%get3A_408] {strides = array<i32>} : memref<4096xf32, #tpu.memory_space<vmem>>, vector<16xf32>,
    %min3A_410 = arith.minimumf %min3A_407, %get3A_409 : vector<16xf32>
    %swap3A_411 = arith.constant 64 : index
    %swap3A_412 = tpu.vector_load %arg14[%swap3A_411] {strides = array<i32>} : memref<256xf32, #tpu.memory_space<vmem>>, vector<16xf32>,
    tpu.vector_store %arg14[%swap3A_411], %min3A_410 {strides = array<i32>} : memref<256xf32, #tpu.memory_space<vmem>>, vector<16xf32>,
    %get3A_413 = arith.constant 80 : index
    %get3A_414 = tpu.vector_load %arg13[%get3A_413] {strides = array<i32>} : memref<4096xf32, #tpu.memory_space<vmem>>, vector<16xf32>,
    %get3A_415 = arith.constant 336 : index
    %get3A_416 = tpu.vector_load %arg13[%get3A_415] {strides = array<i32>} : memref<4096xf32, #tpu.memory_space<vmem>>, vector<16xf32>,
    %min3A_417 = arith.minimumf %get3A_414, %get3A_416 : vector<16xf32>
    %get3A_418 = arith.constant 592 : index
    %get3A_419 = tpu.vector_load %arg13[%get3A_418] {strides = array<i32>} : memref<4096xf32, #tpu.memory_space<vmem>>, vector<16xf32>,
    %min3A_420 = arith.minimumf %min3A_417, %get3A_419 : vector<16xf32>
    %get3A_421 = arith.constant 848 : index
    %get3A_422 = tpu.vector_load %arg13[%get3A_421] {strides = array<i32>} : memref<4096xf32, #tpu.memory_space<vmem>>, vector<16xf32>,
    %min3A_423 = arith.minimumf %min3A_420, %get3A_422 : vector<16xf32>
    %get3A_424 = arith.constant 1104 : index
    %get3A_425 = tpu.vector_load %arg13[%get3A_424] {strides = array<i32>} : memref<4096xf32, #tpu.memory_space<vmem>>, vector<16xf32>,
    %min3A_426 = arith.minimumf %min3A_423, %get3A_425 : vector<16xf32>
    %get3A_427 = arith.constant 1360 : index
    %get3A_428 = tpu.vector_load %arg13[%get3A_427] {strides = array<i32>} : memref<4096xf32, #tpu.memory_space<vmem>>, vector<16xf32>,
    %min3A_429 = arith.minimumf %min3A_426, %get3A_428 : vector<16xf32>
    %get3A_430 = arith.constant 1616 : index
    %get3A_431 = tpu.vector_load %arg13[%get3A_430] {strides = array<i32>} : memref<4096xf32, #tpu.memory_space<vmem>>, vector<16xf32>,
    %min3A_432 = arith.minimumf %min3A_429, %get3A_431 : vector<16xf32>
    %get3A_433 = arith.constant 1872 : index
    %get3A_434 = tpu.vector_load %arg13[%get3A_433] {strides = array<i32>} : memref<4096xf32, #tpu.memory_space<vmem>>, vector<16xf32>,
    %min3A_435 = arith.minimumf %min3A_432, %get3A_434 : vector<16xf32>
    %get3A_436 = arith.constant 2128 : index
    %get3A_437 = tpu.vector_load %arg13[%get3A_436] {strides = array<i32>} : memref<4096xf32, #tpu.memory_space<vmem>>, vector<16xf32>,
    %min3A_438 = arith.minimumf %min3A_435, %get3A_437 : vector<16xf32>
    %get3A_439 = arith.constant 2384 : index
    %get3A_440 = tpu.vector_load %arg13[%get3A_439] {strides = array<i32>} : memref<4096xf32, #tpu.memory_space<vmem>>, vector<16xf32>,
    %min3A_441 = arith.minimumf %min3A_438, %get3A_440 : vector<16xf32>
    %get3A_442 = arith.constant 2640 : index
    %get3A_443 = tpu.vector_load %arg13[%get3A_442] {strides = array<i32>} : memref<4096xf32, #tpu.memory_space<vmem>>, vector<16xf32>,
    %min3A_444 = arith.minimumf %min3A_441, %get3A_443 : vector<16xf32>
    %get3A_445 = arith.constant 2896 : index
    %get3A_446 = tpu.vector_load %arg13[%get3A_445] {strides = array<i32>} : memref<4096xf32, #tpu.memory_space<vmem>>, vector<16xf32>,
    %min3A_447 = arith.minimumf %min3A_444, %get3A_446 : vector<16xf32>
    %get3A_448 = arith.constant 3152 : index
    %get3A_449 = tpu.vector_load %arg13[%get3A_448] {strides = array<i32>} : memref<4096xf32, #tpu.memory_space<vmem>>, vector<16xf32>,
    %min3A_450 = arith.minimumf %min3A_447, %get3A_449 : vector<16xf32>
    %get3A_451 = arith.constant 3408 : index
    %get3A_452 = tpu.vector_load %arg13[%get3A_451] {strides = array<i32>} : memref<4096xf32, #tpu.memory_space<vmem>>, vector<16xf32>,
    %min3A_453 = arith.minimumf %min3A_450, %get3A_452 : vector<16xf32>
    %get3A_454 = arith.constant 3664 : index
    %get3A_455 = tpu.vector_load %arg13[%get3A_454] {strides = array<i32>} : memref<4096xf32, #tpu.memory_space<vmem>>, vector<16xf32>,
    %min3A_456 = arith.minimumf %min3A_453, %get3A_455 : vector<16xf32>
    %get3A_457 = arith.constant 3920 : index
    %get3A_458 = tpu.vector_load %arg13[%get3A_457] {strides = array<i32>} : memref<4096xf32, #tpu.memory_space<vmem>>, vector<16xf32>,
    %min3A_459 = arith.minimumf %min3A_456, %get3A_458 : vector<16xf32>
    %swap3A_460 = arith.constant 80 : index
    %swap3A_461 = tpu.vector_load %arg14[%swap3A_460] {strides = array<i32>} : memref<256xf32, #tpu.memory_space<vmem>>, vector<16xf32>,
    tpu.vector_store %arg14[%swap3A_460], %min3A_459 {strides = array<i32>} : memref<256xf32, #tpu.memory_space<vmem>>, vector<16xf32>,
    %get3A_462 = arith.constant 96 : index
    %get3A_463 = tpu.vector_load %arg13[%get3A_462] {strides = array<i32>} : memref<4096xf32, #tpu.memory_space<vmem>>, vector<16xf32>,
    %get3A_464 = arith.constant 352 : index
    %get3A_465 = tpu.vector_load %arg13[%get3A_464] {strides = array<i32>} : memref<4096xf32, #tpu.memory_space<vmem>>, vector<16xf32>,
    %min3A_466 = arith.minimumf %get3A_463, %get3A_465 : vector<16xf32>
    %get3A_467 = arith.constant 608 : index
    %get3A_468 = tpu.vector_load %arg13[%get3A_467] {strides = array<i32>} : memref<4096xf32, #tpu.memory_space<vmem>>, vector<16xf32>,
    %min3A_469 = arith.minimumf %min3A_466, %get3A_468 : vector<16xf32>
    %get3A_470 = arith.constant 864 : index
    %get3A_471 = tpu.vector_load %arg13[%get3A_470] {strides = array<i32>} : memref<4096xf32, #tpu.memory_space<vmem>>, vector<16xf32>,
    %min3A_472 = arith.minimumf %min3A_469, %get3A_471 : vector<16xf32>
    %get3A_473 = arith.constant 1120 : index
    %get3A_474 = tpu.vector_load %arg13[%get3A_473] {strides = array<i32>} : memref<4096xf32, #tpu.memory_space<vmem>>, vector<16xf32>,
    %min3A_475 = arith.minimumf %min3A_472, %get3A_474 : vector<16xf32>
    %get3A_476 = arith.constant 1376 : index
    %get3A_477 = tpu.vector_load %arg13[%get3A_476] {strides = array<i32>} : memref<4096xf32, #tpu.memory_space<vmem>>, vector<16xf32>,
    %min3A_478 = arith.minimumf %min3A_475, %get3A_477 : vector<16xf32>
    %get3A_479 = arith.constant 1632 : index
    %get3A_480 = tpu.vector_load %arg13[%get3A_479] {strides = array<i32>} : memref<4096xf32, #tpu.memory_space<vmem>>, vector<16xf32>,
    %min3A_481 = arith.minimumf %min3A_478, %get3A_480 : vector<16xf32>
    %get3A_482 = arith.constant 1888 : index
    %get3A_483 = tpu.vector_load %arg13[%get3A_482] {strides = array<i32>} : memref<4096xf32, #tpu.memory_space<vmem>>, vector<16xf32>,
    %min3A_484 = arith.minimumf %min3A_481, %get3A_483 : vector<16xf32>
    %get3A_485 = arith.constant 2144 : index
    %get3A_486 = tpu.vector_load %arg13[%get3A_485] {strides = array<i32>} : memref<4096xf32, #tpu.memory_space<vmem>>, vector<16xf32>,
    %min3A_487 = arith.minimumf %min3A_484, %get3A_486 : vector<16xf32>
    %get3A_488 = arith.constant 2400 : index
    %get3A_489 = tpu.vector_load %arg13[%get3A_488] {strides = array<i32>} : memref<4096xf32, #tpu.memory_space<vmem>>, vector<16xf32>,
    %min3A_490 = arith.minimumf %min3A_487, %get3A_489 : vector<16xf32>
    %get3A_491 = arith.constant 2656 : index
    %get3A_492 = tpu.vector_load %arg13[%get3A_491] {strides = array<i32>} : memref<4096xf32, #tpu.memory_space<vmem>>, vector<16xf32>,
    %min3A_493 = arith.minimumf %min3A_490, %get3A_492 : vector<16xf32>
    %get3A_494 = arith.constant 2912 : index
    %get3A_495 = tpu.vector_load %arg13[%get3A_494] {strides = array<i32>} : memref<4096xf32, #tpu.memory_space<vmem>>, vector<16xf32>,
    %min3A_496 = arith.minimumf %min3A_493, %get3A_495 : vector<16xf32>
    %get3A_497 = arith.constant 3168 : index
    %get3A_498 = tpu.vector_load %arg13[%get3A_497] {strides = array<i32>} : memref<4096xf32, #tpu.memory_space<vmem>>, vector<16xf32>,
    %min3A_499 = arith.minimumf %min3A_496, %get3A_498 : vector<16xf32>
    %get3A_500 = arith.constant 3424 : index
    %get3A_501 = tpu.vector_load %arg13[%get3A_500] {strides = array<i32>} : memref<4096xf32, #tpu.memory_space<vmem>>, vector<16xf32>,
    %min3A_502 = arith.minimumf %min3A_499, %get3A_501 : vector<16xf32>
    %get3A_503 = arith.constant 3680 : index
    %get3A_504 = tpu.vector_load %arg13[%get3A_503] {strides = array<i32>} : memref<4096xf32, #tpu.memory_space<vmem>>, vector<16xf32>,
    %min3A_505 = arith.minimumf %min3A_502, %get3A_504 : vector<16xf32>
    %get3A_506 = arith.constant 3936 : index
    %get3A_507 = tpu.vector_load %arg13[%get3A_506] {strides = array<i32>} : memref<4096xf32, #tpu.memory_space<vmem>>, vector<16xf32>,
    %min3A_508 = arith.minimumf %min3A_505, %get3A_507 : vector<16xf32>
    %swap3A_509 = arith.constant 96 : index
    %swap3A_510 = tpu.vector_load %arg14[%swap3A_509] {strides = array<i32>} : memref<256xf32, #tpu.memory_space<vmem>>, vector<16xf32>,
    tpu.vector_store %arg14[%swap3A_509], %min3A_508 {strides = array<i32>} : memref<256xf32, #tpu.memory_space<vmem>>, vector<16xf32>,
    %get3A_511 = arith.constant 112 : index
    %get3A_512 = tpu.vector_load %arg13[%get3A_511] {strides = array<i32>} : memref<4096xf32, #tpu.memory_space<vmem>>, vector<16xf32>,
    %get3A_513 = arith.constant 368 : index
    %get3A_514 = tpu.vector_load %arg13[%get3A_513] {strides = array<i32>} : memref<4096xf32, #tpu.memory_space<vmem>>, vector<16xf32>,
    %min3A_515 = arith.minimumf %get3A_512, %get3A_514 : vector<16xf32>
    %get3A_516 = arith.constant 624 : index
    %get3A_517 = tpu.vector_load %arg13[%get3A_516] {strides = array<i32>} : memref<4096xf32, #tpu.memory_space<vmem>>, vector<16xf32>,
    %min3A_518 = arith.minimumf %min3A_515, %get3A_517 : vector<16xf32>
    %get3A_519 = arith.constant 880 : index
    %get3A_520 = tpu.vector_load %arg13[%get3A_519] {strides = array<i32>} : memref<4096xf32, #tpu.memory_space<vmem>>, vector<16xf32>,
    %min3A_521 = arith.minimumf %min3A_518, %get3A_520 : vector<16xf32>
    %get3A_522 = arith.constant 1136 : index
    %get3A_523 = tpu.vector_load %arg13[%get3A_522] {strides = array<i32>} : memref<4096xf32, #tpu.memory_space<vmem>>, vector<16xf32>,
    %min3A_524 = arith.minimumf %min3A_521, %get3A_523 : vector<16xf32>
    %get3A_525 = arith.constant 1392 : index
    %get3A_526 = tpu.vector_load %arg13[%get3A_525] {strides = array<i32>} : memref<4096xf32, #tpu.memory_space<vmem>>, vector<16xf32>,
    %min3A_527 = arith.minimumf %min3A_524, %get3A_526 : vector<16xf32>
    %get3A_528 = arith.constant 1648 : index
    %get3A_529 = tpu.vector_load %arg13[%get3A_528] {strides = array<i32>} : memref<4096xf32, #tpu.memory_space<vmem>>, vector<16xf32>,
    %min3A_530 = arith.minimumf %min3A_527, %get3A_529 : vector<16xf32>
    %get3A_531 = arith.constant 1904 : index
    %get3A_532 = tpu.vector_load %arg13[%get3A_531] {strides = array<i32>} : memref<4096xf32, #tpu.memory_space<vmem>>, vector<16xf32>,
    %min3A_533 = arith.minimumf %min3A_530, %get3A_532 : vector<16xf32>
    %get3A_534 = arith.constant 2160 : index
    %get3A_535 = tpu.vector_load %arg13[%get3A_534] {strides = array<i32>} : memref<4096xf32, #tpu.memory_space<vmem>>, vector<16xf32>,
    %min3A_536 = arith.minimumf %min3A_533, %get3A_535 : vector<16xf32>
    %get3A_537 = arith.constant 2416 : index
    %get3A_538 = tpu.vector_load %arg13[%get3A_537] {strides = array<i32>} : memref<4096xf32, #tpu.memory_space<vmem>>, vector<16xf32>,
    %min3A_539 = arith.minimumf %min3A_536, %get3A_538 : vector<16xf32>
    %get3A_540 = arith.constant 2672 : index
    %get3A_541 = tpu.vector_load %arg13[%get3A_540] {strides = array<i32>} : memref<4096xf32, #tpu.memory_space<vmem>>, vector<16xf32>,
    %min3A_542 = arith.minimumf %min3A_539, %get3A_541 : vector<16xf32>
    %get3A_543 = arith.constant 2928 : index
    %get3A_544 = tpu.vector_load %arg13[%get3A_543] {strides = array<i32>} : memref<4096xf32, #tpu.memory_space<vmem>>, vector<16xf32>,
    %min3A_545 = arith.minimumf %min3A_542, %get3A_544 : vector<16xf32>
    %get3A_546 = arith.constant 3184 : index
    %get3A_547 = tpu.vector_load %arg13[%get3A_546] {strides = array<i32>} : memref<4096xf32, #tpu.memory_space<vmem>>, vector<16xf32>,
    %min3A_548 = arith.minimumf %min3A_545, %get3A_547 : vector<16xf32>
    %get3A_549 = arith.constant 3440 : index
    %get3A_550 = tpu.vector_load %arg13[%get3A_549] {strides = array<i32>} : memref<4096xf32, #tpu.memory_space<vmem>>, vector<16xf32>,
    %min3A_551 = arith.minimumf %min3A_548, %get3A_550 : vector<16xf32>
    %get3A_552 = arith.constant 3696 : index
    %get3A_553 = tpu.vector_load %arg13[%get3A_552] {strides = array<i32>} : memref<4096xf32, #tpu.memory_space<vmem>>, vector<16xf32>,
    %min3A_554 = arith.minimumf %min3A_551, %get3A_553 : vector<16xf32>
    %get3A_555 = arith.constant 3952 : index
    %get3A_556 = tpu.vector_load %arg13[%get3A_555] {strides = array<i32>} : memref<4096xf32, #tpu.memory_space<vmem>>, vector<16xf32>,
    %min3A_557 = arith.minimumf %min3A_554, %get3A_556 : vector<16xf32>
    %swap3A_558 = arith.constant 112 : index
    %swap3A_559 = tpu.vector_load %arg14[%swap3A_558] {strides = array<i32>} : memref<256xf32, #tpu.memory_space<vmem>>, vector<16xf32>,
    tpu.vector_store %arg14[%swap3A_558], %min3A_557 {strides = array<i32>} : memref<256xf32, #tpu.memory_space<vmem>>, vector<16xf32>,
    %get3A_560 = arith.constant 128 : index
    %get3A_561 = tpu.vector_load %arg13[%get3A_560] {strides = array<i32>} : memref<4096xf32, #tpu.memory_space<vmem>>, vector<16xf32>,
    %get3A_562 = arith.constant 384 : index
    %get3A_563 = tpu.vector_load %arg13[%get3A_562] {strides = array<i32>} : memref<4096xf32, #tpu.memory_space<vmem>>, vector<16xf32>,
    %min3A_564 = arith.minimumf %get3A_561, %get3A_563 : vector<16xf32>
    %get3A_565 = arith.constant 640 : index
    %get3A_566 = tpu.vector_load %arg13[%get3A_565] {strides = array<i32>} : memref<4096xf32, #tpu.memory_space<vmem>>, vector<16xf32>,
    %min3A_567 = arith.minimumf %min3A_564, %get3A_566 : vector<16xf32>
    %get3A_568 = arith.constant 896 : index
    %get3A_569 = tpu.vector_load %arg13[%get3A_568] {strides = array<i32>} : memref<4096xf32, #tpu.memory_space<vmem>>, vector<16xf32>,
    %min3A_570 = arith.minimumf %min3A_567, %get3A_569 : vector<16xf32>
    %get3A_571 = arith.constant 1152 : index
    %get3A_572 = tpu.vector_load %arg13[%get3A_571] {strides = array<i32>} : memref<4096xf32, #tpu.memory_space<vmem>>, vector<16xf32>,
    %min3A_573 = arith.minimumf %min3A_570, %get3A_572 : vector<16xf32>
    %get3A_574 = arith.constant 1408 : index
    %get3A_575 = tpu.vector_load %arg13[%get3A_574] {strides = array<i32>} : memref<4096xf32, #tpu.memory_space<vmem>>, vector<16xf32>,
    %min3A_576 = arith.minimumf %min3A_573, %get3A_575 : vector<16xf32>
    %get3A_577 = arith.constant 1664 : index
    %get3A_578 = tpu.vector_load %arg13[%get3A_577] {strides = array<i32>} : memref<4096xf32, #tpu.memory_space<vmem>>, vector<16xf32>,
    %min3A_579 = arith.minimumf %min3A_576, %get3A_578 : vector<16xf32>
    %get3A_580 = arith.constant 1920 : index
    %get3A_581 = tpu.vector_load %arg13[%get3A_580] {strides = array<i32>} : memref<4096xf32, #tpu.memory_space<vmem>>, vector<16xf32>,
    %min3A_582 = arith.minimumf %min3A_579, %get3A_581 : vector<16xf32>
    %get3A_583 = arith.constant 2176 : index
    %get3A_584 = tpu.vector_load %arg13[%get3A_583] {strides = array<i32>} : memref<4096xf32, #tpu.memory_space<vmem>>, vector<16xf32>,
    %min3A_585 = arith.minimumf %min3A_582, %get3A_584 : vector<16xf32>
    %get3A_586 = arith.constant 2432 : index
    %get3A_587 = tpu.vector_load %arg13[%get3A_586] {strides = array<i32>} : memref<4096xf32, #tpu.memory_space<vmem>>, vector<16xf32>,
    %min3A_588 = arith.minimumf %min3A_585, %get3A_587 : vector<16xf32>
    %get3A_589 = arith.constant 2688 : index
    %get3A_590 = tpu.vector_load %arg13[%get3A_589] {strides = array<i32>} : memref<4096xf32, #tpu.memory_space<vmem>>, vector<16xf32>,
    %min3A_591 = arith.minimumf %min3A_588, %get3A_590 : vector<16xf32>
    %get3A_592 = arith.constant 2944 : index
    %get3A_593 = tpu.vector_load %arg13[%get3A_592] {strides = array<i32>} : memref<4096xf32, #tpu.memory_space<vmem>>, vector<16xf32>,
    %min3A_594 = arith.minimumf %min3A_591, %get3A_593 : vector<16xf32>
    %get3A_595 = arith.constant 3200 : index
    %get3A_596 = tpu.vector_load %arg13[%get3A_595] {strides = array<i32>} : memref<4096xf32, #tpu.memory_space<vmem>>, vector<16xf32>,
    %min3A_597 = arith.minimumf %min3A_594, %get3A_596 : vector<16xf32>
    %get3A_598 = arith.constant 3456 : index
    %get3A_599 = tpu.vector_load %arg13[%get3A_598] {strides = array<i32>} : memref<4096xf32, #tpu.memory_space<vmem>>, vector<16xf32>,
    %min3A_600 = arith.minimumf %min3A_597, %get3A_599 : vector<16xf32>
    %get3A_601 = arith.constant 3712 : index
    %get3A_602 = tpu.vector_load %arg13[%get3A_601] {strides = array<i32>} : memref<4096xf32, #tpu.memory_space<vmem>>, vector<16xf32>,
    %min3A_603 = arith.minimumf %min3A_600, %get3A_602 : vector<16xf32>
    %get3A_604 = arith.constant 3968 : index
    %get3A_605 = tpu.vector_load %arg13[%get3A_604] {strides = array<i32>} : memref<4096xf32, #tpu.memory_space<vmem>>, vector<16xf32>,
    %min3A_606 = arith.minimumf %min3A_603, %get3A_605 : vector<16xf32>
    %swap3A_607 = arith.constant 128 : index
    %swap3A_608 = tpu.vector_load %arg14[%swap3A_607] {strides = array<i32>} : memref<256xf32, #tpu.memory_space<vmem>>, vector<16xf32>,
    tpu.vector_store %arg14[%swap3A_607], %min3A_606 {strides = array<i32>} : memref<256xf32, #tpu.memory_space<vmem>>, vector<16xf32>,
    %get3A_609 = arith.constant 144 : index
    %get3A_610 = tpu.vector_load %arg13[%get3A_609] {strides = array<i32>} : memref<4096xf32, #tpu.memory_space<vmem>>, vector<16xf32>,
    %get3A_611 = arith.constant 400 : index
    %get3A_612 = tpu.vector_load %arg13[%get3A_611] {strides = array<i32>} : memref<4096xf32, #tpu.memory_space<vmem>>, vector<16xf32>,
    %min3A_613 = arith.minimumf %get3A_610, %get3A_612 : vector<16xf32>
    %get3A_614 = arith.constant 656 : index
    %get3A_615 = tpu.vector_load %arg13[%get3A_614] {strides = array<i32>} : memref<4096xf32, #tpu.memory_space<vmem>>, vector<16xf32>,
    %min3A_616 = arith.minimumf %min3A_613, %get3A_615 : vector<16xf32>
    %get3A_617 = arith.constant 912 : index
    %get3A_618 = tpu.vector_load %arg13[%get3A_617] {strides = array<i32>} : memref<4096xf32, #tpu.memory_space<vmem>>, vector<16xf32>,
    %min3A_619 = arith.minimumf %min3A_616, %get3A_618 : vector<16xf32>
    %get3A_620 = arith.constant 1168 : index
    %get3A_621 = tpu.vector_load %arg13[%get3A_620] {strides = array<i32>} : memref<4096xf32, #tpu.memory_space<vmem>>, vector<16xf32>,
    %min3A_622 = arith.minimumf %min3A_619, %get3A_621 : vector<16xf32>
    %get3A_623 = arith.constant 1424 : index
    %get3A_624 = tpu.vector_load %arg13[%get3A_623] {strides = array<i32>} : memref<4096xf32, #tpu.memory_space<vmem>>, vector<16xf32>,
    %min3A_625 = arith.minimumf %min3A_622, %get3A_624 : vector<16xf32>
    %get3A_626 = arith.constant 1680 : index
    %get3A_627 = tpu.vector_load %arg13[%get3A_626] {strides = array<i32>} : memref<4096xf32, #tpu.memory_space<vmem>>, vector<16xf32>,
    %min3A_628 = arith.minimumf %min3A_625, %get3A_627 : vector<16xf32>
    %get3A_629 = arith.constant 1936 : index
    %get3A_630 = tpu.vector_load %arg13[%get3A_629] {strides = array<i32>} : memref<4096xf32, #tpu.memory_space<vmem>>, vector<16xf32>,
    %min3A_631 = arith.minimumf %min3A_628, %get3A_630 : vector<16xf32>
    %get3A_632 = arith.constant 2192 : index
    %get3A_633 = tpu.vector_load %arg13[%get3A_632] {strides = array<i32>} : memref<4096xf32, #tpu.memory_space<vmem>>, vector<16xf32>,
    %min3A_634 = arith.minimumf %min3A_631, %get3A_633 : vector<16xf32>
    %get3A_635 = arith.constant 2448 : index
    %get3A_636 = tpu.vector_load %arg13[%get3A_635] {strides = array<i32>} : memref<4096xf32, #tpu.memory_space<vmem>>, vector<16xf32>,
    %min3A_637 = arith.minimumf %min3A_634, %get3A_636 : vector<16xf32>
    %get3A_638 = arith.constant 2704 : index
    %get3A_639 = tpu.vector_load %arg13[%get3A_638] {strides = array<i32>} : memref<4096xf32, #tpu.memory_space<vmem>>, vector<16xf32>,
    %min3A_640 = arith.minimumf %min3A_637, %get3A_639 : vector<16xf32>
    %get3A_641 = arith.constant 2960 : index
    %get3A_642 = tpu.vector_load %arg13[%get3A_641] {strides = array<i32>} : memref<4096xf32, #tpu.memory_space<vmem>>, vector<16xf32>,
    %min3A_643 = arith.minimumf %min3A_640, %get3A_642 : vector<16xf32>
    %get3A_644 = arith.constant 3216 : index
    %get3A_645 = tpu.vector_load %arg13[%get3A_644] {strides = array<i32>} : memref<4096xf32, #tpu.memory_space<vmem>>, vector<16xf32>,
    %min3A_646 = arith.minimumf %min3A_643, %get3A_645 : vector<16xf32>
    %get3A_647 = arith.constant 3472 : index
    %get3A_648 = tpu.vector_load %arg13[%get3A_647] {strides = array<i32>} : memref<4096xf32, #tpu.memory_space<vmem>>, vector<16xf32>,
    %min3A_649 = arith.minimumf %min3A_646, %get3A_648 : vector<16xf32>
    %get3A_650 = arith.constant 3728 : index
    %get3A_651 = tpu.vector_load %arg13[%get3A_650] {strides = array<i32>} : memref<4096xf32, #tpu.memory_space<vmem>>, vector<16xf32>,
    %min3A_652 = arith.minimumf %min3A_649, %get3A_651 : vector<16xf32>
    %get3A_653 = arith.constant 3984 : index
    %get3A_654 = tpu.vector_load %arg13[%get3A_653] {strides = array<i32>} : memref<4096xf32, #tpu.memory_space<vmem>>, vector<16xf32>,
    %min3A_655 = arith.minimumf %min3A_652, %get3A_654 : vector<16xf32>
    %swap3A_656 = arith.constant 144 : index
    %swap3A_657 = tpu.vector_load %arg14[%swap3A_656] {strides = array<i32>} : memref<256xf32, #tpu.memory_space<vmem>>, vector<16xf32>,
    tpu.vector_store %arg14[%swap3A_656], %min3A_655 {strides = array<i32>} : memref<256xf32, #tpu.memory_space<vmem>>, vector<16xf32>,
    %get3A_658 = arith.constant 160 : index
    %get3A_659 = tpu.vector_load %arg13[%get3A_658] {strides = array<i32>} : memref<4096xf32, #tpu.memory_space<vmem>>, vector<16xf32>,
    %get3A_660 = arith.constant 416 : index
    %get3A_661 = tpu.vector_load %arg13[%get3A_660] {strides = array<i32>} : memref<4096xf32, #tpu.memory_space<vmem>>, vector<16xf32>,
    %min3A_662 = arith.minimumf %get3A_659, %get3A_661 : vector<16xf32>
    %get3A_663 = arith.constant 672 : index
    %get3A_664 = tpu.vector_load %arg13[%get3A_663] {strides = array<i32>} : memref<4096xf32, #tpu.memory_space<vmem>>, vector<16xf32>,
    %min3A_665 = arith.minimumf %min3A_662, %get3A_664 : vector<16xf32>
    %get3A_666 = arith.constant 928 : index
    %get3A_667 = tpu.vector_load %arg13[%get3A_666] {strides = array<i32>} : memref<4096xf32, #tpu.memory_space<vmem>>, vector<16xf32>,
    %min3A_668 = arith.minimumf %min3A_665, %get3A_667 : vector<16xf32>
    %get3A_669 = arith.constant 1184 : index
    %get3A_670 = tpu.vector_load %arg13[%get3A_669] {strides = array<i32>} : memref<4096xf32, #tpu.memory_space<vmem>>, vector<16xf32>,
    %min3A_671 = arith.minimumf %min3A_668, %get3A_670 : vector<16xf32>
    %get3A_672 = arith.constant 1440 : index
    %get3A_673 = tpu.vector_load %arg13[%get3A_672] {strides = array<i32>} : memref<4096xf32, #tpu.memory_space<vmem>>, vector<16xf32>,
    %min3A_674 = arith.minimumf %min3A_671, %get3A_673 : vector<16xf32>
    %get3A_675 = arith.constant 1696 : index
    %get3A_676 = tpu.vector_load %arg13[%get3A_675] {strides = array<i32>} : memref<4096xf32, #tpu.memory_space<vmem>>, vector<16xf32>,
    %min3A_677 = arith.minimumf %min3A_674, %get3A_676 : vector<16xf32>
    %get3A_678 = arith.constant 1952 : index
    %get3A_679 = tpu.vector_load %arg13[%get3A_678] {strides = array<i32>} : memref<4096xf32, #tpu.memory_space<vmem>>, vector<16xf32>,
    %min3A_680 = arith.minimumf %min3A_677, %get3A_679 : vector<16xf32>
    %get3A_681 = arith.constant 2208 : index
    %get3A_682 = tpu.vector_load %arg13[%get3A_681] {strides = array<i32>} : memref<4096xf32, #tpu.memory_space<vmem>>, vector<16xf32>,
    %min3A_683 = arith.minimumf %min3A_680, %get3A_682 : vector<16xf32>
    %get3A_684 = arith.constant 2464 : index
    %get3A_685 = tpu.vector_load %arg13[%get3A_684] {strides = array<i32>} : memref<4096xf32, #tpu.memory_space<vmem>>, vector<16xf32>,
    %min3A_686 = arith.minimumf %min3A_683, %get3A_685 : vector<16xf32>
    %get3A_687 = arith.constant 2720 : index
    %get3A_688 = tpu.vector_load %arg13[%get3A_687] {strides = array<i32>} : memref<4096xf32, #tpu.memory_space<vmem>>, vector<16xf32>,
    %min3A_689 = arith.minimumf %min3A_686, %get3A_688 : vector<16xf32>
    %get3A_690 = arith.constant 2976 : index
    %get3A_691 = tpu.vector_load %arg13[%get3A_690] {strides = array<i32>} : memref<4096xf32, #tpu.memory_space<vmem>>, vector<16xf32>,
    %min3A_692 = arith.minimumf %min3A_689, %get3A_691 : vector<16xf32>
    %get3A_693 = arith.constant 3232 : index
    %get3A_694 = tpu.vector_load %arg13[%get3A_693] {strides = array<i32>} : memref<4096xf32, #tpu.memory_space<vmem>>, vector<16xf32>,
    %min3A_695 = arith.minimumf %min3A_692, %get3A_694 : vector<16xf32>
    %get3A_696 = arith.constant 3488 : index
    %get3A_697 = tpu.vector_load %arg13[%get3A_696] {strides = array<i32>} : memref<4096xf32, #tpu.memory_space<vmem>>, vector<16xf32>,
    %min3A_698 = arith.minimumf %min3A_695, %get3A_697 : vector<16xf32>
    %get3A_699 = arith.constant 3744 : index
    %get3A_700 = tpu.vector_load %arg13[%get3A_699] {strides = array<i32>} : memref<4096xf32, #tpu.memory_space<vmem>>, vector<16xf32>,
    %min3A_701 = arith.minimumf %min3A_698, %get3A_700 : vector<16xf32>
    %get3A_702 = arith.constant 4000 : index
    %get3A_703 = tpu.vector_load %arg13[%get3A_702] {strides = array<i32>} : memref<4096xf32, #tpu.memory_space<vmem>>, vector<16xf32>,
    %min3A_704 = arith.minimumf %min3A_701, %get3A_703 : vector<16xf32>
    %swap3A_705 = arith.constant 160 : index
    %swap3A_706 = tpu.vector_load %arg14[%swap3A_705] {strides = array<i32>} : memref<256xf32, #tpu.memory_space<vmem>>, vector<16xf32>,
    tpu.vector_store %arg14[%swap3A_705], %min3A_704 {strides = array<i32>} : memref<256xf32, #tpu.memory_space<vmem>>, vector<16xf32>,
    %get3A_707 = arith.constant 176 : index
    %get3A_708 = tpu.vector_load %arg13[%get3A_707] {strides = array<i32>} : memref<4096xf32, #tpu.memory_space<vmem>>, vector<16xf32>,
    %get3A_709 = arith.constant 432 : index
    %get3A_710 = tpu.vector_load %arg13[%get3A_709] {strides = array<i32>} : memref<4096xf32, #tpu.memory_space<vmem>>, vector<16xf32>,
    %min3A_711 = arith.minimumf %get3A_708, %get3A_710 : vector<16xf32>
    %get3A_712 = arith.constant 688 : index
    %get3A_713 = tpu.vector_load %arg13[%get3A_712] {strides = array<i32>} : memref<4096xf32, #tpu.memory_space<vmem>>, vector<16xf32>,
    %min3A_714 = arith.minimumf %min3A_711, %get3A_713 : vector<16xf32>
    %get3A_715 = arith.constant 944 : index
    %get3A_716 = tpu.vector_load %arg13[%get3A_715] {strides = array<i32>} : memref<4096xf32, #tpu.memory_space<vmem>>, vector<16xf32>,
    %min3A_717 = arith.minimumf %min3A_714, %get3A_716 : vector<16xf32>
    %get3A_718 = arith.constant 1200 : index
    %get3A_719 = tpu.vector_load %arg13[%get3A_718] {strides = array<i32>} : memref<4096xf32, #tpu.memory_space<vmem>>, vector<16xf32>,
    %min3A_720 = arith.minimumf %min3A_717, %get3A_719 : vector<16xf32>
    %get3A_721 = arith.constant 1456 : index
    %get3A_722 = tpu.vector_load %arg13[%get3A_721] {strides = array<i32>} : memref<4096xf32, #tpu.memory_space<vmem>>, vector<16xf32>,
    %min3A_723 = arith.minimumf %min3A_720, %get3A_722 : vector<16xf32>
    %get3A_724 = arith.constant 1712 : index
    %get3A_725 = tpu.vector_load %arg13[%get3A_724] {strides = array<i32>} : memref<4096xf32, #tpu.memory_space<vmem>>, vector<16xf32>,
    %min3A_726 = arith.minimumf %min3A_723, %get3A_725 : vector<16xf32>
    %get3A_727 = arith.constant 1968 : index
    %get3A_728 = tpu.vector_load %arg13[%get3A_727] {strides = array<i32>} : memref<4096xf32, #tpu.memory_space<vmem>>, vector<16xf32>,
    %min3A_729 = arith.minimumf %min3A_726, %get3A_728 : vector<16xf32>
    %get3A_730 = arith.constant 2224 : index
    %get3A_731 = tpu.vector_load %arg13[%get3A_730] {strides = array<i32>} : memref<4096xf32, #tpu.memory_space<vmem>>, vector<16xf32>,
    %min3A_732 = arith.minimumf %min3A_729, %get3A_731 : vector<16xf32>
    %get3A_733 = arith.constant 2480 : index
    %get3A_734 = tpu.vector_load %arg13[%get3A_733] {strides = array<i32>} : memref<4096xf32, #tpu.memory_space<vmem>>, vector<16xf32>,
    %min3A_735 = arith.minimumf %min3A_732, %get3A_734 : vector<16xf32>
    %get3A_736 = arith.constant 2736 : index
    %get3A_737 = tpu.vector_load %arg13[%get3A_736] {strides = array<i32>} : memref<4096xf32, #tpu.memory_space<vmem>>, vector<16xf32>,
    %min3A_738 = arith.minimumf %min3A_735, %get3A_737 : vector<16xf32>
    %get3A_739 = arith.constant 2992 : index
    %get3A_740 = tpu.vector_load %arg13[%get3A_739] {strides = array<i32>} : memref<4096xf32, #tpu.memory_space<vmem>>, vector<16xf32>,
    %min3A_741 = arith.minimumf %min3A_738, %get3A_740 : vector<16xf32>
    %get3A_742 = arith.constant 3248 : index
    %get3A_743 = tpu.vector_load %arg13[%get3A_742] {strides = array<i32>} : memref<4096xf32, #tpu.memory_space<vmem>>, vector<16xf32>,
    %min3A_744 = arith.minimumf %min3A_741, %get3A_743 : vector<16xf32>
    %get3A_745 = arith.constant 3504 : index
    %get3A_746 = tpu.vector_load %arg13[%get3A_745] {strides = array<i32>} : memref<4096xf32, #tpu.memory_space<vmem>>, vector<16xf32>,
    %min3A_747 = arith.minimumf %min3A_744, %get3A_746 : vector<16xf32>
    %get3A_748 = arith.constant 3760 : index
    %get3A_749 = tpu.vector_load %arg13[%get3A_748] {strides = array<i32>} : memref<4096xf32, #tpu.memory_space<vmem>>, vector<16xf32>,
    %min3A_750 = arith.minimumf %min3A_747, %get3A_749 : vector<16xf32>
    %get3A_751 = arith.constant 4016 : index
    %get3A_752 = tpu.vector_load %arg13[%get3A_751] {strides = array<i32>} : memref<4096xf32, #tpu.memory_space<vmem>>, vector<16xf32>,
    %min3A_753 = arith.minimumf %min3A_750, %get3A_752 : vector<16xf32>
    %swap3A_754 = arith.constant 176 : index
    %swap3A_755 = tpu.vector_load %arg14[%swap3A_754] {strides = array<i32>} : memref<256xf32, #tpu.memory_space<vmem>>, vector<16xf32>,
    tpu.vector_store %arg14[%swap3A_754], %min3A_753 {strides = array<i32>} : memref<256xf32, #tpu.memory_space<vmem>>, vector<16xf32>,
    %get3A_756 = arith.constant 192 : index
    %get3A_757 = tpu.vector_load %arg13[%get3A_756] {strides = array<i32>} : memref<4096xf32, #tpu.memory_space<vmem>>, vector<16xf32>,
    %get3A_758 = arith.constant 448 : index
    %get3A_759 = tpu.vector_load %arg13[%get3A_758] {strides = array<i32>} : memref<4096xf32, #tpu.memory_space<vmem>>, vector<16xf32>,
    %min3A_760 = arith.minimumf %get3A_757, %get3A_759 : vector<16xf32>
    %get3A_761 = arith.constant 704 : index
    %get3A_762 = tpu.vector_load %arg13[%get3A_761] {strides = array<i32>} : memref<4096xf32, #tpu.memory_space<vmem>>, vector<16xf32>,
    %min3A_763 = arith.minimumf %min3A_760, %get3A_762 : vector<16xf32>
    %get3A_764 = arith.constant 960 : index
    %get3A_765 = tpu.vector_load %arg13[%get3A_764] {strides = array<i32>} : memref<4096xf32, #tpu.memory_space<vmem>>, vector<16xf32>,
    %min3A_766 = arith.minimumf %min3A_763, %get3A_765 : vector<16xf32>
    %get3A_767 = arith.constant 1216 : index
    %get3A_768 = tpu.vector_load %arg13[%get3A_767] {strides = array<i32>} : memref<4096xf32, #tpu.memory_space<vmem>>, vector<16xf32>,
    %min3A_769 = arith.minimumf %min3A_766, %get3A_768 : vector<16xf32>
    %get3A_770 = arith.constant 1472 : index
    %get3A_771 = tpu.vector_load %arg13[%get3A_770] {strides = array<i32>} : memref<4096xf32, #tpu.memory_space<vmem>>, vector<16xf32>,
    %min3A_772 = arith.minimumf %min3A_769, %get3A_771 : vector<16xf32>
    %get3A_773 = arith.constant 1728 : index
    %get3A_774 = tpu.vector_load %arg13[%get3A_773] {strides = array<i32>} : memref<4096xf32, #tpu.memory_space<vmem>>, vector<16xf32>,
    %min3A_775 = arith.minimumf %min3A_772, %get3A_774 : vector<16xf32>
    %get3A_776 = arith.constant 1984 : index
    %get3A_777 = tpu.vector_load %arg13[%get3A_776] {strides = array<i32>} : memref<4096xf32, #tpu.memory_space<vmem>>, vector<16xf32>,
    %min3A_778 = arith.minimumf %min3A_775, %get3A_777 : vector<16xf32>
    %get3A_779 = arith.constant 2240 : index
    %get3A_780 = tpu.vector_load %arg13[%get3A_779] {strides = array<i32>} : memref<4096xf32, #tpu.memory_space<vmem>>, vector<16xf32>,
    %min3A_781 = arith.minimumf %min3A_778, %get3A_780 : vector<16xf32>
    %get3A_782 = arith.constant 2496 : index
    %get3A_783 = tpu.vector_load %arg13[%get3A_782] {strides = array<i32>} : memref<4096xf32, #tpu.memory_space<vmem>>, vector<16xf32>,
    %min3A_784 = arith.minimumf %min3A_781, %get3A_783 : vector<16xf32>
    %get3A_785 = arith.constant 2752 : index
    %get3A_786 = tpu.vector_load %arg13[%get3A_785] {strides = array<i32>} : memref<4096xf32, #tpu.memory_space<vmem>>, vector<16xf32>,
    %min3A_787 = arith.minimumf %min3A_784, %get3A_786 : vector<16xf32>
    %get3A_788 = arith.constant 3008 : index
    %get3A_789 = tpu.vector_load %arg13[%get3A_788] {strides = array<i32>} : memref<4096xf32, #tpu.memory_space<vmem>>, vector<16xf32>,
    %min3A_790 = arith.minimumf %min3A_787, %get3A_789 : vector<16xf32>
    %get3A_791 = arith.constant 3264 : index
    %get3A_792 = tpu.vector_load %arg13[%get3A_791] {strides = array<i32>} : memref<4096xf32, #tpu.memory_space<vmem>>, vector<16xf32>,
    %min3A_793 = arith.minimumf %min3A_790, %get3A_792 : vector<16xf32>
    %get3A_794 = arith.constant 3520 : index
    %get3A_795 = tpu.vector_load %arg13[%get3A_794] {strides = array<i32>} : memref<4096xf32, #tpu.memory_space<vmem>>, vector<16xf32>,
    %min3A_796 = arith.minimumf %min3A_793, %get3A_795 : vector<16xf32>
    %get3A_797 = arith.constant 3776 : index
    %get3A_798 = tpu.vector_load %arg13[%get3A_797] {strides = array<i32>} : memref<4096xf32, #tpu.memory_space<vmem>>, vector<16xf32>,
    %min3A_799 = arith.minimumf %min3A_796, %get3A_798 : vector<16xf32>
    %get3A_800 = arith.constant 4032 : index
    %get3A_801 = tpu.vector_load %arg13[%get3A_800] {strides = array<i32>} : memref<4096xf32, #tpu.memory_space<vmem>>, vector<16xf32>,
    %min3A_802 = arith.minimumf %min3A_799, %get3A_801 : vector<16xf32>
    %swap3A_803 = arith.constant 192 : index
    %swap3A_804 = tpu.vector_load %arg14[%swap3A_803] {strides = array<i32>} : memref<256xf32, #tpu.memory_space<vmem>>, vector<16xf32>,
    tpu.vector_store %arg14[%swap3A_803], %min3A_802 {strides = array<i32>} : memref<256xf32, #tpu.memory_space<vmem>>, vector<16xf32>,
    %get3A_805 = arith.constant 208 : index
    %get3A_806 = tpu.vector_load %arg13[%get3A_805] {strides = array<i32>} : memref<4096xf32, #tpu.memory_space<vmem>>, vector<16xf32>,
    %get3A_807 = arith.constant 464 : index
    %get3A_808 = tpu.vector_load %arg13[%get3A_807] {strides = array<i32>} : memref<4096xf32, #tpu.memory_space<vmem>>, vector<16xf32>,
    %min3A_809 = arith.minimumf %get3A_806, %get3A_808 : vector<16xf32>
    %get3A_810 = arith.constant 720 : index
    %get3A_811 = tpu.vector_load %arg13[%get3A_810] {strides = array<i32>} : memref<4096xf32, #tpu.memory_space<vmem>>, vector<16xf32>,
    %min3A_812 = arith.minimumf %min3A_809, %get3A_811 : vector<16xf32>
    %get3A_813 = arith.constant 976 : index
    %get3A_814 = tpu.vector_load %arg13[%get3A_813] {strides = array<i32>} : memref<4096xf32, #tpu.memory_space<vmem>>, vector<16xf32>,
    %min3A_815 = arith.minimumf %min3A_812, %get3A_814 : vector<16xf32>
    %get3A_816 = arith.constant 1232 : index
    %get3A_817 = tpu.vector_load %arg13[%get3A_816] {strides = array<i32>} : memref<4096xf32, #tpu.memory_space<vmem>>, vector<16xf32>,
    %min3A_818 = arith.minimumf %min3A_815, %get3A_817 : vector<16xf32>
    %get3A_819 = arith.constant 1488 : index
    %get3A_820 = tpu.vector_load %arg13[%get3A_819] {strides = array<i32>} : memref<4096xf32, #tpu.memory_space<vmem>>, vector<16xf32>,
    %min3A_821 = arith.minimumf %min3A_818, %get3A_820 : vector<16xf32>
    %get3A_822 = arith.constant 1744 : index
    %get3A_823 = tpu.vector_load %arg13[%get3A_822] {strides = array<i32>} : memref<4096xf32, #tpu.memory_space<vmem>>, vector<16xf32>,
    %min3A_824 = arith.minimumf %min3A_821, %get3A_823 : vector<16xf32>
    %get3A_825 = arith.constant 2000 : index
    %get3A_826 = tpu.vector_load %arg13[%get3A_825] {strides = array<i32>} : memref<4096xf32, #tpu.memory_space<vmem>>, vector<16xf32>,
    %min3A_827 = arith.minimumf %min3A_824, %get3A_826 : vector<16xf32>
    %get3A_828 = arith.constant 2256 : index
    %get3A_829 = tpu.vector_load %arg13[%get3A_828] {strides = array<i32>} : memref<4096xf32, #tpu.memory_space<vmem>>, vector<16xf32>,
    %min3A_830 = arith.minimumf %min3A_827, %get3A_829 : vector<16xf32>
    %get3A_831 = arith.constant 2512 : index
    %get3A_832 = tpu.vector_load %arg13[%get3A_831] {strides = array<i32>} : memref<4096xf32, #tpu.memory_space<vmem>>, vector<16xf32>,
    %min3A_833 = arith.minimumf %min3A_830, %get3A_832 : vector<16xf32>
    %get3A_834 = arith.constant 2768 : index
    %get3A_835 = tpu.vector_load %arg13[%get3A_834] {strides = array<i32>} : memref<4096xf32, #tpu.memory_space<vmem>>, vector<16xf32>,
    %min3A_836 = arith.minimumf %min3A_833, %get3A_835 : vector<16xf32>
    %get3A_837 = arith.constant 3024 : index
    %get3A_838 = tpu.vector_load %arg13[%get3A_837] {strides = array<i32>} : memref<4096xf32, #tpu.memory_space<vmem>>, vector<16xf32>,
    %min3A_839 = arith.minimumf %min3A_836, %get3A_838 : vector<16xf32>
    %get3A_840 = arith.constant 3280 : index
    %get3A_841 = tpu.vector_load %arg13[%get3A_840] {strides = array<i32>} : memref<4096xf32, #tpu.memory_space<vmem>>, vector<16xf32>,
    %min3A_842 = arith.minimumf %min3A_839, %get3A_841 : vector<16xf32>
    %get3A_843 = arith.constant 3536 : index
    %get3A_844 = tpu.vector_load %arg13[%get3A_843] {strides = array<i32>} : memref<4096xf32, #tpu.memory_space<vmem>>, vector<16xf32>,
    %min3A_845 = arith.minimumf %min3A_842, %get3A_844 : vector<16xf32>
    %get3A_846 = arith.constant 3792 : index
    %get3A_847 = tpu.vector_load %arg13[%get3A_846] {strides = array<i32>} : memref<4096xf32, #tpu.memory_space<vmem>>, vector<16xf32>,
    %min3A_848 = arith.minimumf %min3A_845, %get3A_847 : vector<16xf32>
    %get3A_849 = arith.constant 4048 : index
    %get3A_850 = tpu.vector_load %arg13[%get3A_849] {strides = array<i32>} : memref<4096xf32, #tpu.memory_space<vmem>>, vector<16xf32>,
    %min3A_851 = arith.minimumf %min3A_848, %get3A_850 : vector<16xf32>
    %swap3A_852 = arith.constant 208 : index
    %swap3A_853 = tpu.vector_load %arg14[%swap3A_852] {strides = array<i32>} : memref<256xf32, #tpu.memory_space<vmem>>, vector<16xf32>,
    tpu.vector_store %arg14[%swap3A_852], %min3A_851 {strides = array<i32>} : memref<256xf32, #tpu.memory_space<vmem>>, vector<16xf32>,
    %get3A_854 = arith.constant 224 : index
    %get3A_855 = tpu.vector_load %arg13[%get3A_854] {strides = array<i32>} : memref<4096xf32, #tpu.memory_space<vmem>>, vector<16xf32>,
    %get3A_856 = arith.constant 480 : index
    %get3A_857 = tpu.vector_load %arg13[%get3A_856] {strides = array<i32>} : memref<4096xf32, #tpu.memory_space<vmem>>, vector<16xf32>,
    %min3A_858 = arith.minimumf %get3A_855, %get3A_857 : vector<16xf32>
    %get3A_859 = arith.constant 736 : index
    %get3A_860 = tpu.vector_load %arg13[%get3A_859] {strides = array<i32>} : memref<4096xf32, #tpu.memory_space<vmem>>, vector<16xf32>,
    %min3A_861 = arith.minimumf %min3A_858, %get3A_860 : vector<16xf32>
    %get3A_862 = arith.constant 992 : index
    %get3A_863 = tpu.vector_load %arg13[%get3A_862] {strides = array<i32>} : memref<4096xf32, #tpu.memory_space<vmem>>, vector<16xf32>,
    %min3A_864 = arith.minimumf %min3A_861, %get3A_863 : vector<16xf32>
    %get3A_865 = arith.constant 1248 : index
    %get3A_866 = tpu.vector_load %arg13[%get3A_865] {strides = array<i32>} : memref<4096xf32, #tpu.memory_space<vmem>>, vector<16xf32>,
    %min3A_867 = arith.minimumf %min3A_864, %get3A_866 : vector<16xf32>
    %get3A_868 = arith.constant 1504 : index
    %get3A_869 = tpu.vector_load %arg13[%get3A_868] {strides = array<i32>} : memref<4096xf32, #tpu.memory_space<vmem>>, vector<16xf32>,
    %min3A_870 = arith.minimumf %min3A_867, %get3A_869 : vector<16xf32>
    %get3A_871 = arith.constant 1760 : index
    %get3A_872 = tpu.vector_load %arg13[%get3A_871] {strides = array<i32>} : memref<4096xf32, #tpu.memory_space<vmem>>, vector<16xf32>,
    %min3A_873 = arith.minimumf %min3A_870, %get3A_872 : vector<16xf32>
    %get3A_874 = arith.constant 2016 : index
    %get3A_875 = tpu.vector_load %arg13[%get3A_874] {strides = array<i32>} : memref<4096xf32, #tpu.memory_space<vmem>>, vector<16xf32>,
    %min3A_876 = arith.minimumf %min3A_873, %get3A_875 : vector<16xf32>
    %get3A_877 = arith.constant 2272 : index
    %get3A_878 = tpu.vector_load %arg13[%get3A_877] {strides = array<i32>} : memref<4096xf32, #tpu.memory_space<vmem>>, vector<16xf32>,
    %min3A_879 = arith.minimumf %min3A_876, %get3A_878 : vector<16xf32>
    %get3A_880 = arith.constant 2528 : index
    %get3A_881 = tpu.vector_load %arg13[%get3A_880] {strides = array<i32>} : memref<4096xf32, #tpu.memory_space<vmem>>, vector<16xf32>,
    %min3A_882 = arith.minimumf %min3A_879, %get3A_881 : vector<16xf32>
    %get3A_883 = arith.constant 2784 : index
    %get3A_884 = tpu.vector_load %arg13[%get3A_883] {strides = array<i32>} : memref<4096xf32, #tpu.memory_space<vmem>>, vector<16xf32>,
    %min3A_885 = arith.minimumf %min3A_882, %get3A_884 : vector<16xf32>
    %get3A_886 = arith.constant 3040 : index
    %get3A_887 = tpu.vector_load %arg13[%get3A_886] {strides = array<i32>} : memref<4096xf32, #tpu.memory_space<vmem>>, vector<16xf32>,
    %min3A_888 = arith.minimumf %min3A_885, %get3A_887 : vector<16xf32>
    %get3A_889 = arith.constant 3296 : index
    %get3A_890 = tpu.vector_load %arg13[%get3A_889] {strides = array<i32>} : memref<4096xf32, #tpu.memory_space<vmem>>, vector<16xf32>,
    %min3A_891 = arith.minimumf %min3A_888, %get3A_890 : vector<16xf32>
    %get3A_892 = arith.constant 3552 : index
    %get3A_893 = tpu.vector_load %arg13[%get3A_892] {strides = array<i32>} : memref<4096xf32, #tpu.memory_space<vmem>>, vector<16xf32>,
    %min3A_894 = arith.minimumf %min3A_891, %get3A_893 : vector<16xf32>
    %get3A_895 = arith.constant 3808 : index
    %get3A_896 = tpu.vector_load %arg13[%get3A_895] {strides = array<i32>} : memref<4096xf32, #tpu.memory_space<vmem>>, vector<16xf32>,
    %min3A_897 = arith.minimumf %min3A_894, %get3A_896 : vector<16xf32>
    %get3A_898 = arith.constant 4064 : index
    %get3A_899 = tpu.vector_load %arg13[%get3A_898] {strides = array<i32>} : memref<4096xf32, #tpu.memory_space<vmem>>, vector<16xf32>,
    %min3A_900 = arith.minimumf %min3A_897, %get3A_899 : vector<16xf32>
    %swap3A_901 = arith.constant 224 : index
    %swap3A_902 = tpu.vector_load %arg14[%swap3A_901] {strides = array<i32>} : memref<256xf32, #tpu.memory_space<vmem>>, vector<16xf32>,
    tpu.vector_store %arg14[%swap3A_901], %min3A_900 {strides = array<i32>} : memref<256xf32, #tpu.memory_space<vmem>>, vector<16xf32>,
    %get3A_903 = arith.constant 240 : index
    %get3A_904 = tpu.vector_load %arg13[%get3A_903] {strides = array<i32>} : memref<4096xf32, #tpu.memory_space<vmem>>, vector<16xf32>,
    %get3A_905 = arith.constant 496 : index
    %get3A_906 = tpu.vector_load %arg13[%get3A_905] {strides = array<i32>} : memref<4096xf32, #tpu.memory_space<vmem>>, vector<16xf32>,
    %min3A_907 = arith.minimumf %get3A_904, %get3A_906 : vector<16xf32>
    %get3A_908 = arith.constant 752 : index
    %get3A_909 = tpu.vector_load %arg13[%get3A_908] {strides = array<i32>} : memref<4096xf32, #tpu.memory_space<vmem>>, vector<16xf32>,
    %min3A_910 = arith.minimumf %min3A_907, %get3A_909 : vector<16xf32>
    %get3A_911 = arith.constant 1008 : index
    %get3A_912 = tpu.vector_load %arg13[%get3A_911] {strides = array<i32>} : memref<4096xf32, #tpu.memory_space<vmem>>, vector<16xf32>,
    %min3A_913 = arith.minimumf %min3A_910, %get3A_912 : vector<16xf32>
    %get3A_914 = arith.constant 1264 : index
    %get3A_915 = tpu.vector_load %arg13[%get3A_914] {strides = array<i32>} : memref<4096xf32, #tpu.memory_space<vmem>>, vector<16xf32>,
    %min3A_916 = arith.minimumf %min3A_913, %get3A_915 : vector<16xf32>
    %get3A_917 = arith.constant 1520 : index
    %get3A_918 = tpu.vector_load %arg13[%get3A_917] {strides = array<i32>} : memref<4096xf32, #tpu.memory_space<vmem>>, vector<16xf32>,
    %min3A_919 = arith.minimumf %min3A_916, %get3A_918 : vector<16xf32>
    %get3A_920 = arith.constant 1776 : index
    %get3A_921 = tpu.vector_load %arg13[%get3A_920] {strides = array<i32>} : memref<4096xf32, #tpu.memory_space<vmem>>, vector<16xf32>,
    %min3A_922 = arith.minimumf %min3A_919, %get3A_921 : vector<16xf32>
    %get3A_923 = arith.constant 2032 : index
    %get3A_924 = tpu.vector_load %arg13[%get3A_923] {strides = array<i32>} : memref<4096xf32, #tpu.memory_space<vmem>>, vector<16xf32>,
    %min3A_925 = arith.minimumf %min3A_922, %get3A_924 : vector<16xf32>
    %get3A_926 = arith.constant 2288 : index
    %get3A_927 = tpu.vector_load %arg13[%get3A_926] {strides = array<i32>} : memref<4096xf32, #tpu.memory_space<vmem>>, vector<16xf32>,
    %min3A_928 = arith.minimumf %min3A_925, %get3A_927 : vector<16xf32>
    %get3A_929 = arith.constant 2544 : index
    %get3A_930 = tpu.vector_load %arg13[%get3A_929] {strides = array<i32>} : memref<4096xf32, #tpu.memory_space<vmem>>, vector<16xf32>,
    %min3A_931 = arith.minimumf %min3A_928, %get3A_930 : vector<16xf32>
    %get3A_932 = arith.constant 2800 : index
    %get3A_933 = tpu.vector_load %arg13[%get3A_932] {strides = array<i32>} : memref<4096xf32, #tpu.memory_space<vmem>>, vector<16xf32>,
    %min3A_934 = arith.minimumf %min3A_931, %get3A_933 : vector<16xf32>
    %get3A_935 = arith.constant 3056 : index
    %get3A_936 = tpu.vector_load %arg13[%get3A_935] {strides = array<i32>} : memref<4096xf32, #tpu.memory_space<vmem>>, vector<16xf32>,
    %min3A_937 = arith.minimumf %min3A_934, %get3A_936 : vector<16xf32>
    %get3A_938 = arith.constant 3312 : index
    %get3A_939 = tpu.vector_load %arg13[%get3A_938] {strides = array<i32>} : memref<4096xf32, #tpu.memory_space<vmem>>, vector<16xf32>,
    %min3A_940 = arith.minimumf %min3A_937, %get3A_939 : vector<16xf32>
    %get3A_941 = arith.constant 3568 : index
    %get3A_942 = tpu.vector_load %arg13[%get3A_941] {strides = array<i32>} : memref<4096xf32, #tpu.memory_space<vmem>>, vector<16xf32>,
    %min3A_943 = arith.minimumf %min3A_940, %get3A_942 : vector<16xf32>
    %get3A_944 = arith.constant 3824 : index
    %get3A_945 = tpu.vector_load %arg13[%get3A_944] {strides = array<i32>} : memref<4096xf32, #tpu.memory_space<vmem>>, vector<16xf32>,
    %min3A_946 = arith.minimumf %min3A_943, %get3A_945 : vector<16xf32>
    %get3A_947 = arith.constant 4080 : index
    %get3A_948 = tpu.vector_load %arg13[%get3A_947] {strides = array<i32>} : memref<4096xf32, #tpu.memory_space<vmem>>, vector<16xf32>,
    %min3A_949 = arith.minimumf %min3A_946, %get3A_948 : vector<16xf32>
    %swap3A_950 = arith.constant 240 : index
    %swap3A_951 = tpu.vector_load %arg14[%swap3A_950] {strides = array<i32>} : memref<256xf32, #tpu.memory_space<vmem>>, vector<16xf32>,
    tpu.vector_store %arg14[%swap3A_950], %min3A_949 {strides = array<i32>} : memref<256xf32, #tpu.memory_space<vmem>>, vector<16xf32>,
    %mul3A_952 = arith.constant 64 : i32
    %mul3A_953 = arith.muli %add3A, %mul3A_952 : i32
    %mul3A_954 = arith.constant 4 : i32
    %mul3A_955 = arith.muli %mul3A_953, %mul3A_954 : i32
    "tpu.region"() ({
      %run_scoped3A = tpu.sem_alloc : memref<!tpu.dma_semaphore, #tpu.memory_space<semaphore_mem>>
      %dma_start3A_956 = tpu.memref_slice %arg6[%mul3A_955] : memref<8192xf32, #tpu.memory_space<hbm>> -> memref<256xf32, #tpu.memory_space<hbm>>
      %dma_start3A_957 = tpu.memref_slice %arg6[%mul3A_955] : memref<8192xf32, #tpu.memory_space<hbm>> -> memref<256xf32, #tpu.memory_space<hbm>>
      tpu.enqueue_dma source(%arg14 : memref<256xf32, #tpu.memory_space<vmem>>) target(%dma_start3A_957 : memref<256xf32, #tpu.memory_space<hbm>>) target_semaphore(%run_scoped3A : memref<!tpu.dma_semaphore, #tpu.memory_space<semaphore_mem>>)
      %dma_wait3A_958 = tpu.memref_slice %arg6[%mul3A_955] : memref<8192xf32, #tpu.memory_space<hbm>> -> memref<256xf32, #tpu.memory_space<hbm>>
      %dma_wait3A_959 = tpu.memref_slice %arg6[%mul3A_955] : memref<8192xf32, #tpu.memory_space<hbm>> -> memref<256xf32, #tpu.memory_space<hbm>>
      tpu.wait_dma2 semaphore(%run_scoped3A : memref<!tpu.dma_semaphore, #tpu.memory_space<semaphore_mem>>) src(%arg14 : memref<256xf32, #tpu.memory_space<vmem>>) dst(%dma_wait3A_959 : memref<256xf32, #tpu.memory_space<hbm>>)
      tpu.yield
    }) : () -> ()
    return
  }
}

module attributes {stable_mosaic.version = 14 : i64} {
  func.func @_h_body(%arg0: i32, %arg1: memref<1000x128xf32, #tpu.memory_space<vmem>>, %arg2: memref<128x128xf32, #tpu.memory_space<vmem>>, %arg3: memref<1x128xf32, #tpu.memory_space<vmem>>, %arg4: memref<1000x128xf32, #tpu.memory_space<vmem>>) attributes {dimension_semantics = [#tpu.dimension_semantics<arbitrary>], iteration_bounds = array<i64: 10>, scalar_prefetch = 0 : i64, scratch_operands = 0 : i64, tpu.core_type = #tpu.core_type<tc>, window_params = [{transform_indices = @transform_0, window_bounds = array<i64: 1000, 128>}, {pipeline_mode = #tpu.pipeline_mode<synchronous>, transform_indices = @transform_1, window_bounds = array<i64: 128, 128>}, {pipeline_mode = #tpu.pipeline_mode<synchronous>, transform_indices = @transform_2, window_bounds = array<i64: 1, 128>}, {transform_indices = @transform_3, window_bounds = array<i64: 1000, 128>}]} {
    %get3A = arith.constant 0 : index
    %get3A_0 = arith.constant 0 : index
    %get3A_1 = vector.load %arg1[%get3A, %get3A_0] : memref<1000x128xf32, #tpu.memory_space<vmem>>, vector<1000x128xf32>
    %get3A_2 = arith.constant 0 : index
    %get3A_3 = arith.constant 0 : index
    %get3A_4 = vector.load %arg2[%get3A_2, %get3A_3] : memref<128x128xf32, #tpu.memory_space<vmem>>, vector<128x128xf32>
    %dot_general3A = arith.constant dense<0.000000e+00> : vector<1000x128xf32>
    %dot_general3A_5 = tpu.matmul %get3A_1, %get3A_4, %dot_general3A {dimension_numbers = #tpu.dot_dimension_numbers<[1], [0], [0], [1], [0, 0, 1, 1], [], []>, transpose_lhs_hint = false} : vector<1000x128xf32>, vector<128x128xf32>, vector<1000x128xf32> -> vector<1000x128xf32>
    %get3A_6 = arith.constant 0 : index
    %get3A_7 = arith.constant 0 : index
    %get3A_8 = vector.load %arg3[%get3A_6, %get3A_7] : memref<1x128xf32, #tpu.memory_space<vmem>>, vector<1x128xf32>
    %add3A = vector.broadcast %get3A_8 : vector<1x128xf32> to vector<1000x128xf32>
    %add3A_9 = arith.addf %dot_general3A_5, %add3A : vector<1000x128xf32>
    %swap3A = arith.constant 0 : index
    %swap3A_10 = arith.constant 0 : index
    %swap3A_11 = vector.load %arg4[%swap3A, %swap3A_10] : memref<1000x128xf32, #tpu.memory_space<vmem>>, vector<1000x128xf32>
    tpu.vector_store %arg4[%swap3A, %swap3A_10], %add3A_9 {strides = array<i32>} : memref<1000x128xf32, #tpu.memory_space<vmem>>, vector<1000x128xf32>,
    return
  }
  func.func @transform_0(%arg0: i32) -> (i32, i32) {
    %c0_i32 = arith.constant 0 : i32
    %c0_i32_0 = arith.constant 0 : i32
    return %arg0, %c0_i32 : i32, i32
  }
  func.func @transform_1(%arg0: i32) -> (i32, i32) {
    %c0_i32 = arith.constant 0 : i32
    %c0_i32_0 = arith.constant 0 : i32
    %c0_i32_1 = arith.constant 0 : i32
    return %c0_i32, %c0_i32_0 : i32, i32
  }
  func.func @transform_2(%arg0: i32) -> (i32, i32) {
    %c0_i32 = arith.constant 0 : i32
    %c0_i32_0 = arith.constant 0 : i32
    %c0_i32_1 = arith.constant 0 : i32
    return %c0_i32, %c0_i32_0 : i32, i32
  }
  func.func @transform_3(%arg0: i32) -> (i32, i32) {
    %c0_i32 = arith.constant 0 : i32
    %c0_i32_0 = arith.constant 0 : i32
    return %arg0, %c0_i32 : i32, i32
  }
}

module attributes {stable_mosaic.version = 14 : i64} {
  func.func @_gate_body(%arg0: i32, %arg1: memref<8000x4xf32, #tpu.memory_space<vmem>>, %arg2: memref<1x1x8000xi32, #tpu.memory_space<vmem>>, %arg3: memref<32x64x4xf32, #tpu.memory_space<vmem>>, %arg4: memref<4x128xf32, #tpu.memory_space<vmem>>, %arg5: memref<8000x128xf32, #tpu.memory_space<vmem>>) attributes {dimension_semantics = [#tpu.dimension_semantics<arbitrary>], iteration_bounds = array<i64: 40>, scalar_prefetch = 0 : i64, scratch_operands = 0 : i64, tpu.core_type = #tpu.core_type<tc>, window_params = [{transform_indices = @transform_0, window_bounds = array<i64: 8000, 4>}, {transform_indices = @transform_1, window_bounds = array<i64: 1, 1, 8000>}, {pipeline_mode = #tpu.pipeline_mode<synchronous>, transform_indices = @transform_2, window_bounds = array<i64: 32, 64, 4>}, {pipeline_mode = #tpu.pipeline_mode<synchronous>, transform_indices = @transform_3, window_bounds = array<i64: 4, 128>}, {transform_indices = @transform_4, window_bounds = array<i64: 8000, 128>}]} {
    %get3A = arith.constant 0 : index
    %get3A_0 = arith.constant 0 : index
    %get3A_1 = arith.constant 0 : index
    %get3A_2 = vector.load %arg2[%get3A, %get3A_0, %get3A_1] : memref<1x1x8000xi32, #tpu.memory_space<vmem>>, vector<1x1x8000xi32>
    %get3A_3 = vector.shape_cast %get3A_2 : vector<1x1x8000xi32> to vector<8000xi32>
    %iota3A = tpu.iota {dimensions = array<i32: 1>} : vector<8000x64xi32>
    %broadcast_in_dim3A = vector.shape_cast %get3A_3 : vector<8000xi32> to vector<8000x1xi32>
    %eq3A = vector.broadcast %broadcast_in_dim3A : vector<8000x1xi32> to vector<8000x64xi32>
    %eq3A_4 = arith.cmpi eq, %iota3A, %eq3A : vector<8000x64xi32>
    %convert_element_type3A = arith.extui %eq3A_4 : vector<8000x64xi1> to vector<8000x64xi32>
    %convert_element_type3A_5 = arith.sitofp %convert_element_type3A : vector<8000x64xi32> to vector<8000x64xf32>
    %get3A_6 = arith.constant 0 : index
    %get3A_7 = arith.constant 0 : index
    %get3A_8 = arith.constant 0 : index
    %get3A_9 = vector.load %arg3[%get3A_6, %get3A_7, %get3A_8] : memref<32x64x4xf32, #tpu.memory_space<vmem>>, vector<32x64x4xf32>
    %reduce_min3A = arith.constant dense<0x7F800000> : vector<64x4xf32>
    %reduce_min3A_10 = vector.multi_reduction <minimumf>, %get3A_9, %reduce_min3A [0] : vector<32x64x4xf32> to vector<64x4xf32>
    %dot_general3A = arith.constant dense<0.000000e+00> : vector<8000x4xf32>
    %dot_general3A_11 = tpu.matmul %convert_element_type3A_5, %reduce_min3A_10, %dot_general3A {dimension_numbers = #tpu.dot_dimension_numbers<[1], [0], [0], [1], [0, 0, 1, 1], [], []>, transpose_lhs_hint = false} : vector<8000x64xf32>, vector<64x4xf32>, vector<8000x4xf32> -> vector<8000x4xf32>
    %get3A_12 = arith.constant 0 : index
    %get3A_13 = arith.constant 0 : index
    %get3A_14 = vector.load %arg1[%get3A_12, %get3A_13] : memref<8000x4xf32, #tpu.memory_space<vmem>>, vector<8000x4xf32>
    %sub3A = arith.subf %get3A_14, %dot_general3A_11 : vector<8000x4xf32>
    %mul3A = arith.mulf %sub3A, %sub3A : vector<8000x4xf32>
    %neg3A = arith.constant 0.000000e+00 : f32
    %neg3A_15 = vector.broadcast %neg3A : f32 to vector<8000x4xf32>
    %neg3A_16 = arith.subf %neg3A_15, %mul3A : vector<8000x4xf32>
    %mul3A_17 = arith.constant 0.999998986 : f32
    %mul3A_18 = vector.broadcast %mul3A_17 : f32 to vector<8000x4xf32>
    %mul3A_19 = arith.mulf %neg3A_16, %mul3A_18 : vector<8000x4xf32>
    %exp3A = math.exp %mul3A_19 : vector<8000x4xf32>
    %get3A_20 = arith.constant 0 : index
    %get3A_21 = arith.constant 0 : index
    %get3A_22 = vector.load %arg4[%get3A_20, %get3A_21] : memref<4x128xf32, #tpu.memory_space<vmem>>, vector<4x128xf32>
    %dot_general3A_23 = arith.constant dense<0.000000e+00> : vector<8000x128xf32>
    %dot_general3A_24 = tpu.matmul %exp3A, %get3A_22, %dot_general3A_23 {dimension_numbers = #tpu.dot_dimension_numbers<[1], [0], [0], [1], [0, 0, 1, 1], [], []>, transpose_lhs_hint = false} : vector<8000x4xf32>, vector<4x128xf32>, vector<8000x128xf32> -> vector<8000x128xf32>
    %neg3A_25 = arith.constant 0.000000e+00 : f32
    %neg3A_26 = vector.broadcast %neg3A_25 : f32 to vector<8000x128xf32>
    %neg3A_27 = arith.subf %neg3A_26, %dot_general3A_24 : vector<8000x128xf32>
    %exp3A_28 = math.exp %neg3A_27 : vector<8000x128xf32>
    %add3A = arith.constant 1.000000e+00 : f32
    %add3A_29 = vector.broadcast %add3A : f32 to vector<8000x128xf32>
    %add3A_30 = arith.addf %add3A_29, %exp3A_28 : vector<8000x128xf32>
    %div3A = arith.constant 1.000000e+00 : f32
    %div3A_31 = vector.broadcast %div3A : f32 to vector<8000x128xf32>
    %div3A_32 = arith.divf %div3A_31, %add3A_30 : vector<8000x128xf32>
    %swap3A = arith.constant 0 : index
    %swap3A_33 = arith.constant 0 : index
    %swap3A_34 = vector.load %arg5[%swap3A, %swap3A_33] : memref<8000x128xf32, #tpu.memory_space<vmem>>, vector<8000x128xf32>
    tpu.vector_store %arg5[%swap3A, %swap3A_33], %div3A_32 {strides = array<i32>} : memref<8000x128xf32, #tpu.memory_space<vmem>>, vector<8000x128xf32>,
    return
  }
  func.func @transform_0(%arg0: i32) -> (i32, i32) {
    %c0_i32 = arith.constant 0 : i32
    %c0_i32_0 = arith.constant 0 : i32
    return %arg0, %c0_i32 : i32, i32
  }
  func.func @transform_1(%arg0: i32) -> (i32, i32, i32) {
    %c0_i32 = arith.constant 0 : i32
    %c0_i32_0 = arith.constant 0 : i32
    %c0_i32_1 = arith.constant 0 : i32
    return %arg0, %c0_i32, %c0_i32_0 : i32, i32, i32
  }
  func.func @transform_2(%arg0: i32) -> (i32, i32, i32) {
    %c0_i32 = arith.constant 0 : i32
    %c0_i32_0 = arith.constant 0 : i32
    %c0_i32_1 = arith.constant 0 : i32
    %c0_i32_2 = arith.constant 0 : i32
    return %c0_i32, %c0_i32_0, %c0_i32_1 : i32, i32, i32
  }
  func.func @transform_3(%arg0: i32) -> (i32, i32) {
    %c0_i32 = arith.constant 0 : i32
    %c0_i32_0 = arith.constant 0 : i32
    %c0_i32_1 = arith.constant 0 : i32
    return %c0_i32, %c0_i32_0 : i32, i32
  }
  func.func @transform_4(%arg0: i32) -> (i32, i32) {
    %c0_i32 = arith.constant 0 : i32
    %c0_i32_0 = arith.constant 0 : i32
    return %arg0, %c0_i32 : i32, i32
  }
}

module attributes {stable_mosaic.version = 14 : i64} {
  func.func @_tail_body(%arg0: i32, %arg1: memref<1x1000x128xf32, #tpu.memory_space<vmem>>, %arg2: memref<1x1000x128xf32, #tpu.memory_space<vmem>>, %arg3: memref<1000x128xf32, #tpu.memory_space<vmem>>, %arg4: memref<1x1x1000xi32, #tpu.memory_space<vmem>>, %arg5: memref<1x32xf32, #tpu.memory_space<vmem>>, %arg6: memref<160x10xf32, #tpu.memory_space<vmem>>, %arg7: memref<1x10xf32, #tpu.memory_space<vmem>>, %arg8: memref<64x10xf32, #tpu.memory_space<vmem>>, %arg9: memref<64x128xf32, #tpu.memory_space<vmem>>) attributes {dimension_semantics = [#tpu.dimension_semantics<arbitrary>], iteration_bounds = array<i64: 10>, scalar_prefetch = 0 : i64, scratch_operands = 1 : i64, tpu.core_type = #tpu.core_type<tc>, window_params = [{transform_indices = @transform_0, window_bounds = array<i64: 1, 1000, 128>}, {transform_indices = @transform_1, window_bounds = array<i64: 1, 1000, 128>}, {transform_indices = @transform_2, window_bounds = array<i64: 1000, 128>}, {transform_indices = @transform_3, window_bounds = array<i64: 1, 1, 1000>}, {pipeline_mode = #tpu.pipeline_mode<synchronous>, transform_indices = @transform_4, window_bounds = array<i64: 1, 32>}, {pipeline_mode = #tpu.pipeline_mode<synchronous>, transform_indices = @transform_5, window_bounds = array<i64: 160, 10>}, {pipeline_mode = #tpu.pipeline_mode<synchronous>, transform_indices = @transform_6, window_bounds = array<i64: 1, 10>}, {pipeline_mode = #tpu.pipeline_mode<synchronous>, transform_indices = @transform_7, window_bounds = array<i64: 64, 10>}]} {
    %eq3A = arith.constant 0 : i32
    %eq3A_0 = arith.cmpi eq, %arg0, %eq3A : i32
    %convert_element_type3A = arith.extui %eq3A_0 : i1 to i32
    %cond3A = arith.constant 0 : i32
    %cond3A_1 = arith.cmpi ne, %convert_element_type3A, %cond3A : i32
    scf.if %cond3A_1 {
      %broadcast_in_dim3A_38 = arith.constant 0.000000e+00 : f32
      %broadcast_in_dim3A_39 = vector.broadcast %broadcast_in_dim3A_38 : f32 to vector<64x128xf32>
      %swap3A_40 = arith.constant 0 : index
      %swap3A_41 = arith.constant 0 : index
      %swap3A_42 = vector.load %arg9[%swap3A_40, %swap3A_41] : memref<64x128xf32, #tpu.memory_space<vmem>>, vector<64x128xf32>
      tpu.vector_store %arg9[%swap3A_40, %swap3A_41], %broadcast_in_dim3A_39 {strides = array<i32>} : memref<64x128xf32, #tpu.memory_space<vmem>>, vector<64x128xf32>,
    } else {
    }
    %get3A = arith.constant 0 : index
    %get3A_2 = arith.constant 0 : index
    %get3A_3 = arith.constant 0 : index
    %get3A_4 = vector.load %arg1[%get3A, %get3A_2, %get3A_3] : memref<1x1000x128xf32, #tpu.memory_space<vmem>>, vector<1x1000x128xf32>
    %get3A_5 = vector.shape_cast %get3A_4 : vector<1x1000x128xf32> to vector<1000x128xf32>
    %get3A_6 = arith.constant 0 : index
    %get3A_7 = arith.constant 0 : index
    %get3A_8 = arith.constant 0 : index
    %get3A_9 = vector.load %arg2[%get3A_6, %get3A_7, %get3A_8] : memref<1x1000x128xf32, #tpu.memory_space<vmem>>, vector<1x1000x128xf32>
    %get3A_10 = vector.shape_cast %get3A_9 : vector<1x1000x128xf32> to vector<1000x128xf32>
    %add3A = arith.addf %get3A_5, %get3A_10 : vector<1000x128xf32>
    %get3A_11 = arith.constant 0 : index
    %get3A_12 = arith.constant 0 : index
    %get3A_13 = vector.load %arg3[%get3A_11, %get3A_12] : memref<1000x128xf32, #tpu.memory_space<vmem>>, vector<1000x128xf32>
    %add3A_14 = arith.addf %add3A, %get3A_13 : vector<1000x128xf32>
    %max3A = arith.constant 0.000000e+00 : f32
    %max3A_15 = vector.broadcast %max3A : f32 to vector<1000x128xf32>
    %max3A_16 = arith.maximumf %add3A_14, %max3A_15 : vector<1000x128xf32>
    %get3A_17 = arith.constant 0 : index
    %get3A_18 = arith.constant 0 : index
    %get3A_19 = arith.constant 0 : index
    %get3A_20 = vector.load %arg4[%get3A_17, %get3A_18, %get3A_19] : memref<1x1x1000xi32, #tpu.memory_space<vmem>>, vector<1x1x1000xi32>
    %get3A_21 = vector.shape_cast %get3A_20 : vector<1x1x1000xi32> to vector<1000xi32>
    %iota3A = tpu.iota {dimensions = array<i32: 0>} : vector<64x1000xi32>
    %broadcast_in_dim3A = vector.shape_cast %get3A_21 : vector<1000xi32> to vector<1x1000xi32>
    %eq3A_22 = vector.broadcast %broadcast_in_dim3A : vector<1x1000xi32> to vector<64x1000xi32>
    %eq3A_23 = arith.cmpi eq, %iota3A, %eq3A_22 : vector<64x1000xi32>
    %convert_element_type3A_24 = arith.extui %eq3A_23 : vector<64x1000xi1> to vector<64x1000xi32>
    %convert_element_type3A_25 = arith.sitofp %convert_element_type3A_24 : vector<64x1000xi32> to vector<64x1000xf32>
    %get3A_26 = arith.constant 0 : index
    %get3A_27 = arith.constant 0 : index
    %get3A_28 = vector.load %arg9[%get3A_26, %get3A_27] : memref<64x128xf32, #tpu.memory_space<vmem>>, vector<64x128xf32>
    %dot_general3A = arith.constant dense<0.000000e+00> : vector<64x128xf32>
    %dot_general3A_29 = tpu.matmul %convert_element_type3A_25, %max3A_16, %dot_general3A {dimension_numbers = #tpu.dot_dimension_numbers<[1], [0], [0], [1], [0, 0, 1, 1], [], []>, transpose_lhs_hint = false} : vector<64x1000xf32>, vector<1000x128xf32>, vector<64x128xf32> -> vector<64x128xf32>
    %add3A_30 = arith.addf %get3A_28, %dot_general3A_29 : vector<64x128xf32>
    %swap3A = arith.constant 0 : index
    %swap3A_31 = arith.constant 0 : index
    %swap3A_32 = vector.load %arg9[%swap3A, %swap3A_31] : memref<64x128xf32, #tpu.memory_space<vmem>>, vector<64x128xf32>
    tpu.vector_store %arg9[%swap3A, %swap3A_31], %add3A_30 {strides = array<i32>} : memref<64x128xf32, #tpu.memory_space<vmem>>, vector<64x128xf32>,
    %eq3A_33 = arith.constant 9 : i32
    %eq3A_34 = arith.cmpi eq, %arg0, %eq3A_33 : i32
    %convert_element_type3A_35 = arith.extui %eq3A_34 : i1 to i32
    %cond3A_36 = arith.constant 0 : i32
    %cond3A_37 = arith.cmpi ne, %convert_element_type3A_35, %cond3A_36 : i32
    scf.if %cond3A_37 {
      %get3A_38 = arith.constant 0 : index
      %get3A_39 = arith.constant 0 : index
      %get3A_40 = vector.load %arg5[%get3A_38, %get3A_39] : memref<1x32xf32, #tpu.memory_space<vmem>>, vector<1x32xf32>
      %get3A_41 = arith.constant 128 : index
      %get3A_42 = arith.constant 0 : index
      %get3A_43 = vector.load %arg6[%get3A_41, %get3A_42] : memref<160x10xf32, #tpu.memory_space<vmem>>, vector<32x10xf32>
      %dot_general3A_44 = arith.constant dense<0.000000e+00> : vector<1x10xf32>
      %dot_general3A_45 = tpu.matmul %get3A_40, %get3A_43, %dot_general3A_44 {dimension_numbers = #tpu.dot_dimension_numbers<[1], [0], [0], [1], [0, 0, 1, 1], [], []>, transpose_lhs_hint = false} : vector<1x32xf32>, vector<32x10xf32>, vector<1x10xf32> -> vector<1x10xf32>
      %get3A_46 = arith.constant 0 : index
      %get3A_47 = arith.constant 0 : index
      %get3A_48 = vector.load %arg9[%get3A_46, %get3A_47] : memref<64x128xf32, #tpu.memory_space<vmem>>, vector<64x128xf32>
      %get3A_49 = arith.constant 0 : index
      %get3A_50 = arith.constant 0 : index
      %get3A_51 = vector.load %arg6[%get3A_49, %get3A_50] : memref<160x10xf32, #tpu.memory_space<vmem>>, vector<128x10xf32>
      %dot_general3A_52 = arith.constant dense<0.000000e+00> : vector<64x10xf32>
      %dot_general3A_53 = tpu.matmul %get3A_48, %get3A_51, %dot_general3A_52 {dimension_numbers = #tpu.dot_dimension_numbers<[1], [0], [0], [1], [0, 0, 1, 1], [], []>, transpose_lhs_hint = false} : vector<64x128xf32>, vector<128x10xf32>, vector<64x10xf32> -> vector<64x10xf32>
      %add3A_54 = vector.broadcast %dot_general3A_45 : vector<1x10xf32> to vector<64x10xf32>
      %add3A_55 = arith.addf %dot_general3A_53, %add3A_54 : vector<64x10xf32>
      %get3A_56 = arith.constant 0 : index
      %get3A_57 = arith.constant 0 : index
      %get3A_58 = vector.load %arg7[%get3A_56, %get3A_57] : memref<1x10xf32, #tpu.memory_space<vmem>>, vector<1x10xf32>
      %add3A_59 = vector.broadcast %get3A_58 : vector<1x10xf32> to vector<64x10xf32>
      %add3A_60 = arith.addf %add3A_55, %add3A_59 : vector<64x10xf32>
      %swap3A_61 = arith.constant 0 : index
      %swap3A_62 = arith.constant 0 : index
      %swap3A_63 = vector.load %arg8[%swap3A_61, %swap3A_62] : memref<64x10xf32, #tpu.memory_space<vmem>>, vector<64x10xf32>
      tpu.vector_store %arg8[%swap3A_61, %swap3A_62], %add3A_60 {strides = array<i32>} : memref<64x10xf32, #tpu.memory_space<vmem>>, vector<64x10xf32>,
    } else {
    }
    return
  }
  func.func @transform_0(%arg0: i32) -> (i32, i32, i32) {
    %c0_i32 = arith.constant 0 : i32
    %c0_i32_0 = arith.constant 0 : i32
    %c0_i32_1 = arith.constant 0 : i32
    return %c0_i32, %arg0, %c0_i32_0 : i32, i32, i32
  }
  func.func @transform_1(%arg0: i32) -> (i32, i32, i32) {
    %c1_i32 = arith.constant 1 : i32
    %c0_i32 = arith.constant 0 : i32
    %c0_i32_0 = arith.constant 0 : i32
    return %c1_i32, %arg0, %c0_i32 : i32, i32, i32
  }
  func.func @transform_2(%arg0: i32) -> (i32, i32) {
    %c0_i32 = arith.constant 0 : i32
    %c0_i32_0 = arith.constant 0 : i32
    return %arg0, %c0_i32 : i32, i32
  }
  func.func @transform_3(%arg0: i32) -> (i32, i32, i32) {
    %c0_i32 = arith.constant 0 : i32
    %c0_i32_0 = arith.constant 0 : i32
    %c0_i32_1 = arith.constant 0 : i32
    return %arg0, %c0_i32, %c0_i32_0 : i32, i32, i32
  }
  func.func @transform_4(%arg0: i32) -> (i32, i32) {
    %c0_i32 = arith.constant 0 : i32
    %c0_i32_0 = arith.constant 0 : i32
    %c0_i32_1 = arith.constant 0 : i32
    return %c0_i32, %c0_i32_0 : i32, i32
  }
  func.func @transform_5(%arg0: i32) -> (i32, i32) {
    %c0_i32 = arith.constant 0 : i32
    %c0_i32_0 = arith.constant 0 : i32
    %c0_i32_1 = arith.constant 0 : i32
    return %c0_i32, %c0_i32_0 : i32, i32
  }
  func.func @transform_6(%arg0: i32) -> (i32, i32) {
    %c0_i32 = arith.constant 0 : i32
    %c0_i32_0 = arith.constant 0 : i32
    %c0_i32_1 = arith.constant 0 : i32
    return %c0_i32, %c0_i32_0 : i32, i32
  }
  func.func @transform_7(%arg0: i32) -> (i32, i32) {
    %c0_i32 = arith.constant 0 : i32
    %c0_i32_0 = arith.constant 0 : i32
    %c0_i32_1 = arith.constant 0 : i32
    return %c0_i32, %c0_i32_0 : i32, i32
  }
}

</mosaic_0001>

<sc_bundles>
// kernel: kernel.10.cloned.1.call-start
scs
__scs_entry_jumppad:
0x0: {  	(pc) =	sbr.rel $0x88, $3  }
0x1: {  	(tag) =	ssettag $0x0;
	lr =	simm.s32 $0x1  }
0x2: {  	[smem:$0x3F97] =	sst lr;
	_ =	strace $0xD0000000  }
0x3: {  	_ = 	snop  }
0x4: {  	_ = 	snop  }
0x5: {  	_ = 	snop  }
0x6: {  	_ = 	snop  }
0x7: {  	_ = 	snop  }
__scs_overlays_trampoline_lowered:
0x8: {  	[smem:$0x3FA6] =	sst s0  }
0x9: {  	[smem:$0x3FA7] =	sst s1  }
0xa: {  	[smem:$0x3FA8] =	sst s2  }
0xb: {  	[smem:$0x3FA9] =	sst s3  }
0xc: {  	[smem:$0x3FAA] =	sst s4  }
0xd: {  	[smem:$0x3FAB] =	sst s5  }
0xe: {  	[smem:$0x3FAC] =	sst s6  }
0xf: {  	[smem:$0x3FAD] =	sst s7  }
0x10: {  	[smem:$0x3FAE] =	sst s8  }
0x11: {  	[smem:$0x3FAF] =	sst s9;
	s0 =	simm.s32 @!p0 $0x0  }
0x12: {  	s1 =	sld [smem:$0x3F95];
	s0 =	simm.s32 @p0 $0x1  }
0x13: {  	[smem:$0x3FB0] =	sst s0;
	s0 =	simm.s32 @!p1 $0x0  }
0x14: {  	s2 =	sld [smem:$0x3F94];
	s0 =	simm.s32 @p1 $0x1  }
0x15: {  	[smem:$0x3FB1] =	sst s0;
	s0 =	simm.s32 @!p2 $0x0  }
0x16: {  	s3 =	sld [smem:$0x3FDB];
	s0 =	simm.s32 @p2 $0x1  }
0x17: {  	s4 =	simm.s32 $0x1BF5;
	[smem:$0x3FB3] =	sst s0  }
0x18: {  	s0 =	sld [smem:$0x3F96];
	_ =	swait.ge [sflag:s4], $0x0  }
0x19: {  	s7 =	sld [smem:$0x3F97]  }
0x1a: {  	s8 =	sadd.s32 $0xFFFFE003, lr  }
0x1b: {  	s9 =	sadd.s32 $0xFFFFFEF7, lr;
	s5 =	simm.s32 $0xFFFFFFFF;
	p2 =	slt.u32 s8, $0xFFFFF086  }
0x1c: {  	p1 =	slt.u32 s9, $0xF7A;
	s5 =	simm.s32 @!p2 $0x0  }
0x1d: {  	s5 =	simm.s32 @p1 $0x1;
	p0 =	seq.s32 s7, s2  }
0x1e: {  	s7 =	smul.u32 @!p0 $0xF7A, s2;
	p2 =	seq.s32 @!p0 s5, $0x0  }
0x1f: {  	s9 =	smul.u32 $0xF7A, s1;
	s8 =	simm.s32 @!p0 $0x1BF5;
	p2 =	por !p2, p0  }
0x20: {  	[sflag:s8] =	ssyncset.s32 @!p0 $0xFFFFF086;
	s6 =	sadd.s32 @!p0 s3, s7;
	s7 =	simm.s32 @!p0 $0x108  }
0x21: {  	s3 =	sadd.s32 s3, s9;
	s6 =	sadd.s32 @!p0 $0x88, s6;
	s7 =	simm.s32 @p2 $0x1082  }
0x22: {  	[simem:s7], [sflag:s8] =	dma.local @!p0 [hbm:s6], $0xF7A  }
0x23: {  	s9 =	sor.u32 $0xD0000000, s2;
	s6 =	simm.s32 $0x108;
	_ =	swait.ge @!p0 [sflag:s8], $0x0  }
0x24: {  	s3 =	sadd.s32 $0x88, s3;
	s6 =	simm.s32 @!p1 $0x1082;
	[sflag:s4] =	ssyncset.s32 $0xFFFFF086  }
0x25: {  	[simem:s6], [sflag:s4] =	dma.local [hbm:s3], $0xF7A  }
0x26: {  	[smem:$0x3F97] =	sst s1;
	(tag) =	ssettag s2;
	_ =	strace s9  }
0x27: {  	s1 =	sld [smem:$0x3FA7]  }
0x28: {  	s2 =	sld [smem:$0x3FA8]  }
0x29: {  	s4 =	sld [smem:$0x3FAA]  }
0x2a: {  	p0 =	seq.s32 s5, $0x0;
	s5 =	sld [smem:$0x3FAB]  }
0x2b: {  	s6 =	sld [smem:$0x3FAC]  }
0x2c: {  	s7 =	sld [smem:$0x3FAD]  }
0x2d: {  	s3 =	simm.s32 $0x108;
	s8 =	sld [smem:$0x3FAE]  }
0x2e: {  	s3 =	simm.s32 @!p0 $0x1082;
	s9 =	sld [smem:$0x3FAF]  }
0x2f: {  	lr =	sadd.s32 s0, s3;
	s0 =	sld [smem:$0x3FA6]  }
0x30: {  	s3 =	sld [smem:$0x3FA9]  }
0x31: {  	[smem:$0x3FB2] =	sst s10  }
0x32: {  	s10 =	sld [smem:$0x3FB0];
	_ =	sdelay $0x3  }
0x33: {  	p0 =	seq.s32 s10, $0x1;
	s10 =	sld [smem:$0x3FB2];
	_ =	sdelay $0x3  }
0x34: {  	[smem:$0x3FB2] =	sst s10  }
0x35: {  	s10 =	sld [smem:$0x3FB1];
	_ =	sdelay $0x3  }
0x36: {  	p1 =	seq.s32 s10, $0x1;
	s10 =	sld [smem:$0x3FB2];
	_ =	sdelay $0x3  }
0x37: {  	[smem:$0x3FB2] =	sst s10  }
0x38: {  	s10 =	sld [smem:$0x3FB3]  }
0x39: {  	_ = 	snop;
	(pc) =	sbr.ind lr, $3  }
0x3a: {  	_ = 	snop  }
0x3b: {  	_ = 	snop  }
0x3c: {  	p2 =	seq.s32 s10, $0x1;
	s10 =	sld [smem:$0x3FB2]  }
0x3d: {  	_ =	shalt  }
0x3e: {  	_ =	shalt  }
0x3f: {  	_ =	shalt  }
0x40: {  	_ =	shalt  }
0x41: {  	_ =	shalt  }
0x42: {  	_ =	shalt  }
0x43: {  	_ =	shalt  }
0x44: {  	_ =	shalt  }
0x45: {  	_ =	shalt  }
0x46: {  	_ =	shalt  }
0x47: {  	_ =	shalt  }
0x48: {  	_ =	shalt  }
0x49: {  	_ =	shalt  }
0x4a: {  	_ =	shalt  }
0x4b: {  	_ =	shalt  }
0x4c: {  	_ =	shalt  }
0x4d: {  	_ =	shalt  }
0x4e: {  	_ =	shalt  }
0x4f: {  	_ =	shalt  }
0x50: {  	_ =	shalt  }
0x51: {  	_ =	shalt  }
0x52: {  	_ =	shalt  }
0x53: {  	_ =	shalt  }
0x54: {  	_ =	shalt  }
0x55: {  	_ =	shalt  }
0x56: {  	_ =	shalt  }
0x57: {  	_ =	shalt  }
0x58: {  	_ =	shalt  }
0x59: {  	_ =	shalt  }
0x5a: {  	_ =	shalt  }
0x5b: {  	_ =	shalt  }
0x5c: {  	_ =	shalt  }
0x5d: {  	_ =	shalt  }
0x5e: {  	_ =	shalt  }
0x5f: {  	_ =	shalt  }
0x60: {  	_ =	shalt  }
0x61: {  	_ =	shalt  }
0x62: {  	_ =	shalt  }
0x63: {  	_ =	shalt  }
0x64: {  	_ =	shalt  }
0x65: {  	_ =	shalt  }
0x66: {  	_ =	shalt  }
0x67: {  	_ =	shalt  }
0x68: {  	_ =	shalt  }
0x69: {  	_ =	shalt  }
0x6a: {  	_ =	shalt  }
0x6b: {  	_ =	shalt  }
0x6c: {  	_ =	shalt  }
0x6d: {  	_ =	shalt  }
0x6e: {  	_ =	shalt  }
0x6f: {  	_ =	shalt  }
0x70: {  	_ =	shalt  }
0x71: {  	_ =	shalt  }
0x72: {  	_ =	shalt  }
0x73: {  	_ =	shalt  }
0x74: {  	_ =	shalt  }
0x75: {  	_ =	shalt  }
0x76: {  	_ =	shalt  }
0x77: {  	_ =	shalt  }
0x78: {  	_ =	shalt  }
0x79: {  	_ =	shalt  }
0x7a: {  	_ =	shalt  }
0x7b: {  	_ =	shalt  }
0x7c: {  	_ =	shalt  }
0x7d: {  	_ =	shalt  }
0x7e: {  	_ =	shalt  }
0x7f: {  	_ =	shalt  }
0x80: {  	_ =	shalt  }
0x81: {  	_ =	shalt  }
0x82: {  	_ =	shalt  }
0x83: {  	_ =	shalt  }
0x84: {  	_ =	shalt  }
0x85: {  	_ =	shalt  }
0x86: {  	_ =	shalt  }
0x87: {  	_ =	shalt  }
.Lfunc_end0:
.L_simem_size_0:
called_computation.1_lowered:
.L_overlay_start_0:
0x88: {  	s2 =	sld [smem:$0x3FD9]  }
0x89: {  	s3 =	sld [smem:$0x3FFE];
	_ =	sdelay $0x1  }
0x8a: {  	s1 =	srdreg.scid  }
0x8b: {  	s0 =	sand.u32 $0x1, s1  }
0x8c: {  	s16 =	sshll.u32 s0, $0xA;
	s2 =	sadd.s32 s3, s2  }
0x8d: {  	s2 =	sadd.s32 s2, s16  }
0x8e: {  	[smem:$0x3FBE] =	sst s2  }
0x8f: {  	_ = 	snop  }
0x90: {  	(tm) =	ssettm $0x1  }
0x91: {  	s17 =	sld [smem:$0x3FFB];
	_ =	sdelay $0x3  }
0x92: {  	_ =	strace s17  }
0x93: {  	s2 =	sld [smem:$0x3FFC];
	_ =	sdelay $0x3  }
0x94: {  	_ =	strace s2  }
0x95: {  	s2 =	sld [smem:$0x3FFD];
	_ =	sdelay $0x3  }
0x96: {  	_ =	strace s2  }
0x97: {  	_ =	strace $0x8FFFFFFF  }
0x98: {  	s18 =	sld [smem:$0x3FDB];
	_ =	sdelay $0x1  }
0x99: {  	s19 =	simm.s32 $_scs_section_size  }
0x9a: {  	s4 =	simm.s32 $_size__tile_overlayer_lowered;
	s5 =	simm.s32 $_tile_overlayer_lowered  }
0x9b: {  	s22 =	simm.s32 $0x1BFF;
	s21 =	sshll.u32 s5, $0x1;
	s2 =	sadd.s32 s19, s18  }
0x9c: {  	s6 =	simm.s32 $0x0;
	s20 =	sshll.u32 s4, $0x1;
	s4 =	sadd.s32 s21, s2  }
0x9d: {  	[timem:s6], [sflag:s22] =	dma.local [hbm:s4], s20  }
0x9e: {  	_ =	swait.ge [sflag:s22], s20  }
0x9f: {  	s3 =	ssub.s32 $0x0, s20;
	[sflag:s22] =	ssyncset.done $0x0  }
0xa0: {  	[sflag:s22] =	ssyncadd.s32 s3;
	_ =	sdelay $0x1  }
0xa1: {  	s23 =	simm.s32 $0x1B8B  }
0xa2: {  	_ =	swait.ge [sflag:s23], $0x1  }
0xa3: {  	[sflag:s23] =	ssyncset.done $0x0  }
0xa4: {  	s25 =	simm.s32 $0x1B8E;
	s24 =	sld [smem:$0x3FFE];
	[sflag:s23] =	ssyncadd.s32 $0xFFFFFFFF  }
0xa5: {  	s26 =	simm.s32 $execute0_lowered;
	[smem:$0x3FD2] =	sst s25  }
0xa6: {  	s4 =	sshll.u32 s26, $0x1;
	_ =	strace $0x80000049;
	[dreg:$0x1] =	wrdreg $0xFFFFFFFF  }
0xa7: {  	s28 =	simm.s32 $_size_execute0_lowered;
	s2 =	sadd.s32 s2, s4;
	[dreg:$0x0] =	wrdreg $0x0  }
0xa8: {  	s4 =	sshll.u32 s28, $0x1;
	[dreg:$0x2] =	wrdreg s2  }
0xa9: {  	[dreg:$0x3] =	wrdreg s4  }
0xaa: {  	[dreg:$0x4] =	wrdreg $0xC0  }
0xab: {  	_ =	task [dreg:s6], $0x5FFFF  }
0xac: {  	[dreg:$0x1] =	wrdreg $0xFFFFFFFF  }
0xad: {  	[dreg:$0x0] =	wrdreg $0x60  }
0xae: {  	[dreg:$0x2] =	wrdreg s24  }
0xaf: {  	[dreg:$0x3] =	wrdreg $0x0  }
0xb0: {  	[dreg:$0x4] =	wrdreg $0x9  }
0xb1: {  	_ =	task.clear_ibuf [dreg:s6], $0x5FFFF;
	_ =	strace $0x90000049  }
0xb2: {  	s29 =	simm.s32 $0x9;
	_ =	strace $0x8000004B  }
0xb3: {  	_ =	swait.ge [sflag:s29], $0x1  }
0xb4: {  	[sflag:s29] =	ssyncadd.s32 $0xFFFFFFFF  }
0xb5: {  	_ =	strace $0x9000004B  }
0xb6: {  	_ =	sfence  }
0xb7: {  	s30 =	sld [smem:$0x0];
	_ =	sdelay $0x2  }
0xb8: {  	s31 =	sshll.u32 s1, $0xD;
	s1 =	sshrl.u32 s1, $0x2  }
0xb9: {  	s3 =	sand.u32 $0x4000, s31;
	s1 =	sadd.s32 s1, s30  }
0xba: {  	s0 =	sor.u32 s3, s0;
	s1 =	sshll.u32 s1, $0x11  }
0xbb: {  	s0 =	sor.u32 s1, s0  }
0xbc: {  	s0 =	sadd.s32 $0x8F2B, s0  }
0xbd: {  	[sflag:s0] =	ssyncadd.remote.s32 $0x1  }
0xbe: {  	_ =	sfence.sel $0xFFFF  }
0xbf: {  	[dreg:$0x0] =	wrdreg $0xFFFFFFFF;
	(pc) =	sbr.abs _section_cstart, $3  }
0xc0: {  	[dreg:$0x1] =	wrdreg $0xFFFFFFFF  }
0xc1: {  	_ =	task.clear_ibuf [dreg:s6], $0x2FFFF;
	_ =	strace $0x9FFFFFFF  }
0xc2: {  	(tm) =	ssettm $0x7FFFFFFF  }
0xc3: {  	_ =	shalt  }
tec
execute0_lowered:
.L_overlay_start_1:
0x0: {  	(tag) =	ssettag $0x1  }
0x1: {  	s0 =	rddreg [dreg:$0x0]  }
0x2: {  	s1 =	rddreg [dreg:$0x1];
	s3 =	simm.s32 $0x0;
	s15 =	stileid.u32  }
0x3: {  	s2 =	srdreg.scid;
	s29 =	simm.s32 $0x13A80;
	s30 =	simm.s32 $0x7  }
0x4: {  	s31 =	simm.s32 $0x13880;
	[smem:$0x7FF] =	sst s3;
	s4 =	sadd.s32 $0xC200, s0  }
0x5: {  	s5 =	sadd.s32 $0x2400, s0;
	s8 =	smul.u32 $0x4E000, s15;
	s6 =	sadd.s32 $0x529400, s0  }
0x6: {  	s7 =	sadd.s32 $0x550600, s0;
	s2 =	sand.u32 $0x1, s2;
	s0 =	sadd.s32 $0x16000, s0  }
0x7: {  	s11 =	sshll.u32 s15, $0x1;
	p0 =	sne.s32 s15, $0xF;
	s28 =	sadd.s32 $0x138000, s1  }
0x8: {  	_ =	strace $0x8000004A;
	s9 =	ssub.s32 $0x2, s2;
	s8 =	sshrl.u32 s8, $0x2  }
0x9: {  	s26 =	sor.u32 s2, s11;
	s2 =	smul.u32 $0x138800, s2;
	s8 =	sadd.s32 s8, s1  }
0xa: {  	s11 =	simm.s32 $0x1B280;
	s10 =	sshrl.u32 s9, $0x1;
	s12 =	sadd.s32 $0x2800, s8  }
0xb: {  	s16 =	smul.u32 $0x2710, s26;
	s13 =	sadd.s32 $0x5000, s8;
	[dreg:$0x3] =	wrdreg s12  }
0xc: {  	s9 =	ssub.s32 s9, s10;
	s14 =	sadd.s32 $0x7800, s8;
	[dreg:$0x4] =	wrdreg s13  }
0xd: {  	s10 =	smul.u32 $0x27100, s26;
	s17 =	sadd.s32 $0xC800, s8;
	[dreg:$0x5] =	wrdreg s14  }
0xe: {  	s18 =	sadd.s32 $0xF000, s8;
	s19 =	sshrl.u32 s16, $0x3;
	[dreg:$0x7] =	wrdreg s17  }
0xf: {  	s20 =	sadd.s32 $0x50, s16;
	s25 =	smax.u32 s9, $0x1;
	[dreg:$0x8] =	wrdreg s18  }
0x10: {  	s26 =	sadd.s32 $0x11800, s8;
	s9 =	simm.s32 $0x13900;
	[dreg:$0x11] =	wrdreg s25  }
0x11: {  	s12 =	sadd.s32 $0xA000, s8;
	s13 =	sadd.s32 s4, s19;
	[dreg:$0x12] =	wrdreg s26  }
0x12: {  	s14 =	smul.u32 $0x13800, s15;
	s10 =	sadd.s32 s7, s10;
	[dreg:$0x6] =	wrdreg s12  }
0x13: {  	s21 =	sshrl.u32 s20, $0x3;
	s24 =	sshll.u32 s20, $0x4;
	[dreg:$0x9] =	wrdreg s13  }
0x14: {  	s15 =	simm.s32 $0x16280;
	s12 =	sadd.s32 s5, s19;
	[dreg:$0xb] =	wrdreg s10  }
0x15: {  	s17 =	simm.s32 $0x5;
	s22 =	sadd.s32 s4, s21;
	[dreg:$0xa] =	wrdreg s12  }
0x16: {  	s18 =	simm.s32 $0x4;
	s10 =	sadd.s32 s5, s21;
	[dreg:$0xc] =	wrdreg s22  }
0x17: {  	s20 =	simm.s32 $0x0;
	s13 =	simm.s32 $0x50;
	[dreg:$0xd] =	wrdreg s10  }
0x18: {  	s23 =	sadd.s32 s14, s2;
	s2 =	sshrl.u32 s2, $0x3;
	s12 =	sadd.s32 s7, s24  }
0x19: {  	s22 =	sadd.s32 $0xA0, s16;
	s14 =	simm.s32 $0x2;
	s10 =	sshrl.u32 s23, $0x3  }
0x1a: {  	[dreg:$0xe] =	wrdreg s12;
	s23 =	sadd.s32 $0xF0, s16;
	s12 =	simm.s32 $0x1  }
0x1b: {  	s16 =	simm.s32 $0x3;
	s10 =	sadd.s32 s0, s10;
	s0 =	sadd.s32 s0, s2  }
0x1c: {  	s2 =	simm.s32 $0x18A80;
	[dreg:$0xf] =	wrdreg s10;
	s0 =	sadd.s32 $0x27000, s0  }
0x1d: {  	v0 =	vimm.f32 $0.0e+00;
	s10 =	simm.s32 $0x13A00;
	[dreg:$0x10] =	wrdreg s0;
	s0 =	simm.s32 $0x13980  }
.LBB2_1:
0x1e: {  	s21 =	simm.s32 $0x0;
	s24 =	simm.s32 $0x200  }
.LBB2_2:
0x1f: {  	p1 =	sne.s32 s24, $0x9E00;
	[tilespmem:s21+$0x13AF0] =	vst v0  }
0x20: {  	[tilespmem:s21+$0x13A80] =	vst v0  }
0x21: {  	[tilespmem:s21+$0x13A90] =	vst v0  }
.Ltmp0:
0x22: {  	[tilespmem:s21+$0x13AA0] =	vst v0;
	(pc) =	sbr.rel @p1 .LBB2_2-.Ltmp0, $4  }
0x23: {  	[tilespmem:s21+$0x13AB0] =	vst v0  }
0x24: {  	[tilespmem:s21+$0x13AC0] =	vst v0  }
0x25: {  	[tilespmem:s21+$0x13AD0] =	vst v0  }
0x26: {  	[tilespmem:s21+$0x13AE0] =	vst v0;
	s21 =	sshra.s32 s24, $0x2;
	s24 =	sadd.s32 $0x200, s24  }
0x27: {  	[tilespmem:s21+$0x13AF0] =	vst v0  }
0x28: {  	[tilespmem:s21+$0x13A80] =	vst v0  }
0x29: {  	[tilespmem:s21+$0x13A90] =	vst v0  }
0x2a: {  	[tilespmem:s21+$0x13AA0] =	vst v0  }
0x2b: {  	[tilespmem:s21+$0x13AB0] =	vst v0  }
0x2c: {  	[tilespmem:s21+$0x13AC0] =	vst v0  }
0x2d: {  	[tilespmem:s21+$0x13AD0] =	vst v0  }
0x2e: {  	[tilespmem:s21+$0x13AE0] =	vst v0  }
0x2f: {  	[spmem:s8] =	stream.linear.scatter [tilespmem:s29], [sflag:$0x7], $0x2800, $0x38;
	[tilespmem:$0x1DA80] =	vst v63  }
0x30: {  	_ =	swait.ge [sflag:s30], $0x2800  }
0x31: {  	[sflag:s30] =	ssyncset.done $0x0  }
0x32: {  	s19 =	rddreg [dreg:$0x3];
	[sflag:s30] =	ssyncadd.s32 $0xFFFFD800  }
0x33: {  	[spmem:s19] =	stream.linear.scatter [tilespmem:s29], [sflag:$0x7], $0x2800, $0x38;
	[tilespmem:$0x1DA80] =	vst v63  }
0x34: {  	_ =	swait.ge [sflag:s30], $0x2800  }
0x35: {  	[sflag:s30] =	ssyncset.done $0x0  }
0x36: {  	s26 =	rddreg [dreg:$0x4];
	[sflag:s30] =	ssyncadd.s32 $0xFFFFD800  }
0x37: {  	[spmem:s26] =	stream.linear.scatter [tilespmem:s29], [sflag:$0x7], $0x2800, $0x38;
	[tilespmem:$0x1DA80] =	vst v63  }
0x38: {  	_ =	swait.ge [sflag:s30], $0x2800  }
0x39: {  	[sflag:s30] =	ssyncset.done $0x0  }
0x3a: {  	s21 =	rddreg [dreg:$0x5];
	[sflag:s30] =	ssyncadd.s32 $0xFFFFD800  }
0x3b: {  	[spmem:s21] =	stream.linear.scatter [tilespmem:s29], [sflag:$0x7], $0x2800, $0x38;
	[tilespmem:$0x1DA80] =	vst v63  }
0x3c: {  	_ =	swait.ge [sflag:s30], $0x2800  }
0x3d: {  	[sflag:s30] =	ssyncset.done $0x0  }
0x3e: {  	s24 =	rddreg [dreg:$0x6];
	[sflag:s30] =	ssyncadd.s32 $0xFFFFD800  }
0x3f: {  	[spmem:s24] =	stream.linear.scatter [tilespmem:s29], [sflag:$0x7], $0x2800, $0x38;
	[tilespmem:$0x1DA80] =	vst v63  }
0x40: {  	_ =	swait.ge [sflag:s30], $0x2800  }
0x41: {  	[sflag:s30] =	ssyncset.done $0x0  }
0x42: {  	s25 =	rddreg [dreg:$0x7];
	[sflag:s30] =	ssyncadd.s32 $0xFFFFD800  }
0x43: {  	[spmem:s25] =	stream.linear.scatter [tilespmem:s29], [sflag:$0x7], $0x2800, $0x38;
	[tilespmem:$0x1DA80] =	vst v63  }
0x44: {  	_ =	swait.ge [sflag:s30], $0x2800  }
0x45: {  	[sflag:s30] =	ssyncset.done $0x0  }
0x46: {  	s26 =	rddreg [dreg:$0x8];
	[sflag:s30] =	ssyncadd.s32 $0xFFFFD800  }
0x47: {  	[spmem:s26] =	stream.linear.scatter [tilespmem:s29], [sflag:$0x7], $0x2800, $0x38;
	[tilespmem:$0x1DA80] =	vst v63  }
0x48: {  	_ =	swait.ge [sflag:s30], $0x2800  }
0x49: {  	[sflag:s30] =	ssyncset.done $0x0  }
0x4a: {  	s21 =	rddreg [dreg:$0x12];
	[sflag:s30] =	ssyncadd.s32 $0xFFFFD800  }
0x4b: {  	[spmem:s21] =	stream.linear.scatter [tilespmem:s29], [sflag:$0x7], $0x2000, $0x38;
	[tilespmem:$0x1DA80] =	vst v63  }
0x4c: {  	_ =	swait.ge [sflag:s30], $0x2000  }
0x4d: {  	[sflag:s30] =	ssyncset.done $0x0  }
0x4e: {  	s21 =	simm.s32 @!p0 $0x13A80;
	[sflag:s30] =	ssyncadd.s32 $0xFFFFE000  }
0x4f: {  	[spmem:s28] =	stream.linear.scatter @!p0 [tilespmem:s21], [sflag:$0x7], $0x800, $0x38;
	[tilespmem:$0x1DA80] =	vst v63  }
0x50: {  	s21 =	simm.s32 @!p0 $0x7  }
0x51: {  	_ =	swait.ge @!p0 [sflag:s21], $0x800  }
0x52: {  	[sflag:s21] =	ssyncset.done @!p0 $0x0  }
0x53: {  	[sflag:s21] =	ssyncadd.s32 @!p0 $0xFFFFF800  }
0x54: {  	[bflag:$0x0] =	sbarrier.arrive $0xFFFF  }
0x55: {  	s21 =	simm.s32 $0x0;
	s24 =	rddreg [dreg:$0x9]  }
0x56: {  	[tilespmem:s31], [sflag:$0x1] =	stream.linear.gather [hbm4b:s24+s21], $0x50, $0x38;
	[tilespmem:$0x1DA80] =	vst v63  }
0x57: {  	s25 =	rddreg [dreg:$0xa]  }
0x58: {  	[tilespmem:s0], [sflag:$0x1] =	stream.linear.gather [hbm4b:s25+s21], $0x50, $0x38;
	[tilespmem:$0x1DA80] =	vst v63  }
0x59: {  	s26 =	rddreg [dreg:$0xb]  }
0x5a: {  	[tilespmem:s2], [sflag:$0x1] =	stream.linear.gather [hbm4b:s26+s21], $0x2800, $0x38;
	[tilespmem:$0x1DA80] =	vst v63  }
0x5b: {  	s24 =	rddreg [dreg:$0xc]  }
0x5c: {  	[tilespmem:s9], [sflag:$0x2] =	stream.linear.gather [hbm4b:s24+s21], $0x50, $0x38;
	[tilespmem:$0x1DA80] =	vst v63  }
0x5d: {  	s25 =	rddreg [dreg:$0xd]  }
0x5e: {  	[tilespmem:s10], [sflag:$0x2] =	stream.linear.gather [hbm4b:s25+s21], $0x50, $0x38;
	[tilespmem:$0x1DA80] =	vst v63  }
0x5f: {  	s26 =	rddreg [dreg:$0xe]  }
0x60: {  	[tilespmem:s11], [sflag:$0x2] =	stream.linear.gather [hbm4b:s26+s21], $0x2800, $0x38;
	[tilespmem:$0x1DA80] =	vst v63  }
0x61: {  	_ =	swait.ge [sflag:s12], $0x50  }
0x62: {  	[sflag:s12] =	ssyncset.done $0x0  }
0x63: {  	[sflag:s12] =	ssyncadd.s32 $0xFFFFFFB0  }
0x64: {  	_ =	swait.ge [sflag:s12], $0x50  }
0x65: {  	[sflag:s12] =	ssyncset.done $0x0  }
0x66: {  	[sflag:s12] =	ssyncadd.s32 $0xFFFFFFB0  }
0x67: {  	_ =	swait.ge [sflag:s12], $0x2800  }
0x68: {  	[sflag:s12] =	ssyncset.done $0x0  }
0x69: {  	[sflag:s12] =	ssyncadd.s32 $0xFFFFD800  }
0x6a: {  	[tilespmem:s29], [sflag:$0x3] =	stream.indirect.gather [hbm4b:s6+s13], $0x80, s31, s13, $0xb8;
	[tilespmem:$0x1DA80] =	vst v63  }
.LBB2_4:
0x6b: {  	_ =	swait.ge [sflag:s14], $0x50  }
0x6c: {  	[sflag:s14] =	ssyncset.done $0x0  }
0x6d: {  	[sflag:s14] =	ssyncadd.s32 $0xFFFFFFB0  }
0x6e: {  	_ =	swait.ge [sflag:s14], $0x50  }
0x6f: {  	[sflag:s14] =	ssyncset.done $0x0  }
0x70: {  	[sflag:s14] =	ssyncadd.s32 $0xFFFFFFB0  }
0x71: {  	_ =	swait.ge [sflag:s14], $0x2800  }
0x72: {  	p1 =	seq.s32 s21, $0x0;
	[sflag:s14] =	ssyncset.done $0x0  }
0x73: {  	s24 =	simm.s32 @!p1 $0x6;
	[sflag:s14] =	ssyncadd.s32 $0xFFFFD800  }
0x74: {  	_ =	swait.ge @!p1 [sflag:s24], $0x2800  }
0x75: {  	[sflag:s24] =	ssyncset.done @!p1 $0x0  }
0x76: {  	[sflag:s24] =	ssyncadd.s32 @!p1 $0xFFFFD800  }
0x77: {  	[tilespmem:s15], [sflag:$0x4] =	stream.indirect.gather [hbm4b:s6+s13], $0x80, s9, s13, $0xb8;
	[tilespmem:$0x1DA80] =	vst v63  }
0x78: {  	_ =	swait.ge [sflag:s16], $0x2800  }
0x79: {  	[sflag:s16] =	ssyncset.done $0x0  }
0x7a: {  	s24 =	simm.s32 $0xF0;
	[sflag:s16] =	ssyncadd.s32 $0xFFFFD800  }
0x7b: {  	v7 =	vld [tilespmem:s24+$0x18990]  }
0x7c: {  	v8 =	vld [tilespmem:s24+$0x189A0]  }
0x7d: {  	v9 =	vld [tilespmem:s24+$0x189B0]  }
0x7e: {  	v10 =	vld [tilespmem:s24+$0x189C0]  }
0x7f: {  	v11 =	vld [tilespmem:s24+$0x189D0]  }
0x80: {  	v12 =	vld [tilespmem:s24+$0x189E0]  }
0x81: {  	v13 =	vld [tilespmem:s24+$0x189F0]  }
0x82: {  	v14 =	vld [tilespmem:s24+$0x18A00]  }
0x83: {  	v15 =	vld [tilespmem:s24+$0x18A10]  }
0x84: {  	v16 =	vld [tilespmem:s24+$0x18A20]  }
0x85: {  	v6 =	vld [tilespmem:s24+$0x18A30]  }
0x86: {  	v5 =	vld [tilespmem:s24+$0x18A40]  }
0x87: {  	v4 =	vld [tilespmem:s24+$0x18A50]  }
0x88: {  	v3 =	vld [tilespmem:s24+$0x18A60]  }
0x89: {  	v2 =	vld [tilespmem:s24+$0x18A70]  }
0x8a: {  	v1 =	vld [tilespmem:s24+$0x18A80]  }
0x8b: {  	v17 =	vld [tilespmem:s24+$0x13990]  }
0x8c: {  	v18 =	vld [tilespmem:s24+$0x139A0]  }
0x8d: {  	v19 =	vld [tilespmem:s24+$0x139B0]  }
0x8e: {  	v20 =	vld [tilespmem:s24+$0x139C0]  }
0x8f: {  	v21 =	vld [tilespmem:s24+$0x139D0]  }
0x90: {  	v60 =	vld [tilespmem:s24+$0x139E0];
	v7 =	vmul.f32 v7, v17  }
0x91: {  	v22 =	vld [tilespmem:s24+$0x139F0];
	v8 =	vmul.f32 v8, v18  }
0x92: {  	v61 =	vld [tilespmem:s24+$0x13A00];
	[tilespmem:s24+$0x13990] =	vst v7;
	v7 =	vmul.f32 v9, v19  }
0x93: {  	v62 =	vld [tilespmem:s24+$0x13A10];
	[tilespmem:s24+$0x139A0] =	vst v8;
	v8 =	vmul.f32 v10, v20  }
0x94: {  	v63 =	vld [tilespmem:s24+$0x13A20];
	[tilespmem:s24+$0x139B0] =	vst v7;
	v7 =	vmul.f32 v11, v21  }
0x95: {  	v9 =	vmul.f32 v12, v60;
	[tilespmem:s24+$0x139C0] =	vst v8;
	v8 =	vld [tilespmem:s24+$0x13A30]  }
0x96: {  	v10 =	vmul.f32 v13, v22;
	[tilespmem:s24+$0x139D0] =	vst v7;
	v7 =	vld [tilespmem:s24+$0x13A40]  }
0x97: {  	[tilespmem:s24+$0x139E0] =	vst v9;
	v9 =	vld [tilespmem:s24+$0x13A50];
	v11 =	vmul.f32 v14, v61  }
0x98: {  	v13 =	vmul.f32 v15, v62;
	[tilespmem:s24+$0x139F0] =	vst v10;
	v10 =	vld [tilespmem:s24+$0x13A60]  }
0x99: {  	s25 =	simm.s32 $0x7C0;
	v12 =	vmul.f32 v16, v63;
	[tilespmem:s24+$0x13A00] =	vst v11;
	v11 =	vld [tilespmem:s24+$0x13A70]  }
.LBB2_5:
0x9a: {  	s26 =	sshra.s32 s25, $0x2;
	p1 =	sne.s32 s25, $0x9FC0;
	[tilespmem:s24+$0x13A10] =	vst v13;
	v6 =	vmul.f32 v6, v8;
	v8 =	vld [tilespmem:s24+$0x13A80]  }
0x9b: {  	v13 =	vld [tilespmem:s26+$0x18990];
	[tilespmem:s24+$0x13A20] =	vst v12;
	v5 =	vmul.f32 v5, v7  }
0x9c: {  	v7 =	vld [tilespmem:s26+$0x189A0];
	[tilespmem:s24+$0x13A30] =	vst v6;
	v4 =	vmul.f32 v4, v9  }
0x9d: {  	v9 =	vld [tilespmem:s26+$0x189B0];
	[tilespmem:s24+$0x13A40] =	vst v5;
	v3 =	vmul.f32 v3, v10  }
0x9e: {  	v10 =	vld [tilespmem:s26+$0x189C0];
	[tilespmem:s24+$0x13A50] =	vst v4;
	v2 =	vmul.f32 v2, v11  }
0x9f: {  	v11 =	vld [tilespmem:s26+$0x189D0];
	[tilespmem:s24+$0x13A60] =	vst v3;
	v1 =	vmul.f32 v1, v8  }
0xa0: {  	v8 =	vld [tilespmem:s26+$0x189E0];
	[tilespmem:s24+$0x13A70] =	vst v2  }
0xa1: {  	v12 =	vld [tilespmem:s26+$0x189F0];
	[tilespmem:s24+$0x13A80] =	vst v1;
	s24 =	smov.u32 s26  }
0xa2: {  	v14 =	vld [tilespmem:s24+$0x18A00]  }
0xa3: {  	v15 =	vld [tilespmem:s24+$0x18A10]  }
0xa4: {  	v16 =	vld [tilespmem:s24+$0x18A20]  }
0xa5: {  	v6 =	vld [tilespmem:s24+$0x18A30]  }
0xa6: {  	v5 =	vld [tilespmem:s24+$0x18A40]  }
0xa7: {  	v4 =	vld [tilespmem:s24+$0x18A50]  }
0xa8: {  	v3 =	vld [tilespmem:s24+$0x18A60]  }
0xa9: {  	v2 =	vld [tilespmem:s24+$0x18A70]  }
0xaa: {  	v1 =	vld [tilespmem:s24+$0x18A80]  }
0xab: {  	v17 =	vld [tilespmem:s24+$0x13990]  }
0xac: {  	v18 =	vld [tilespmem:s24+$0x139A0]  }
0xad: {  	v19 =	vld [tilespmem:s24+$0x139B0]  }
0xae: {  	v20 =	vld [tilespmem:s24+$0x139C0]  }
0xaf: {  	v21 =	vld [tilespmem:s24+$0x139D0]  }
0xb0: {  	v13 =	vmul.f32 v13, v17;
	v17 =	vld [tilespmem:s24+$0x139E0]  }
0xb1: {  	v7 =	vmul.f32 v7, v18;
	v18 =	vld [tilespmem:s24+$0x139F0]  }
0xb2: {  	[tilespmem:s24+$0x13990] =	vst v13;
	v9 =	vmul.f32 v9, v19;
	v13 =	vld [tilespmem:s24+$0x13A00]  }
0xb3: {  	[tilespmem:s24+$0x139A0] =	vst v7;
	v7 =	vmul.f32 v10, v20;
	v10 =	vld [tilespmem:s24+$0x13A10]  }
0xb4: {  	[tilespmem:s24+$0x139B0] =	vst v9;
	v9 =	vmul.f32 v11, v21;
	v11 =	vld [tilespmem:s24+$0x13A20]  }
.Ltmp1:
0xb5: {  	[tilespmem:s24+$0x139C0] =	vst v7;
	v17 =	vmul.f32 v8, v17;
	v8 =	vld [tilespmem:s24+$0x13A30];
	(pc) =	sbr.rel @p1 .LBB2_5-.Ltmp1, $4  }
0xb6: {  	[tilespmem:s24+$0x139D0] =	vst v9;
	v12 =	vmul.f32 v12, v18;
	v7 =	vld [tilespmem:s24+$0x13A40]  }
0xb7: {  	[tilespmem:s24+$0x139E0] =	vst v17;
	v14 =	vmul.f32 v14, v13;
	v9 =	vld [tilespmem:s24+$0x13A50]  }
0xb8: {  	[tilespmem:s24+$0x139F0] =	vst v12;
	v13 =	vmul.f32 v15, v10;
	v10 =	vld [tilespmem:s24+$0x13A60]  }
0xb9: {  	s25 =	sadd.s32 $0x400, s25;
	[tilespmem:s24+$0x13A00] =	vst v14;
	v12 =	vmul.f32 v16, v11;
	v11 =	vld [tilespmem:s24+$0x13A70]  }
0xba: {  	[tilespmem:s24+$0x13A10] =	vst v13;
	v6 =	vmul.f32 v6, v8;
	v8 =	vld [tilespmem:s24+$0x13A80]  }
0xbb: {  	[tilespmem:s24+$0x13A20] =	vst v12;
	v5 =	vmul.f32 v5, v7  }
0xbc: {  	[tilespmem:s24+$0x13A30] =	vst v6;
	v4 =	vmul.f32 v4, v9  }
0xbd: {  	[tilespmem:s24+$0x13A40] =	vst v5;
	v3 =	vmul.f32 v3, v10  }
0xbe: {  	[tilespmem:s24+$0x13A50] =	vst v4;
	v2 =	vmul.f32 v2, v11  }
0xbf: {  	[tilespmem:s24+$0x13A60] =	vst v3;
	v1 =	vmul.f32 v1, v8  }
0xc0: {  	[tilespmem:s24+$0x13A70] =	vst v2  }
0xc1: {  	[tilespmem:s24+$0x13A80] =	vst v1;
	s24 =	smul.u32 $0xA0, s21  }
0xc2: {  	[spmem:s1] =	stream.indirect.scatter.add.f32 [tilespmem:s29], [sflag:$0x5], $0x80, s0, s13, $0xb8;
	[tilespmem:$0x1DA80] =	vst v63  }
0xc3: {  	s25 =	sadd.s32 s24, s22  }
0xc4: {  	s26 =	sshrl.u32 s25, $0x3  }
0xc5: {  	s19 =	sadd.s32 s4, s26  }
0xc6: {  	[tilespmem:s31], [sflag:$0x1] =	stream.linear.gather [hbm4b:s19+s3], $0x50, $0x38;
	[tilespmem:$0x1DA80] =	vst v63  }
0xc7: {  	s26 =	sadd.s32 s5, s26  }
0xc8: {  	[tilespmem:s0], [sflag:$0x1] =	stream.linear.gather [hbm4b:s26+s3], $0x50, $0x38;
	[tilespmem:$0x1DA80] =	vst v63  }
0xc9: {  	s26 =	sshll.u32 s25, $0x4  }
0xca: {  	s19 =	sadd.s32 s7, s26  }
0xcb: {  	[tilespmem:s2], [sflag:$0x1] =	stream.linear.gather [hbm4b:s19+s3], $0x2800, $0x38;
	[tilespmem:$0x1DA80] =	vst v63  }
0xcc: {  	_ =	swait.ge [sflag:s12], $0x50  }
0xcd: {  	[sflag:s12] =	ssyncset.done $0x0  }
0xce: {  	[sflag:s12] =	ssyncadd.s32 $0xFFFFFFB0  }
0xcf: {  	_ =	swait.ge [sflag:s12], $0x50  }
0xd0: {  	[sflag:s12] =	ssyncset.done $0x0  }
0xd1: {  	[sflag:s12] =	ssyncadd.s32 $0xFFFFFFB0  }
0xd2: {  	_ =	swait.ge [sflag:s12], $0x2800  }
0xd3: {  	[sflag:s12] =	ssyncset.done $0x0  }
0xd4: {  	[sflag:s12] =	ssyncadd.s32 $0xFFFFD800  }
0xd5: {  	_ =	swait.ge [sflag:s17], $0x2800  }
0xd6: {  	[sflag:s17] =	ssyncset.done $0x0  }
0xd7: {  	[sflag:s17] =	ssyncadd.s32 $0xFFFFD800  }
0xd8: {  	[tilespmem:s29], [sflag:$0x3] =	stream.indirect.gather [hbm4b:s6+s13], $0x80, s31, s13, $0xb8;
	[tilespmem:$0x1DA80] =	vst v63  }
0xd9: {  	_ =	swait.ge [sflag:s18], $0x2800  }
0xda: {  	[sflag:s18] =	ssyncset.done $0x0  }
0xdb: {  	s25 =	simm.s32 $0xF0;
	[sflag:s18] =	ssyncadd.s32 $0xFFFFD800  }
0xdc: {  	v7 =	vld [tilespmem:s25+$0x1B190]  }
0xdd: {  	v8 =	vld [tilespmem:s25+$0x1B1A0]  }
0xde: {  	v9 =	vld [tilespmem:s25+$0x1B1B0]  }
0xdf: {  	v10 =	vld [tilespmem:s25+$0x1B1C0]  }
0xe0: {  	v11 =	vld [tilespmem:s25+$0x1B1D0]  }
0xe1: {  	v12 =	vld [tilespmem:s25+$0x1B1E0]  }
0xe2: {  	v13 =	vld [tilespmem:s25+$0x1B1F0]  }
0xe3: {  	v14 =	vld [tilespmem:s25+$0x1B200]  }
0xe4: {  	v15 =	vld [tilespmem:s25+$0x1B210]  }
0xe5: {  	v16 =	vld [tilespmem:s25+$0x1B220]  }
0xe6: {  	v6 =	vld [tilespmem:s25+$0x1B230]  }
0xe7: {  	v5 =	vld [tilespmem:s25+$0x1B240]  }
0xe8: {  	v4 =	vld [tilespmem:s25+$0x1B250]  }
0xe9: {  	v3 =	vld [tilespmem:s25+$0x1B260]  }
0xea: {  	v2 =	vld [tilespmem:s25+$0x1B270]  }
0xeb: {  	v1 =	vld [tilespmem:s25+$0x1B280]  }
0xec: {  	v17 =	vld [tilespmem:s25+$0x16190]  }
0xed: {  	v18 =	vld [tilespmem:s25+$0x161A0]  }
0xee: {  	v19 =	vld [tilespmem:s25+$0x161B0]  }
0xef: {  	v20 =	vld [tilespmem:s25+$0x161C0]  }
0xf0: {  	v21 =	vld [tilespmem:s25+$0x161D0]  }
0xf1: {  	v60 =	vld [tilespmem:s25+$0x161E0];
	v7 =	vmul.f32 v7, v17  }
0xf2: {  	v22 =	vld [tilespmem:s25+$0x161F0];
	v8 =	vmul.f32 v8, v18  }
0xf3: {  	v61 =	vld [tilespmem:s25+$0x16200];
	[tilespmem:s25+$0x16190] =	vst v7;
	v7 =	vmul.f32 v9, v19  }
0xf4: {  	v62 =	vld [tilespmem:s25+$0x16210];
	[tilespmem:s25+$0x161A0] =	vst v8;
	v8 =	vmul.f32 v10, v20  }
0xf5: {  	v63 =	vld [tilespmem:s25+$0x16220];
	[tilespmem:s25+$0x161B0] =	vst v7;
	v7 =	vmul.f32 v11, v21  }
0xf6: {  	v9 =	vmul.f32 v12, v60;
	[tilespmem:s25+$0x161C0] =	vst v8;
	v8 =	vld [tilespmem:s25+$0x16230]  }
0xf7: {  	v10 =	vmul.f32 v13, v22;
	[tilespmem:s25+$0x161D0] =	vst v7;
	v7 =	vld [tilespmem:s25+$0x16240]  }
0xf8: {  	[tilespmem:s25+$0x161E0] =	vst v9;
	v9 =	vld [tilespmem:s25+$0x16250];
	v11 =	vmul.f32 v14, v61  }
0xf9: {  	v13 =	vmul.f32 v15, v62;
	[tilespmem:s25+$0x161F0] =	vst v10;
	v10 =	vld [tilespmem:s25+$0x16260]  }
0xfa: {  	s26 =	simm.s32 $0x7C0;
	v12 =	vmul.f32 v16, v63;
	[tilespmem:s25+$0x16200] =	vst v11;
	v11 =	vld [tilespmem:s25+$0x16270]  }
.LBB2_7:
0xfb: {  	s19 =	sshra.s32 s26, $0x2;
	p1 =	sne.s32 s26, $0x9FC0;
	[tilespmem:s25+$0x16210] =	vst v13;
	v6 =	vmul.f32 v6, v8;
	v8 =	vld [tilespmem:s25+$0x16280]  }
0xfc: {  	v13 =	vld [tilespmem:s19+$0x1B190];
	[tilespmem:s25+$0x16220] =	vst v12;
	v5 =	vmul.f32 v5, v7  }
0xfd: {  	v7 =	vld [tilespmem:s19+$0x1B1A0];
	[tilespmem:s25+$0x16230] =	vst v6;
	v4 =	vmul.f32 v4, v9  }
0xfe: {  	v9 =	vld [tilespmem:s19+$0x1B1B0];
	[tilespmem:s25+$0x16240] =	vst v5;
	v3 =	vmul.f32 v3, v10  }
0xff: {  	v10 =	vld [tilespmem:s19+$0x1B1C0];
	[tilespmem:s25+$0x16250] =	vst v4;
	v2 =	vmul.f32 v2, v11  }
0x100: {  	v11 =	vld [tilespmem:s19+$0x1B1D0];
	[tilespmem:s25+$0x16260] =	vst v3;
	v1 =	vmul.f32 v1, v8  }
0x101: {  	v8 =	vld [tilespmem:s19+$0x1B1E0];
	[tilespmem:s25+$0x16270] =	vst v2  }
0x102: {  	v12 =	vld [tilespmem:s19+$0x1B1F0];
	[tilespmem:s25+$0x16280] =	vst v1;
	s25 =	smov.u32 s19  }
0x103: {  	v14 =	vld [tilespmem:s25+$0x1B200]  }
0x104: {  	v15 =	vld [tilespmem:s25+$0x1B210]  }
0x105: {  	v16 =	vld [tilespmem:s25+$0x1B220]  }
0x106: {  	v6 =	vld [tilespmem:s25+$0x1B230]  }
0x107: {  	v5 =	vld [tilespmem:s25+$0x1B240]  }
0x108: {  	v4 =	vld [tilespmem:s25+$0x1B250]  }
0x109: {  	v3 =	vld [tilespmem:s25+$0x1B260]  }
0x10a: {  	v2 =	vld [tilespmem:s25+$0x1B270]  }
0x10b: {  	v1 =	vld [tilespmem:s25+$0x1B280]  }
0x10c: {  	v17 =	vld [tilespmem:s25+$0x16190]  }
0x10d: {  	v18 =	vld [tilespmem:s25+$0x161A0]  }
0x10e: {  	v19 =	vld [tilespmem:s25+$0x161B0]  }
0x10f: {  	v20 =	vld [tilespmem:s25+$0x161C0]  }
0x110: {  	v21 =	vld [tilespmem:s25+$0x161D0]  }
0x111: {  	v13 =	vmul.f32 v13, v17;
	v17 =	vld [tilespmem:s25+$0x161E0]  }
0x112: {  	v7 =	vmul.f32 v7, v18;
	v18 =	vld [tilespmem:s25+$0x161F0]  }
0x113: {  	[tilespmem:s25+$0x16190] =	vst v13;
	v9 =	vmul.f32 v9, v19;
	v13 =	vld [tilespmem:s25+$0x16200]  }
0x114: {  	[tilespmem:s25+$0x161A0] =	vst v7;
	v7 =	vmul.f32 v10, v20;
	v10 =	vld [tilespmem:s25+$0x16210]  }
0x115: {  	[tilespmem:s25+$0x161B0] =	vst v9;
	v9 =	vmul.f32 v11, v21;
	v11 =	vld [tilespmem:s25+$0x16220]  }
.Ltmp2:
0x116: {  	[tilespmem:s25+$0x161C0] =	vst v7;
	v17 =	vmul.f32 v8, v17;
	v8 =	vld [tilespmem:s25+$0x16230];
	(pc) =	sbr.rel @p1 .LBB2_7-.Ltmp2, $4  }
0x117: {  	[tilespmem:s25+$0x161D0] =	vst v9;
	v12 =	vmul.f32 v12, v18;
	v7 =	vld [tilespmem:s25+$0x16240]  }
0x118: {  	[tilespmem:s25+$0x161E0] =	vst v17;
	v14 =	vmul.f32 v14, v13;
	v9 =	vld [tilespmem:s25+$0x16250]  }
0x119: {  	[tilespmem:s25+$0x161F0] =	vst v12;
	v13 =	vmul.f32 v15, v10;
	v10 =	vld [tilespmem:s25+$0x16260]  }
0x11a: {  	s26 =	sadd.s32 $0x400, s26;
	[tilespmem:s25+$0x16200] =	vst v14;
	v12 =	vmul.f32 v16, v11;
	v11 =	vld [tilespmem:s25+$0x16270]  }
0x11b: {  	[tilespmem:s25+$0x16210] =	vst v13;
	v6 =	vmul.f32 v6, v8;
	v63 =	vld [tilespmem:s25+$0x16280]  }
0x11c: {  	[tilespmem:s25+$0x16220] =	vst v12;
	v5 =	vmul.f32 v5, v7  }
0x11d: {  	[tilespmem:s25+$0x16230] =	vst v6;
	v4 =	vmul.f32 v4, v9  }
0x11e: {  	p1 =	seq.s32 s21, $0x3D;
	[tilespmem:s25+$0x16240] =	vst v5;
	v3 =	vmul.f32 v3, v10  }
.Ltmp3:
0x11f: {  	[tilespmem:s25+$0x16250] =	vst v4;
	v2 =	vmul.f32 v2, v11;
	(pc) =	sbr.rel @p1 .LBB2_10-.Ltmp3, $4  }
0x120: {  	[tilespmem:s25+$0x16260] =	vst v3;
	v1 =	vmul.f32 v1, v63  }
0x121: {  	[tilespmem:s25+$0x16270] =	vst v2  }
0x122: {  	[tilespmem:s25+$0x16280] =	vst v1  }
0x123: {  	[spmem:s1] =	stream.indirect.scatter.add.f32 [tilespmem:s15], [sflag:$0x6], $0x80, s10, s13, $0xb8;
	[tilespmem:$0x1DA80] =	vst v63  }
0x124: {  	s19 =	sadd.s32 s24, s23  }
0x125: {  	s24 =	sshrl.u32 s19, $0x3  }
0x126: {  	s25 =	sadd.s32 s4, s24  }
0x127: {  	[tilespmem:s9], [sflag:$0x2] =	stream.linear.gather [hbm4b:s25+s3], $0x50, $0x38;
	[tilespmem:$0x1DA80] =	vst v63  }
.Ltmp4:
0x128: {  	_ = 	snop;
	(pc) =	sbr.rel .LBB2_4-.Ltmp4, $4  }
0x129: {  	s19 =	sshll.u32 s19, $0x4;
	s24 =	sadd.s32 s5, s24  }
0x12a: {  	[tilespmem:s10], [sflag:$0x2] =	stream.linear.gather [hbm4b:s24+s3], $0x50, $0x38;
	[tilespmem:$0x1DA80] =	vst v63  }
0x12b: {  	s21 =	sadd.s32 $0x1, s21;
	s19 =	sadd.s32 s7, s19  }
0x12c: {  	[tilespmem:s11], [sflag:$0x2] =	stream.linear.gather [hbm4b:s19+s3], $0x2800, $0x38;
	[tilespmem:$0x1DA80] =	vst v63  }
.LBB2_10:
0x12d: {  	_ =	swait.ge [sflag:s16], $0x2800  }
0x12e: {  	[sflag:s16] =	ssyncset.done $0x0  }
0x12f: {  	s21 =	simm.s32 $0xF0;
	[sflag:s16] =	ssyncadd.s32 $0xFFFFD800  }
0x130: {  	v7 =	vld [tilespmem:s21+$0x18990]  }
0x131: {  	v8 =	vld [tilespmem:s21+$0x189A0]  }
0x132: {  	v9 =	vld [tilespmem:s21+$0x189B0]  }
0x133: {  	v10 =	vld [tilespmem:s21+$0x189C0]  }
0x134: {  	v11 =	vld [tilespmem:s21+$0x189D0]  }
0x135: {  	v12 =	vld [tilespmem:s21+$0x189E0]  }
0x136: {  	v13 =	vld [tilespmem:s21+$0x189F0]  }
0x137: {  	v14 =	vld [tilespmem:s21+$0x18A00]  }
0x138: {  	v15 =	vld [tilespmem:s21+$0x18A10]  }
0x139: {  	v16 =	vld [tilespmem:s21+$0x18A20]  }
0x13a: {  	v6 =	vld [tilespmem:s21+$0x18A30]  }
0x13b: {  	v5 =	vld [tilespmem:s21+$0x18A40]  }
0x13c: {  	v4 =	vld [tilespmem:s21+$0x18A50]  }
0x13d: {  	v3 =	vld [tilespmem:s21+$0x18A60]  }
0x13e: {  	v2 =	vld [tilespmem:s21+$0x18A70]  }
0x13f: {  	v1 =	vld [tilespmem:s21+$0x18A80]  }
0x140: {  	v17 =	vld [tilespmem:s21+$0x13990]  }
0x141: {  	v18 =	vld [tilespmem:s21+$0x139A0]  }
0x142: {  	v19 =	vld [tilespmem:s21+$0x139B0]  }
0x143: {  	v20 =	vld [tilespmem:s21+$0x139C0]  }
0x144: {  	v21 =	vld [tilespmem:s21+$0x139D0]  }
0x145: {  	v60 =	vld [tilespmem:s21+$0x139E0];
	v7 =	vmul.f32 v7, v17  }
0x146: {  	v22 =	vld [tilespmem:s21+$0x139F0];
	v8 =	vmul.f32 v8, v18  }
0x147: {  	v61 =	vld [tilespmem:s21+$0x13A00];
	[tilespmem:s21+$0x13990] =	vst v7;
	v7 =	vmul.f32 v9, v19  }
0x148: {  	v62 =	vld [tilespmem:s21+$0x13A10];
	[tilespmem:s21+$0x139A0] =	vst v8;
	v8 =	vmul.f32 v10, v20  }
0x149: {  	v63 =	vld [tilespmem:s21+$0x13A20];
	[tilespmem:s21+$0x139B0] =	vst v7;
	v7 =	vmul.f32 v11, v21  }
0x14a: {  	v9 =	vmul.f32 v12, v60;
	[tilespmem:s21+$0x139C0] =	vst v8;
	v8 =	vld [tilespmem:s21+$0x13A30]  }
0x14b: {  	v10 =	vmul.f32 v13, v22;
	[tilespmem:s21+$0x139D0] =	vst v7;
	v7 =	vld [tilespmem:s21+$0x13A40]  }
0x14c: {  	[tilespmem:s21+$0x139E0] =	vst v9;
	v9 =	vld [tilespmem:s21+$0x13A50];
	v11 =	vmul.f32 v14, v61  }
0x14d: {  	v13 =	vmul.f32 v15, v62;
	[tilespmem:s21+$0x139F0] =	vst v10;
	v10 =	vld [tilespmem:s21+$0x13A60]  }
0x14e: {  	s24 =	simm.s32 $0x7C0;
	v12 =	vmul.f32 v16, v63;
	[tilespmem:s21+$0x13A00] =	vst v11;
	v11 =	vld [tilespmem:s21+$0x13A70]  }
.LBB2_11:
0x14f: {  	s19 =	sshra.s32 s24, $0x2;
	p1 =	sne.s32 s24, $0x9FC0;
	[tilespmem:s21+$0x13A10] =	vst v13;
	v6 =	vmul.f32 v6, v8;
	v8 =	vld [tilespmem:s21+$0x13A80]  }
0x150: {  	v13 =	vld [tilespmem:s19+$0x18990];
	[tilespmem:s21+$0x13A20] =	vst v12;
	v5 =	vmul.f32 v5, v7  }
0x151: {  	v7 =	vld [tilespmem:s19+$0x189A0];
	[tilespmem:s21+$0x13A30] =	vst v6;
	v4 =	vmul.f32 v4, v9  }
0x152: {  	v9 =	vld [tilespmem:s19+$0x189B0];
	[tilespmem:s21+$0x13A40] =	vst v5;
	v3 =	vmul.f32 v3, v10  }
0x153: {  	v10 =	vld [tilespmem:s19+$0x189C0];
	[tilespmem:s21+$0x13A50] =	vst v4;
	v2 =	vmul.f32 v2, v11  }
0x154: {  	v11 =	vld [tilespmem:s19+$0x189D0];
	[tilespmem:s21+$0x13A60] =	vst v3;
	v1 =	vmul.f32 v1, v8  }
0x155: {  	v8 =	vld [tilespmem:s19+$0x189E0];
	[tilespmem:s21+$0x13A70] =	vst v2  }
0x156: {  	v12 =	vld [tilespmem:s19+$0x189F0];
	[tilespmem:s21+$0x13A80] =	vst v1;
	s21 =	smov.u32 s19  }
0x157: {  	v14 =	vld [tilespmem:s21+$0x18A00]  }
0x158: {  	v15 =	vld [tilespmem:s21+$0x18A10]  }
0x159: {  	v16 =	vld [tilespmem:s21+$0x18A20]  }
0x15a: {  	v6 =	vld [tilespmem:s21+$0x18A30]  }
0x15b: {  	v5 =	vld [tilespmem:s21+$0x18A40]  }
0x15c: {  	v4 =	vld [tilespmem:s21+$0x18A50]  }
0x15d: {  	v3 =	vld [tilespmem:s21+$0x18A60]  }
0x15e: {  	v2 =	vld [tilespmem:s21+$0x18A70]  }
0x15f: {  	v1 =	vld [tilespmem:s21+$0x18A80]  }
0x160: {  	v17 =	vld [tilespmem:s21+$0x13990]  }
0x161: {  	v18 =	vld [tilespmem:s21+$0x139A0]  }
0x162: {  	v19 =	vld [tilespmem:s21+$0x139B0]  }
0x163: {  	v20 =	vld [tilespmem:s21+$0x139C0]  }
0x164: {  	v21 =	vld [tilespmem:s21+$0x139D0]  }
0x165: {  	v13 =	vmul.f32 v13, v17;
	v17 =	vld [tilespmem:s21+$0x139E0]  }
0x166: {  	v7 =	vmul.f32 v7, v18;
	v18 =	vld [tilespmem:s21+$0x139F0]  }
0x167: {  	[tilespmem:s21+$0x13990] =	vst v13;
	v9 =	vmul.f32 v9, v19;
	v13 =	vld [tilespmem:s21+$0x13A00]  }
0x168: {  	[tilespmem:s21+$0x139A0] =	vst v7;
	v7 =	vmul.f32 v10, v20;
	v10 =	vld [tilespmem:s21+$0x13A10]  }
0x169: {  	[tilespmem:s21+$0x139B0] =	vst v9;
	v9 =	vmul.f32 v11, v21;
	v11 =	vld [tilespmem:s21+$0x13A20]  }
.Ltmp5:
0x16a: {  	[tilespmem:s21+$0x139C0] =	vst v7;
	v17 =	vmul.f32 v8, v17;
	v8 =	vld [tilespmem:s21+$0x13A30];
	(pc) =	sbr.rel @p1 .LBB2_11-.Ltmp5, $4  }
0x16b: {  	[tilespmem:s21+$0x139D0] =	vst v9;
	v12 =	vmul.f32 v12, v18;
	v7 =	vld [tilespmem:s21+$0x13A40]  }
0x16c: {  	[tilespmem:s21+$0x139E0] =	vst v17;
	v14 =	vmul.f32 v14, v13;
	v9 =	vld [tilespmem:s21+$0x13A50]  }
0x16d: {  	[tilespmem:s21+$0x139F0] =	vst v12;
	v13 =	vmul.f32 v15, v10;
	v10 =	vld [tilespmem:s21+$0x13A60]  }
0x16e: {  	s24 =	sadd.s32 $0x400, s24;
	[tilespmem:s21+$0x13A00] =	vst v14;
	v12 =	vmul.f32 v16, v11;
	v11 =	vld [tilespmem:s21+$0x13A70]  }
0x16f: {  	[tilespmem:s21+$0x13A10] =	vst v13;
	v6 =	vmul.f32 v6, v8;
	v63 =	vld [tilespmem:s21+$0x13A80]  }
0x170: {  	[tilespmem:s21+$0x13A20] =	vst v12;
	v5 =	vmul.f32 v5, v7  }
0x171: {  	[tilespmem:s21+$0x13A30] =	vst v6;
	v4 =	vmul.f32 v4, v9  }
0x172: {  	[tilespmem:s21+$0x13A40] =	vst v5;
	v3 =	vmul.f32 v3, v10  }
0x173: {  	[tilespmem:s21+$0x13A50] =	vst v4;
	v2 =	vmul.f32 v2, v11  }
0x174: {  	[tilespmem:s21+$0x13A60] =	vst v3;
	v1 =	vmul.f32 v1, v63  }
0x175: {  	[tilespmem:s21+$0x13A70] =	vst v2  }
0x176: {  	s19 =	simm.s32 $0x6;
	[tilespmem:s21+$0x13A80] =	vst v1  }
0x177: {  	[spmem:s1] =	stream.indirect.scatter.add.f32 [tilespmem:s29], [sflag:$0x5], $0x80, s0, s13, $0xb8;
	[tilespmem:$0x1DA80] =	vst v63  }
0x178: {  	_ =	swait.ge [sflag:s19], $0x2800  }
0x179: {  	[sflag:s19] =	ssyncset.done $0x0  }
0x17a: {  	[sflag:s19] =	ssyncadd.s32 $0xFFFFD800  }
0x17b: {  	_ =	swait.ge [sflag:s17], $0x2800  }
0x17c: {  	[sflag:s17] =	ssyncset.done $0x0  }
0x17d: {  	s24 =	stileid.u32;
	[sflag:s17] =	ssyncadd.s32 $0xFFFFD800  }
0x17e: {  	s19 =	sshll.u32 s24, $0x6;
	[bflag:$0x0] =	sbarrier.arrive $0xFFFF  }
0x17f: {  	s25 =	sshrl.u32 s8, $0x3;
	s19 =	sor.u32 $0x1C07, s19;
	s24 =	rddreg [dreg:$0xf]  }
0x180: {  	[hbm:s24], [sflag:s19] =	dma.local [spmem:s25], $0x2700  }
0x181: {  	_ =	swait.ge [sflag:s30], $0x2700  }
0x182: {  	[sflag:s30] =	ssyncset.done $0x0  }
0x183: {  	s21 =	sshrl.u32 @!p0 s28, $0x3;
	s24 =	rddreg [dreg:$0x10];
	[sflag:s30] =	ssyncadd.s32 $0xFFFFD900  }
0x184: {  	[hbm:s24], [sflag:s19] =	dma.local @!p0 [spmem:s21], $0x100  }
0x185: {  	s19 =	simm.s32 @!p0 $0x7  }
0x186: {  	_ =	swait.ge @!p0 [sflag:s19], $0x100  }
0x187: {  	s20 =	sadd.s32 $0x1, s20;
	s26 =	rddreg [dreg:$0x11]  }
0x188: {  	p1 =	sne.s32 s20, s26  }
.Ltmp6:
0x189: {  	_ = 	snop;
	(pc) =	sbr.rel @p1 .LBB2_1-.Ltmp6, $3  }
0x18a: {  	_ =	sdelay $0x1  }
0x18b: {  	[sflag:s19] =	ssyncset.done @!p0 $0x0  }
0x18c: {  	[sflag:s19] =	ssyncadd.s32 @!p0 $0xFFFFFF00  }
0x18d: {  	_ =	sfence.sel $0x180000  }
0x18e: {  	[bflag:$0x0] =	sbarrier.arrive $0xFFFF  }
0x18f: {  	_ =	strace $0x9000004A  }
0x190: {  	s0 =	stileid.u32;
	[bflag:$0x2] =	sbarrier.arrive $0xFFFF  }
0x191: {  	p0 =	sne.s32 s0, $0x0;
	s0 =	rddreg [dreg:$0x2]  }
0x192: {  	s0 =	sadd.s32 @!p0 $0x100000, s0  }
0x193: {  	[sflag:s0] =	ssyncadd.tile.s32 @!p0 $0x1;
	_ =	shalt  }
.Lfunc_end2:
_tile_overlayer_lowered:
.L_overlay_start_2:
0x194: {  	(tag) =	ssettag $0x2  }
0x195: {  	s0 =	rddreg [dreg:$0x0];
	s2 =	stileid.u32  }
0x196: {  	s1 =	rddreg [dreg:$0x1];
	p0 =	sne.s32 s2, $0x0  }
0x197: {  	s3 =	rddreg [dreg:$0x2];
	[bflag:$0x3] =	sbarrier.arrive $0xFFFF;
	s2 =	simm.s32 @!p0 $0x1C07  }
0x198: {  	[timem:s3], [sflag:s2] =	dma.local @!p0 [hbm:s0], s1  }
0x199: {  	s0 =	simm.s32 @!p0 $0x7  }
0x19a: {  	_ =	swait.ge @!p0 [sflag:s0], s1  }
0x19b: {  	s1 =	ssub.s32 @!p0 $0x0, s1;
	[sflag:s0] =	ssyncset.done @!p0 $0x0  }
0x19c: {  	[sflag:s0] =	ssyncadd.s32 @!p0 s1  }
0x19d: {  	[bflag:$0x3] =	sbarrier.arrive $0xFFFF  }
0x19e: {  	_ =	shalt  }

// kernel: kernel.7.cloned.1.call-start
scs
__scs_entry_jumppad:
0x0: {  	(pc) =	sbr.rel $0x88, $3  }
0x1: {  	(tag) =	ssettag $0x0;
	lr =	simm.s32 $0x1  }
0x2: {  	[smem:$0x3F97] =	sst lr;
	_ =	strace $0xD0000000  }
0x3: {  	_ = 	snop  }
0x4: {  	_ = 	snop  }
0x5: {  	_ = 	snop  }
0x6: {  	_ = 	snop  }
0x7: {  	_ = 	snop  }
__scs_overlays_trampoline_lowered:
0x8: {  	[smem:$0x3FA6] =	sst s0  }
0x9: {  	[smem:$0x3FA7] =	sst s1  }
0xa: {  	[smem:$0x3FA8] =	sst s2  }
0xb: {  	[smem:$0x3FA9] =	sst s3  }
0xc: {  	[smem:$0x3FAA] =	sst s4  }
0xd: {  	[smem:$0x3FAB] =	sst s5  }
0xe: {  	[smem:$0x3FAC] =	sst s6  }
0xf: {  	[smem:$0x3FAD] =	sst s7  }
0x10: {  	[smem:$0x3FAE] =	sst s8  }
0x11: {  	[smem:$0x3FAF] =	sst s9;
	s0 =	simm.s32 @!p0 $0x0  }
0x12: {  	s1 =	sld [smem:$0x3F95];
	s0 =	simm.s32 @p0 $0x1  }
0x13: {  	[smem:$0x3FB0] =	sst s0;
	s0 =	simm.s32 @!p1 $0x0  }
0x14: {  	s2 =	sld [smem:$0x3F94];
	s0 =	simm.s32 @p1 $0x1  }
0x15: {  	[smem:$0x3FB1] =	sst s0;
	s0 =	simm.s32 @!p2 $0x0  }
0x16: {  	s3 =	sld [smem:$0x3FDB];
	s0 =	simm.s32 @p2 $0x1  }
0x17: {  	s4 =	simm.s32 $0x1BF5;
	[smem:$0x3FB3] =	sst s0  }
0x18: {  	s0 =	sld [smem:$0x3F96];
	_ =	swait.ge [sflag:s4], $0x0  }
0x19: {  	s7 =	sld [smem:$0x3F97]  }
0x1a: {  	s8 =	sadd.s32 $0xFFFFE003, lr  }
0x1b: {  	s9 =	sadd.s32 $0xFFFFFEF7, lr;
	s5 =	simm.s32 $0xFFFFFFFF;
	p2 =	slt.u32 s8, $0xFFFFF086  }
0x1c: {  	p1 =	slt.u32 s9, $0xF7A;
	s5 =	simm.s32 @!p2 $0x0  }
0x1d: {  	s5 =	simm.s32 @p1 $0x1;
	p0 =	seq.s32 s7, s2  }
0x1e: {  	s7 =	smul.u32 @!p0 $0xF7A, s2;
	p2 =	seq.s32 @!p0 s5, $0x0  }
0x1f: {  	s9 =	smul.u32 $0xF7A, s1;
	s8 =	simm.s32 @!p0 $0x1BF5;
	p2 =	por !p2, p0  }
0x20: {  	[sflag:s8] =	ssyncset.s32 @!p0 $0xFFFFF086;
	s6 =	sadd.s32 @!p0 s3, s7;
	s7 =	simm.s32 @!p0 $0x108  }
0x21: {  	s3 =	sadd.s32 s3, s9;
	s6 =	sadd.s32 @!p0 $0x88, s6;
	s7 =	simm.s32 @p2 $0x1082  }
0x22: {  	[simem:s7], [sflag:s8] =	dma.local @!p0 [hbm:s6], $0xF7A  }
0x23: {  	s9 =	sor.u32 $0xD0000000, s2;
	s6 =	simm.s32 $0x108;
	_ =	swait.ge @!p0 [sflag:s8], $0x0  }
0x24: {  	s3 =	sadd.s32 $0x88, s3;
	s6 =	simm.s32 @!p1 $0x1082;
	[sflag:s4] =	ssyncset.s32 $0xFFFFF086  }
0x25: {  	[simem:s6], [sflag:s4] =	dma.local [hbm:s3], $0xF7A  }
0x26: {  	[smem:$0x3F97] =	sst s1;
	(tag) =	ssettag s2;
	_ =	strace s9  }
0x27: {  	s1 =	sld [smem:$0x3FA7]  }
0x28: {  	s2 =	sld [smem:$0x3FA8]  }
0x29: {  	s4 =	sld [smem:$0x3FAA]  }
0x2a: {  	p0 =	seq.s32 s5, $0x0;
	s5 =	sld [smem:$0x3FAB]  }
0x2b: {  	s6 =	sld [smem:$0x3FAC]  }
0x2c: {  	s7 =	sld [smem:$0x3FAD]  }
0x2d: {  	s3 =	simm.s32 $0x108;
	s8 =	sld [smem:$0x3FAE]  }
0x2e: {  	s3 =	simm.s32 @!p0 $0x1082;
	s9 =	sld [smem:$0x3FAF]  }
0x2f: {  	lr =	sadd.s32 s0, s3;
	s0 =	sld [smem:$0x3FA6]  }
0x30: {  	s3 =	sld [smem:$0x3FA9]  }
0x31: {  	[smem:$0x3FB2] =	sst s10  }
0x32: {  	s10 =	sld [smem:$0x3FB0];
	_ =	sdelay $0x3  }
0x33: {  	p0 =	seq.s32 s10, $0x1;
	s10 =	sld [smem:$0x3FB2];
	_ =	sdelay $0x3  }
0x34: {  	[smem:$0x3FB2] =	sst s10  }
0x35: {  	s10 =	sld [smem:$0x3FB1];
	_ =	sdelay $0x3  }
0x36: {  	p1 =	seq.s32 s10, $0x1;
	s10 =	sld [smem:$0x3FB2];
	_ =	sdelay $0x3  }
0x37: {  	[smem:$0x3FB2] =	sst s10  }
0x38: {  	s10 =	sld [smem:$0x3FB3]  }
0x39: {  	_ = 	snop;
	(pc) =	sbr.ind lr, $3  }
0x3a: {  	_ = 	snop  }
0x3b: {  	_ = 	snop  }
0x3c: {  	p2 =	seq.s32 s10, $0x1;
	s10 =	sld [smem:$0x3FB2]  }
0x3d: {  	_ =	shalt  }
0x3e: {  	_ =	shalt  }
0x3f: {  	_ =	shalt  }
0x40: {  	_ =	shalt  }
0x41: {  	_ =	shalt  }
0x42: {  	_ =	shalt  }
0x43: {  	_ =	shalt  }
0x44: {  	_ =	shalt  }
0x45: {  	_ =	shalt  }
0x46: {  	_ =	shalt  }
0x47: {  	_ =	shalt  }
0x48: {  	_ =	shalt  }
0x49: {  	_ =	shalt  }
0x4a: {  	_ =	shalt  }
0x4b: {  	_ =	shalt  }
0x4c: {  	_ =	shalt  }
0x4d: {  	_ =	shalt  }
0x4e: {  	_ =	shalt  }
0x4f: {  	_ =	shalt  }
0x50: {  	_ =	shalt  }
0x51: {  	_ =	shalt  }
0x52: {  	_ =	shalt  }
0x53: {  	_ =	shalt  }
0x54: {  	_ =	shalt  }
0x55: {  	_ =	shalt  }
0x56: {  	_ =	shalt  }
0x57: {  	_ =	shalt  }
0x58: {  	_ =	shalt  }
0x59: {  	_ =	shalt  }
0x5a: {  	_ =	shalt  }
0x5b: {  	_ =	shalt  }
0x5c: {  	_ =	shalt  }
0x5d: {  	_ =	shalt  }
0x5e: {  	_ =	shalt  }
0x5f: {  	_ =	shalt  }
0x60: {  	_ =	shalt  }
0x61: {  	_ =	shalt  }
0x62: {  	_ =	shalt  }
0x63: {  	_ =	shalt  }
0x64: {  	_ =	shalt  }
0x65: {  	_ =	shalt  }
0x66: {  	_ =	shalt  }
0x67: {  	_ =	shalt  }
0x68: {  	_ =	shalt  }
0x69: {  	_ =	shalt  }
0x6a: {  	_ =	shalt  }
0x6b: {  	_ =	shalt  }
0x6c: {  	_ =	shalt  }
0x6d: {  	_ =	shalt  }
0x6e: {  	_ =	shalt  }
0x6f: {  	_ =	shalt  }
0x70: {  	_ =	shalt  }
0x71: {  	_ =	shalt  }
0x72: {  	_ =	shalt  }
0x73: {  	_ =	shalt  }
0x74: {  	_ =	shalt  }
0x75: {  	_ =	shalt  }
0x76: {  	_ =	shalt  }
0x77: {  	_ =	shalt  }
0x78: {  	_ =	shalt  }
0x79: {  	_ =	shalt  }
0x7a: {  	_ =	shalt  }
0x7b: {  	_ =	shalt  }
0x7c: {  	_ =	shalt  }
0x7d: {  	_ =	shalt  }
0x7e: {  	_ =	shalt  }
0x7f: {  	_ =	shalt  }
0x80: {  	_ =	shalt  }
0x81: {  	_ =	shalt  }
0x82: {  	_ =	shalt  }
0x83: {  	_ =	shalt  }
0x84: {  	_ =	shalt  }
0x85: {  	_ =	shalt  }
0x86: {  	_ =	shalt  }
0x87: {  	_ =	shalt  }
.Lfunc_end0:
.L_simem_size_0:
called_computation_lowered:
.L_overlay_start_0:
0x88: {  	s2 =	sld [smem:$0x3FD9]  }
0x89: {  	s3 =	sld [smem:$0x3FFE];
	_ =	sdelay $0x1  }
0x8a: {  	s1 =	srdreg.scid  }
0x8b: {  	s0 =	sand.u32 $0x1, s1  }
0x8c: {  	s17 =	sshll.u32 s0, $0xA;
	s2 =	sadd.s32 s3, s2  }
0x8d: {  	s2 =	sadd.s32 s2, s17  }
0x8e: {  	[smem:$0x3FBE] =	sst s2  }
0x8f: {  	_ = 	snop  }
0x90: {  	s2 =	sld [smem:$0x3FC6];
	(tm) =	ssettm $0x1  }
0x91: {  	s18 =	sld [smem:$0x3FFB];
	_ =	sdelay $0x3  }
0x92: {  	_ =	strace s18  }
0x93: {  	s3 =	sld [smem:$0x3FFC];
	_ =	sdelay $0x3  }
0x94: {  	_ =	strace s3  }
0x95: {  	s3 =	sld [smem:$0x3FFD];
	_ =	sdelay $0x3  }
0x96: {  	_ =	strace s3  }
0x97: {  	_ =	strace $0x8FFFFFFF  }
0x98: {  	s19 =	sld [smem:$0x3FDB];
	_ =	sdelay $0x1  }
0x99: {  	s4 =	simm.s32 $_scs_section_size  }
0x9a: {  	s5 =	simm.s32 $_size__tile_overlayer_lowered;
	s6 =	simm.s32 $_tile_overlayer_lowered  }
0x9b: {  	s22 =	simm.s32 $0x1BFF;
	s21 =	sshll.u32 s6, $0x1;
	s3 =	sadd.s32 s4, s19  }
0x9c: {  	s7 =	simm.s32 $0x0;
	s20 =	sshll.u32 s5, $0x1;
	s5 =	sadd.s32 s21, s3  }
0x9d: {  	[timem:s7], [sflag:s22] =	dma.local [hbm:s5], s20  }
0x9e: {  	_ =	swait.ge [sflag:s22], s20  }
0x9f: {  	s4 =	ssub.s32 $0x0, s20;
	[sflag:s22] =	ssyncset.done $0x0  }
0xa0: {  	[sflag:s22] =	ssyncadd.s32 s4;
	_ =	sdelay $0x1  }
0xa1: {  	s23 =	simm.s32 $0x1B8B  }
0xa2: {  	_ =	swait.ge [sflag:s23], $0x1  }
0xa3: {  	[sflag:s23] =	ssyncset.done $0x0  }
0xa4: {  	s25 =	simm.s32 $0x1B8E;
	s24 =	sld [smem:$0x3FFE];
	[sflag:s23] =	ssyncadd.s32 $0xFFFFFFFF  }
0xa5: {  	s26 =	simm.s32 $execute0_lowered;
	[smem:$0x3FD2] =	sst s25  }
0xa6: {  	s5 =	sshll.u32 s26, $0x1;
	_ =	strace $0x80000046;
	[dreg:$0x1] =	wrdreg $0xFFFFFFFF  }
0xa7: {  	s28 =	simm.s32 $_size_execute0_lowered;
	s3 =	sadd.s32 s3, s5;
	[dreg:$0x0] =	wrdreg $0x0  }
0xa8: {  	s5 =	sshll.u32 s28, $0x1;
	[dreg:$0x2] =	wrdreg s3  }
0xa9: {  	[dreg:$0x3] =	wrdreg s5  }
0xaa: {  	[dreg:$0x4] =	wrdreg $0xC0  }
0xab: {  	_ =	task [dreg:s7], $0x5FFFF  }
0xac: {  	[dreg:$0x1] =	wrdreg $0xFFFFFFFF  }
0xad: {  	[dreg:$0x0] =	wrdreg $0x60  }
0xae: {  	[dreg:$0x2] =	wrdreg s24  }
0xaf: {  	[dreg:$0x3] =	wrdreg s2  }
0xb0: {  	[dreg:$0x4] =	wrdreg $0x9  }
0xb1: {  	_ =	task.clear_ibuf [dreg:s7], $0x5FFFF;
	_ =	strace $0x90000046  }
0xb2: {  	s29 =	simm.s32 $0x9;
	_ =	strace $0x80000048  }
0xb3: {  	_ =	swait.ge [sflag:s29], $0x1  }
0xb4: {  	[sflag:s29] =	ssyncadd.s32 $0xFFFFFFFF  }
0xb5: {  	_ =	strace $0x90000048  }
0xb6: {  	_ =	sfence  }
0xb7: {  	s30 =	sld [smem:$0x0];
	_ =	sdelay $0x2  }
0xb8: {  	s31 =	sshll.u32 s1, $0xD;
	s1 =	sshrl.u32 s1, $0x2  }
0xb9: {  	s3 =	sand.u32 $0x4000, s31;
	s1 =	sadd.s32 s1, s30  }
0xba: {  	s0 =	sor.u32 s3, s0;
	s1 =	sshll.u32 s1, $0x11  }
0xbb: {  	s0 =	sor.u32 s1, s0  }
0xbc: {  	s0 =	sadd.s32 $0x8F2B, s0  }
0xbd: {  	[sflag:s0] =	ssyncadd.remote.s32 $0x1  }
0xbe: {  	_ =	sfence.sel $0xFFFF  }
0xbf: {  	[dreg:$0x0] =	wrdreg $0xFFFFFFFF;
	(pc) =	sbr.abs _section_cstart, $3  }
0xc0: {  	[dreg:$0x1] =	wrdreg $0xFFFFFFFF  }
0xc1: {  	_ =	task.clear_ibuf [dreg:s7], $0x2FFFF;
	_ =	strace $0x9FFFFFFF  }
0xc2: {  	(tm) =	ssettm $0x7FFFFFFF  }
0xc3: {  	_ =	shalt  }
tec
execute0_lowered:
.L_overlay_start_1:
0x0: {  	(tag) =	ssettag $0x1  }
0x1: {  	s0 =	rddreg [dreg:$0x0]  }
0x2: {  	s1 =	rddreg [dreg:$0x1];
	s2 =	simm.s32 $0x0  }
0x3: {  	s21 =	srdreg.scid;
	s4 =	stileid.u32;
	s28 =	simm.s32 $0x2  }
0x4: {  	s29 =	simm.s32 $0x3780;
	s30 =	simm.s32 $0x3;
	s31 =	simm.s32 $0x5F00  }
0x5: {  	[smem:$0x7FF] =	sst s2;
	s3 =	sadd.s32 $0xC200, s0;
	s2 =	sand.u32 $0x1, s21  }
0x6: {  	s4 =	sshll.u32 s4, $0x1;
	s5 =	sadd.s32 $0x4F8000, s0;
	s18 =	sadd.s32 $0x51F200, s0  }
0x7: {  	s21 =	simm.s32 $0x1000;
	_ =	strace $0x80000047;
	s4 =	sor.u32 s2, s4  }
0x8: {  	s2 =	ssub.s32 $0x2, s2;
	s6 =	sshll.u32 s4, $0x5;
	s13 =	smul.u32 $0x2710, s4  }
0x9: {  	s22 =	sshrl.u32 s2, $0x1;
	s4 =	smul.u32 $0x1388, s4;
	s0 =	sadd.s32 s6, s0  }
0xa: {  	s2 =	ssub.s32 s2, s22;
	s22 =	simm.s32 $0x2F80;
	s8 =	sshrl.u32 s13, $0x3  }
0xb: {  	s7 =	sadd.s32 $0x7D0, s13;
	s4 =	sadd.s32 s5, s4;
	s10 =	sadd.s32 $0xFA0, s13  }
0xc: {  	s15 =	sadd.s32 $0x1770, s13;
	s16 =	sadd.s32 $0x1F40, s13;
	s20 =	smax.u32 s2, $0x1  }
0xd: {  	s2 =	simm.s32 $0x4;
	s23 =	sadd.s32 s3, s8;
	[dreg:$0x4] =	wrdreg s4  }
0xe: {  	s24 =	sshrl.u32 s7, $0x3;
	s7 =	sshrl.u32 s7, $0x1;
	s8 =	sadd.s32 s18, s8  }
0xf: {  	s14 =	sshrl.u32 s10, $0x3;
	s10 =	sshrl.u32 s10, $0x1;
	s26 =	sshrl.u32 s15, $0x3  }
0x10: {  	s15 =	sshrl.u32 s15, $0x1;
	s19 =	sshrl.u32 s16, $0x3;
	s16 =	sshrl.u32 s16, $0x1  }
0x11: {  	[dreg:$0x3] =	wrdreg s23;
	s25 =	sadd.s32 s3, s24;
	s7 =	sadd.s32 s5, s7  }
0x12: {  	s9 =	sadd.s32 s3, s14;
	s10 =	sadd.s32 s5, s10;
	s11 =	sadd.s32 s18, s24  }
0x13: {  	v1 =	vlaneseq.u32;
	s12 =	sadd.s32 s3, s26;
	s13 =	sadd.s32 s5, s15;
	s14 =	sadd.s32 s18, s14  }
0x14: {  	v0 =	vmul.u32 $0x100, v1;
	v1 =	vmul.u32 $0x4, v1;
	s15 =	sadd.s32 s3, s19;
	s16 =	sadd.s32 s5, s16;
	s17 =	sadd.s32 s18, s26  }
0x15: {  	v2 =	vimm.f32 $3.000000010e+38;
	s18 =	sadd.s32 s18, s19;
	s19 =	sadd.s32 $0x529000, s0;
	s23 =	simm.s32 $0x3F80  }
0x16: {  	v3 =	vor.u32 $0x1, v1;
	v4 =	vor.u32 $0x1, v0;
	v5 =	vor.u32 $0x2, v1;
	s24 =	simm.s32 $0x1;
	s26 =	simm.s32 $0x800;
	s0 =	simm.s32 $0x5  }
0x17: {  	v6 =	vor.u32 $0x2, v0;
	v7 =	vor.u32 $0x3, v1;
	v8 =	vor.u32 $0x3, v0;
	s3 =	simm.s32 $0x0;
	[dreg:$0x5] =	wrdreg s25;
	s25 =	simm.s32 $0x7D0  }
.LBB2_1:
0x18: {  	s4 =	simm.s32 $0x40;
	s5 =	simm.s32 $0x0  }
.LBB2_2:
0x19: {  	p0 =	sne.s32 s4, $0x3FC0;
	[tilespmem:s5+$0x5F00] =	vst v2;
	s5 =	smov.u32 s4;
	s4 =	sadd.s32 $0x40, s4  }
.Ltmp0:
0x1a: {  	(pc) =	sbr.rel @p0 .LBB2_2-.Ltmp0, $2  }
0x1b: {  	_ =	sdelay $0x2  }
0x1c: {  	s5 =	sshra.s32 s5, $0x2  }
0x1d: {  	[tilespmem:s5+$0x5F00] =	vst v2;
	s4 =	simm.s32 $0x0;
	s6 =	rddreg [dreg:$0x3]  }
0x1e: {  	[tilespmem:s4], [sflag:$0x1] =	stream.linear.gather [hbm4b:s6+s4], $0x7D0, $0x38;
	[tilespmem:$0x7000] =	vst v63  }
0x1f: {  	s6 =	rddreg [dreg:$0x4]  }
0x20: {  	[tilespmem:s21], [sflag:$0x1] =	stream.linear.gather [hbm4b:s6+s4], $0x1F40, $0x38;
	[tilespmem:$0x7000] =	vst v63  }
0x21: {  	s6 =	rddreg [dreg:$0x5]  }
0x22: {  	[tilespmem:s22], [sflag:$0x2] =	stream.linear.gather [hbm4b:s6+s4], $0x7D0, $0x38;
	[tilespmem:$0x7000] =	vst v63  }
0x23: {  	_ = 	snop  }
0x24: {  	[tilespmem:s23], [sflag:$0x2] =	stream.linear.gather [hbm4b:s7+s4], $0x1F40, $0x38;
	[tilespmem:$0x7000] =	vst v63  }
0x25: {  	_ =	swait.ge [sflag:s24], $0x7D0  }
0x26: {  	[sflag:s24] =	ssyncset.done $0x0  }
0x27: {  	[sflag:s24] =	ssyncadd.s32 $0xFFFFF830  }
0x28: {  	_ =	swait.ge [sflag:s24], $0x1F40  }
0x29: {  	[sflag:s24] =	ssyncset.done $0x0  }
0x2a: {  	[sflag:s24] =	ssyncadd.s32 $0xFFFFE0C0  }
0x2b: {  	[tilespmem:s26], [sflag:$0x3] =	stream.indirect.gather [hbm4b:s1+s25], $0x1, s4, s25, $0xb8;
	[tilespmem:$0x7000] =	vst v63  }
0x2c: {  	_ =	swait.ge [sflag:s28], $0x7D0  }
0x2d: {  	[sflag:s28] =	ssyncset.done $0x0  }
0x2e: {  	[sflag:s28] =	ssyncadd.s32 $0xFFFFF830  }
0x2f: {  	_ =	swait.ge [sflag:s28], $0x1F40  }
0x30: {  	[sflag:s28] =	ssyncset.done $0x0  }
0x31: {  	[sflag:s28] =	ssyncadd.s32 $0xFFFFE0C0  }
0x32: {  	[tilespmem:s29], [sflag:$0x4] =	stream.indirect.gather [hbm4b:s1+s25], $0x1, s22, s25, $0xb8;
	[tilespmem:$0x7000] =	vst v63  }
0x33: {  	_ =	swait.ge [sflag:s30], $0x7D0  }
0x34: {  	[sflag:s30] =	ssyncset.done $0x0  }
0x35: {  	s6 =	simm.s32 $0x0;
	[sflag:s30] =	ssyncadd.s32 $0xFFFFF830  }
0x36: {  	v9 =	vld [tilespmem:s6+$0x800];
	_ =	sdelay $0x4  }
0x37: {  	v9 =	vshll.u32 v9, $0x2  }
0x38: {  	v10 =	vadd.s32 v0, v9  }
0x39: {  	v12 =	vor.u32 s4, v1;
	v11 =	vand.u32 $0x7C, v9;
	v10 =	vand.u32 $0xFFFFFF80, v10  }
0x3a: {  	v10 =	vor.u32 v11, v10;
	_ =	sdelay $0x3  }
0x3b: {  	v11 =	vld.idx.msk [tilespmem:v12+s21+$0x0], $0xffff  }
0x3c: {  	v60 =	vld.idx.msk [tilespmem:v10+s31+$0x0], $0xffff;
	_ =	sdelay $0x1  }
0x3d: {  	v13 =	vor.u32 s4, v3  }
0x3e: {  	v14 =	vadd.s32 v4, v9;
	_ =	sdelay $0x1  }
0x3f: {  	v11 =	vmin.f32 v60, v11  }
0x40: {  	[tilespmem:v10+s31+$0x0] =	vst.idx.msk $0xffff, v11  }
0x41: {  	v10 =	vld.idx.msk [tilespmem:v13+s21+$0x0], $0xffff  }
0x42: {  	v11 =	vld.idx.msk [tilespmem:v14+s31+$0x0], $0xffff;
	_ =	sdelay $0x1  }
0x43: {  	v61 =	vor.u32 s4, v5  }
0x44: {  	v62 =	vadd.s32 v6, v9;
	_ =	sdelay $0x1  }
0x45: {  	v10 =	vmin.f32 v11, v10  }
0x46: {  	[tilespmem:v14+s31+$0x0] =	vst.idx.msk $0xffff, v10  }
0x47: {  	v10 =	vld.idx.msk [tilespmem:v61+s21+$0x0], $0xffff  }
0x48: {  	v11 =	vld.idx.msk [tilespmem:v62+s31+$0x0], $0xffff;
	_ =	sdelay $0x1  }
0x49: {  	v63 =	vor.u32 s4, v7  }
0x4a: {  	v9 =	vadd.s32 v8, v9;
	_ =	sdelay $0x1  }
0x4b: {  	v10 =	vmin.f32 v11, v10  }
0x4c: {  	[tilespmem:v62+s31+$0x0] =	vst.idx.msk $0xffff, v10  }
0x4d: {  	v10 =	vld.idx.msk [tilespmem:v63+s21+$0x0], $0xffff  }
0x4e: {  	s4 =	simm.s32 $0x40;
	v11 =	vld.idx.msk [tilespmem:v9+s31+$0x0], $0xffff  }
.LBB2_4:
0x4f: {  	_ = 	snop  }
0x50: {  	p0 =	sne.s32 s4, $0x1F00;
	s5 =	smov.u32 s4;
	s4 =	sadd.s32 $0x40, s4  }
0x51: {  	_ =	sdelay $0x1  }
0x52: {  	s6 =	sshra.s32 s5, $0x2;
	v10 =	vmin.f32 v11, v10  }
0x53: {  	[tilespmem:v9+s31+$0x0] =	vst.idx.msk $0xffff, v10  }
0x54: {  	v9 =	vld [tilespmem:s6+$0x800];
	_ =	sdelay $0x4  }
0x55: {  	v9 =	vshll.u32 v9, $0x2  }
0x56: {  	v10 =	vadd.s32 v0, v9;
	v11 =	vand.u32 $0x7C, v9  }
0x57: {  	v12 =	vor.u32 s5, v1;
	v10 =	vand.u32 $0xFFFFFF80, v10  }
0x58: {  	v10 =	vor.u32 v11, v10;
	_ =	sdelay $0x3  }
0x59: {  	v11 =	vld.idx.msk [tilespmem:v12+s21+$0x0], $0xffff  }
0x5a: {  	v12 =	vld.idx.msk [tilespmem:v10+s31+$0x0], $0xffff;
	_ =	sdelay $0x1  }
0x5b: {  	v13 =	vadd.s32 v4, v9  }
0x5c: {  	v14 =	vor.u32 s5, v3;
	_ =	sdelay $0x2  }
0x5d: {  	v11 =	vmin.f32 v12, v11  }
0x5e: {  	[tilespmem:v10+s31+$0x0] =	vst.idx.msk $0xffff, v11  }
0x5f: {  	v10 =	vld.idx.msk [tilespmem:v14+s21+$0x0], $0xffff  }
0x60: {  	v11 =	vld.idx.msk [tilespmem:v13+s31+$0x0], $0xffff;
	_ =	sdelay $0x2  }
0x61: {  	v12 =	vor.u32 s5, v5  }
0x62: {  	v14 =	vadd.s32 v6, v9;
	_ =	sdelay $0x1  }
0x63: {  	v10 =	vmin.f32 v11, v10  }
0x64: {  	[tilespmem:v13+s31+$0x0] =	vst.idx.msk $0xffff, v10  }
0x65: {  	v10 =	vld.idx.msk [tilespmem:v12+s21+$0x0], $0xffff  }
0x66: {  	v11 =	vld.idx.msk [tilespmem:v14+s31+$0x0], $0xffff;
	_ =	sdelay $0x2  }
0x67: {  	v9 =	vadd.s32 v8, v9;
	v12 =	vor.u32 s5, v7;
	_ =	sdelay $0x1  }
.Ltmp1:
0x68: {  	(pc) =	sbr.rel @p0 .LBB2_4-.Ltmp1, $4  }
0x69: {  	v10 =	vmin.f32 v11, v10  }
0x6a: {  	[tilespmem:v14+s31+$0x0] =	vst.idx.msk $0xffff, v10  }
0x6b: {  	v10 =	vld.idx.msk [tilespmem:v12+s21+$0x0], $0xffff  }
0x6c: {  	v11 =	vld.idx.msk [tilespmem:v9+s31+$0x0], $0xffff  }
0x6d: {  	_ =	sdelay $0x3  }
0x6e: {  	v10 =	vmin.f32 v11, v10  }
0x6f: {  	s4 =	simm.s32 $0x0;
	[tilespmem:v9+s31+$0x0] =	vst.idx.msk $0xffff, v10  }
0x70: {  	[hbm4b:s8+s4] =	stream.linear.scatter [tilespmem:s26], [sflag:$0x5], $0x7D0, $0x38;
	[tilespmem:$0x7000] =	vst v63  }
0x71: {  	_ =	swait.ge [sflag:s0], $0x7D0  }
0x72: {  	[sflag:s0] =	ssyncset.done $0x0  }
0x73: {  	[sflag:s0] =	ssyncadd.s32 $0xFFFFF830  }
0x74: {  	[tilespmem:s4], [sflag:$0x1] =	stream.linear.gather [hbm4b:s9+s4], $0x7D0, $0x38;
	[tilespmem:$0x7000] =	vst v63  }
0x75: {  	_ = 	snop  }
0x76: {  	[tilespmem:s21], [sflag:$0x1] =	stream.linear.gather [hbm4b:s10+s4], $0x1F40, $0x38;
	[tilespmem:$0x7000] =	vst v63  }
0x77: {  	_ =	swait.ge [sflag:s24], $0x7D0  }
0x78: {  	[sflag:s24] =	ssyncset.done $0x0  }
0x79: {  	[sflag:s24] =	ssyncadd.s32 $0xFFFFF830  }
0x7a: {  	_ =	swait.ge [sflag:s24], $0x1F40  }
0x7b: {  	[sflag:s24] =	ssyncset.done $0x0  }
0x7c: {  	[sflag:s24] =	ssyncadd.s32 $0xFFFFE0C0  }
0x7d: {  	[tilespmem:s26], [sflag:$0x3] =	stream.indirect.gather [hbm4b:s1+s25], $0x1, s4, s25, $0xb8;
	[tilespmem:$0x7000] =	vst v63  }
0x7e: {  	_ =	swait.ge [sflag:s2], $0x7D0  }
0x7f: {  	[sflag:s2] =	ssyncset.done $0x0  }
0x80: {  	s5 =	simm.s32 $0x0;
	[sflag:s2] =	ssyncadd.s32 $0xFFFFF830  }
0x81: {  	v9 =	vld [tilespmem:s5+$0x3780];
	_ =	sdelay $0x4  }
0x82: {  	v9 =	vshll.u32 v9, $0x2  }
0x83: {  	v10 =	vadd.s32 v0, v9  }
0x84: {  	v12 =	vor.u32 s4, v1;
	v11 =	vand.u32 $0x7C, v9;
	v10 =	vand.u32 $0xFFFFFF80, v10  }
0x85: {  	v10 =	vor.u32 v11, v10;
	_ =	sdelay $0x3  }
0x86: {  	v11 =	vld.idx.msk [tilespmem:v12+s23+$0x0], $0xffff  }
0x87: {  	v60 =	vld.idx.msk [tilespmem:v10+s31+$0x0], $0xffff;
	_ =	sdelay $0x1  }
0x88: {  	v13 =	vor.u32 s4, v3  }
0x89: {  	v14 =	vadd.s32 v4, v9;
	_ =	sdelay $0x1  }
0x8a: {  	v11 =	vmin.f32 v60, v11  }
0x8b: {  	[tilespmem:v10+s31+$0x0] =	vst.idx.msk $0xffff, v11  }
0x8c: {  	v10 =	vld.idx.msk [tilespmem:v13+s23+$0x0], $0xffff  }
0x8d: {  	v11 =	vld.idx.msk [tilespmem:v14+s31+$0x0], $0xffff;
	_ =	sdelay $0x1  }
0x8e: {  	v61 =	vor.u32 s4, v5  }
0x8f: {  	v62 =	vadd.s32 v6, v9;
	_ =	sdelay $0x1  }
0x90: {  	v10 =	vmin.f32 v11, v10  }
0x91: {  	[tilespmem:v14+s31+$0x0] =	vst.idx.msk $0xffff, v10  }
0x92: {  	v10 =	vld.idx.msk [tilespmem:v61+s23+$0x0], $0xffff  }
0x93: {  	v11 =	vld.idx.msk [tilespmem:v62+s31+$0x0], $0xffff;
	_ =	sdelay $0x1  }
0x94: {  	v63 =	vor.u32 s4, v7  }
0x95: {  	v9 =	vadd.s32 v8, v9;
	_ =	sdelay $0x1  }
0x96: {  	v10 =	vmin.f32 v11, v10  }
0x97: {  	[tilespmem:v62+s31+$0x0] =	vst.idx.msk $0xffff, v10  }
0x98: {  	v10 =	vld.idx.msk [tilespmem:v63+s23+$0x0], $0xffff  }
0x99: {  	s4 =	simm.s32 $0x40;
	v11 =	vld.idx.msk [tilespmem:v9+s31+$0x0], $0xffff  }
.LBB2_6:
0x9a: {  	_ = 	snop  }
0x9b: {  	p0 =	sne.s32 s4, $0x1F00;
	s5 =	smov.u32 s4;
	s4 =	sadd.s32 $0x40, s4  }
0x9c: {  	_ =	sdelay $0x1  }
0x9d: {  	s6 =	sshra.s32 s5, $0x2;
	v10 =	vmin.f32 v11, v10  }
0x9e: {  	[tilespmem:v9+s31+$0x0] =	vst.idx.msk $0xffff, v10  }
0x9f: {  	v9 =	vld [tilespmem:s6+$0x3780];
	_ =	sdelay $0x4  }
0xa0: {  	v9 =	vshll.u32 v9, $0x2  }
0xa1: {  	v10 =	vadd.s32 v0, v9;
	v11 =	vand.u32 $0x7C, v9  }
0xa2: {  	v12 =	vor.u32 s5, v1;
	v10 =	vand.u32 $0xFFFFFF80, v10  }
0xa3: {  	v10 =	vor.u32 v11, v10;
	_ =	sdelay $0x3  }
0xa4: {  	v11 =	vld.idx.msk [tilespmem:v12+s23+$0x0], $0xffff  }
0xa5: {  	v12 =	vld.idx.msk [tilespmem:v10+s31+$0x0], $0xffff;
	_ =	sdelay $0x1  }
0xa6: {  	v13 =	vadd.s32 v4, v9  }
0xa7: {  	v14 =	vor.u32 s5, v3;
	_ =	sdelay $0x2  }
0xa8: {  	v11 =	vmin.f32 v12, v11  }
0xa9: {  	[tilespmem:v10+s31+$0x0] =	vst.idx.msk $0xffff, v11  }
0xaa: {  	v10 =	vld.idx.msk [tilespmem:v14+s23+$0x0], $0xffff  }
0xab: {  	v11 =	vld.idx.msk [tilespmem:v13+s31+$0x0], $0xffff;
	_ =	sdelay $0x2  }
0xac: {  	v12 =	vor.u32 s5, v5  }
0xad: {  	v14 =	vadd.s32 v6, v9;
	_ =	sdelay $0x1  }
0xae: {  	v10 =	vmin.f32 v11, v10  }
0xaf: {  	[tilespmem:v13+s31+$0x0] =	vst.idx.msk $0xffff, v10  }
0xb0: {  	v10 =	vld.idx.msk [tilespmem:v12+s23+$0x0], $0xffff  }
0xb1: {  	v11 =	vld.idx.msk [tilespmem:v14+s31+$0x0], $0xffff;
	_ =	sdelay $0x2  }
0xb2: {  	v9 =	vadd.s32 v8, v9;
	v12 =	vor.u32 s5, v7;
	_ =	sdelay $0x1  }
.Ltmp2:
0xb3: {  	(pc) =	sbr.rel @p0 .LBB2_6-.Ltmp2, $4  }
0xb4: {  	v10 =	vmin.f32 v11, v10  }
0xb5: {  	[tilespmem:v14+s31+$0x0] =	vst.idx.msk $0xffff, v10  }
0xb6: {  	v10 =	vld.idx.msk [tilespmem:v12+s23+$0x0], $0xffff  }
0xb7: {  	v11 =	vld.idx.msk [tilespmem:v9+s31+$0x0], $0xffff  }
0xb8: {  	_ =	sdelay $0x3  }
0xb9: {  	v10 =	vmin.f32 v11, v10  }
0xba: {  	s4 =	simm.s32 $0x0;
	[tilespmem:v9+s31+$0x0] =	vst.idx.msk $0xffff, v10  }
0xbb: {  	[hbm4b:s11+s4] =	stream.linear.scatter [tilespmem:s29], [sflag:$0x5], $0x7D0, $0x38;
	[tilespmem:$0x7000] =	vst v63  }
0xbc: {  	_ =	swait.ge [sflag:s0], $0x7D0  }
0xbd: {  	[sflag:s0] =	ssyncset.done $0x0  }
0xbe: {  	[sflag:s0] =	ssyncadd.s32 $0xFFFFF830  }
0xbf: {  	[tilespmem:s22], [sflag:$0x2] =	stream.linear.gather [hbm4b:s12+s4], $0x7D0, $0x38;
	[tilespmem:$0x7000] =	vst v63  }
0xc0: {  	_ = 	snop  }
0xc1: {  	[tilespmem:s23], [sflag:$0x2] =	stream.linear.gather [hbm4b:s13+s4], $0x1F40, $0x38;
	[tilespmem:$0x7000] =	vst v63  }
0xc2: {  	_ =	swait.ge [sflag:s28], $0x7D0  }
0xc3: {  	[sflag:s28] =	ssyncset.done $0x0  }
0xc4: {  	[sflag:s28] =	ssyncadd.s32 $0xFFFFF830  }
0xc5: {  	_ =	swait.ge [sflag:s28], $0x1F40  }
0xc6: {  	[sflag:s28] =	ssyncset.done $0x0  }
0xc7: {  	[sflag:s28] =	ssyncadd.s32 $0xFFFFE0C0  }
0xc8: {  	[tilespmem:s29], [sflag:$0x4] =	stream.indirect.gather [hbm4b:s1+s25], $0x1, s22, s25, $0xb8;
	[tilespmem:$0x7000] =	vst v63  }
0xc9: {  	_ =	swait.ge [sflag:s30], $0x7D0  }
0xca: {  	[sflag:s30] =	ssyncset.done $0x0  }
0xcb: {  	s5 =	simm.s32 $0x0;
	[sflag:s30] =	ssyncadd.s32 $0xFFFFF830  }
0xcc: {  	v9 =	vld [tilespmem:s5+$0x800];
	_ =	sdelay $0x4  }
0xcd: {  	v9 =	vshll.u32 v9, $0x2  }
0xce: {  	v10 =	vadd.s32 v0, v9  }
0xcf: {  	v12 =	vor.u32 s4, v1;
	v11 =	vand.u32 $0x7C, v9;
	v10 =	vand.u32 $0xFFFFFF80, v10  }
0xd0: {  	v10 =	vor.u32 v11, v10;
	_ =	sdelay $0x3  }
0xd1: {  	v11 =	vld.idx.msk [tilespmem:v12+s21+$0x0], $0xffff  }
0xd2: {  	v60 =	vld.idx.msk [tilespmem:v10+s31+$0x0], $0xffff;
	_ =	sdelay $0x1  }
0xd3: {  	v13 =	vor.u32 s4, v3  }
0xd4: {  	v14 =	vadd.s32 v4, v9;
	_ =	sdelay $0x1  }
0xd5: {  	v11 =	vmin.f32 v60, v11  }
0xd6: {  	[tilespmem:v10+s31+$0x0] =	vst.idx.msk $0xffff, v11  }
0xd7: {  	v10 =	vld.idx.msk [tilespmem:v13+s21+$0x0], $0xffff  }
0xd8: {  	v11 =	vld.idx.msk [tilespmem:v14+s31+$0x0], $0xffff;
	_ =	sdelay $0x1  }
0xd9: {  	v61 =	vor.u32 s4, v5  }
0xda: {  	v62 =	vadd.s32 v6, v9;
	_ =	sdelay $0x1  }
0xdb: {  	v10 =	vmin.f32 v11, v10  }
0xdc: {  	[tilespmem:v14+s31+$0x0] =	vst.idx.msk $0xffff, v10  }
0xdd: {  	v10 =	vld.idx.msk [tilespmem:v61+s21+$0x0], $0xffff  }
0xde: {  	v11 =	vld.idx.msk [tilespmem:v62+s31+$0x0], $0xffff;
	_ =	sdelay $0x1  }
0xdf: {  	v63 =	vor.u32 s4, v7  }
0xe0: {  	v9 =	vadd.s32 v8, v9;
	_ =	sdelay $0x1  }
0xe1: {  	v10 =	vmin.f32 v11, v10  }
0xe2: {  	[tilespmem:v62+s31+$0x0] =	vst.idx.msk $0xffff, v10  }
0xe3: {  	v10 =	vld.idx.msk [tilespmem:v63+s21+$0x0], $0xffff  }
0xe4: {  	s4 =	simm.s32 $0x40;
	v11 =	vld.idx.msk [tilespmem:v9+s31+$0x0], $0xffff  }
.LBB2_8:
0xe5: {  	_ = 	snop  }
0xe6: {  	p0 =	sne.s32 s4, $0x1F00;
	s5 =	smov.u32 s4;
	s4 =	sadd.s32 $0x40, s4  }
0xe7: {  	_ =	sdelay $0x1  }
0xe8: {  	s6 =	sshra.s32 s5, $0x2;
	v10 =	vmin.f32 v11, v10  }
0xe9: {  	[tilespmem:v9+s31+$0x0] =	vst.idx.msk $0xffff, v10  }
0xea: {  	v9 =	vld [tilespmem:s6+$0x800];
	_ =	sdelay $0x4  }
0xeb: {  	v9 =	vshll.u32 v9, $0x2  }
0xec: {  	v10 =	vadd.s32 v0, v9;
	v11 =	vand.u32 $0x7C, v9  }
0xed: {  	v12 =	vor.u32 s5, v1;
	v10 =	vand.u32 $0xFFFFFF80, v10  }
0xee: {  	v10 =	vor.u32 v11, v10;
	_ =	sdelay $0x3  }
0xef: {  	v11 =	vld.idx.msk [tilespmem:v12+s21+$0x0], $0xffff  }
0xf0: {  	v12 =	vld.idx.msk [tilespmem:v10+s31+$0x0], $0xffff;
	_ =	sdelay $0x1  }
0xf1: {  	v13 =	vadd.s32 v4, v9  }
0xf2: {  	v14 =	vor.u32 s5, v3;
	_ =	sdelay $0x2  }
0xf3: {  	v11 =	vmin.f32 v12, v11  }
0xf4: {  	[tilespmem:v10+s31+$0x0] =	vst.idx.msk $0xffff, v11  }
0xf5: {  	v10 =	vld.idx.msk [tilespmem:v14+s21+$0x0], $0xffff  }
0xf6: {  	v11 =	vld.idx.msk [tilespmem:v13+s31+$0x0], $0xffff;
	_ =	sdelay $0x2  }
0xf7: {  	v12 =	vor.u32 s5, v5  }
0xf8: {  	v14 =	vadd.s32 v6, v9;
	_ =	sdelay $0x1  }
0xf9: {  	v10 =	vmin.f32 v11, v10  }
0xfa: {  	[tilespmem:v13+s31+$0x0] =	vst.idx.msk $0xffff, v10  }
0xfb: {  	v10 =	vld.idx.msk [tilespmem:v12+s21+$0x0], $0xffff  }
0xfc: {  	v11 =	vld.idx.msk [tilespmem:v14+s31+$0x0], $0xffff;
	_ =	sdelay $0x2  }
0xfd: {  	v9 =	vadd.s32 v8, v9;
	v12 =	vor.u32 s5, v7;
	_ =	sdelay $0x1  }
.Ltmp3:
0xfe: {  	(pc) =	sbr.rel @p0 .LBB2_8-.Ltmp3, $4  }
0xff: {  	v10 =	vmin.f32 v11, v10  }
0x100: {  	[tilespmem:v14+s31+$0x0] =	vst.idx.msk $0xffff, v10  }
0x101: {  	v10 =	vld.idx.msk [tilespmem:v12+s21+$0x0], $0xffff  }
0x102: {  	v11 =	vld.idx.msk [tilespmem:v9+s31+$0x0], $0xffff  }
0x103: {  	_ =	sdelay $0x3  }
0x104: {  	v10 =	vmin.f32 v11, v10  }
0x105: {  	s4 =	simm.s32 $0x0;
	[tilespmem:v9+s31+$0x0] =	vst.idx.msk $0xffff, v10  }
0x106: {  	[hbm4b:s14+s4] =	stream.linear.scatter [tilespmem:s26], [sflag:$0x5], $0x7D0, $0x38;
	[tilespmem:$0x7000] =	vst v63  }
0x107: {  	_ =	swait.ge [sflag:s0], $0x7D0  }
0x108: {  	[sflag:s0] =	ssyncset.done $0x0  }
0x109: {  	[sflag:s0] =	ssyncadd.s32 $0xFFFFF830  }
0x10a: {  	[tilespmem:s4], [sflag:$0x1] =	stream.linear.gather [hbm4b:s15+s4], $0x7D0, $0x38;
	[tilespmem:$0x7000] =	vst v63  }
0x10b: {  	_ = 	snop  }
0x10c: {  	[tilespmem:s21], [sflag:$0x1] =	stream.linear.gather [hbm4b:s16+s4], $0x1F40, $0x38;
	[tilespmem:$0x7000] =	vst v63  }
0x10d: {  	_ =	swait.ge [sflag:s24], $0x7D0  }
0x10e: {  	[sflag:s24] =	ssyncset.done $0x0  }
0x10f: {  	[sflag:s24] =	ssyncadd.s32 $0xFFFFF830  }
0x110: {  	_ =	swait.ge [sflag:s24], $0x1F40  }
0x111: {  	[sflag:s24] =	ssyncset.done $0x0  }
0x112: {  	[sflag:s24] =	ssyncadd.s32 $0xFFFFE0C0  }
0x113: {  	[tilespmem:s26], [sflag:$0x3] =	stream.indirect.gather [hbm4b:s1+s25], $0x1, s4, s25, $0xb8;
	[tilespmem:$0x7000] =	vst v63  }
0x114: {  	_ =	swait.ge [sflag:s2], $0x7D0  }
0x115: {  	[sflag:s2] =	ssyncset.done $0x0  }
0x116: {  	s5 =	simm.s32 $0x0;
	[sflag:s2] =	ssyncadd.s32 $0xFFFFF830  }
0x117: {  	v9 =	vld [tilespmem:s5+$0x3780];
	_ =	sdelay $0x4  }
0x118: {  	v9 =	vshll.u32 v9, $0x2  }
0x119: {  	v10 =	vadd.s32 v0, v9  }
0x11a: {  	v12 =	vor.u32 s4, v1;
	v11 =	vand.u32 $0x7C, v9;
	v10 =	vand.u32 $0xFFFFFF80, v10  }
0x11b: {  	v10 =	vor.u32 v11, v10;
	_ =	sdelay $0x3  }
0x11c: {  	v11 =	vld.idx.msk [tilespmem:v12+s23+$0x0], $0xffff  }
0x11d: {  	v60 =	vld.idx.msk [tilespmem:v10+s31+$0x0], $0xffff;
	_ =	sdelay $0x1  }
0x11e: {  	v13 =	vor.u32 s4, v3  }
0x11f: {  	v14 =	vadd.s32 v4, v9;
	_ =	sdelay $0x1  }
0x120: {  	v11 =	vmin.f32 v60, v11  }
0x121: {  	[tilespmem:v10+s31+$0x0] =	vst.idx.msk $0xffff, v11  }
0x122: {  	v10 =	vld.idx.msk [tilespmem:v13+s23+$0x0], $0xffff  }
0x123: {  	v11 =	vld.idx.msk [tilespmem:v14+s31+$0x0], $0xffff;
	_ =	sdelay $0x1  }
0x124: {  	v61 =	vor.u32 s4, v5  }
0x125: {  	v62 =	vadd.s32 v6, v9;
	_ =	sdelay $0x1  }
0x126: {  	v10 =	vmin.f32 v11, v10  }
0x127: {  	[tilespmem:v14+s31+$0x0] =	vst.idx.msk $0xffff, v10  }
0x128: {  	v10 =	vld.idx.msk [tilespmem:v61+s23+$0x0], $0xffff  }
0x129: {  	v11 =	vld.idx.msk [tilespmem:v62+s31+$0x0], $0xffff;
	_ =	sdelay $0x1  }
0x12a: {  	v63 =	vor.u32 s4, v7  }
0x12b: {  	v9 =	vadd.s32 v8, v9;
	_ =	sdelay $0x1  }
0x12c: {  	v10 =	vmin.f32 v11, v10  }
0x12d: {  	[tilespmem:v62+s31+$0x0] =	vst.idx.msk $0xffff, v10  }
0x12e: {  	v10 =	vld.idx.msk [tilespmem:v63+s23+$0x0], $0xffff  }
0x12f: {  	s4 =	simm.s32 $0x40;
	v11 =	vld.idx.msk [tilespmem:v9+s31+$0x0], $0xffff  }
.LBB2_10:
0x130: {  	_ = 	snop  }
0x131: {  	p0 =	sne.s32 s4, $0x1F00;
	s5 =	smov.u32 s4;
	s4 =	sadd.s32 $0x40, s4  }
0x132: {  	_ =	sdelay $0x1  }
0x133: {  	s6 =	sshra.s32 s5, $0x2;
	v10 =	vmin.f32 v11, v10  }
0x134: {  	[tilespmem:v9+s31+$0x0] =	vst.idx.msk $0xffff, v10  }
0x135: {  	v9 =	vld [tilespmem:s6+$0x3780];
	_ =	sdelay $0x4  }
0x136: {  	v9 =	vshll.u32 v9, $0x2  }
0x137: {  	v10 =	vadd.s32 v0, v9;
	v11 =	vand.u32 $0x7C, v9  }
0x138: {  	v12 =	vor.u32 s5, v1;
	v10 =	vand.u32 $0xFFFFFF80, v10  }
0x139: {  	v10 =	vor.u32 v11, v10;
	_ =	sdelay $0x3  }
0x13a: {  	v11 =	vld.idx.msk [tilespmem:v12+s23+$0x0], $0xffff  }
0x13b: {  	v12 =	vld.idx.msk [tilespmem:v10+s31+$0x0], $0xffff;
	_ =	sdelay $0x1  }
0x13c: {  	v13 =	vadd.s32 v4, v9  }
0x13d: {  	v14 =	vor.u32 s5, v3;
	_ =	sdelay $0x2  }
0x13e: {  	v11 =	vmin.f32 v12, v11  }
0x13f: {  	[tilespmem:v10+s31+$0x0] =	vst.idx.msk $0xffff, v11  }
0x140: {  	v10 =	vld.idx.msk [tilespmem:v14+s23+$0x0], $0xffff  }
0x141: {  	v11 =	vld.idx.msk [tilespmem:v13+s31+$0x0], $0xffff;
	_ =	sdelay $0x2  }
0x142: {  	v12 =	vor.u32 s5, v5  }
0x143: {  	v14 =	vadd.s32 v6, v9;
	_ =	sdelay $0x1  }
0x144: {  	v10 =	vmin.f32 v11, v10  }
0x145: {  	[tilespmem:v13+s31+$0x0] =	vst.idx.msk $0xffff, v10  }
0x146: {  	v10 =	vld.idx.msk [tilespmem:v12+s23+$0x0], $0xffff  }
0x147: {  	v11 =	vld.idx.msk [tilespmem:v14+s31+$0x0], $0xffff;
	_ =	sdelay $0x2  }
0x148: {  	v9 =	vadd.s32 v8, v9;
	v12 =	vor.u32 s5, v7;
	_ =	sdelay $0x1  }
.Ltmp4:
0x149: {  	(pc) =	sbr.rel @p0 .LBB2_10-.Ltmp4, $4  }
0x14a: {  	v10 =	vmin.f32 v11, v10  }
0x14b: {  	[tilespmem:v14+s31+$0x0] =	vst.idx.msk $0xffff, v10  }
0x14c: {  	v10 =	vld.idx.msk [tilespmem:v12+s23+$0x0], $0xffff  }
0x14d: {  	v11 =	vld.idx.msk [tilespmem:v9+s31+$0x0], $0xffff  }
0x14e: {  	_ =	sdelay $0x3  }
0x14f: {  	v10 =	vmin.f32 v11, v10  }
0x150: {  	s4 =	simm.s32 $0x0;
	[tilespmem:v9+s31+$0x0] =	vst.idx.msk $0xffff, v10  }
0x151: {  	[hbm4b:s17+s4] =	stream.linear.scatter [tilespmem:s29], [sflag:$0x5], $0x7D0, $0x38;
	[tilespmem:$0x7000] =	vst v63  }
0x152: {  	_ =	swait.ge [sflag:s0], $0x7D0  }
0x153: {  	[sflag:s0] =	ssyncset.done $0x0  }
0x154: {  	[sflag:s0] =	ssyncadd.s32 $0xFFFFF830  }
0x155: {  	_ =	swait.ge [sflag:s30], $0x7D0  }
0x156: {  	[sflag:s30] =	ssyncset.done $0x0  }
0x157: {  	s5 =	simm.s32 $0x0;
	[sflag:s30] =	ssyncadd.s32 $0xFFFFF830  }
0x158: {  	v9 =	vld [tilespmem:s5+$0x800];
	_ =	sdelay $0x4  }
0x159: {  	v9 =	vshll.u32 v9, $0x2  }
0x15a: {  	v10 =	vadd.s32 v0, v9  }
0x15b: {  	v12 =	vor.u32 s4, v1;
	v11 =	vand.u32 $0x7C, v9;
	v10 =	vand.u32 $0xFFFFFF80, v10  }
0x15c: {  	v10 =	vor.u32 v11, v10;
	_ =	sdelay $0x3  }
0x15d: {  	v11 =	vld.idx.msk [tilespmem:v12+s21+$0x0], $0xffff  }
0x15e: {  	v60 =	vld.idx.msk [tilespmem:v10+s31+$0x0], $0xffff;
	_ =	sdelay $0x1  }
0x15f: {  	v13 =	vor.u32 s4, v3  }
0x160: {  	v14 =	vadd.s32 v4, v9;
	_ =	sdelay $0x1  }
0x161: {  	v11 =	vmin.f32 v60, v11  }
0x162: {  	[tilespmem:v10+s31+$0x0] =	vst.idx.msk $0xffff, v11  }
0x163: {  	v10 =	vld.idx.msk [tilespmem:v13+s21+$0x0], $0xffff  }
0x164: {  	v11 =	vld.idx.msk [tilespmem:v14+s31+$0x0], $0xffff;
	_ =	sdelay $0x1  }
0x165: {  	v61 =	vor.u32 s4, v5  }
0x166: {  	v62 =	vadd.s32 v6, v9;
	_ =	sdelay $0x1  }
0x167: {  	v10 =	vmin.f32 v11, v10  }
0x168: {  	[tilespmem:v14+s31+$0x0] =	vst.idx.msk $0xffff, v10  }
0x169: {  	v10 =	vld.idx.msk [tilespmem:v61+s21+$0x0], $0xffff  }
0x16a: {  	v11 =	vld.idx.msk [tilespmem:v62+s31+$0x0], $0xffff;
	_ =	sdelay $0x1  }
0x16b: {  	v63 =	vor.u32 s4, v7  }
0x16c: {  	v9 =	vadd.s32 v8, v9;
	_ =	sdelay $0x1  }
0x16d: {  	v10 =	vmin.f32 v11, v10  }
0x16e: {  	[tilespmem:v62+s31+$0x0] =	vst.idx.msk $0xffff, v10  }
0x16f: {  	v10 =	vld.idx.msk [tilespmem:v63+s21+$0x0], $0xffff  }
0x170: {  	s4 =	simm.s32 $0x40;
	v11 =	vld.idx.msk [tilespmem:v9+s31+$0x0], $0xffff  }
.LBB2_12:
0x171: {  	_ = 	snop  }
0x172: {  	p0 =	sne.s32 s4, $0x1F00;
	s5 =	smov.u32 s4;
	s4 =	sadd.s32 $0x40, s4  }
0x173: {  	_ =	sdelay $0x1  }
0x174: {  	s6 =	sshra.s32 s5, $0x2;
	v10 =	vmin.f32 v11, v10  }
0x175: {  	[tilespmem:v9+s31+$0x0] =	vst.idx.msk $0xffff, v10  }
0x176: {  	v9 =	vld [tilespmem:s6+$0x800];
	_ =	sdelay $0x4  }
0x177: {  	v9 =	vshll.u32 v9, $0x2  }
0x178: {  	v10 =	vadd.s32 v0, v9;
	v11 =	vand.u32 $0x7C, v9  }
0x179: {  	v12 =	vor.u32 s5, v1;
	v10 =	vand.u32 $0xFFFFFF80, v10  }
0x17a: {  	v10 =	vor.u32 v11, v10;
	_ =	sdelay $0x3  }
0x17b: {  	v11 =	vld.idx.msk [tilespmem:v12+s21+$0x0], $0xffff  }
0x17c: {  	v12 =	vld.idx.msk [tilespmem:v10+s31+$0x0], $0xffff;
	_ =	sdelay $0x1  }
0x17d: {  	v13 =	vadd.s32 v4, v9  }
0x17e: {  	v14 =	vor.u32 s5, v3;
	_ =	sdelay $0x2  }
0x17f: {  	v11 =	vmin.f32 v12, v11  }
0x180: {  	[tilespmem:v10+s31+$0x0] =	vst.idx.msk $0xffff, v11  }
0x181: {  	v10 =	vld.idx.msk [tilespmem:v14+s21+$0x0], $0xffff  }
0x182: {  	v11 =	vld.idx.msk [tilespmem:v13+s31+$0x0], $0xffff;
	_ =	sdelay $0x2  }
0x183: {  	v12 =	vor.u32 s5, v5  }
0x184: {  	v14 =	vadd.s32 v6, v9;
	_ =	sdelay $0x1  }
0x185: {  	v10 =	vmin.f32 v11, v10  }
0x186: {  	[tilespmem:v13+s31+$0x0] =	vst.idx.msk $0xffff, v10  }
0x187: {  	v10 =	vld.idx.msk [tilespmem:v12+s21+$0x0], $0xffff  }
0x188: {  	v11 =	vld.idx.msk [tilespmem:v14+s31+$0x0], $0xffff;
	_ =	sdelay $0x2  }
0x189: {  	v9 =	vadd.s32 v8, v9;
	v12 =	vor.u32 s5, v7;
	_ =	sdelay $0x1  }
.Ltmp5:
0x18a: {  	(pc) =	sbr.rel @p0 .LBB2_12-.Ltmp5, $4  }
0x18b: {  	v10 =	vmin.f32 v11, v10  }
0x18c: {  	[tilespmem:v14+s31+$0x0] =	vst.idx.msk $0xffff, v10  }
0x18d: {  	v10 =	vld.idx.msk [tilespmem:v12+s21+$0x0], $0xffff  }
0x18e: {  	v11 =	vld.idx.msk [tilespmem:v9+s31+$0x0], $0xffff  }
0x18f: {  	_ =	sdelay $0x3  }
0x190: {  	v10 =	vmin.f32 v11, v10  }
0x191: {  	s4 =	simm.s32 $0x0;
	[tilespmem:v9+s31+$0x0] =	vst.idx.msk $0xffff, v10  }
0x192: {  	[hbm4b:s18+s4] =	stream.linear.scatter [tilespmem:s26], [sflag:$0x5], $0x7D0, $0x38;
	[tilespmem:$0x7000] =	vst v63  }
0x193: {  	_ =	swait.ge [sflag:s0], $0x7D0  }
0x194: {  	[sflag:s0] =	ssyncset.done $0x0  }
0x195: {  	[sflag:s0] =	ssyncadd.s32 $0xFFFFF830  }
0x196: {  	v9 =	vld [tilespmem:$0x6310];
	_ =	sdelay $0x4  }
0x197: {  	[tilespmem:$0x1F780] =	vst v9;
	v9 =	vld [tilespmem:$0x6410];
	_ =	sdelay $0x4  }
0x198: {  	[tilespmem:$0x1F790] =	vst v9;
	v9 =	vld [tilespmem:$0x6510];
	_ =	sdelay $0x4  }
0x199: {  	[tilespmem:$0x1F7A0] =	vst v9;
	v9 =	vld [tilespmem:$0x6610];
	_ =	sdelay $0x4  }
0x19a: {  	[tilespmem:$0x1F7B0] =	vst v9;
	v9 =	vld [tilespmem:$0x6710];
	_ =	sdelay $0x4  }
0x19b: {  	[tilespmem:$0x1F7C0] =	vst v9;
	v9 =	vld [tilespmem:$0x6810];
	_ =	sdelay $0x4  }
0x19c: {  	[tilespmem:$0x1F7D0] =	vst v9;
	v9 =	vld [tilespmem:$0x6910];
	_ =	sdelay $0x2  }
0x19d: {  	v21 =	vld [tilespmem:$0x5F00]  }
0x19e: {  	v18 =	vld [tilespmem:$0x6000]  }
0x19f: {  	[tilespmem:$0x1F7F0] =	vst v9;
	v9 =	vld [tilespmem:$0x6A10]  }
0x1a0: {  	v22 =	vld [tilespmem:$0x6100]  }
0x1a1: {  	v24 =	vld [tilespmem:$0x6200]  }
0x1a2: {  	v26 =	vld [tilespmem:$0x6300]  }
0x1a3: {  	v27 =	vld [tilespmem:$0x6400]  }
0x1a4: {  	[tilespmem:$0x1F810] =	vst v9;
	v9 =	vld [tilespmem:$0x6B10]  }
0x1a5: {  	v30 =	vld [tilespmem:$0x6500]  }
0x1a6: {  	v32 =	vld [tilespmem:$0x6600]  }
0x1a7: {  	v33 =	vld [tilespmem:$0x6700]  }
0x1a8: {  	v36 =	vld [tilespmem:$0x6800]  }
0x1a9: {  	[tilespmem:$0x1F830] =	vst v9;
	v9 =	vld [tilespmem:$0x6C10]  }
0x1aa: {  	v38 =	vld [tilespmem:$0x6900]  }
0x1ab: {  	v39 =	vld [tilespmem:$0x6A00]  }
0x1ac: {  	v45 =	vld [tilespmem:$0x6B00]  }
0x1ad: {  	v49 =	vld [tilespmem:$0x6C00]  }
0x1ae: {  	[tilespmem:$0x1F850] =	vst v9;
	v9 =	vld [tilespmem:$0x6D10]  }
0x1af: {  	v53 =	vld [tilespmem:$0x6D00]  }
0x1b0: {  	v59 =	vld [tilespmem:$0x6E00]  }
0x1b1: {  	v50 =	vld [tilespmem:$0x5F10]  }
0x1b2: {  	v46 =	vld [tilespmem:$0x6010]  }
0x1b3: {  	[tilespmem:$0x1F870] =	vst v9;
	v9 =	vld [tilespmem:$0x6E10]  }
0x1b4: {  	v54 =	vld [tilespmem:$0x6110]  }
0x1b5: {  	v58 =	vld [tilespmem:$0x6210]  }
0x1b6: {  	v19 =	vld [tilespmem:$0x5F20]  }
0x1b7: {  	v15 =	vld [tilespmem:$0x6020]  }
0x1b8: {  	v20 =	vld [tilespmem:$0x6120];
	[tilespmem:$0x1F8A0] =	vst v9  }
0x1b9: {  	v28 =	vld [tilespmem:$0x6220]  }
0x1ba: {  	v34 =	vld [tilespmem:$0x6320]  }
0x1bb: {  	v40 =	vld [tilespmem:$0x6420]  }
0x1bc: {  	v51 =	vld [tilespmem:$0x6520]  }
0x1bd: {  	v61 =	vld [tilespmem:$0x6620]  }
0x1be: {  	v9 =	vld [tilespmem:$0x6720]  }
0x1bf: {  	v10 =	vld [tilespmem:$0x5F30]  }
0x1c0: {  	v11 =	vld [tilespmem:$0x6130]  }
0x1c1: {  	v12 =	vld [tilespmem:$0x6230]  }
0x1c2: {  	v13 =	vld [tilespmem:$0x6330]  }
0x1c3: {  	v16 =	vld [tilespmem:$0x6430]  }
0x1c4: {  	v25 =	vld [tilespmem:$0x6530]  }
0x1c5: {  	v31 =	vld [tilespmem:$0x6630]  }
0x1c6: {  	v37 =	vld [tilespmem:$0x6730]  }
0x1c7: {  	v41 =	vld [tilespmem:$0x6830]  }
0x1c8: {  	v57 =	vld [tilespmem:$0x6930]  }
0x1c9: {  	v63 =	vld [tilespmem:$0x6A30]  }
0x1ca: {  	v14 =	vld [tilespmem:$0x6B30]  }
0x1cb: {  	v35 =	vld [tilespmem:$0x6C30]  }
0x1cc: {  	v42 =	vld [tilespmem:$0x6D30]  }
0x1cd: {  	v43 =	vld [tilespmem:$0x6E30]  }
0x1ce: {  	v44 =	vld [tilespmem:$0x5F40]  }
0x1cf: {  	v47 =	vld [tilespmem:$0x6040]  }
0x1d0: {  	v48 =	vld [tilespmem:$0x6140]  }
0x1d1: {  	v52 =	vld [tilespmem:$0x6240]  }
0x1d2: {  	v55 =	vld [tilespmem:$0x6340]  }
0x1d3: {  	v56 =	vld [tilespmem:$0x6440]  }
0x1d4: {  	v60 =	vld [tilespmem:$0x6540]  }
0x1d5: {  	v18 =	vmin.f32 v21, v18;
	v62 =	vld [tilespmem:$0x6640]  }
0x1d6: {  	v18 =	vmin.f32 v18, v22;
	v17 =	vld [tilespmem:$0x6740]  }
0x1d7: {  	v18 =	vmin.f32 v18, v24;
	v23 =	vld [tilespmem:$0x6840]  }
0x1d8: {  	v18 =	vmin.f32 v18, v26;
	v29 =	vld [tilespmem:$0x6940]  }
0x1d9: {  	v18 =	vmin.f32 v18, v27;
	v24 =	vld [tilespmem:$0x6CA0]  }
0x1da: {  	v18 =	vmin.f32 v18, v30;
	v27 =	vld [tilespmem:$0x6EA0]  }
0x1db: {  	v18 =	vmin.f32 v18, v32;
	v30 =	vld [tilespmem:$0x5FB0]  }
0x1dc: {  	v18 =	vmin.f32 v18, v33;
	v32 =	vld [tilespmem:$0x60B0]  }
0x1dd: {  	v18 =	vmin.f32 v18, v36;
	v33 =	vld [tilespmem:$0x61B0]  }
0x1de: {  	v18 =	vmin.f32 v18, v38;
	v36 =	vld [tilespmem:$0x62B0]  }
0x1df: {  	v18 =	vmin.f32 v18, v39;
	v38 =	vld [tilespmem:$0x63B0]  }
0x1e0: {  	v18 =	vmin.f32 v18, v45;
	v39 =	vld [tilespmem:$0x64B0]  }
0x1e1: {  	v18 =	vmin.f32 v18, v49;
	v45 =	vld [tilespmem:$0x65B0]  }
0x1e2: {  	v18 =	vmin.f32 v18, v53;
	v49 =	vld [tilespmem:$0x66B0]  }
0x1e3: {  	v18 =	vmin.f32 v18, v59;
	v59 =	vld [tilespmem:$0x68B0]  }
0x1e4: {  	v21 =	vld [tilespmem:$0x1F7A0]  }
0x1e5: {  	v53 =	vmin.f32 v50, v46;
	v46 =	vld [tilespmem:$0x1F8A0]  }
0x1e6: {  	[tilespmem:$0x1F7E0] =	vst v9;
	v9 =	vld [tilespmem:$0x6820]  }
0x1e7: {  	[tilespmem:$0x1F8C0] =	vst v35;
	v35 =	vld [tilespmem:$0x6A40]  }
0x1e8: {  	[tilespmem:$0x1F8E0] =	vst v42;
	v42 =	vld [tilespmem:$0x6B40]  }
0x1e9: {  	[tilespmem:$0x1F910] =	vst v43;
	v43 =	vld [tilespmem:$0x6C40]  }
0x1ea: {  	[tilespmem:$0x1F8F0] =	vst v44;
	v44 =	vld [tilespmem:$0x6D40]  }
0x1eb: {  	[tilespmem:$0x1F900] =	vst v47;
	v47 =	vld [tilespmem:$0x6E40]  }
0x1ec: {  	[tilespmem:$0x1F930] =	vst v52;
	v52 =	vld [tilespmem:$0x6150]  }
0x1ed: {  	[tilespmem:$0x1F970] =	vst v60;
	v60 =	vld [tilespmem:$0x6250]  }
0x1ee: {  	[tilespmem:$0x1F920] =	vst v48;
	v48 =	vld [tilespmem:$0x6350]  }
0x1ef: {  	[tilespmem:$0x1F940] =	vst v55;
	v55 =	vld [tilespmem:$0x6450]  }
0x1f0: {  	[tilespmem:$0x1F950] =	vst v56;
	v56 =	vld [tilespmem:$0x6550]  }
0x1f1: {  	[tilespmem:$0x1F990] =	vst v62;
	v62 =	vld [tilespmem:$0x6650]  }
0x1f2: {  	[tilespmem:$0x1F9B0] =	vst v17;
	v17 =	vld [tilespmem:$0x6750]  }
0x1f3: {  	[tilespmem:$0x1F9D0] =	vst v23;
	v23 =	vld [tilespmem:$0x6850]  }
0x1f4: {  	[tilespmem:$0x1FA00] =	vst v29;
	v29 =	vld [tilespmem:$0x6950]  }
0x1f5: {  	[tilespmem:$0x1F890] =	vst v14;
	v14 =	vld [tilespmem:$0x6060]  }
0x1f6: {  	v15 =	vmin.f32 v19, v15;
	[tilespmem:$0x1FFA0] =	vst v24;
	v24 =	vld [tilespmem:$0x1F7B0]  }
0x1f7: {  	v15 =	vmin.f32 v15, v20;
	[tilespmem:$0x1FFD0] =	vst v27;
	v27 =	vld [tilespmem:$0x1F7C0]  }
0x1f8: {  	v15 =	vmin.f32 v15, v28;
	v28 =	vld [tilespmem:$0x1F7D0]  }
0x1f9: {  	[tilespmem:$0x1FE80] =	vst v33;
	v33 =	vld [tilespmem:$0x1F810]  }
0x1fa: {  	[tilespmem:$0x1FEA0] =	vst v36;
	v36 =	vld [tilespmem:$0x1F830]  }
0x1fb: {  	[tilespmem:$0x1FEC0] =	vst v38;
	v38 =	vld [tilespmem:$0x1F850]  }
0x1fc: {  	[tilespmem:$0x1FE50] =	vst v30;
	v30 =	vld [tilespmem:$0x1F7E0]  }
0x1fd: {  	[tilespmem:$0x1FF00] =	vst v45;
	v45 =	vld [tilespmem:$0x1F890]  }
0x1fe: {  	[tilespmem:$0x1FF20] =	vst v49;
	v49 =	vld [tilespmem:$0x1F8C0]  }
0x1ff: {  	v54 =	vmin.f32 v53, v54;
	v53 =	vld [tilespmem:$0x1F8F0]  }
0x200: {  	[tilespmem:$0x1FFF0] =	vst v18;
	v18 =	vmin.f32 v54, v58;
	v54 =	vld [tilespmem:$0x1F900]  }
0x201: {  	v58 =	vld [tilespmem:$0x1F920]  }
0x202: {  	[tilespmem:$0x1F800] =	vst v9;
	v9 =	vld [tilespmem:$0x6920]  }
0x203: {  	[tilespmem:$0x1FAF0] =	vst v47;
	v47 =	vld [tilespmem:$0x5F50]  }
0x204: {  	[tilespmem:$0x1FA60] =	vst v42;
	v42 =	vld [tilespmem:$0x6050]  }
0x205: {  	[tilespmem:$0x1FA30] =	vst v35;
	v35 =	vld [tilespmem:$0x6A50]  }
0x206: {  	[tilespmem:$0x1FA90] =	vst v43;
	v43 =	vld [tilespmem:$0x6B50]  }
0x207: {  	[tilespmem:$0x1FAC0] =	vst v44;
	v44 =	vld [tilespmem:$0x6C50]  }
0x208: {  	[tilespmem:$0x1F960] =	vst v48;
	v48 =	vld [tilespmem:$0x6D50]  }
0x209: {  	[tilespmem:$0x1F980] =	vst v55;
	v55 =	vld [tilespmem:$0x6E50]  }
0x20a: {  	[tilespmem:$0x1F9E0] =	vst v17;
	v17 =	vld [tilespmem:$0x5F60]  }
0x20b: {  	[tilespmem:$0x1FA10] =	vst v23;
	v23 =	vld [tilespmem:$0x6160]  }
0x20c: {  	[tilespmem:$0x1FA40] =	vst v29;
	v29 =	vld [tilespmem:$0x6260]  }
0x20d: {  	[tilespmem:$0x1F9A0] =	vst v56;
	v56 =	vld [tilespmem:$0x6760]  }
0x20e: {  	[tilespmem:$0x1F9C0] =	vst v62;
	v62 =	vld [tilespmem:$0x6860]  }
0x20f: {  	[tilespmem:$0x1FE60] =	vst v32;
	v32 =	vld [tilespmem:$0x1F800]  }
0x210: {  	[tilespmem:$0x1F820] =	vst v9;
	v9 =	vld [tilespmem:$0x6A20]  }
0x211: {  	[tilespmem:$0x1FA70] =	vst v35;
	v35 =	vld [tilespmem:$0x6360]  }
0x212: {  	[tilespmem:$0x1FAA0] =	vst v43;
	v43 =	vld [tilespmem:$0x6460]  }
0x213: {  	[tilespmem:$0x1FB20] =	vst v55;
	v55 =	vld [tilespmem:$0x6560]  }
0x214: {  	[tilespmem:$0x1FAD0] =	vst v44;
	v44 =	vld [tilespmem:$0x6660]  }
0x215: {  	[tilespmem:$0x1FB00] =	vst v48;
	v48 =	vld [tilespmem:$0x6960]  }
0x216: {  	[tilespmem:$0x1FA20] =	vst v56;
	v56 =	vld [tilespmem:$0x6A60]  }
0x217: {  	[tilespmem:$0x1FA50] =	vst v62;
	v62 =	vld [tilespmem:$0x6B60]  }
0x218: {  	[tilespmem:$0x1FF50] =	vst v59;
	v59 =	vmin.f32 v47, v42;
	v42 =	vld [tilespmem:$0x1F9C0]  }
0x219: {  	v47 =	vld [tilespmem:$0x1FA00]  }
0x21a: {  	[tilespmem:$0x1F840] =	vst v9;
	v9 =	vld [tilespmem:$0x6B20]  }
0x21b: {  	v14 =	vmin.f32 v17, v14;
	[tilespmem:$0x1FA80] =	vst v48;
	v48 =	vld [tilespmem:$0x6C60]  }
0x21c: {  	v14 =	vmin.f32 v14, v23;
	[tilespmem:$0x1FAB0] =	vst v56;
	v56 =	vld [tilespmem:$0x6D60]  }
0x21d: {  	v14 =	vmin.f32 v14, v29;
	[tilespmem:$0x1FAE0] =	vst v62;
	v62 =	vld [tilespmem:$0x6E60]  }
0x21e: {  	[tilespmem:$0x1F9F0] =	vst v44;
	v44 =	vld [tilespmem:$0x6090];
	v14 =	vmin.f32 v14, v35  }
0x21f: {  	v14 =	vmin.f32 v14, v43;
	v43 =	vld [tilespmem:$0x1F9D0]  }
0x220: {  	[tilespmem:$0x1FB10] =	vst v48;
	v48 =	vld [tilespmem:$0x5F70]  }
0x221: {  	[tilespmem:$0x1FB30] =	vst v56;
	v56 =	vld [tilespmem:$0x6070]  }
0x222: {  	[tilespmem:$0x1FB60] =	vst v62;
	v62 =	vld [tilespmem:$0x6170]  }
0x223: {  	[tilespmem:$0x1F860] =	vst v9;
	v9 =	vld [tilespmem:$0x6C20]  }
0x224: {  	v35 =	vld [tilespmem:$0x1FAE0]  }
0x225: {  	[tilespmem:$0x1FB40] =	vst v48;
	v48 =	vld [tilespmem:$0x6270]  }
0x226: {  	[tilespmem:$0x1FB50] =	vst v56;
	v56 =	vld [tilespmem:$0x6370]  }
0x227: {  	[tilespmem:$0x1FB70] =	vst v62;
	v62 =	vld [tilespmem:$0x6470]  }
0x228: {  	[tilespmem:$0x1F880] =	vst v9;
	v9 =	vld [tilespmem:$0x6D20]  }
0x229: {  	v14 =	vmin.f32 v14, v55;
	v55 =	vld [tilespmem:$0x1FA70]  }
0x22a: {  	[tilespmem:$0x1FBA0] =	vst v48;
	v48 =	vld [tilespmem:$0x6570]  }
0x22b: {  	[tilespmem:$0x1FBC0] =	vst v56;
	v56 =	vld [tilespmem:$0x6670]  }
0x22c: {  	[tilespmem:$0x1FBE0] =	vst v62;
	v62 =	vld [tilespmem:$0x6770]  }
0x22d: {  	[tilespmem:$0x1F8B0] =	vst v9;
	v9 =	vld [tilespmem:$0x6E20]  }
0x22e: {  	[tilespmem:$0x1FEE0] =	vst v39;
	v39 =	vld [tilespmem:$0x1F860]  }
0x22f: {  	[tilespmem:$0x1FC10] =	vst v48;
	v48 =	vld [tilespmem:$0x6870]  }
0x230: {  	[tilespmem:$0x1FC40] =	vst v56;
	v56 =	vld [tilespmem:$0x6970]  }
0x231: {  	[tilespmem:$0x1FC70] =	vst v62;
	v62 =	vld [tilespmem:$0x6A70]  }
0x232: {  	[tilespmem:$0x1F8D0] =	vst v9;
	v9 =	vld [tilespmem:$0x6030]  }
0x233: {  	v50 =	vld [tilespmem:$0x1F8D0]  }
0x234: {  	[tilespmem:$0x1FCA0] =	vst v48;
	v48 =	vld [tilespmem:$0x6B70]  }
0x235: {  	[tilespmem:$0x1FCD0] =	vst v56;
	v56 =	vld [tilespmem:$0x6C70]  }
0x236: {  	[tilespmem:$0x1FD00] =	vst v62;
	v62 =	vld [tilespmem:$0x6D70]  }
0x237: {  	v9 =	vmin.f32 v10, v9;
	v10 =	vld [tilespmem:$0x69B0]  }
0x238: {  	v9 =	vmin.f32 v9, v11;
	v11 =	vld [tilespmem:$0x6AB0]  }
0x239: {  	[tilespmem:$0x1FD30] =	vst v48;
	v48 =	vld [tilespmem:$0x6E70]  }
0x23a: {  	v9 =	vmin.f32 v9, v12;
	[tilespmem:$0x1FD60] =	vst v56;
	v56 =	vld [tilespmem:$0x5F80]  }
0x23b: {  	v9 =	vmin.f32 v9, v13;
	[tilespmem:$0x1FD90] =	vst v62;
	v62 =	vld [tilespmem:$0x6080]  }
0x23c: {  	v9 =	vmin.f32 v9, v16;
	[tilespmem:$0x1FF70] =	vst v10;
	v10 =	vld [tilespmem:$0x1F780]  }
0x23d: {  	v9 =	vmin.f32 v9, v25;
	[tilespmem:$0x1FF90] =	vst v11;
	v11 =	vld [tilespmem:$0x1F790]  }
0x23e: {  	v9 =	vmin.f32 v9, v31;
	v31 =	vld [tilespmem:$0x1F7F0]  }
0x23f: {  	v9 =	vmin.f32 v9, v37;
	v37 =	vld [tilespmem:$0x1F840]  }
0x240: {  	v9 =	vmin.f32 v9, v41;
	v41 =	vld [tilespmem:$0x1F880]  }
0x241: {  	v9 =	vmin.f32 v9, v57;
	v57 =	vld [tilespmem:$0x1F910]  }
0x242: {  	[tilespmem:$0x1FDC0] =	vst v48;
	v48 =	vld [tilespmem:$0x6180]  }
0x243: {  	[tilespmem:$0x1FB80] =	vst v56;
	v56 =	vld [tilespmem:$0x6280]  }
0x244: {  	[tilespmem:$0x1FB90] =	vst v62;
	v62 =	vld [tilespmem:$0x6380]  }
0x245: {  	v9 =	vmin.f32 v9, v63;
	v63 =	vmin.f32 v59, v52;
	v52 =	vld [tilespmem:$0x1FA40]  }
0x246: {  	v10 =	vmin.f32 v18, v10;
	v59 =	vld [tilespmem:$0x1FAA0]  }
0x247: {  	v10 =	vmin.f32 v10, v11;
	v11 =	vmin.f32 v15, v34;
	v34 =	vld [tilespmem:$0x1F820]  }
0x248: {  	v9 =	vmin.f32 v9, v45;
	v45 =	vld [tilespmem:$0x1F9E0]  }
0x249: {  	v22 =	vmin.f32 v11, v40;
	v40 =	vld [tilespmem:$0x1F870]  }
0x24a: {  	v9 =	vmin.f32 v9, v49;
	v49 =	vld [tilespmem:$0x1FA10]  }
0x24b: {  	v12 =	vmin.f32 v22, v51;
	v51 =	vld [tilespmem:$0x1F8E0]  }
0x24c: {  	v12 =	vmin.f32 v12, v61;
	v61 =	vld [tilespmem:$0x1F930]  }
0x24d: {  	v10 =	vmin.f32 v10, v21;
	[tilespmem:$0x1FBB0] =	vst v48;
	v48 =	vld [tilespmem:$0x6480]  }
0x24e: {  	v10 =	vmin.f32 v10, v24;
	[tilespmem:$0x1FBD0] =	vst v56;
	v56 =	vld [tilespmem:$0x6580]  }
0x24f: {  	v10 =	vmin.f32 v10, v27;
	[tilespmem:$0x1FBF0] =	vst v62;
	v62 =	vld [tilespmem:$0x6680];
	v12 =	vmin.f32 v12, v30  }
0x250: {  	v10 =	vmin.f32 v10, v28;
	v12 =	vmin.f32 v12, v32;
	v32 =	vld [tilespmem:$0x1F940]  }
0x251: {  	v10 =	vmin.f32 v10, v31;
	v12 =	vmin.f32 v12, v34;
	v34 =	vld [tilespmem:$0x1F950]  }
0x252: {  	v10 =	vmin.f32 v10, v33;
	v33 =	vmin.f32 v63, v60;
	v60 =	vld [tilespmem:$0x1FAB0]  }
0x253: {  	v63 =	vld [tilespmem:$0x1FAD0]  }
0x254: {  	v10 =	vmin.f32 v10, v36;
	v36 =	vld [tilespmem:$0x1F960]  }
0x255: {  	v12 =	vmin.f32 v12, v37;
	v37 =	vld [tilespmem:$0x1F970]  }
0x256: {  	v9 =	vmin.f32 v9, v51;
	v51 =	vld [tilespmem:$0x1FA30]  }
0x257: {  	v10 =	vmin.f32 v10, v38;
	v38 =	vld [tilespmem:$0x1F980]  }
0x258: {  	v12 =	vmin.f32 v12, v39;
	v39 =	vld [tilespmem:$0x1F990]  }
0x259: {  	v9 =	vmin.f32 v9, v57;
	v57 =	vld [tilespmem:$0x1FA80]  }
0x25a: {  	[tilespmem:$0x1FC20] =	vst v48;
	v48 =	vld [tilespmem:$0x6780]  }
0x25b: {  	[tilespmem:$0x1FC80] =	vst v62;
	v62 =	vld [tilespmem:$0x6980]  }
0x25c: {  	[tilespmem:$0x1FC50] =	vst v56;
	v56 =	vld [tilespmem:$0x6880]  }
0x25d: {  	v10 =	vmin.f32 v10, v40;
	v40 =	vld [tilespmem:$0x1F9A0]  }
0x25e: {  	v16 =	vmin.f32 v12, v41;
	v41 =	vld [tilespmem:$0x1F9B0]  }
0x25f: {  	v12 =	vmin.f32 v10, v46;
	v10 =	vld [tilespmem:$0x1F8B0]  }
0x260: {  	[tilespmem:$0x1FD10] =	vst v62;
	v62 =	vld [tilespmem:$0x6C80]  }
0x261: {  	v46 =	vld [tilespmem:$0x1F9F0]  }
0x262: {  	v17 =	vmin.f32 v33, v36;
	v36 =	vld [tilespmem:$0x1FAF0]  }
0x263: {  	v17 =	vmin.f32 v17, v38;
	v38 =	vld [tilespmem:$0x1FB10]  }
0x264: {  	[tilespmem:$0x1FCB0] =	vst v48;
	v48 =	vld [tilespmem:$0x6A80]  }
0x265: {  	[tilespmem:$0x1FDA0] =	vst v62;
	v62 =	vld [tilespmem:$0x6290]  }
0x266: {  	[tilespmem:$0x1FCE0] =	vst v56;
	v56 =	vld [tilespmem:$0x6B80]  }
0x267: {  	v10 =	vmin.f32 v16, v10;
	v16 =	vmin.f32 v53, v54;
	v53 =	vld [tilespmem:$0x1FA50]  }
0x268: {  	v17 =	vmin.f32 v17, v40;
	v54 =	vld [tilespmem:$0x1FA60]  }
0x269: {  	v17 =	vmin.f32 v17, v42;
	v42 =	vld [tilespmem:$0x1FB40]  }
0x26a: {  	[tilespmem:$0x1FC00] =	vst v62;
	v62 =	vld [tilespmem:$0x6390]  }
0x26b: {  	v10 =	vmin.f32 v10, v50;
	v50 =	vld [tilespmem:$0x1FA20]  }
0x26c: {  	v16 =	vmin.f32 v16, v58;
	v17 =	vmin.f32 v17, v45;
	v58 =	vld [tilespmem:$0x1FA90]  }
0x26d: {  	v16 =	vmin.f32 v16, v61;
	v17 =	vmin.f32 v17, v49;
	v61 =	vld [tilespmem:$0x1FAC0]  }
0x26e: {  	v17 =	vmin.f32 v17, v52;
	v52 =	vld [tilespmem:$0x1FB70]  }
0x26f: {  	[tilespmem:$0x1FC30] =	vst v62;
	v62 =	vld [tilespmem:$0x6490]  }
0x270: {  	[tilespmem:$0x1FD40] =	vst v48;
	v48 =	vld [tilespmem:$0x6D80]  }
0x271: {  	v16 =	vmin.f32 v16, v32;
	[tilespmem:$0x1FD70] =	vst v56;
	v56 =	vld [tilespmem:$0x6E80]  }
0x272: {  	v16 =	vmin.f32 v16, v34;
	v17 =	vmin.f32 v17, v55;
	v55 =	vld [tilespmem:$0x1FBA0]  }
0x273: {  	v16 =	vmin.f32 v16, v37;
	v37 =	vld [tilespmem:$0x1FB00]  }
0x274: {  	[tilespmem:$0x1FC60] =	vst v62;
	v62 =	vld [tilespmem:$0x6590]  }
0x275: {  	v17 =	vmin.f32 v17, v59;
	v59 =	vld [tilespmem:$0x1FBC0]  }
0x276: {  	v14 =	vmin.f32 v14, v46;
	v16 =	vmin.f32 v16, v39;
	v33 =	vmin.f32 v17, v63;
	v63 =	vld [tilespmem:$0x1FBF0]  }
0x277: {  	v14 =	vmin.f32 v14, v50;
	v16 =	vmin.f32 v16, v41;
	v41 =	vld [tilespmem:$0x1FB30]  }
0x278: {  	v14 =	vmin.f32 v14, v53;
	v53 =	vld [tilespmem:$0x1FB80]  }
0x279: {  	[tilespmem:$0x1FC90] =	vst v62;
	v62 =	vld [tilespmem:$0x6690]  }
0x27a: {  	v16 =	vmin.f32 v16, v43;
	v43 =	vld [tilespmem:$0x1FB50]  }
0x27b: {  	v14 =	vmin.f32 v14, v57;
	v57 =	vld [tilespmem:$0x1FBB0]  }
0x27c: {  	[tilespmem:$0x1FDD0] =	vst v48;
	v48 =	vld [tilespmem:$0x5F90]  }
0x27d: {  	[tilespmem:$0x1FDF0] =	vst v56;
	v56 =	vld [tilespmem:$0x6190]  }
0x27e: {  	v16 =	vmin.f32 v16, v47;
	[tilespmem:$0x1FCC0] =	vst v62;
	v62 =	vld [tilespmem:$0x6790]  }
0x27f: {  	v14 =	vmin.f32 v14, v60;
	v60 =	vld [tilespmem:$0x1FBD0];
	v16 =	vmin.f32 v16, v51  }
0x280: {  	v51 =	vld [tilespmem:$0x1FB60];
	v16 =	vmin.f32 v16, v54  }
0x281: {  	v54 =	vld [tilespmem:$0x1FB90];
	v16 =	vmin.f32 v16, v58  }
0x282: {  	v16 =	vmin.f32 v16, v61;
	v61 =	vld [tilespmem:$0x1FBE0]  }
0x283: {  	v14 =	vmin.f32 v14, v35;
	[tilespmem:$0x1FCF0] =	vst v62;
	v62 =	vld [tilespmem:$0x6890]  }
0x284: {  	v14 =	vmin.f32 v14, v38;
	v58 =	vmin.f32 v48, v44;
	v44 =	vld [tilespmem:$0x1FC00]  }
0x285: {  	v14 =	vmin.f32 v14, v41;
	v17 =	vmin.f32 v16, v36;
	v48 =	vld [tilespmem:$0x1FC10]  }
0x286: {  	v16 =	vmin.f32 v33, v37;
	v33 =	vmin.f32 v42, v43;
	v14 =	vmin.f32 v14, v51;
	v51 =	vld [tilespmem:$0x1FC20]  }
0x287: {  	v33 =	vmin.f32 v33, v52;
	v52 =	vld [tilespmem:$0x1FC30]  }
0x288: {  	[tilespmem:$0x1FD20] =	vst v62;
	v62 =	vld [tilespmem:$0x6990]  }
0x289: {  	v35 =	vmin.f32 v58, v56;
	v56 =	vld [tilespmem:$0x1FC70]  }
0x28a: {  	v34 =	vmin.f32 v53, v54;
	v53 =	vld [tilespmem:$0x1FC40]  }
0x28b: {  	v54 =	vld [tilespmem:$0x1FC50]  }
0x28c: {  	v34 =	vmin.f32 v34, v57;
	v57 =	vld [tilespmem:$0x1FC80]  }
0x28d: {  	v33 =	vmin.f32 v33, v55;
	[tilespmem:$0x1FD50] =	vst v62;
	v62 =	vld [tilespmem:$0x6A90]  }
0x28e: {  	v33 =	vmin.f32 v33, v59;
	v59 =	vld [tilespmem:$0x1FCA0]  }
0x28f: {  	v34 =	vmin.f32 v34, v60;
	v60 =	vld [tilespmem:$0x1FCB0]  }
0x290: {  	v34 =	vmin.f32 v34, v63;
	v63 =	vld [tilespmem:$0x1FCD0]  }
0x291: {  	v33 =	vmin.f32 v33, v61;
	v55 =	vld [tilespmem:$0x1FC60]  }
0x292: {  	v33 =	vmin.f32 v33, v48;
	v34 =	vmin.f32 v34, v51;
	[tilespmem:$0x1FD80] =	vst v62;
	v62 =	vld [tilespmem:$0x6B90]  }
0x293: {  	v33 =	vmin.f32 v33, v53;
	v34 =	vmin.f32 v34, v54;
	v54 =	vld [tilespmem:$0x1FCE0]  }
0x294: {  	v35 =	vmin.f32 v35, v44;
	v44 =	vmin.f32 v33, v56;
	v56 =	vld [tilespmem:$0x1FD00]  }
0x295: {  	v34 =	vmin.f32 v34, v57;
	v57 =	vld [tilespmem:$0x1FD10]  }
0x296: {  	v44 =	vmin.f32 v44, v59;
	v59 =	vld [tilespmem:$0x1FD30]  }
0x297: {  	[tilespmem:$0x1FDB0] =	vst v62;
	v62 =	vld [tilespmem:$0x6C90]  }
0x298: {  	v48 =	vmin.f32 v34, v60;
	v60 =	vld [tilespmem:$0x1FD40]  }
0x299: {  	v44 =	vmin.f32 v44, v63;
	v63 =	vld [tilespmem:$0x1FD60]  }
0x29a: {  	v58 =	vld [tilespmem:$0x1FC90]  }
0x29b: {  	v61 =	vld [tilespmem:$0x1FCC0]  }
0x29c: {  	v48 =	vmin.f32 v48, v54;
	[tilespmem:$0x1FDE0] =	vst v62;
	v62 =	vld [tilespmem:$0x6D90]  }
0x29d: {  	v35 =	vmin.f32 v35, v52;
	v48 =	vmin.f32 v48, v57;
	v57 =	vld [tilespmem:$0x1FD70]  }
0x29e: {  	v35 =	vmin.f32 v35, v55;
	v55 =	vld [tilespmem:$0x1FCF0]  }
0x29f: {  	v35 =	vmin.f32 v35, v58;
	v58 =	vld [tilespmem:$0x1FD20]  }
0x2a0: {  	v35 =	vmin.f32 v35, v61;
	v61 =	vld [tilespmem:$0x1FD50]  }
0x2a1: {  	v44 =	vmin.f32 v44, v56;
	[tilespmem:$0x1FE00] =	vst v62;
	v62 =	vld [tilespmem:$0x6E90]  }
0x2a2: {  	v44 =	vmin.f32 v44, v59;
	v59 =	vld [tilespmem:$0x1FD90]  }
0x2a3: {  	v48 =	vmin.f32 v48, v60;
	v60 =	vld [tilespmem:$0x1FDA0];
	v51 =	vmin.f32 v35, v55  }
0x2a4: {  	v51 =	vmin.f32 v51, v58;
	v58 =	vld [tilespmem:$0x1FD80]  }
0x2a5: {  	v51 =	vmin.f32 v51, v61;
	v61 =	vld [tilespmem:$0x1FDB0]  }
0x2a6: {  	[tilespmem:$0x1FE30] =	vst v62;
	v62 =	vld [tilespmem:$0x5FA0]  }
0x2a7: {  	v44 =	vmin.f32 v44, v63;
	v63 =	vld [tilespmem:$0x1FDC0]  }
0x2a8: {  	v48 =	vmin.f32 v48, v57  }
0x2a9: {  	v48 =	vmin.f32 v48, v60;
	v60 =	vld [tilespmem:$0x1FDD0];
	v51 =	vmin.f32 v51, v58  }
0x2aa: {  	v51 =	vmin.f32 v51, v61;
	v61 =	vld [tilespmem:$0x1FDE0]  }
0x2ab: {  	v44 =	vmin.f32 v44, v59;
	[tilespmem:$0x1FE10] =	vst v62;
	v62 =	vld [tilespmem:$0x60A0]  }
0x2ac: {  	v44 =	vmin.f32 v44, v63;
	v63 =	vld [tilespmem:$0x1FDF0];
	_ =	sdelay $0x2  }
0x2ad: {  	v51 =	vmin.f32 v51, v61;
	v61 =	vld [tilespmem:$0x1FE10]  }
0x2ae: {  	v48 =	vmin.f32 v48, v60;
	[tilespmem:$0x1FE20] =	vst v62;
	v62 =	vld [tilespmem:$0x61A0]  }
0x2af: {  	v48 =	vmin.f32 v48, v63;
	v63 =	vld [tilespmem:$0x1FE20];
	_ =	sdelay $0x2  }
0x2b0: {  	v60 =	vld [tilespmem:$0x1FE00]  }
0x2b1: {  	[tilespmem:$0x1FE40] =	vst v62;
	v62 =	vld [tilespmem:$0x62A0]  }
0x2b2: {  	v57 =	vmin.f32 v61, v63;
	v61 =	vld [tilespmem:$0x1FE40];
	_ =	sdelay $0x2  }
0x2b3: {  	v51 =	vmin.f32 v51, v60;
	v60 =	vld [tilespmem:$0x1FE30]  }
0x2b4: {  	[tilespmem:$0x1FE70] =	vst v62  }
0x2b5: {  	v57 =	vmin.f32 v57, v61;
	v61 =	vld [tilespmem:$0x1FE70];
	_ =	sdelay $0x1  }
0x2b6: {  	v59 =	vld [tilespmem:$0x1FE50]  }
0x2b7: {  	v51 =	vmin.f32 v51, v60;
	v60 =	vld [tilespmem:$0x1FE60]  }
0x2b8: {  	v62 =	vld [tilespmem:$0x63A0]  }
0x2b9: {  	v57 =	vmin.f32 v57, v61;
	v61 =	vld [tilespmem:$0x1FE80];
	_ =	sdelay $0x3  }
0x2ba: {  	v59 =	vmin.f32 v59, v60;
	[tilespmem:$0x1FE90] =	vst v62  }
0x2bb: {  	v59 =	vmin.f32 v59, v61;
	v61 =	vld [tilespmem:$0x1FE90];
	_ =	sdelay $0x3  }
0x2bc: {  	v62 =	vld [tilespmem:$0x64A0]  }
0x2bd: {  	v57 =	vmin.f32 v57, v61;
	v61 =	vld [tilespmem:$0x1FEA0];
	_ =	sdelay $0x3  }
0x2be: {  	[tilespmem:$0x1FEB0] =	vst v62  }
0x2bf: {  	v59 =	vmin.f32 v59, v61;
	v61 =	vld [tilespmem:$0x1FEB0];
	_ =	sdelay $0x1  }
0x2c0: {  	v26 =	vld [tilespmem:$0x6DA0];
	_ =	sdelay $0x1  }
0x2c1: {  	v62 =	vld [tilespmem:$0x65A0]  }
0x2c2: {  	v57 =	vmin.f32 v57, v61;
	v61 =	vld [tilespmem:$0x1FEC0]  }
0x2c3: {  	v20 =	vld [tilespmem:$0x6BB0]  }
0x2c4: {  	[tilespmem:$0x1FFC0] =	vst v26;
	v26 =	vld [tilespmem:$0x6DB0];
	_ =	sdelay $0x1  }
0x2c5: {  	v19 =	vld [tilespmem:$0x61C0];
	[tilespmem:$0x1FED0] =	vst v62  }
0x2c6: {  	v59 =	vmin.f32 v59, v61;
	v61 =	vld [tilespmem:$0x1FED0]  }
0x2c7: {  	[tilespmem:$0x1FFB0] =	vst v20;
	v20 =	vld [tilespmem:$0x62C0]  }
0x2c8: {  	[tilespmem:$0x1FFE0] =	vst v26;
	v26 =	vld [tilespmem:$0x67C0]  }
0x2c9: {  	v23 =	vld [tilespmem:$0x69C0]  }
0x2ca: {  	v62 =	vld [tilespmem:$0x66A0]  }
0x2cb: {  	v57 =	vmin.f32 v57, v61;
	v61 =	vld [tilespmem:$0x1FEE0]  }
0x2cc: {  	v29 =	vld [tilespmem:$0x6BC0]  }
0x2cd: {  	v13 =	vld [tilespmem:$0x5FC0]  }
0x2ce: {  	v25 =	vld [tilespmem:$0x66C0]  }
0x2cf: {  	v18 =	vld [tilespmem:$0x60C0];
	[tilespmem:$0x1FEF0] =	vst v62  }
0x2d0: {  	v59 =	vmin.f32 v59, v61;
	v61 =	vld [tilespmem:$0x1FEF0]  }
0x2d1: {  	v15 =	vld [tilespmem:$0x6EB0]  }
0x2d2: {  	v11 =	vld [tilespmem:$0x6CB0]  }
0x2d3: {  	v21 =	vld [tilespmem:$0x63C0]  }
0x2d4: {  	v62 =	vld [tilespmem:$0x67A0]  }
0x2d5: {  	v57 =	vmin.f32 v57, v61;
	v61 =	vld [tilespmem:$0x1FF00]  }
0x2d6: {  	v22 =	vld [tilespmem:$0x64C0]  }
0x2d7: {  	v24 =	vld [tilespmem:$0x65C0]  }
0x2d8: {  	v27 =	vld [tilespmem:$0x68C0]  }
0x2d9: {  	[tilespmem:$0x1FF10] =	vst v62;
	v62 =	vld [tilespmem:$0x68A0]  }
0x2da: {  	v59 =	vmin.f32 v59, v61;
	v61 =	vld [tilespmem:$0x1FF10]  }
0x2db: {  	v28 =	vld [tilespmem:$0x6AC0]  }
0x2dc: {  	v30 =	vld [tilespmem:$0x6CC0]  }
0x2dd: {  	v13 =	vmin.f32 v13, v18;
	v18 =	vld [tilespmem:$0x66E0]  }
0x2de: {  	[tilespmem:$0x1FF30] =	vst v62;
	v62 =	vld [tilespmem:$0x69A0]  }
0x2df: {  	v57 =	vmin.f32 v57, v61;
	v61 =	vld [tilespmem:$0x1FF20]  }
0x2e0: {  	v31 =	vld [tilespmem:$0x6DC0]  }
0x2e1: {  	v13 =	vmin.f32 v13, v19;
	v19 =	vld [tilespmem:$0x67E0]  }
0x2e2: {  	v13 =	vmin.f32 v13, v20;
	v20 =	vld [tilespmem:$0x68E0]  }
0x2e3: {  	[tilespmem:$0x1FF40] =	vst v62;
	v62 =	vld [tilespmem:$0x6AA0]  }
0x2e4: {  	v59 =	vmin.f32 v59, v61;
	v61 =	vld [tilespmem:$0x1FF30]  }
0x2e5: {  	v13 =	vmin.f32 v13, v21;
	v21 =	vld [tilespmem:$0x69E0]  }
0x2e6: {  	v13 =	vmin.f32 v13, v22;
	v22 =	vld [tilespmem:$0x6AE0]  }
0x2e7: {  	v13 =	vmin.f32 v13, v24;
	v24 =	vld [tilespmem:$0x6BE0]  }
0x2e8: {  	[tilespmem:$0x1FF60] =	vst v62;
	v62 =	vld [tilespmem:$0x6BA0]  }
0x2e9: {  	v57 =	vmin.f32 v57, v61;
	v61 =	vld [tilespmem:$0x1FF40]  }
0x2ea: {  	v13 =	vmin.f32 v13, v25;
	v25 =	vld [tilespmem:$0x6CE0]  }
0x2eb: {  	v13 =	vmin.f32 v13, v26;
	v26 =	vld [tilespmem:$0x6DE0]  }
0x2ec: {  	v13 =	vmin.f32 v13, v27;
	v27 =	vld [tilespmem:$0x6EE0]  }
0x2ed: {  	[tilespmem:$0x1FF80] =	vst v62;
	v62 =	vld [tilespmem:$0x67B0]  }
0x2ee: {  	v57 =	vmin.f32 v57, v61;
	v61 =	vld [tilespmem:$0x1FF50]  }
0x2ef: {  	v13 =	vmin.f32 v13, v23;
	v23 =	vld [tilespmem:$0x5FF0]  }
0x2f0: {  	v40 =	vld [tilespmem:$0x5FD0]  }
0x2f1: {  	v13 =	vmin.f32 v13, v28;
	v28 =	vld [tilespmem:$0x60F0]  }
0x2f2: {  	v46 =	vld [tilespmem:$0x60D0];
	v59 =	vmin.f32 v59, v62  }
0x2f3: {  	v59 =	vmin.f32 v59, v61;
	v61 =	vld [tilespmem:$0x1FF60]  }
0x2f4: {  	v13 =	vmin.f32 v13, v29;
	v29 =	vld [tilespmem:$0x61F0]  }
0x2f5: {  	v45 =	vld [tilespmem:$0x64D0]  }
0x2f6: {  	v13 =	vmin.f32 v13, v30;
	v30 =	vld [tilespmem:$0x62F0]  }
0x2f7: {  	v49 =	vld [tilespmem:$0x61D0]  }
0x2f8: {  	v57 =	vmin.f32 v57, v61;
	v61 =	vld [tilespmem:$0x1FF70]  }
0x2f9: {  	v32 =	vld [tilespmem:$0x6EC0]  }
0x2fa: {  	v50 =	vld [tilespmem:$0x62D0]  }
0x2fb: {  	v39 =	vld [tilespmem:$0x1FB20]  }
0x2fc: {  	v47 =	vld [tilespmem:$0x63D0]  }
0x2fd: {  	v59 =	vmin.f32 v59, v61;
	v61 =	vld [tilespmem:$0x1FF80]  }
0x2fe: {  	v38 =	vld [tilespmem:$0x69D0]  }
0x2ff: {  	v41 =	vld [tilespmem:$0x67D0]  }
0x300: {  	v43 =	vld [tilespmem:$0x65D0]  }
0x301: {  	v42 =	vld [tilespmem:$0x66D0]  }
0x302: {  	v57 =	vmin.f32 v57, v61;
	v61 =	vld [tilespmem:$0x1FF90]  }
0x303: {  	v37 =	vld [tilespmem:$0x6AD0]  }
0x304: {  	v36 =	vld [tilespmem:$0x6BD0]  }
0x305: {  	v16 =	vmin.f32 v16, v39;
	v39 =	vld [tilespmem:$0x68D0]  }
0x306: {  	v52 =	vld [tilespmem:$0x5FE0]  }
0x307: {  	v59 =	vmin.f32 v59, v61;
	v61 =	vld [tilespmem:$0x1FFA0]  }
0x308: {  	v53 =	vld [tilespmem:$0x60E0]  }
0x309: {  	v33 =	vld [tilespmem:$0x6CD0]  }
0x30a: {  	v34 =	vld [tilespmem:$0x6DD0]  }
0x30b: {  	v54 =	vld [tilespmem:$0x61E0]  }
0x30c: {  	v57 =	vmin.f32 v57, v61;
	v61 =	vld [tilespmem:$0x1FFB0]  }
0x30d: {  	v56 =	vld [tilespmem:$0x63E0]  }
0x30e: {  	v35 =	vld [tilespmem:$0x6ED0]  }
0x30f: {  	v55 =	vld [tilespmem:$0x62E0]  }
0x310: {  	v63 =	vld [tilespmem:$0x1FFE0]  }
0x311: {  	v59 =	vmin.f32 v59, v61;
	v61 =	vld [tilespmem:$0x1FFC0]  }
0x312: {  	v62 =	vld [tilespmem:$0x1FFD0]  }
0x313: {  	v58 =	vld [tilespmem:$0x64E0]  }
0x314: {  	v60 =	vld [tilespmem:$0x65E0];
	v11 =	vmin.f32 v59, v11  }
0x315: {  	v13 =	vmin.f32 v13, v31;
	v23 =	vmin.f32 v23, v28;
	v59 =	vld [tilespmem:$0x63F0];
	v11 =	vmin.f32 v11, v63  }
0x316: {  	v46 =	vmin.f32 v40, v46;
	v63 =	vld [tilespmem:$0x1FFF0];
	v11 =	vmin.f32 v11, v15;
	v57 =	vmin.f32 v57, v61  }
0x317: {  	v15 =	vmin.f32 v46, v49;
	v61 =	vmin.f32 v52, v53;
	v57 =	vmin.f32 v57, v62;
	v62 =	vld [tilespmem:$0x64F0]  }
0x318: {  	[tilespmem:$0x6F30] =	vst v9;
	v13 =	vmin.f32 v13, v32;
	v46 =	vld [tilespmem:$0x65F0];
	v15 =	vmin.f32 v15, v50;
	v32 =	vmin.f32 v61, v54  }
0x319: {  	[tilespmem:$0x6F10] =	vst v12;
	v23 =	vmin.f32 v23, v29;
	v50 =	vld [tilespmem:$0x66F0];
	v47 =	vmin.f32 v15, v47;
	v49 =	vmin.f32 v32, v55  }
0x31a: {  	[tilespmem:$0x6F20] =	vst v10;
	v53 =	vmin.f32 v23, v30;
	v10 =	vmin.f32 v47, v45;
	v54 =	vld [tilespmem:$0x67F0];
	v52 =	vmin.f32 v49, v56  }
0x31b: {  	[tilespmem:$0x6FC0] =	vst v13;
	v9 =	vmin.f32 v10, v43;
	v55 =	vmin.f32 v53, v59;
	v56 =	vld [tilespmem:$0x68F0];
	v10 =	vmin.f32 v52, v58  }
0x31c: {  	[tilespmem:$0x6F40] =	vst v17;
	v9 =	vmin.f32 v9, v42;
	v58 =	vld [tilespmem:$0x69F0];
	v10 =	vmin.f32 v10, v60;
	v12 =	vmin.f32 v55, v62  }
0x31d: {  	[tilespmem:$0x6F50] =	vst v16;
	v59 =	vld [tilespmem:$0x6AF0];
	v9 =	vmin.f32 v9, v41;
	v10 =	vmin.f32 v10, v18;
	v12 =	vmin.f32 v12, v46  }
0x31e: {  	[tilespmem:$0x6F60] =	vst v14;
	v9 =	vmin.f32 v9, v39;
	v60 =	vld [tilespmem:$0x6BF0];
	v10 =	vmin.f32 v10, v19;
	v12 =	vmin.f32 v12, v50  }
0x31f: {  	[tilespmem:$0x6F70] =	vst v44;
	v61 =	vld [tilespmem:$0x6CF0];
	v9 =	vmin.f32 v9, v38;
	v10 =	vmin.f32 v10, v20;
	v12 =	vmin.f32 v12, v54  }
0x320: {  	[tilespmem:$0x6F80] =	vst v48;
	v62 =	vld [tilespmem:$0x6DF0];
	v9 =	vmin.f32 v9, v37;
	v10 =	vmin.f32 v10, v21;
	v12 =	vmin.f32 v12, v56  }
0x321: {  	[tilespmem:$0x6F00] =	vst v63;
	v63 =	vld [tilespmem:$0x6EF0];
	v9 =	vmin.f32 v9, v36;
	v10 =	vmin.f32 v10, v22;
	v12 =	vmin.f32 v12, v58  }
0x322: {  	[tilespmem:$0x6F90] =	vst v51;
	v9 =	vmin.f32 v9, v33;
	v10 =	vmin.f32 v10, v24;
	v12 =	vmin.f32 v12, v59  }
0x323: {  	[tilespmem:$0x6FB0] =	vst v11;
	v9 =	vmin.f32 v9, v34;
	v10 =	vmin.f32 v10, v25;
	v11 =	vmin.f32 v12, v60  }
0x324: {  	[tilespmem:$0x6FA0] =	vst v57;
	v9 =	vmin.f32 v9, v35;
	v10 =	vmin.f32 v10, v26;
	v11 =	vmin.f32 v11, v61  }
0x325: {  	s3 =	sadd.s32 $0x1, s3;
	[tilespmem:$0x6FD0] =	vst v9;
	v9 =	vmin.f32 v10, v27;
	v10 =	vmin.f32 v11, v62  }
0x326: {  	p0 =	sne.s32 s3, s20;
	[tilespmem:$0x6FE0] =	vst v9;
	v9 =	vmin.f32 v10, v63  }
.Ltmp6:
0x327: {  	s5 =	simm.s32 $0x6F00;
	[tilespmem:$0x6FF0] =	vst v9;
	(pc) =	sbr.rel @p0 .LBB2_1-.Ltmp6, $4  }
0x328: {  	[hbm4b:s19+s4] =	stream.linear.scatter [tilespmem:s5], [sflag:$0x5], $0x100, $0x38;
	[tilespmem:$0x7000] =	vst v63  }
0x329: {  	_ =	swait.ge [sflag:s0], $0x100  }
0x32a: {  	[sflag:s0] =	ssyncset.done $0x0  }
0x32b: {  	[sflag:s0] =	ssyncadd.s32 $0xFFFFFF00  }
0x32c: {  	_ =	sfence.sel $0x180000  }
0x32d: {  	[bflag:$0x0] =	sbarrier.arrive $0xFFFF  }
0x32e: {  	_ =	strace $0x90000047  }
0x32f: {  	s0 =	stileid.u32;
	[bflag:$0x2] =	sbarrier.arrive $0xFFFF  }
0x330: {  	p0 =	sne.s32 s0, $0x0;
	s0 =	rddreg [dreg:$0x2]  }
0x331: {  	s0 =	sadd.s32 @!p0 $0x100000, s0  }
0x332: {  	[sflag:s0] =	ssyncadd.tile.s32 @!p0 $0x1;
	_ =	shalt  }
.Lfunc_end2:
_tile_overlayer_lowered:
.L_overlay_start_2:
0x333: {  	(tag) =	ssettag $0x2  }
0x334: {  	s0 =	rddreg [dreg:$0x0];
	s2 =	stileid.u32  }
0x335: {  	s1 =	rddreg [dreg:$0x1];
	p0 =	sne.s32 s2, $0x0  }
0x336: {  	s3 =	rddreg [dreg:$0x2];
	[bflag:$0x3] =	sbarrier.arrive $0xFFFF;
	s2 =	simm.s32 @!p0 $0x1C05  }
0x337: {  	[timem:s3], [sflag:s2] =	dma.local @!p0 [hbm:s0], s1  }
0x338: {  	s0 =	simm.s32 @!p0 $0x5  }
0x339: {  	_ =	swait.ge @!p0 [sflag:s0], s1  }
0x33a: {  	s1 =	ssub.s32 @!p0 $0x0, s1;
	[sflag:s0] =	ssyncset.done @!p0 $0x0  }
0x33b: {  	[sflag:s0] =	ssyncadd.s32 @!p0 s1  }
0x33c: {  	[bflag:$0x3] =	sbarrier.arrive $0xFFFF  }
0x33d: {  	_ =	shalt  }

</sc_bundles>
